<compile_context>
chip_gen: v7x
topology: tpu7x:2x2x1
jax: 0.10.2.dev20260603
libtpu: 0.0.44.dev20260713+nightly
codegen_flags: <defaults>
</compile_context>

<pallas_src>
import functools

import jax
import jax.numpy as jnp
from jax import lax
from jax.experimental import pallas as pl
from jax.experimental.pallas import tpu as pltpu
from jax.experimental.pallas import tpu_sc as plsc

N = 10000
E = 320000
D = 128
KHOPS = 4
DH = D // 2

NC = 2
NS = 16
NW = NC * NS
CW = 128
NBUF = 2
F0 = 0.72
C0 = int(round(E * F0 / (NS * CW * NBUF))) * NBUF
E0 = NS * C0 * CW
C1 = (-(-(E - E0) // (NS * CW * NBUF))) * NBUF
NCHUNKM = max(C0, C1)
SLAB = 632
SLABL = N - (NS - 1) * SLAB
NT = N + 8

BN = 1000
EPS = 1e-12

_SC_PARAMS = pltpu.CompilerParams(use_tc_tiling_on_sc=False)


def _per_tile_slab(s, fn):
    off = pl.multiple_of(s * SLAB, 8)

    @pl.when(s < NS - 1)
    def _():
        fn(off, SLAB)

    @pl.when(s == NS - 1)
    def _():
        fn(off, SLABL)


def _sc_mesh():
    return plsc.VectorSubcoreMesh(
        core_axis_name="c", subcore_axis_name="s",
        num_cores=NC, num_subcores=NS)


DW = 16


@functools.cache
def _build_deg_sc():
    return pl.kernel(
        _deg_sc_body,
        out_type=jax.ShapeDtypeStruct((NC, N, DW), jnp.float32),
        mesh=_sc_mesh(),
        compiler_params=_SC_PARAMS,
        scratch_types=[
            pltpu.VMEM((NCHUNKM, CW), jnp.int32),
            pltpu.VMEM((CW, DW), jnp.float32),
            pltpu.VMEM_SHARED((NT, DW), jnp.float32),
        ],
    )


def _deg_sc_body(rowr, zerosd, onesd, out, idx_v, ones_v, deg_sh):
    c = lax.axis_index("c")
    s = lax.axis_index("s")
    t = c * NS + s
    pltpu.sync_copy(rowr.at[t], idx_v)
    pltpu.sync_copy(onesd, ones_v)
    _per_tile_slab(s, lambda off, sz: pltpu.sync_copy(
        zerosd.at[pl.ds(off, sz)], deg_sh.at[pl.ds(off, sz)]))
    plsc.subcore_barrier()

    def body(j, carry):
        pltpu.sync_copy(ones_v, deg_sh.at[idx_v.at[j]], add=True)
        return carry

    lax.fori_loop(0, lax.select(c == 0, C0, C1), body, 0)
    plsc.subcore_barrier()
    _per_tile_slab(s, lambda off, sz: pltpu.sync_copy(
        deg_sh.at[pl.ds(off, sz)], out.at[c, pl.ds(off, sz)]))
    return


@functools.cache
def _build_spmv_sc():
    return pl.kernel(
        _spmv_sc_body,
        out_type=jax.ShapeDtypeStruct((NC, 2, N, DH), jnp.float32),
        mesh=_sc_mesh(),
        compiler_params=_SC_PARAMS,
        scratch_types=[
            pltpu.VMEM((NCHUNKM, CW), jnp.int32),
            pltpu.VMEM((NCHUNKM, CW), jnp.int32),
            [pltpu.VMEM((CW, DH), jnp.float32)] * NBUF,
            pltpu.VMEM_SHARED((NT, DH), jnp.float32),
            [pltpu.SemaphoreType.DMA] * NBUF,
        ],
    )


def _spmv_sc_body(g0, g1, srcr, dstr, zerosd, out,
                  src_v, dst_v, bufs, s_sh, sems):
    c = lax.axis_index("c")
    s = lax.axis_index("s")
    t = c * NS + s
    pltpu.sync_copy(srcr.at[t], src_v)
    pltpu.sync_copy(dstr.at[t], dst_v)
    knt = lax.select(c == 0, C0 // NBUF, C1 // NBUF)
    for p, g in enumerate((g0, g1)):
        _per_tile_slab(s, lambda off, sz: pltpu.sync_copy(
            zerosd.at[pl.ds(off, sz)], s_sh.at[pl.ds(off, sz)]))
        plsc.subcore_barrier()
        for b in range(NBUF - 1):
            pltpu.async_copy(g.at[src_v.at[b]], bufs[b], sems[b])

        def body(k, carry):
            for b in range(NBUF):
                j = NBUF * k + b
                nb = (b + NBUF - 1) % NBUF
                pltpu.make_async_copy(g.at[src_v.at[j]], bufs[b],
                                      sems[b]).wait()
                if b == 0:
                    pltpu.async_copy(g.at[src_v.at[j + NBUF - 1]],
                                     bufs[nb], sems[nb])
                else:
                    @pl.when(k < knt - 1)
                    def _():
                        pltpu.async_copy(g.at[src_v.at[j + NBUF - 1]],
                                         bufs[nb], sems[nb])
                pltpu.sync_copy(bufs[b], s_sh.at[dst_v.at[j]], add=True)
            return carry

        lax.fori_loop(0, knt, body, 0)
        plsc.subcore_barrier()
        _per_tile_slab(s, lambda off, sz: pltpu.sync_copy(
            s_sh.at[pl.ds(off, sz)], out.at[c, p, pl.ds(off, sz)]))
        plsc.subcore_barrier()
    return


def _deg_sc(*args):
    return _build_deg_sc()(*args)


def _spmv_sc(*args):
    return _build_spmv_sc()(*args)


def _rownorm_body(x_ref, dinv_ref, h_ref, g0_ref, g1_ref):
    xb = x_ref[...]
    ss = jnp.sum(xb * xb, axis=1, keepdims=True)
    inv = 1.0 / jnp.maximum(jnp.sqrt(ss), EPS)
    hb = xb * inv
    h_ref[...] = hb
    gb = hb * dinv_ref[...]
    g0_ref[...] = gb[:, :DH]
    g1_ref[...] = gb[:, DH:]


def _update_body(h_ref, dinv_ref, sp_ref, hn_ref, g0_ref, g1_ref):
    hb = h_ref[...]
    dv = dinv_ref[...]
    s = sp_ref[0] + sp_ref[1]
    sfull = jnp.concatenate([s[0], s[1]], axis=1)
    hn = 2.0 * hb - dv * sfull
    hn_ref[...] = hn
    gb = hn * dv
    g0_ref[...] = gb[:, :DH]
    g1_ref[...] = gb[:, DH:]


def _colss_body(l0, l1, l2, l3, l4, ss_ref):
    i = pl.program_id(0)

    @pl.when(i == 0)
    def _():
        ss_ref[...] = jnp.zeros_like(ss_ref)

    for jj, lref in enumerate((l0, l1, l2, l3, l4)):
        xb = lref[...]
        ss_ref[jj, :, :] += jnp.sum(xb * xb, axis=0, keepdims=True)


def _scale_body(l0, l1, l2, l3, l4, scl_ref, o_ref):
    for jj, lref in enumerate((l0, l1, l2, l3, l4)):
        o_ref[jj, :, :] = lref[...] * scl_ref[jj]


_NB = N // BN

_rownorm = pl.pallas_call(
    _rownorm_body,
    grid=(_NB,),
    in_specs=[
        pl.BlockSpec((BN, D), lambda i: (i, 0)),
        pl.BlockSpec((BN, 1), lambda i: (i, 0)),
    ],
    out_specs=[
        pl.BlockSpec((BN, D), lambda i: (i, 0)),
        pl.BlockSpec((BN, DH), lambda i: (i, 0)),
        pl.BlockSpec((BN, DH), lambda i: (i, 0)),
    ],
    out_shape=[
        jax.ShapeDtypeStruct((N, D), jnp.float32),
        jax.ShapeDtypeStruct((N, DH), jnp.float32),
        jax.ShapeDtypeStruct((N, DH), jnp.float32),
    ],
)

_update = pl.pallas_call(
    _update_body,
    grid=(_NB,),
    in_specs=[
        pl.BlockSpec((BN, D), lambda i: (i, 0)),
        pl.BlockSpec((BN, 1), lambda i: (i, 0)),
        pl.BlockSpec((NC, 2, BN, DH), lambda i: (0, 0, i, 0)),
    ],
    out_specs=[
        pl.BlockSpec((BN, D), lambda i: (i, 0)),
        pl.BlockSpec((BN, DH), lambda i: (i, 0)),
        pl.BlockSpec((BN, DH), lambda i: (i, 0)),
    ],
    out_shape=[
        jax.ShapeDtypeStruct((N, D), jnp.float32),
        jax.ShapeDtypeStruct((N, DH), jnp.float32),
        jax.ShapeDtypeStruct((N, DH), jnp.float32),
    ],
)

_colss = pl.pallas_call(
    _colss_body,
    grid=(_NB,),
    in_specs=[pl.BlockSpec((BN, D), lambda i: (i, 0))] * (KHOPS + 1),
    out_specs=pl.BlockSpec((KHOPS + 1, 1, D), lambda i: (0, 0, 0)),
    out_shape=jax.ShapeDtypeStruct((KHOPS + 1, 1, D), jnp.float32),
)

_scale = pl.pallas_call(
    _scale_body,
    grid=(_NB,),
    in_specs=[pl.BlockSpec((BN, D), lambda i: (i, 0))] * (KHOPS + 1)
    + [pl.BlockSpec((KHOPS + 1, 1, D), lambda i: (0, 0, 0))],
    out_specs=pl.BlockSpec((KHOPS + 1, BN, D), lambda i: (0, i, 0)),
    out_shape=jax.ShapeDtypeStruct((KHOPS + 1, N, D), jnp.float32),
)


def kernel(x, edge_index):
    row = edge_index[0].astype(jnp.int32)
    col = edge_index[1].astype(jnp.int32)
    def _pack(a, fill):
        a0 = a[:E0].reshape(NS, C0, CW)
        a0 = jnp.pad(a0, ((0, 0), (0, NCHUNKM - C0), (0, 0)),
                     constant_values=fill)
        cap1 = NS * C1 * CW
        a1 = jnp.concatenate(
            [a[E0:], jnp.full((cap1 - (E - E0),), fill, a.dtype)])
        a1 = a1.reshape(NS, C1, CW)
        a1 = jnp.pad(a1, ((0, 0), (0, NCHUNKM - C1), (0, 0)),
                     constant_values=fill)
        return jnp.concatenate([a0, a1], axis=0)

    rowdeg = _pack(row, N)
    srcr = _pack(row, 0)
    dstr = _pack(col, N)

    zerosd = jnp.zeros((N, DH), jnp.float32)
    zerosw = jnp.zeros((N, DW), jnp.float32)
    onesw = jnp.ones((CW, DW), jnp.float32)

    degp = _deg_sc(rowdeg, zerosw, onesw)
    deg = degp[0, :, 0] + degp[1, :, 0]
    dinv = jnp.where(deg > 0, 1.0 / jnp.sqrt(deg), 0.0).reshape(N, 1)

    h, g0, g1 = _rownorm(x, dinv)
    lxs = [h]
    for _ in range(KHOPS):
        sp = _spmv_sc(g0, g1, srcr, dstr, zerosd)
        h, g0, g1 = _update(h, dinv, sp)
        lxs.append(h)

    ss = _colss(*lxs)
    scl = 1.0 / jnp.maximum(jnp.sqrt(ss), EPS)
    return _scale(*lxs, scl)

# --- scband reference (transcript-rebuilt; emitter-appended) ---
"""Pipeline reference for scband-basis-generator-35699768164792 (READ-ONLY COPY).

The authoritative reference and input builder live on the scoring server;
editing this copy changes nothing except your own understanding.
"""

import jax, jax.numpy as jnp
import numpy as np

N = 10000
E = 320000
D = 128
K = 4


def _normalize(x, axis, eps=1e-12):
    n = jnp.sqrt(jnp.sum(x * x, axis=axis, keepdims=True))
    return x / jnp.maximum(n, eps)


def setup_inputs(seed: int = 0) -> dict:
    key = jax.random.key(seed)
    k1, k2 = jax.random.split(key)
    x = jax.random.normal(k1, (N, D), dtype=jnp.float32)
    edge_index = jax.random.randint(k2, (2, E), 0, N, dtype=jnp.int32)
    return {"x": x, "edge_index": edge_index}


def reference(x, edge_index):
    num_nodes = x.shape[0]
    row = edge_index[0]
    col = edge_index[1]
    w = jnp.ones((edge_index.shape[1],), dtype=x.dtype)
    # get_laplacian(normalization='sym'): L = I - D^{-1/2} A D^{-1/2}
    deg = jax.ops.segment_sum(w, row, num_segments=num_nodes)
    deg_inv_sqrt = jnp.where(deg > 0, 1.0 / jnp.sqrt(deg), 0.0)
    norm = deg_inv_sqrt[row] * w * deg_inv_sqrt[col]
    loop = jnp.arange(num_nodes, dtype=edge_index.dtype)
    lap_src = jnp.concatenate([row, loop])
    lap_dst = jnp.concatenate([col, loop])
    lap_norm = jnp.concatenate([-norm, jnp.ones((num_nodes,), dtype=x.dtype)])
    # add_self_loops(fill_value=1.0) on the laplacian edges (poly == 'gpr')
    src = jnp.concatenate([lap_src, loop])
    dst = jnp.concatenate([lap_dst, loop])
    nrm = jnp.concatenate([lap_norm, jnp.ones((num_nodes,), dtype=x.dtype)])
    h = _normalize(x, axis=1)
    lxs = [h]
    for _ in range(K):
        msg = nrm[:, None] * jnp.take(h, src, axis=0)
        h = jax.ops.segment_sum(msg, dst, num_segments=num_nodes)
        lxs.append(h)
    final_lx = [_normalize(lx, axis=0) for lx in lxs]
    # original returns a python list of K+1 arrays; stacked here into [K+1, N, D]
    return jnp.stack(final_lx, axis=0)

if __name__ == "__main__":
    import jax
    _d = setup_inputs()
    print(jax.jit(kernel)(*tuple(_d.values())))

</pallas_src>

<mosaic_0001>
#map = affine_map<(d0, d1) -> (0, 0)>
#map1 = affine_map<(d0, d1) -> (0, 0, 0)>
#map2 = affine_map<(d0, d1) -> (0, 0, 0, 0)>
module attributes {stable_mosaic.version = 14 : i64} {
  func.func @_spmv_sc_body(%arg0: i32, %arg1: i32, %arg2: memref<10000x64xf32, #tpu.memory_space<hbm>>, %arg3: memref<10000x64xf32, #tpu.memory_space<hbm>>, %arg4: memref<32x112x128xi32, #tpu.memory_space<hbm>>, %arg5: memref<32x112x128xi32, #tpu.memory_space<hbm>>, %arg6: memref<10000x64xf32, #tpu.memory_space<hbm>>, %arg7: memref<2x2x10000x64xf32, #tpu.memory_space<hbm>>, %arg8: memref<112x128xi32, #tpu.memory_space<vmem>>, %arg9: memref<112x128xi32, #tpu.memory_space<vmem>>, %arg10: memref<128x64xf32, #tpu.memory_space<vmem>>, %arg11: memref<128x64xf32, #tpu.memory_space<vmem>>, %arg12: memref<10008x64xf32, #tpu.memory_space<vmem_shared>>, %arg13: memref<!tpu.dma_semaphore, #tpu.memory_space<semaphore_mem>>, %arg14: memref<!tpu.dma_semaphore, #tpu.memory_space<semaphore_mem>>) attributes {dimension_semantics = [#tpu.dimension_semantics<core_parallel>, #tpu.dimension_semantics<subcore_parallel>], iteration_bounds = array<i64: 2, 16>, scalar_prefetch = 0 : i64, scratch_operands = 7 : i64, tpu.core_type = #tpu.core_type<sc_vector_subcore>, window_params = [{transform_indices = #map}, {transform_indices = #map}, {transform_indices = #map1}, {transform_indices = #map1}, {transform_indices = #map}, {transform_indices = #map2}]} {
    %mul3A = arith.constant 16 : i32
    %mul3A_0 = arith.muli %arg0, %mul3A : i32
    %add3A = arith.addi %mul3A_0, %arg1 : i32
    "tpu.region"() ({
      %run_scoped3A = tpu.sem_alloc : memref<!tpu.dma_semaphore, #tpu.memory_space<semaphore_mem>>
      %dma_start3A_89 = arith.constant 0 : i32
      %dma_start3A_90 = arith.constant 0 : i32
      %dma_start3A_91 = tpu.memref_slice %arg4[%add3A, %dma_start3A_89, %dma_start3A_90] : memref<32x112x128xi32, #tpu.memory_space<hbm>> -> memref<1x112x128xi32, #tpu.memory_space<hbm>>
      %dma_start3A_92 = tpu.memref_squeeze %dma_start3A_91 : memref<1x112x128xi32, #tpu.memory_space<hbm>> -> memref<112x128xi32, #tpu.memory_space<hbm>>
      %dma_start3A_93 = arith.constant 0 : i32
      %dma_start3A_94 = arith.constant 0 : i32
      %dma_start3A_95 = tpu.memref_slice %arg4[%add3A, %dma_start3A_93, %dma_start3A_94] : memref<32x112x128xi32, #tpu.memory_space<hbm>> -> memref<1x112x128xi32, #tpu.memory_space<hbm>>
      %dma_start3A_96 = tpu.memref_squeeze %dma_start3A_95 : memref<1x112x128xi32, #tpu.memory_space<hbm>> -> memref<112x128xi32, #tpu.memory_space<hbm>>
      tpu.enqueue_dma source(%dma_start3A_96 : memref<112x128xi32, #tpu.memory_space<hbm>>) target(%arg8 : memref<112x128xi32, #tpu.memory_space<vmem>>) target_semaphore(%run_scoped3A : memref<!tpu.dma_semaphore, #tpu.memory_space<semaphore_mem>>)
      %dma_wait3A = arith.constant 0 : i32
      %dma_wait3A_97 = arith.constant 0 : i32
      %dma_wait3A_98 = tpu.memref_slice %arg4[%add3A, %dma_wait3A, %dma_wait3A_97] : memref<32x112x128xi32, #tpu.memory_space<hbm>> -> memref<1x112x128xi32, #tpu.memory_space<hbm>>
      %dma_wait3A_99 = tpu.memref_squeeze %dma_wait3A_98 : memref<1x112x128xi32, #tpu.memory_space<hbm>> -> memref<112x128xi32, #tpu.memory_space<hbm>>
      %dma_wait3A_100 = arith.constant 0 : i32
      %dma_wait3A_101 = arith.constant 0 : i32
      %dma_wait3A_102 = tpu.memref_slice %arg4[%add3A, %dma_wait3A_100, %dma_wait3A_101] : memref<32x112x128xi32, #tpu.memory_space<hbm>> -> memref<1x112x128xi32, #tpu.memory_space<hbm>>
      %dma_wait3A_103 = tpu.memref_squeeze %dma_wait3A_102 : memref<1x112x128xi32, #tpu.memory_space<hbm>> -> memref<112x128xi32, #tpu.memory_space<hbm>>
      tpu.wait_dma2 semaphore(%run_scoped3A : memref<!tpu.dma_semaphore, #tpu.memory_space<semaphore_mem>>) src(%dma_wait3A_103 : memref<112x128xi32, #tpu.memory_space<hbm>>) dst(%arg8 : memref<112x128xi32, #tpu.memory_space<vmem>>)
      tpu.yield
    }) : () -> ()
    "tpu.region"() ({
      %run_scoped3A = tpu.sem_alloc : memref<!tpu.dma_semaphore, #tpu.memory_space<semaphore_mem>>
      %dma_start3A_89 = arith.constant 0 : i32
      %dma_start3A_90 = arith.constant 0 : i32
      %dma_start3A_91 = tpu.memref_slice %arg5[%add3A, %dma_start3A_89, %dma_start3A_90] : memref<32x112x128xi32, #tpu.memory_space<hbm>> -> memref<1x112x128xi32, #tpu.memory_space<hbm>>
      %dma_start3A_92 = tpu.memref_squeeze %dma_start3A_91 : memref<1x112x128xi32, #tpu.memory_space<hbm>> -> memref<112x128xi32, #tpu.memory_space<hbm>>
      %dma_start3A_93 = arith.constant 0 : i32
      %dma_start3A_94 = arith.constant 0 : i32
      %dma_start3A_95 = tpu.memref_slice %arg5[%add3A, %dma_start3A_93, %dma_start3A_94] : memref<32x112x128xi32, #tpu.memory_space<hbm>> -> memref<1x112x128xi32, #tpu.memory_space<hbm>>
      %dma_start3A_96 = tpu.memref_squeeze %dma_start3A_95 : memref<1x112x128xi32, #tpu.memory_space<hbm>> -> memref<112x128xi32, #tpu.memory_space<hbm>>
      tpu.enqueue_dma source(%dma_start3A_96 : memref<112x128xi32, #tpu.memory_space<hbm>>) target(%arg9 : memref<112x128xi32, #tpu.memory_space<vmem>>) target_semaphore(%run_scoped3A : memref<!tpu.dma_semaphore, #tpu.memory_space<semaphore_mem>>)
      %dma_wait3A = arith.constant 0 : i32
      %dma_wait3A_97 = arith.constant 0 : i32
      %dma_wait3A_98 = tpu.memref_slice %arg5[%add3A, %dma_wait3A, %dma_wait3A_97] : memref<32x112x128xi32, #tpu.memory_space<hbm>> -> memref<1x112x128xi32, #tpu.memory_space<hbm>>
      %dma_wait3A_99 = tpu.memref_squeeze %dma_wait3A_98 : memref<1x112x128xi32, #tpu.memory_space<hbm>> -> memref<112x128xi32, #tpu.memory_space<hbm>>
      %dma_wait3A_100 = arith.constant 0 : i32
      %dma_wait3A_101 = arith.constant 0 : i32
      %dma_wait3A_102 = tpu.memref_slice %arg5[%add3A, %dma_wait3A_100, %dma_wait3A_101] : memref<32x112x128xi32, #tpu.memory_space<hbm>> -> memref<1x112x128xi32, #tpu.memory_space<hbm>>
      %dma_wait3A_103 = tpu.memref_squeeze %dma_wait3A_102 : memref<1x112x128xi32, #tpu.memory_space<hbm>> -> memref<112x128xi32, #tpu.memory_space<hbm>>
      tpu.wait_dma2 semaphore(%run_scoped3A : memref<!tpu.dma_semaphore, #tpu.memory_space<semaphore_mem>>) src(%dma_wait3A_103 : memref<112x128xi32, #tpu.memory_space<hbm>>) dst(%arg9 : memref<112x128xi32, #tpu.memory_space<vmem>>)
      tpu.yield
    }) : () -> ()
    %eq3A = arith.constant 0 : i32
    %eq3A_1 = arith.cmpi eq, %arg0, %eq3A : i32
    %select_n3A = arith.constant 23 : i32
    %select_n3A_2 = arith.constant 56 : i32
    %select_n3A_3 = arith.select %eq3A_1, %select_n3A_2, %select_n3A : i32
    %mul3A_4 = arith.constant 632 : i32
    %mul3A_5 = arith.muli %arg1, %mul3A_4 : i32
    %multiple_of3A = tpu.assume_multiple %mul3A_5, 8 : i32
    %lt3A = arith.constant 15 : i32
    %lt3A_6 = arith.cmpi slt, %arg1, %lt3A : i32
    %convert_element_type3A = arith.extui %lt3A_6 : i1 to i32
    %cond3A = arith.constant 0 : i32
    %cond3A_7 = arith.cmpi ne, %convert_element_type3A, %cond3A : i32
    scf.if %cond3A_7 {
      "tpu.region"() ({
        %run_scoped3A = tpu.sem_alloc : memref<!tpu.dma_semaphore, #tpu.memory_space<semaphore_mem>>
        %dma_start3A_89 = arith.constant 0 : i32
        %dma_start3A_90 = tpu.memref_slice %arg12[%multiple_of3A, %dma_start3A_89] : memref<10008x64xf32, #tpu.memory_space<vmem_shared>> -> memref<632x64xf32, #tpu.memory_space<vmem_shared>>
        %dma_start3A_91 = arith.constant 0 : i32
        %dma_start3A_92 = tpu.memref_slice %arg6[%multiple_of3A, %dma_start3A_91] : memref<10000x64xf32, #tpu.memory_space<hbm>> -> memref<632x64xf32, #tpu.memory_space<hbm>>
        tpu.enqueue_dma source(%dma_start3A_92 : memref<632x64xf32, #tpu.memory_space<hbm>>) target(%dma_start3A_90 : memref<632x64xf32, #tpu.memory_space<vmem_shared>>) target_semaphore(%run_scoped3A : memref<!tpu.dma_semaphore, #tpu.memory_space<semaphore_mem>>)
        %dma_wait3A = arith.constant 0 : i32
        %dma_wait3A_93 = tpu.memref_slice %arg12[%multiple_of3A, %dma_wait3A] : memref<10008x64xf32, #tpu.memory_space<vmem_shared>> -> memref<632x64xf32, #tpu.memory_space<vmem_shared>>
        %dma_wait3A_94 = arith.constant 0 : i32
        %dma_wait3A_95 = tpu.memref_slice %arg6[%multiple_of3A, %dma_wait3A_94] : memref<10000x64xf32, #tpu.memory_space<hbm>> -> memref<632x64xf32, #tpu.memory_space<hbm>>
        tpu.wait_dma2 semaphore(%run_scoped3A : memref<!tpu.dma_semaphore, #tpu.memory_space<semaphore_mem>>) src(%dma_wait3A_95 : memref<632x64xf32, #tpu.memory_space<hbm>>) dst(%dma_wait3A_93 : memref<632x64xf32, #tpu.memory_space<vmem_shared>>)
        tpu.yield
      }) : () -> ()
    } else {
    }
    %eq3A_8 = arith.constant 15 : i32
    %eq3A_9 = arith.cmpi eq, %arg1, %eq3A_8 : i32
    %convert_element_type3A_10 = arith.extui %eq3A_9 : i1 to i32
    %cond3A_11 = arith.constant 0 : i32
    %cond3A_12 = arith.cmpi ne, %convert_element_type3A_10, %cond3A_11 : i32
    scf.if %cond3A_12 {
      "tpu.region"() ({
        %run_scoped3A = tpu.sem_alloc : memref<!tpu.dma_semaphore, #tpu.memory_space<semaphore_mem>>
        %dma_start3A_89 = arith.constant 0 : i32
        %dma_start3A_90 = tpu.memref_slice %arg12[%multiple_of3A, %dma_start3A_89] : memref<10008x64xf32, #tpu.memory_space<vmem_shared>> -> memref<520x64xf32, #tpu.memory_space<vmem_shared>>
        %dma_start3A_91 = arith.constant 0 : i32
        %dma_start3A_92 = tpu.memref_slice %arg6[%multiple_of3A, %dma_start3A_91] : memref<10000x64xf32, #tpu.memory_space<hbm>> -> memref<520x64xf32, #tpu.memory_space<hbm>>
        tpu.enqueue_dma source(%dma_start3A_92 : memref<520x64xf32, #tpu.memory_space<hbm>>) target(%dma_start3A_90 : memref<520x64xf32, #tpu.memory_space<vmem_shared>>) target_semaphore(%run_scoped3A : memref<!tpu.dma_semaphore, #tpu.memory_space<semaphore_mem>>)
        %dma_wait3A = arith.constant 0 : i32
        %dma_wait3A_93 = tpu.memref_slice %arg12[%multiple_of3A, %dma_wait3A] : memref<10008x64xf32, #tpu.memory_space<vmem_shared>> -> memref<520x64xf32, #tpu.memory_space<vmem_shared>>
        %dma_wait3A_94 = arith.constant 0 : i32
        %dma_wait3A_95 = tpu.memref_slice %arg6[%multiple_of3A, %dma_wait3A_94] : memref<10000x64xf32, #tpu.memory_space<hbm>> -> memref<520x64xf32, #tpu.memory_space<hbm>>
        tpu.wait_dma2 semaphore(%run_scoped3A : memref<!tpu.dma_semaphore, #tpu.memory_space<semaphore_mem>>) src(%dma_wait3A_95 : memref<520x64xf32, #tpu.memory_space<hbm>>) dst(%dma_wait3A_93 : memref<520x64xf32, #tpu.memory_space<vmem_shared>>)
        tpu.yield
      }) : () -> ()
    } else {
    }
    %barrier3A = arith.constant 0 : index
    tpu.barrier barrier_id(%barrier3A)
    %dma_start3A = arith.constant 0 : i32
    %dma_start3A_13 = arith.constant 0 : i32
    %dma_start3A_14 = tpu.memref_slice %arg8[%dma_start3A, %dma_start3A_13] : memref<112x128xi32, #tpu.memory_space<vmem>> -> memref<1x128xi32, #tpu.memory_space<vmem>>
    %dma_start3A_15 = tpu.memref_squeeze %dma_start3A_14 : memref<1x128xi32, #tpu.memory_space<vmem>> -> memref<128xi32, #tpu.memory_space<vmem>>
    %dma_start3A_16 = arith.constant 0 : i32
    %dma_start3A_17 = arith.constant 0 : i32
    %dma_start3A_18 = tpu.memref_slice %arg2[%dma_start3A_16, %dma_start3A_17] : memref<10000x64xf32, #tpu.memory_space<hbm>> -> memref<10000x64xf32, #tpu.memory_space<hbm>>
    tpu.enqueue_indirect_dma source(%dma_start3A_18 : memref<10000x64xf32, #tpu.memory_space<hbm>>) target(%arg10 : memref<128x64xf32, #tpu.memory_space<vmem>>) offsets(%dma_start3A_15 : memref<128xi32, #tpu.memory_space<vmem>>) semaphore(%arg13 : memref<!tpu.dma_semaphore, #tpu.memory_space<semaphore_mem>>)
    %while3A = arith.constant 0 : i32
    %while3A_19 = arith.constant 0 : i32
    %while3A_20 = arith.subi %select_n3A_3, %while3A_19 : i32
    %while3A_21 = arith.addi %while3A_19, %while3A_20 : i32
    %while3A_22 = arith.constant 1 : i32
    %while3A_23 = arith.divsi %while3A_20, %while3A_22 : i32
    %while3A_24 = arith.muli %while3A_23, %while3A_22 : i32
    %while3A_25 = arith.addi %while3A_19, %while3A_24 : i32
    %while3A_26 = arith.constant 1 : i32
    scf.for %while3A_89 = %while3A_19 to %while3A_25 step %while3A_26  : i32 {
      %mul3A_90 = arith.constant 2 : i32
      %mul3A_91 = arith.muli %mul3A_90, %while3A_89 : i32
      %add3A_92 = arith.constant 0 : i32
      %add3A_93 = arith.addi %mul3A_91, %add3A_92 : i32
      %dma_wait3A = arith.constant 0 : i32
      %dma_wait3A_94 = tpu.memref_slice %arg8[%add3A_93, %dma_wait3A] : memref<112x128xi32, #tpu.memory_space<vmem>> -> memref<1x128xi32, #tpu.memory_space<vmem>>
      %dma_wait3A_95 = tpu.memref_squeeze %dma_wait3A_94 : memref<1x128xi32, #tpu.memory_space<vmem>> -> memref<128xi32, #tpu.memory_space<vmem>>
      %dma_wait3A_96 = arith.constant 0 : i32
      %dma_wait3A_97 = arith.constant 0 : i32
      %dma_wait3A_98 = tpu.memref_slice %arg2[%dma_wait3A_96, %dma_wait3A_97] : memref<10000x64xf32, #tpu.memory_space<hbm>> -> memref<10000x64xf32, #tpu.memory_space<hbm>>
      tpu.wait_indirect_dma semaphore(%arg13 : memref<!tpu.dma_semaphore, #tpu.memory_space<semaphore_mem>>) src(%dma_wait3A_98 : memref<10000x64xf32, #tpu.memory_space<hbm>>) dst(%arg10 : memref<128x64xf32, #tpu.memory_space<vmem>>)
      %add3A_99 = arith.constant 2 : i32
      %add3A_100 = arith.addi %add3A_93, %add3A_99 : i32
      %sub3A = arith.constant 1 : i32
      %sub3A_101 = arith.subi %add3A_100, %sub3A : i32
      %dma_start3A_102 = arith.constant 0 : i32
      %dma_start3A_103 = tpu.memref_slice %arg8[%sub3A_101, %dma_start3A_102] : memref<112x128xi32, #tpu.memory_space<vmem>> -> memref<1x128xi32, #tpu.memory_space<vmem>>
      %dma_start3A_104 = tpu.memref_squeeze %dma_start3A_103 : memref<1x128xi32, #tpu.memory_space<vmem>> -> memref<128xi32, #tpu.memory_space<vmem>>
      %dma_start3A_105 = arith.constant 0 : i32
      %dma_start3A_106 = arith.constant 0 : i32
      %dma_start3A_107 = tpu.memref_slice %arg2[%dma_start3A_105, %dma_start3A_106] : memref<10000x64xf32, #tpu.memory_space<hbm>> -> memref<10000x64xf32, #tpu.memory_space<hbm>>
      tpu.enqueue_indirect_dma source(%dma_start3A_107 : memref<10000x64xf32, #tpu.memory_space<hbm>>) target(%arg11 : memref<128x64xf32, #tpu.memory_space<vmem>>) offsets(%dma_start3A_104 : memref<128xi32, #tpu.memory_space<vmem>>) semaphore(%arg14 : memref<!tpu.dma_semaphore, #tpu.memory_space<semaphore_mem>>)
      "tpu.region"() ({
        %run_scoped3A = tpu.sem_alloc : memref<!tpu.dma_semaphore, #tpu.memory_space<semaphore_mem>>
        %dma_start3A_124 = arith.constant 0 : i32
        %dma_start3A_125 = tpu.memref_slice %arg9[%add3A_93, %dma_start3A_124] : memref<112x128xi32, #tpu.memory_space<vmem>> -> memref<1x128xi32, #tpu.memory_space<vmem>>
        %dma_start3A_126 = tpu.memref_squeeze %dma_start3A_125 : memref<1x128xi32, #tpu.memory_space<vmem>> -> memref<128xi32, #tpu.memory_space<vmem>>
        %dma_start3A_127 = arith.constant 0 : i32
        %dma_start3A_128 = arith.constant 0 : i32
        %dma_start3A_129 = tpu.memref_slice %arg12[%dma_start3A_127, %dma_start3A_128] : memref<10008x64xf32, #tpu.memory_space<vmem_shared>> -> memref<10008x64xf32, #tpu.memory_space<vmem_shared>>
        tpu.enqueue_indirect_dma source(%arg10 : memref<128x64xf32, #tpu.memory_space<vmem>>) target(%dma_start3A_129 : memref<10008x64xf32, #tpu.memory_space<vmem_shared>>) offsets(%dma_start3A_126 : memref<128xi32, #tpu.memory_space<vmem>>) semaphore(%run_scoped3A : memref<!tpu.dma_semaphore, #tpu.memory_space<semaphore_mem>>) {add = true}
        %dma_wait3A_130 = arith.constant 0 : i32
        %dma_wait3A_131 = tpu.memref_slice %arg9[%add3A_93, %dma_wait3A_130] : memref<112x128xi32, #tpu.memory_space<vmem>> -> memref<1x128xi32, #tpu.memory_space<vmem>>
        %dma_wait3A_132 = tpu.memref_squeeze %dma_wait3A_131 : memref<1x128xi32, #tpu.memory_space<vmem>> -> memref<128xi32, #tpu.memory_space<vmem>>
        %dma_wait3A_133 = arith.constant 0 : i32
        %dma_wait3A_134 = arith.constant 0 : i32
        %dma_wait3A_135 = tpu.memref_slice %arg12[%dma_wait3A_133, %dma_wait3A_134] : memref<10008x64xf32, #tpu.memory_space<vmem_shared>> -> memref<10008x64xf32, #tpu.memory_space<vmem_shared>>
        tpu.wait_indirect_dma semaphore(%run_scoped3A : memref<!tpu.dma_semaphore, #tpu.memory_space<semaphore_mem>>) src(%arg10 : memref<128x64xf32, #tpu.memory_space<vmem>>) dst(%dma_wait3A_135 : memref<10008x64xf32, #tpu.memory_space<vmem_shared>>)
        tpu.yield
      }) : () -> ()
      %mul3A_108 = arith.constant 2 : i32
      %mul3A_109 = arith.muli %mul3A_108, %while3A_89 : i32
      %add3A_110 = arith.constant 1 : i32
      %add3A_111 = arith.addi %mul3A_109, %add3A_110 : i32
      %dma_wait3A_112 = arith.constant 0 : i32
      %dma_wait3A_113 = tpu.memref_slice %arg8[%add3A_111, %dma_wait3A_112] : memref<112x128xi32, #tpu.memory_space<vmem>> -> memref<1x128xi32, #tpu.memory_space<vmem>>
      %dma_wait3A_114 = tpu.memref_squeeze %dma_wait3A_113 : memref<1x128xi32, #tpu.memory_space<vmem>> -> memref<128xi32, #tpu.memory_space<vmem>>
      %dma_wait3A_115 = arith.constant 0 : i32
      %dma_wait3A_116 = arith.constant 0 : i32
      %dma_wait3A_117 = tpu.memref_slice %arg2[%dma_wait3A_115, %dma_wait3A_116] : memref<10000x64xf32, #tpu.memory_space<hbm>> -> memref<10000x64xf32, #tpu.memory_space<hbm>>
      tpu.wait_indirect_dma semaphore(%arg14 : memref<!tpu.dma_semaphore, #tpu.memory_space<semaphore_mem>>) src(%dma_wait3A_117 : memref<10000x64xf32, #tpu.memory_space<hbm>>) dst(%arg11 : memref<128x64xf32, #tpu.memory_space<vmem>>)
      %sub3A_118 = arith.constant 1 : i32
      %sub3A_119 = arith.subi %select_n3A_3, %sub3A_118 : i32
      %lt3A_120 = arith.cmpi slt, %while3A_89, %sub3A_119 : i32
      %convert_element_type3A_121 = arith.extui %lt3A_120 : i1 to i32
      %cond3A_122 = arith.constant 0 : i32
      %cond3A_123 = arith.cmpi ne, %convert_element_type3A_121, %cond3A_122 : i32
      scf.if %cond3A_123 {
        %add3A_124 = arith.constant 2 : i32
        %add3A_125 = arith.addi %add3A_111, %add3A_124 : i32
        %sub3A_126 = arith.constant 1 : i32
        %sub3A_127 = arith.subi %add3A_125, %sub3A_126 : i32
        %dma_start3A_128 = arith.constant 0 : i32
        %dma_start3A_129 = tpu.memref_slice %arg8[%sub3A_127, %dma_start3A_128] : memref<112x128xi32, #tpu.memory_space<vmem>> -> memref<1x128xi32, #tpu.memory_space<vmem>>
        %dma_start3A_130 = tpu.memref_squeeze %dma_start3A_129 : memref<1x128xi32, #tpu.memory_space<vmem>> -> memref<128xi32, #tpu.memory_space<vmem>>
        %dma_start3A_131 = arith.constant 0 : i32
        %dma_start3A_132 = arith.constant 0 : i32
        %dma_start3A_133 = tpu.memref_slice %arg2[%dma_start3A_131, %dma_start3A_132] : memref<10000x64xf32, #tpu.memory_space<hbm>> -> memref<10000x64xf32, #tpu.memory_space<hbm>>
        tpu.enqueue_indirect_dma source(%dma_start3A_133 : memref<10000x64xf32, #tpu.memory_space<hbm>>) target(%arg10 : memref<128x64xf32, #tpu.memory_space<vmem>>) offsets(%dma_start3A_130 : memref<128xi32, #tpu.memory_space<vmem>>) semaphore(%arg13 : memref<!tpu.dma_semaphore, #tpu.memory_space<semaphore_mem>>)
      } else {
      }
      "tpu.region"() ({
        %run_scoped3A = tpu.sem_alloc : memref<!tpu.dma_semaphore, #tpu.memory_space<semaphore_mem>>
        %dma_start3A_124 = arith.constant 0 : i32
        %dma_start3A_125 = tpu.memref_slice %arg9[%add3A_111, %dma_start3A_124] : memref<112x128xi32, #tpu.memory_space<vmem>> -> memref<1x128xi32, #tpu.memory_space<vmem>>
        %dma_start3A_126 = tpu.memref_squeeze %dma_start3A_125 : memref<1x128xi32, #tpu.memory_space<vmem>> -> memref<128xi32, #tpu.memory_space<vmem>>
        %dma_start3A_127 = arith.constant 0 : i32
        %dma_start3A_128 = arith.constant 0 : i32
        %dma_start3A_129 = tpu.memref_slice %arg12[%dma_start3A_127, %dma_start3A_128] : memref<10008x64xf32, #tpu.memory_space<vmem_shared>> -> memref<10008x64xf32, #tpu.memory_space<vmem_shared>>
        tpu.enqueue_indirect_dma source(%arg11 : memref<128x64xf32, #tpu.memory_space<vmem>>) target(%dma_start3A_129 : memref<10008x64xf32, #tpu.memory_space<vmem_shared>>) offsets(%dma_start3A_126 : memref<128xi32, #tpu.memory_space<vmem>>) semaphore(%run_scoped3A : memref<!tpu.dma_semaphore, #tpu.memory_space<semaphore_mem>>) {add = true}
        %dma_wait3A_130 = arith.constant 0 : i32
        %dma_wait3A_131 = tpu.memref_slice %arg9[%add3A_111, %dma_wait3A_130] : memref<112x128xi32, #tpu.memory_space<vmem>> -> memref<1x128xi32, #tpu.memory_space<vmem>>
        %dma_wait3A_132 = tpu.memref_squeeze %dma_wait3A_131 : memref<1x128xi32, #tpu.memory_space<vmem>> -> memref<128xi32, #tpu.memory_space<vmem>>
        %dma_wait3A_133 = arith.constant 0 : i32
        %dma_wait3A_134 = arith.constant 0 : i32
        %dma_wait3A_135 = tpu.memref_slice %arg12[%dma_wait3A_133, %dma_wait3A_134] : memref<10008x64xf32, #tpu.memory_space<vmem_shared>> -> memref<10008x64xf32, #tpu.memory_space<vmem_shared>>
        tpu.wait_indirect_dma semaphore(%run_scoped3A : memref<!tpu.dma_semaphore, #tpu.memory_space<semaphore_mem>>) src(%arg11 : memref<128x64xf32, #tpu.memory_space<vmem>>) dst(%dma_wait3A_135 : memref<10008x64xf32, #tpu.memory_space<vmem_shared>>)
        tpu.yield
      }) : () -> ()
    }
    %while3A_27 = arith.constant 1 : i32
    scf.for %while3A_89 = %while3A_25 to %while3A_21 step %while3A_27  : i32 {
      %mul3A_90 = arith.constant 2 : i32
      %mul3A_91 = arith.muli %mul3A_90, %while3A_89 : i32
      %add3A_92 = arith.constant 0 : i32
      %add3A_93 = arith.addi %mul3A_91, %add3A_92 : i32
      %dma_wait3A = arith.constant 0 : i32
      %dma_wait3A_94 = tpu.memref_slice %arg8[%add3A_93, %dma_wait3A] : memref<112x128xi32, #tpu.memory_space<vmem>> -> memref<1x128xi32, #tpu.memory_space<vmem>>
      %dma_wait3A_95 = tpu.memref_squeeze %dma_wait3A_94 : memref<1x128xi32, #tpu.memory_space<vmem>> -> memref<128xi32, #tpu.memory_space<vmem>>
      %dma_wait3A_96 = arith.constant 0 : i32
      %dma_wait3A_97 = arith.constant 0 : i32
      %dma_wait3A_98 = tpu.memref_slice %arg2[%dma_wait3A_96, %dma_wait3A_97] : memref<10000x64xf32, #tpu.memory_space<hbm>> -> memref<10000x64xf32, #tpu.memory_space<hbm>>
      tpu.wait_indirect_dma semaphore(%arg13 : memref<!tpu.dma_semaphore, #tpu.memory_space<semaphore_mem>>) src(%dma_wait3A_98 : memref<10000x64xf32, #tpu.memory_space<hbm>>) dst(%arg10 : memref<128x64xf32, #tpu.memory_space<vmem>>)
      %add3A_99 = arith.constant 2 : i32
      %add3A_100 = arith.addi %add3A_93, %add3A_99 : i32
      %sub3A = arith.constant 1 : i32
      %sub3A_101 = arith.subi %add3A_100, %sub3A : i32
      %dma_start3A_102 = arith.constant 0 : i32
      %dma_start3A_103 = tpu.memref_slice %arg8[%sub3A_101, %dma_start3A_102] : memref<112x128xi32, #tpu.memory_space<vmem>> -> memref<1x128xi32, #tpu.memory_space<vmem>>
      %dma_start3A_104 = tpu.memref_squeeze %dma_start3A_103 : memref<1x128xi32, #tpu.memory_space<vmem>> -> memref<128xi32, #tpu.memory_space<vmem>>
      %dma_start3A_105 = arith.constant 0 : i32
      %dma_start3A_106 = arith.constant 0 : i32
      %dma_start3A_107 = tpu.memref_slice %arg2[%dma_start3A_105, %dma_start3A_106] : memref<10000x64xf32, #tpu.memory_space<hbm>> -> memref<10000x64xf32, #tpu.memory_space<hbm>>
      tpu.enqueue_indirect_dma source(%dma_start3A_107 : memref<10000x64xf32, #tpu.memory_space<hbm>>) target(%arg11 : memref<128x64xf32, #tpu.memory_space<vmem>>) offsets(%dma_start3A_104 : memref<128xi32, #tpu.memory_space<vmem>>) semaphore(%arg14 : memref<!tpu.dma_semaphore, #tpu.memory_space<semaphore_mem>>)
      "tpu.region"() ({
        %run_scoped3A = tpu.sem_alloc : memref<!tpu.dma_semaphore, #tpu.memory_space<semaphore_mem>>
        %dma_start3A_124 = arith.constant 0 : i32
        %dma_start3A_125 = tpu.memref_slice %arg9[%add3A_93, %dma_start3A_124] : memref<112x128xi32, #tpu.memory_space<vmem>> -> memref<1x128xi32, #tpu.memory_space<vmem>>
        %dma_start3A_126 = tpu.memref_squeeze %dma_start3A_125 : memref<1x128xi32, #tpu.memory_space<vmem>> -> memref<128xi32, #tpu.memory_space<vmem>>
        %dma_start3A_127 = arith.constant 0 : i32
        %dma_start3A_128 = arith.constant 0 : i32
        %dma_start3A_129 = tpu.memref_slice %arg12[%dma_start3A_127, %dma_start3A_128] : memref<10008x64xf32, #tpu.memory_space<vmem_shared>> -> memref<10008x64xf32, #tpu.memory_space<vmem_shared>>
        tpu.enqueue_indirect_dma source(%arg10 : memref<128x64xf32, #tpu.memory_space<vmem>>) target(%dma_start3A_129 : memref<10008x64xf32, #tpu.memory_space<vmem_shared>>) offsets(%dma_start3A_126 : memref<128xi32, #tpu.memory_space<vmem>>) semaphore(%run_scoped3A : memref<!tpu.dma_semaphore, #tpu.memory_space<semaphore_mem>>) {add = true}
        %dma_wait3A_130 = arith.constant 0 : i32
        %dma_wait3A_131 = tpu.memref_slice %arg9[%add3A_93, %dma_wait3A_130] : memref<112x128xi32, #tpu.memory_space<vmem>> -> memref<1x128xi32, #tpu.memory_space<vmem>>
        %dma_wait3A_132 = tpu.memref_squeeze %dma_wait3A_131 : memref<1x128xi32, #tpu.memory_space<vmem>> -> memref<128xi32, #tpu.memory_space<vmem>>
        %dma_wait3A_133 = arith.constant 0 : i32
        %dma_wait3A_134 = arith.constant 0 : i32
        %dma_wait3A_135 = tpu.memref_slice %arg12[%dma_wait3A_133, %dma_wait3A_134] : memref<10008x64xf32, #tpu.memory_space<vmem_shared>> -> memref<10008x64xf32, #tpu.memory_space<vmem_shared>>
        tpu.wait_indirect_dma semaphore(%run_scoped3A : memref<!tpu.dma_semaphore, #tpu.memory_space<semaphore_mem>>) src(%arg10 : memref<128x64xf32, #tpu.memory_space<vmem>>) dst(%dma_wait3A_135 : memref<10008x64xf32, #tpu.memory_space<vmem_shared>>)
        tpu.yield
      }) : () -> ()
      %mul3A_108 = arith.constant 2 : i32
      %mul3A_109 = arith.muli %mul3A_108, %while3A_89 : i32
      %add3A_110 = arith.constant 1 : i32
      %add3A_111 = arith.addi %mul3A_109, %add3A_110 : i32
      %dma_wait3A_112 = arith.constant 0 : i32
      %dma_wait3A_113 = tpu.memref_slice %arg8[%add3A_111, %dma_wait3A_112] : memref<112x128xi32, #tpu.memory_space<vmem>> -> memref<1x128xi32, #tpu.memory_space<vmem>>
      %dma_wait3A_114 = tpu.memref_squeeze %dma_wait3A_113 : memref<1x128xi32, #tpu.memory_space<vmem>> -> memref<128xi32, #tpu.memory_space<vmem>>
      %dma_wait3A_115 = arith.constant 0 : i32
      %dma_wait3A_116 = arith.constant 0 : i32
      %dma_wait3A_117 = tpu.memref_slice %arg2[%dma_wait3A_115, %dma_wait3A_116] : memref<10000x64xf32, #tpu.memory_space<hbm>> -> memref<10000x64xf32, #tpu.memory_space<hbm>>
      tpu.wait_indirect_dma semaphore(%arg14 : memref<!tpu.dma_semaphore, #tpu.memory_space<semaphore_mem>>) src(%dma_wait3A_117 : memref<10000x64xf32, #tpu.memory_space<hbm>>) dst(%arg11 : memref<128x64xf32, #tpu.memory_space<vmem>>)
      %sub3A_118 = arith.constant 1 : i32
      %sub3A_119 = arith.subi %select_n3A_3, %sub3A_118 : i32
      %lt3A_120 = arith.cmpi slt, %while3A_89, %sub3A_119 : i32
      %convert_element_type3A_121 = arith.extui %lt3A_120 : i1 to i32
      %cond3A_122 = arith.constant 0 : i32
      %cond3A_123 = arith.cmpi ne, %convert_element_type3A_121, %cond3A_122 : i32
      scf.if %cond3A_123 {
        %add3A_124 = arith.constant 2 : i32
        %add3A_125 = arith.addi %add3A_111, %add3A_124 : i32
        %sub3A_126 = arith.constant 1 : i32
        %sub3A_127 = arith.subi %add3A_125, %sub3A_126 : i32
        %dma_start3A_128 = arith.constant 0 : i32
        %dma_start3A_129 = tpu.memref_slice %arg8[%sub3A_127, %dma_start3A_128] : memref<112x128xi32, #tpu.memory_space<vmem>> -> memref<1x128xi32, #tpu.memory_space<vmem>>
        %dma_start3A_130 = tpu.memref_squeeze %dma_start3A_129 : memref<1x128xi32, #tpu.memory_space<vmem>> -> memref<128xi32, #tpu.memory_space<vmem>>
        %dma_start3A_131 = arith.constant 0 : i32
        %dma_start3A_132 = arith.constant 0 : i32
        %dma_start3A_133 = tpu.memref_slice %arg2[%dma_start3A_131, %dma_start3A_132] : memref<10000x64xf32, #tpu.memory_space<hbm>> -> memref<10000x64xf32, #tpu.memory_space<hbm>>
        tpu.enqueue_indirect_dma source(%dma_start3A_133 : memref<10000x64xf32, #tpu.memory_space<hbm>>) target(%arg10 : memref<128x64xf32, #tpu.memory_space<vmem>>) offsets(%dma_start3A_130 : memref<128xi32, #tpu.memory_space<vmem>>) semaphore(%arg13 : memref<!tpu.dma_semaphore, #tpu.memory_space<semaphore_mem>>)
      } else {
      }
      "tpu.region"() ({
        %run_scoped3A = tpu.sem_alloc : memref<!tpu.dma_semaphore, #tpu.memory_space<semaphore_mem>>
        %dma_start3A_124 = arith.constant 0 : i32
        %dma_start3A_125 = tpu.memref_slice %arg9[%add3A_111, %dma_start3A_124] : memref<112x128xi32, #tpu.memory_space<vmem>> -> memref<1x128xi32, #tpu.memory_space<vmem>>
        %dma_start3A_126 = tpu.memref_squeeze %dma_start3A_125 : memref<1x128xi32, #tpu.memory_space<vmem>> -> memref<128xi32, #tpu.memory_space<vmem>>
        %dma_start3A_127 = arith.constant 0 : i32
        %dma_start3A_128 = arith.constant 0 : i32
        %dma_start3A_129 = tpu.memref_slice %arg12[%dma_start3A_127, %dma_start3A_128] : memref<10008x64xf32, #tpu.memory_space<vmem_shared>> -> memref<10008x64xf32, #tpu.memory_space<vmem_shared>>
        tpu.enqueue_indirect_dma source(%arg11 : memref<128x64xf32, #tpu.memory_space<vmem>>) target(%dma_start3A_129 : memref<10008x64xf32, #tpu.memory_space<vmem_shared>>) offsets(%dma_start3A_126 : memref<128xi32, #tpu.memory_space<vmem>>) semaphore(%run_scoped3A : memref<!tpu.dma_semaphore, #tpu.memory_space<semaphore_mem>>) {add = true}
        %dma_wait3A_130 = arith.constant 0 : i32
        %dma_wait3A_131 = tpu.memref_slice %arg9[%add3A_111, %dma_wait3A_130] : memref<112x128xi32, #tpu.memory_space<vmem>> -> memref<1x128xi32, #tpu.memory_space<vmem>>
        %dma_wait3A_132 = tpu.memref_squeeze %dma_wait3A_131 : memref<1x128xi32, #tpu.memory_space<vmem>> -> memref<128xi32, #tpu.memory_space<vmem>>
        %dma_wait3A_133 = arith.constant 0 : i32
        %dma_wait3A_134 = arith.constant 0 : i32
        %dma_wait3A_135 = tpu.memref_slice %arg12[%dma_wait3A_133, %dma_wait3A_134] : memref<10008x64xf32, #tpu.memory_space<vmem_shared>> -> memref<10008x64xf32, #tpu.memory_space<vmem_shared>>
        tpu.wait_indirect_dma semaphore(%run_scoped3A : memref<!tpu.dma_semaphore, #tpu.memory_space<semaphore_mem>>) src(%arg11 : memref<128x64xf32, #tpu.memory_space<vmem>>) dst(%dma_wait3A_135 : memref<10008x64xf32, #tpu.memory_space<vmem_shared>>)
        tpu.yield
      }) : () -> ()
    }
    %barrier3A_28 = arith.constant 0 : index
    tpu.barrier barrier_id(%barrier3A_28)
    %mul3A_29 = arith.constant 632 : i32
    %mul3A_30 = arith.muli %arg1, %mul3A_29 : i32
    %multiple_of3A_31 = tpu.assume_multiple %mul3A_30, 8 : i32
    %lt3A_32 = arith.constant 15 : i32
    %lt3A_33 = arith.cmpi slt, %arg1, %lt3A_32 : i32
    %convert_element_type3A_34 = arith.extui %lt3A_33 : i1 to i32
    %cond3A_35 = arith.constant 0 : i32
    %cond3A_36 = arith.cmpi ne, %convert_element_type3A_34, %cond3A_35 : i32
    scf.if %cond3A_36 {
      %run_scoped3A = arith.constant 0 : i32
      "tpu.region"() ({
        %run_scoped3A_89 = tpu.sem_alloc : memref<!tpu.dma_semaphore, #tpu.memory_space<semaphore_mem>>
        %dma_start3A_90 = arith.constant 0 : i32
        %dma_start3A_91 = tpu.memref_slice %arg7[%arg0, %run_scoped3A, %multiple_of3A_31, %dma_start3A_90] : memref<2x2x10000x64xf32, #tpu.memory_space<hbm>> -> memref<1x1x632x64xf32, #tpu.memory_space<hbm>>
        %dma_start3A_92 = tpu.memref_squeeze %dma_start3A_91 : memref<1x1x632x64xf32, #tpu.memory_space<hbm>> -> memref<632x64xf32, #tpu.memory_space<hbm>>
        %dma_start3A_93 = arith.constant 0 : i32
        %dma_start3A_94 = tpu.memref_slice %arg12[%multiple_of3A_31, %dma_start3A_93] : memref<10008x64xf32, #tpu.memory_space<vmem_shared>> -> memref<632x64xf32, #tpu.memory_space<vmem_shared>>
        tpu.enqueue_dma source(%dma_start3A_94 : memref<632x64xf32, #tpu.memory_space<vmem_shared>>) target(%dma_start3A_92 : memref<632x64xf32, #tpu.memory_space<hbm>>) target_semaphore(%run_scoped3A_89 : memref<!tpu.dma_semaphore, #tpu.memory_space<semaphore_mem>>)
        %dma_wait3A = arith.constant 0 : i32
        %dma_wait3A_95 = tpu.memref_slice %arg7[%arg0, %run_scoped3A, %multiple_of3A_31, %dma_wait3A] : memref<2x2x10000x64xf32, #tpu.memory_space<hbm>> -> memref<1x1x632x64xf32, #tpu.memory_space<hbm>>
        %dma_wait3A_96 = tpu.memref_squeeze %dma_wait3A_95 : memref<1x1x632x64xf32, #tpu.memory_space<hbm>> -> memref<632x64xf32, #tpu.memory_space<hbm>>
        %dma_wait3A_97 = arith.constant 0 : i32
        %dma_wait3A_98 = tpu.memref_slice %arg12[%multiple_of3A_31, %dma_wait3A_97] : memref<10008x64xf32, #tpu.memory_space<vmem_shared>> -> memref<632x64xf32, #tpu.memory_space<vmem_shared>>
        tpu.wait_dma2 semaphore(%run_scoped3A_89 : memref<!tpu.dma_semaphore, #tpu.memory_space<semaphore_mem>>) src(%dma_wait3A_98 : memref<632x64xf32, #tpu.memory_space<vmem_shared>>) dst(%dma_wait3A_96 : memref<632x64xf32, #tpu.memory_space<hbm>>)
        tpu.yield
      }) : () -> ()
    } else {
    }
    %eq3A_37 = arith.constant 15 : i32
    %eq3A_38 = arith.cmpi eq, %arg1, %eq3A_37 : i32
    %convert_element_type3A_39 = arith.extui %eq3A_38 : i1 to i32
    %cond3A_40 = arith.constant 0 : i32
    %cond3A_41 = arith.cmpi ne, %convert_element_type3A_39, %cond3A_40 : i32
    scf.if %cond3A_41 {
      %run_scoped3A = arith.constant 0 : i32
      "tpu.region"() ({
        %run_scoped3A_89 = tpu.sem_alloc : memref<!tpu.dma_semaphore, #tpu.memory_space<semaphore_mem>>
        %dma_start3A_90 = arith.constant 0 : i32
        %dma_start3A_91 = tpu.memref_slice %arg7[%arg0, %run_scoped3A, %multiple_of3A_31, %dma_start3A_90] : memref<2x2x10000x64xf32, #tpu.memory_space<hbm>> -> memref<1x1x520x64xf32, #tpu.memory_space<hbm>>
        %dma_start3A_92 = tpu.memref_squeeze %dma_start3A_91 : memref<1x1x520x64xf32, #tpu.memory_space<hbm>> -> memref<520x64xf32, #tpu.memory_space<hbm>>
        %dma_start3A_93 = arith.constant 0 : i32
        %dma_start3A_94 = tpu.memref_slice %arg12[%multiple_of3A_31, %dma_start3A_93] : memref<10008x64xf32, #tpu.memory_space<vmem_shared>> -> memref<520x64xf32, #tpu.memory_space<vmem_shared>>
        tpu.enqueue_dma source(%dma_start3A_94 : memref<520x64xf32, #tpu.memory_space<vmem_shared>>) target(%dma_start3A_92 : memref<520x64xf32, #tpu.memory_space<hbm>>) target_semaphore(%run_scoped3A_89 : memref<!tpu.dma_semaphore, #tpu.memory_space<semaphore_mem>>)
        %dma_wait3A = arith.constant 0 : i32
        %dma_wait3A_95 = tpu.memref_slice %arg7[%arg0, %run_scoped3A, %multiple_of3A_31, %dma_wait3A] : memref<2x2x10000x64xf32, #tpu.memory_space<hbm>> -> memref<1x1x520x64xf32, #tpu.memory_space<hbm>>
        %dma_wait3A_96 = tpu.memref_squeeze %dma_wait3A_95 : memref<1x1x520x64xf32, #tpu.memory_space<hbm>> -> memref<520x64xf32, #tpu.memory_space<hbm>>
        %dma_wait3A_97 = arith.constant 0 : i32
        %dma_wait3A_98 = tpu.memref_slice %arg12[%multiple_of3A_31, %dma_wait3A_97] : memref<10008x64xf32, #tpu.memory_space<vmem_shared>> -> memref<520x64xf32, #tpu.memory_space<vmem_shared>>
        tpu.wait_dma2 semaphore(%run_scoped3A_89 : memref<!tpu.dma_semaphore, #tpu.memory_space<semaphore_mem>>) src(%dma_wait3A_98 : memref<520x64xf32, #tpu.memory_space<vmem_shared>>) dst(%dma_wait3A_96 : memref<520x64xf32, #tpu.memory_space<hbm>>)
        tpu.yield
      }) : () -> ()
    } else {
    }
    %barrier3A_42 = arith.constant 0 : index
    tpu.barrier barrier_id(%barrier3A_42)
    %mul3A_43 = arith.constant 632 : i32
    %mul3A_44 = arith.muli %arg1, %mul3A_43 : i32
    %multiple_of3A_45 = tpu.assume_multiple %mul3A_44, 8 : i32
    %lt3A_46 = arith.constant 15 : i32
    %lt3A_47 = arith.cmpi slt, %arg1, %lt3A_46 : i32
    %convert_element_type3A_48 = arith.extui %lt3A_47 : i1 to i32
    %cond3A_49 = arith.constant 0 : i32
    %cond3A_50 = arith.cmpi ne, %convert_element_type3A_48, %cond3A_49 : i32
    scf.if %cond3A_50 {
      "tpu.region"() ({
        %run_scoped3A = tpu.sem_alloc : memref<!tpu.dma_semaphore, #tpu.memory_space<semaphore_mem>>
        %dma_start3A_89 = arith.constant 0 : i32
        %dma_start3A_90 = tpu.memref_slice %arg12[%multiple_of3A_45, %dma_start3A_89] : memref<10008x64xf32, #tpu.memory_space<vmem_shared>> -> memref<632x64xf32, #tpu.memory_space<vmem_shared>>
        %dma_start3A_91 = arith.constant 0 : i32
        %dma_start3A_92 = tpu.memref_slice %arg6[%multiple_of3A_45, %dma_start3A_91] : memref<10000x64xf32, #tpu.memory_space<hbm>> -> memref<632x64xf32, #tpu.memory_space<hbm>>
        tpu.enqueue_dma source(%dma_start3A_92 : memref<632x64xf32, #tpu.memory_space<hbm>>) target(%dma_start3A_90 : memref<632x64xf32, #tpu.memory_space<vmem_shared>>) target_semaphore(%run_scoped3A : memref<!tpu.dma_semaphore, #tpu.memory_space<semaphore_mem>>)
        %dma_wait3A = arith.constant 0 : i32
        %dma_wait3A_93 = tpu.memref_slice %arg12[%multiple_of3A_45, %dma_wait3A] : memref<10008x64xf32, #tpu.memory_space<vmem_shared>> -> memref<632x64xf32, #tpu.memory_space<vmem_shared>>
        %dma_wait3A_94 = arith.constant 0 : i32
        %dma_wait3A_95 = tpu.memref_slice %arg6[%multiple_of3A_45, %dma_wait3A_94] : memref<10000x64xf32, #tpu.memory_space<hbm>> -> memref<632x64xf32, #tpu.memory_space<hbm>>
        tpu.wait_dma2 semaphore(%run_scoped3A : memref<!tpu.dma_semaphore, #tpu.memory_space<semaphore_mem>>) src(%dma_wait3A_95 : memref<632x64xf32, #tpu.memory_space<hbm>>) dst(%dma_wait3A_93 : memref<632x64xf32, #tpu.memory_space<vmem_shared>>)
        tpu.yield
      }) : () -> ()
    } else {
    }
    %eq3A_51 = arith.constant 15 : i32
    %eq3A_52 = arith.cmpi eq, %arg1, %eq3A_51 : i32
    %convert_element_type3A_53 = arith.extui %eq3A_52 : i1 to i32
    %cond3A_54 = arith.constant 0 : i32
    %cond3A_55 = arith.cmpi ne, %convert_element_type3A_53, %cond3A_54 : i32
    scf.if %cond3A_55 {
      "tpu.region"() ({
        %run_scoped3A = tpu.sem_alloc : memref<!tpu.dma_semaphore, #tpu.memory_space<semaphore_mem>>
        %dma_start3A_89 = arith.constant 0 : i32
        %dma_start3A_90 = tpu.memref_slice %arg12[%multiple_of3A_45, %dma_start3A_89] : memref<10008x64xf32, #tpu.memory_space<vmem_shared>> -> memref<520x64xf32, #tpu.memory_space<vmem_shared>>
        %dma_start3A_91 = arith.constant 0 : i32
        %dma_start3A_92 = tpu.memref_slice %arg6[%multiple_of3A_45, %dma_start3A_91] : memref<10000x64xf32, #tpu.memory_space<hbm>> -> memref<520x64xf32, #tpu.memory_space<hbm>>
        tpu.enqueue_dma source(%dma_start3A_92 : memref<520x64xf32, #tpu.memory_space<hbm>>) target(%dma_start3A_90 : memref<520x64xf32, #tpu.memory_space<vmem_shared>>) target_semaphore(%run_scoped3A : memref<!tpu.dma_semaphore, #tpu.memory_space<semaphore_mem>>)
        %dma_wait3A = arith.constant 0 : i32
        %dma_wait3A_93 = tpu.memref_slice %arg12[%multiple_of3A_45, %dma_wait3A] : memref<10008x64xf32, #tpu.memory_space<vmem_shared>> -> memref<520x64xf32, #tpu.memory_space<vmem_shared>>
        %dma_wait3A_94 = arith.constant 0 : i32
        %dma_wait3A_95 = tpu.memref_slice %arg6[%multiple_of3A_45, %dma_wait3A_94] : memref<10000x64xf32, #tpu.memory_space<hbm>> -> memref<520x64xf32, #tpu.memory_space<hbm>>
        tpu.wait_dma2 semaphore(%run_scoped3A : memref<!tpu.dma_semaphore, #tpu.memory_space<semaphore_mem>>) src(%dma_wait3A_95 : memref<520x64xf32, #tpu.memory_space<hbm>>) dst(%dma_wait3A_93 : memref<520x64xf32, #tpu.memory_space<vmem_shared>>)
        tpu.yield
      }) : () -> ()
    } else {
    }
    %barrier3A_56 = arith.constant 0 : index
    tpu.barrier barrier_id(%barrier3A_56)
    %dma_start3A_57 = arith.constant 0 : i32
    %dma_start3A_58 = arith.constant 0 : i32
    %dma_start3A_59 = tpu.memref_slice %arg8[%dma_start3A_57, %dma_start3A_58] : memref<112x128xi32, #tpu.memory_space<vmem>> -> memref<1x128xi32, #tpu.memory_space<vmem>>
    %dma_start3A_60 = tpu.memref_squeeze %dma_start3A_59 : memref<1x128xi32, #tpu.memory_space<vmem>> -> memref<128xi32, #tpu.memory_space<vmem>>
    %dma_start3A_61 = arith.constant 0 : i32
    %dma_start3A_62 = arith.constant 0 : i32
    %dma_start3A_63 = tpu.memref_slice %arg3[%dma_start3A_61, %dma_start3A_62] : memref<10000x64xf32, #tpu.memory_space<hbm>> -> memref<10000x64xf32, #tpu.memory_space<hbm>>
    tpu.enqueue_indirect_dma source(%dma_start3A_63 : memref<10000x64xf32, #tpu.memory_space<hbm>>) target(%arg10 : memref<128x64xf32, #tpu.memory_space<vmem>>) offsets(%dma_start3A_60 : memref<128xi32, #tpu.memory_space<vmem>>) semaphore(%arg13 : memref<!tpu.dma_semaphore, #tpu.memory_space<semaphore_mem>>)
    %while3A_64 = arith.constant 0 : i32
    %while3A_65 = arith.constant 0 : i32
    %while3A_66 = arith.subi %select_n3A_3, %while3A_65 : i32
    %while3A_67 = arith.addi %while3A_65, %while3A_66 : i32
    %while3A_68 = arith.constant 1 : i32
    %while3A_69 = arith.divsi %while3A_66, %while3A_68 : i32
    %while3A_70 = arith.muli %while3A_69, %while3A_68 : i32
    %while3A_71 = arith.addi %while3A_65, %while3A_70 : i32
    %while3A_72 = arith.constant 1 : i32
    scf.for %while3A_89 = %while3A_65 to %while3A_71 step %while3A_72  : i32 {
      %mul3A_90 = arith.constant 2 : i32
      %mul3A_91 = arith.muli %mul3A_90, %while3A_89 : i32
      %add3A_92 = arith.constant 0 : i32
      %add3A_93 = arith.addi %mul3A_91, %add3A_92 : i32
      %dma_wait3A = arith.constant 0 : i32
      %dma_wait3A_94 = tpu.memref_slice %arg8[%add3A_93, %dma_wait3A] : memref<112x128xi32, #tpu.memory_space<vmem>> -> memref<1x128xi32, #tpu.memory_space<vmem>>
      %dma_wait3A_95 = tpu.memref_squeeze %dma_wait3A_94 : memref<1x128xi32, #tpu.memory_space<vmem>> -> memref<128xi32, #tpu.memory_space<vmem>>
      %dma_wait3A_96 = arith.constant 0 : i32
      %dma_wait3A_97 = arith.constant 0 : i32
      %dma_wait3A_98 = tpu.memref_slice %arg3[%dma_wait3A_96, %dma_wait3A_97] : memref<10000x64xf32, #tpu.memory_space<hbm>> -> memref<10000x64xf32, #tpu.memory_space<hbm>>
      tpu.wait_indirect_dma semaphore(%arg13 : memref<!tpu.dma_semaphore, #tpu.memory_space<semaphore_mem>>) src(%dma_wait3A_98 : memref<10000x64xf32, #tpu.memory_space<hbm>>) dst(%arg10 : memref<128x64xf32, #tpu.memory_space<vmem>>)
      %add3A_99 = arith.constant 2 : i32
      %add3A_100 = arith.addi %add3A_93, %add3A_99 : i32
      %sub3A = arith.constant 1 : i32
      %sub3A_101 = arith.subi %add3A_100, %sub3A : i32
      %dma_start3A_102 = arith.constant 0 : i32
      %dma_start3A_103 = tpu.memref_slice %arg8[%sub3A_101, %dma_start3A_102] : memref<112x128xi32, #tpu.memory_space<vmem>> -> memref<1x128xi32, #tpu.memory_space<vmem>>
      %dma_start3A_104 = tpu.memref_squeeze %dma_start3A_103 : memref<1x128xi32, #tpu.memory_space<vmem>> -> memref<128xi32, #tpu.memory_space<vmem>>
      %dma_start3A_105 = arith.constant 0 : i32
      %dma_start3A_106 = arith.constant 0 : i32
      %dma_start3A_107 = tpu.memref_slice %arg3[%dma_start3A_105, %dma_start3A_106] : memref<10000x64xf32, #tpu.memory_space<hbm>> -> memref<10000x64xf32, #tpu.memory_space<hbm>>
      tpu.enqueue_indirect_dma source(%dma_start3A_107 : memref<10000x64xf32, #tpu.memory_space<hbm>>) target(%arg11 : memref<128x64xf32, #tpu.memory_space<vmem>>) offsets(%dma_start3A_104 : memref<128xi32, #tpu.memory_space<vmem>>) semaphore(%arg14 : memref<!tpu.dma_semaphore, #tpu.memory_space<semaphore_mem>>)
      "tpu.region"() ({
        %run_scoped3A = tpu.sem_alloc : memref<!tpu.dma_semaphore, #tpu.memory_space<semaphore_mem>>
        %dma_start3A_124 = arith.constant 0 : i32
        %dma_start3A_125 = tpu.memref_slice %arg9[%add3A_93, %dma_start3A_124] : memref<112x128xi32, #tpu.memory_space<vmem>> -> memref<1x128xi32, #tpu.memory_space<vmem>>
        %dma_start3A_126 = tpu.memref_squeeze %dma_start3A_125 : memref<1x128xi32, #tpu.memory_space<vmem>> -> memref<128xi32, #tpu.memory_space<vmem>>
        %dma_start3A_127 = arith.constant 0 : i32
        %dma_start3A_128 = arith.constant 0 : i32
        %dma_start3A_129 = tpu.memref_slice %arg12[%dma_start3A_127, %dma_start3A_128] : memref<10008x64xf32, #tpu.memory_space<vmem_shared>> -> memref<10008x64xf32, #tpu.memory_space<vmem_shared>>
        tpu.enqueue_indirect_dma source(%arg10 : memref<128x64xf32, #tpu.memory_space<vmem>>) target(%dma_start3A_129 : memref<10008x64xf32, #tpu.memory_space<vmem_shared>>) offsets(%dma_start3A_126 : memref<128xi32, #tpu.memory_space<vmem>>) semaphore(%run_scoped3A : memref<!tpu.dma_semaphore, #tpu.memory_space<semaphore_mem>>) {add = true}
        %dma_wait3A_130 = arith.constant 0 : i32
        %dma_wait3A_131 = tpu.memref_slice %arg9[%add3A_93, %dma_wait3A_130] : memref<112x128xi32, #tpu.memory_space<vmem>> -> memref<1x128xi32, #tpu.memory_space<vmem>>
        %dma_wait3A_132 = tpu.memref_squeeze %dma_wait3A_131 : memref<1x128xi32, #tpu.memory_space<vmem>> -> memref<128xi32, #tpu.memory_space<vmem>>
        %dma_wait3A_133 = arith.constant 0 : i32
        %dma_wait3A_134 = arith.constant 0 : i32
        %dma_wait3A_135 = tpu.memref_slice %arg12[%dma_wait3A_133, %dma_wait3A_134] : memref<10008x64xf32, #tpu.memory_space<vmem_shared>> -> memref<10008x64xf32, #tpu.memory_space<vmem_shared>>
        tpu.wait_indirect_dma semaphore(%run_scoped3A : memref<!tpu.dma_semaphore, #tpu.memory_space<semaphore_mem>>) src(%arg10 : memref<128x64xf32, #tpu.memory_space<vmem>>) dst(%dma_wait3A_135 : memref<10008x64xf32, #tpu.memory_space<vmem_shared>>)
        tpu.yield
      }) : () -> ()
      %mul3A_108 = arith.constant 2 : i32
      %mul3A_109 = arith.muli %mul3A_108, %while3A_89 : i32
      %add3A_110 = arith.constant 1 : i32
      %add3A_111 = arith.addi %mul3A_109, %add3A_110 : i32
      %dma_wait3A_112 = arith.constant 0 : i32
      %dma_wait3A_113 = tpu.memref_slice %arg8[%add3A_111, %dma_wait3A_112] : memref<112x128xi32, #tpu.memory_space<vmem>> -> memref<1x128xi32, #tpu.memory_space<vmem>>
      %dma_wait3A_114 = tpu.memref_squeeze %dma_wait3A_113 : memref<1x128xi32, #tpu.memory_space<vmem>> -> memref<128xi32, #tpu.memory_space<vmem>>
      %dma_wait3A_115 = arith.constant 0 : i32
      %dma_wait3A_116 = arith.constant 0 : i32
      %dma_wait3A_117 = tpu.memref_slice %arg3[%dma_wait3A_115, %dma_wait3A_116] : memref<10000x64xf32, #tpu.memory_space<hbm>> -> memref<10000x64xf32, #tpu.memory_space<hbm>>
      tpu.wait_indirect_dma semaphore(%arg14 : memref<!tpu.dma_semaphore, #tpu.memory_space<semaphore_mem>>) src(%dma_wait3A_117 : memref<10000x64xf32, #tpu.memory_space<hbm>>) dst(%arg11 : memref<128x64xf32, #tpu.memory_space<vmem>>)
      %sub3A_118 = arith.constant 1 : i32
      %sub3A_119 = arith.subi %select_n3A_3, %sub3A_118 : i32
      %lt3A_120 = arith.cmpi slt, %while3A_89, %sub3A_119 : i32
      %convert_element_type3A_121 = arith.extui %lt3A_120 : i1 to i32
      %cond3A_122 = arith.constant 0 : i32
      %cond3A_123 = arith.cmpi ne, %convert_element_type3A_121, %cond3A_122 : i32
      scf.if %cond3A_123 {
        %add3A_124 = arith.constant 2 : i32
        %add3A_125 = arith.addi %add3A_111, %add3A_124 : i32
        %sub3A_126 = arith.constant 1 : i32
        %sub3A_127 = arith.subi %add3A_125, %sub3A_126 : i32
        %dma_start3A_128 = arith.constant 0 : i32
        %dma_start3A_129 = tpu.memref_slice %arg8[%sub3A_127, %dma_start3A_128] : memref<112x128xi32, #tpu.memory_space<vmem>> -> memref<1x128xi32, #tpu.memory_space<vmem>>
        %dma_start3A_130 = tpu.memref_squeeze %dma_start3A_129 : memref<1x128xi32, #tpu.memory_space<vmem>> -> memref<128xi32, #tpu.memory_space<vmem>>
        %dma_start3A_131 = arith.constant 0 : i32
        %dma_start3A_132 = arith.constant 0 : i32
        %dma_start3A_133 = tpu.memref_slice %arg3[%dma_start3A_131, %dma_start3A_132] : memref<10000x64xf32, #tpu.memory_space<hbm>> -> memref<10000x64xf32, #tpu.memory_space<hbm>>
        tpu.enqueue_indirect_dma source(%dma_start3A_133 : memref<10000x64xf32, #tpu.memory_space<hbm>>) target(%arg10 : memref<128x64xf32, #tpu.memory_space<vmem>>) offsets(%dma_start3A_130 : memref<128xi32, #tpu.memory_space<vmem>>) semaphore(%arg13 : memref<!tpu.dma_semaphore, #tpu.memory_space<semaphore_mem>>)
      } else {
      }
      "tpu.region"() ({
        %run_scoped3A = tpu.sem_alloc : memref<!tpu.dma_semaphore, #tpu.memory_space<semaphore_mem>>
        %dma_start3A_124 = arith.constant 0 : i32
        %dma_start3A_125 = tpu.memref_slice %arg9[%add3A_111, %dma_start3A_124] : memref<112x128xi32, #tpu.memory_space<vmem>> -> memref<1x128xi32, #tpu.memory_space<vmem>>
        %dma_start3A_126 = tpu.memref_squeeze %dma_start3A_125 : memref<1x128xi32, #tpu.memory_space<vmem>> -> memref<128xi32, #tpu.memory_space<vmem>>
        %dma_start3A_127 = arith.constant 0 : i32
        %dma_start3A_128 = arith.constant 0 : i32
        %dma_start3A_129 = tpu.memref_slice %arg12[%dma_start3A_127, %dma_start3A_128] : memref<10008x64xf32, #tpu.memory_space<vmem_shared>> -> memref<10008x64xf32, #tpu.memory_space<vmem_shared>>
        tpu.enqueue_indirect_dma source(%arg11 : memref<128x64xf32, #tpu.memory_space<vmem>>) target(%dma_start3A_129 : memref<10008x64xf32, #tpu.memory_space<vmem_shared>>) offsets(%dma_start3A_126 : memref<128xi32, #tpu.memory_space<vmem>>) semaphore(%run_scoped3A : memref<!tpu.dma_semaphore, #tpu.memory_space<semaphore_mem>>) {add = true}
        %dma_wait3A_130 = arith.constant 0 : i32
        %dma_wait3A_131 = tpu.memref_slice %arg9[%add3A_111, %dma_wait3A_130] : memref<112x128xi32, #tpu.memory_space<vmem>> -> memref<1x128xi32, #tpu.memory_space<vmem>>
        %dma_wait3A_132 = tpu.memref_squeeze %dma_wait3A_131 : memref<1x128xi32, #tpu.memory_space<vmem>> -> memref<128xi32, #tpu.memory_space<vmem>>
        %dma_wait3A_133 = arith.constant 0 : i32
        %dma_wait3A_134 = arith.constant 0 : i32
        %dma_wait3A_135 = tpu.memref_slice %arg12[%dma_wait3A_133, %dma_wait3A_134] : memref<10008x64xf32, #tpu.memory_space<vmem_shared>> -> memref<10008x64xf32, #tpu.memory_space<vmem_shared>>
        tpu.wait_indirect_dma semaphore(%run_scoped3A : memref<!tpu.dma_semaphore, #tpu.memory_space<semaphore_mem>>) src(%arg11 : memref<128x64xf32, #tpu.memory_space<vmem>>) dst(%dma_wait3A_135 : memref<10008x64xf32, #tpu.memory_space<vmem_shared>>)
        tpu.yield
      }) : () -> ()
    }
    %while3A_73 = arith.constant 1 : i32
    scf.for %while3A_89 = %while3A_71 to %while3A_67 step %while3A_73  : i32 {
      %mul3A_90 = arith.constant 2 : i32
      %mul3A_91 = arith.muli %mul3A_90, %while3A_89 : i32
      %add3A_92 = arith.constant 0 : i32
      %add3A_93 = arith.addi %mul3A_91, %add3A_92 : i32
      %dma_wait3A = arith.constant 0 : i32
      %dma_wait3A_94 = tpu.memref_slice %arg8[%add3A_93, %dma_wait3A] : memref<112x128xi32, #tpu.memory_space<vmem>> -> memref<1x128xi32, #tpu.memory_space<vmem>>
      %dma_wait3A_95 = tpu.memref_squeeze %dma_wait3A_94 : memref<1x128xi32, #tpu.memory_space<vmem>> -> memref<128xi32, #tpu.memory_space<vmem>>
      %dma_wait3A_96 = arith.constant 0 : i32
      %dma_wait3A_97 = arith.constant 0 : i32
      %dma_wait3A_98 = tpu.memref_slice %arg3[%dma_wait3A_96, %dma_wait3A_97] : memref<10000x64xf32, #tpu.memory_space<hbm>> -> memref<10000x64xf32, #tpu.memory_space<hbm>>
      tpu.wait_indirect_dma semaphore(%arg13 : memref<!tpu.dma_semaphore, #tpu.memory_space<semaphore_mem>>) src(%dma_wait3A_98 : memref<10000x64xf32, #tpu.memory_space<hbm>>) dst(%arg10 : memref<128x64xf32, #tpu.memory_space<vmem>>)
      %add3A_99 = arith.constant 2 : i32
      %add3A_100 = arith.addi %add3A_93, %add3A_99 : i32
      %sub3A = arith.constant 1 : i32
      %sub3A_101 = arith.subi %add3A_100, %sub3A : i32
      %dma_start3A_102 = arith.constant 0 : i32
      %dma_start3A_103 = tpu.memref_slice %arg8[%sub3A_101, %dma_start3A_102] : memref<112x128xi32, #tpu.memory_space<vmem>> -> memref<1x128xi32, #tpu.memory_space<vmem>>
      %dma_start3A_104 = tpu.memref_squeeze %dma_start3A_103 : memref<1x128xi32, #tpu.memory_space<vmem>> -> memref<128xi32, #tpu.memory_space<vmem>>
      %dma_start3A_105 = arith.constant 0 : i32
      %dma_start3A_106 = arith.constant 0 : i32
      %dma_start3A_107 = tpu.memref_slice %arg3[%dma_start3A_105, %dma_start3A_106] : memref<10000x64xf32, #tpu.memory_space<hbm>> -> memref<10000x64xf32, #tpu.memory_space<hbm>>
      tpu.enqueue_indirect_dma source(%dma_start3A_107 : memref<10000x64xf32, #tpu.memory_space<hbm>>) target(%arg11 : memref<128x64xf32, #tpu.memory_space<vmem>>) offsets(%dma_start3A_104 : memref<128xi32, #tpu.memory_space<vmem>>) semaphore(%arg14 : memref<!tpu.dma_semaphore, #tpu.memory_space<semaphore_mem>>)
      "tpu.region"() ({
        %run_scoped3A = tpu.sem_alloc : memref<!tpu.dma_semaphore, #tpu.memory_space<semaphore_mem>>
        %dma_start3A_124 = arith.constant 0 : i32
        %dma_start3A_125 = tpu.memref_slice %arg9[%add3A_93, %dma_start3A_124] : memref<112x128xi32, #tpu.memory_space<vmem>> -> memref<1x128xi32, #tpu.memory_space<vmem>>
        %dma_start3A_126 = tpu.memref_squeeze %dma_start3A_125 : memref<1x128xi32, #tpu.memory_space<vmem>> -> memref<128xi32, #tpu.memory_space<vmem>>
        %dma_start3A_127 = arith.constant 0 : i32
        %dma_start3A_128 = arith.constant 0 : i32
        %dma_start3A_129 = tpu.memref_slice %arg12[%dma_start3A_127, %dma_start3A_128] : memref<10008x64xf32, #tpu.memory_space<vmem_shared>> -> memref<10008x64xf32, #tpu.memory_space<vmem_shared>>
        tpu.enqueue_indirect_dma source(%arg10 : memref<128x64xf32, #tpu.memory_space<vmem>>) target(%dma_start3A_129 : memref<10008x64xf32, #tpu.memory_space<vmem_shared>>) offsets(%dma_start3A_126 : memref<128xi32, #tpu.memory_space<vmem>>) semaphore(%run_scoped3A : memref<!tpu.dma_semaphore, #tpu.memory_space<semaphore_mem>>) {add = true}
        %dma_wait3A_130 = arith.constant 0 : i32
        %dma_wait3A_131 = tpu.memref_slice %arg9[%add3A_93, %dma_wait3A_130] : memref<112x128xi32, #tpu.memory_space<vmem>> -> memref<1x128xi32, #tpu.memory_space<vmem>>
        %dma_wait3A_132 = tpu.memref_squeeze %dma_wait3A_131 : memref<1x128xi32, #tpu.memory_space<vmem>> -> memref<128xi32, #tpu.memory_space<vmem>>
        %dma_wait3A_133 = arith.constant 0 : i32
        %dma_wait3A_134 = arith.constant 0 : i32
        %dma_wait3A_135 = tpu.memref_slice %arg12[%dma_wait3A_133, %dma_wait3A_134] : memref<10008x64xf32, #tpu.memory_space<vmem_shared>> -> memref<10008x64xf32, #tpu.memory_space<vmem_shared>>
        tpu.wait_indirect_dma semaphore(%run_scoped3A : memref<!tpu.dma_semaphore, #tpu.memory_space<semaphore_mem>>) src(%arg10 : memref<128x64xf32, #tpu.memory_space<vmem>>) dst(%dma_wait3A_135 : memref<10008x64xf32, #tpu.memory_space<vmem_shared>>)
        tpu.yield
      }) : () -> ()
      %mul3A_108 = arith.constant 2 : i32
      %mul3A_109 = arith.muli %mul3A_108, %while3A_89 : i32
      %add3A_110 = arith.constant 1 : i32
      %add3A_111 = arith.addi %mul3A_109, %add3A_110 : i32
      %dma_wait3A_112 = arith.constant 0 : i32
      %dma_wait3A_113 = tpu.memref_slice %arg8[%add3A_111, %dma_wait3A_112] : memref<112x128xi32, #tpu.memory_space<vmem>> -> memref<1x128xi32, #tpu.memory_space<vmem>>
      %dma_wait3A_114 = tpu.memref_squeeze %dma_wait3A_113 : memref<1x128xi32, #tpu.memory_space<vmem>> -> memref<128xi32, #tpu.memory_space<vmem>>
      %dma_wait3A_115 = arith.constant 0 : i32
      %dma_wait3A_116 = arith.constant 0 : i32
      %dma_wait3A_117 = tpu.memref_slice %arg3[%dma_wait3A_115, %dma_wait3A_116] : memref<10000x64xf32, #tpu.memory_space<hbm>> -> memref<10000x64xf32, #tpu.memory_space<hbm>>
      tpu.wait_indirect_dma semaphore(%arg14 : memref<!tpu.dma_semaphore, #tpu.memory_space<semaphore_mem>>) src(%dma_wait3A_117 : memref<10000x64xf32, #tpu.memory_space<hbm>>) dst(%arg11 : memref<128x64xf32, #tpu.memory_space<vmem>>)
      %sub3A_118 = arith.constant 1 : i32
      %sub3A_119 = arith.subi %select_n3A_3, %sub3A_118 : i32
      %lt3A_120 = arith.cmpi slt, %while3A_89, %sub3A_119 : i32
      %convert_element_type3A_121 = arith.extui %lt3A_120 : i1 to i32
      %cond3A_122 = arith.constant 0 : i32
      %cond3A_123 = arith.cmpi ne, %convert_element_type3A_121, %cond3A_122 : i32
      scf.if %cond3A_123 {
        %add3A_124 = arith.constant 2 : i32
        %add3A_125 = arith.addi %add3A_111, %add3A_124 : i32
        %sub3A_126 = arith.constant 1 : i32
        %sub3A_127 = arith.subi %add3A_125, %sub3A_126 : i32
        %dma_start3A_128 = arith.constant 0 : i32
        %dma_start3A_129 = tpu.memref_slice %arg8[%sub3A_127, %dma_start3A_128] : memref<112x128xi32, #tpu.memory_space<vmem>> -> memref<1x128xi32, #tpu.memory_space<vmem>>
        %dma_start3A_130 = tpu.memref_squeeze %dma_start3A_129 : memref<1x128xi32, #tpu.memory_space<vmem>> -> memref<128xi32, #tpu.memory_space<vmem>>
        %dma_start3A_131 = arith.constant 0 : i32
        %dma_start3A_132 = arith.constant 0 : i32
        %dma_start3A_133 = tpu.memref_slice %arg3[%dma_start3A_131, %dma_start3A_132] : memref<10000x64xf32, #tpu.memory_space<hbm>> -> memref<10000x64xf32, #tpu.memory_space<hbm>>
        tpu.enqueue_indirect_dma source(%dma_start3A_133 : memref<10000x64xf32, #tpu.memory_space<hbm>>) target(%arg10 : memref<128x64xf32, #tpu.memory_space<vmem>>) offsets(%dma_start3A_130 : memref<128xi32, #tpu.memory_space<vmem>>) semaphore(%arg13 : memref<!tpu.dma_semaphore, #tpu.memory_space<semaphore_mem>>)
      } else {
      }
      "tpu.region"() ({
        %run_scoped3A = tpu.sem_alloc : memref<!tpu.dma_semaphore, #tpu.memory_space<semaphore_mem>>
        %dma_start3A_124 = arith.constant 0 : i32
        %dma_start3A_125 = tpu.memref_slice %arg9[%add3A_111, %dma_start3A_124] : memref<112x128xi32, #tpu.memory_space<vmem>> -> memref<1x128xi32, #tpu.memory_space<vmem>>
        %dma_start3A_126 = tpu.memref_squeeze %dma_start3A_125 : memref<1x128xi32, #tpu.memory_space<vmem>> -> memref<128xi32, #tpu.memory_space<vmem>>
        %dma_start3A_127 = arith.constant 0 : i32
        %dma_start3A_128 = arith.constant 0 : i32
        %dma_start3A_129 = tpu.memref_slice %arg12[%dma_start3A_127, %dma_start3A_128] : memref<10008x64xf32, #tpu.memory_space<vmem_shared>> -> memref<10008x64xf32, #tpu.memory_space<vmem_shared>>
        tpu.enqueue_indirect_dma source(%arg11 : memref<128x64xf32, #tpu.memory_space<vmem>>) target(%dma_start3A_129 : memref<10008x64xf32, #tpu.memory_space<vmem_shared>>) offsets(%dma_start3A_126 : memref<128xi32, #tpu.memory_space<vmem>>) semaphore(%run_scoped3A : memref<!tpu.dma_semaphore, #tpu.memory_space<semaphore_mem>>) {add = true}
        %dma_wait3A_130 = arith.constant 0 : i32
        %dma_wait3A_131 = tpu.memref_slice %arg9[%add3A_111, %dma_wait3A_130] : memref<112x128xi32, #tpu.memory_space<vmem>> -> memref<1x128xi32, #tpu.memory_space<vmem>>
        %dma_wait3A_132 = tpu.memref_squeeze %dma_wait3A_131 : memref<1x128xi32, #tpu.memory_space<vmem>> -> memref<128xi32, #tpu.memory_space<vmem>>
        %dma_wait3A_133 = arith.constant 0 : i32
        %dma_wait3A_134 = arith.constant 0 : i32
        %dma_wait3A_135 = tpu.memref_slice %arg12[%dma_wait3A_133, %dma_wait3A_134] : memref<10008x64xf32, #tpu.memory_space<vmem_shared>> -> memref<10008x64xf32, #tpu.memory_space<vmem_shared>>
        tpu.wait_indirect_dma semaphore(%run_scoped3A : memref<!tpu.dma_semaphore, #tpu.memory_space<semaphore_mem>>) src(%arg11 : memref<128x64xf32, #tpu.memory_space<vmem>>) dst(%dma_wait3A_135 : memref<10008x64xf32, #tpu.memory_space<vmem_shared>>)
        tpu.yield
      }) : () -> ()
    }
    %barrier3A_74 = arith.constant 0 : index
    tpu.barrier barrier_id(%barrier3A_74)
    %mul3A_75 = arith.constant 632 : i32
    %mul3A_76 = arith.muli %arg1, %mul3A_75 : i32
    %multiple_of3A_77 = tpu.assume_multiple %mul3A_76, 8 : i32
    %lt3A_78 = arith.constant 15 : i32
    %lt3A_79 = arith.cmpi slt, %arg1, %lt3A_78 : i32
    %convert_element_type3A_80 = arith.extui %lt3A_79 : i1 to i32
    %cond3A_81 = arith.constant 0 : i32
    %cond3A_82 = arith.cmpi ne, %convert_element_type3A_80, %cond3A_81 : i32
    scf.if %cond3A_82 {
      %run_scoped3A = arith.constant 1 : i32
      "tpu.region"() ({
        %run_scoped3A_89 = tpu.sem_alloc : memref<!tpu.dma_semaphore, #tpu.memory_space<semaphore_mem>>
        %dma_start3A_90 = arith.constant 0 : i32
        %dma_start3A_91 = tpu.memref_slice %arg7[%arg0, %run_scoped3A, %multiple_of3A_77, %dma_start3A_90] : memref<2x2x10000x64xf32, #tpu.memory_space<hbm>> -> memref<1x1x632x64xf32, #tpu.memory_space<hbm>>
        %dma_start3A_92 = tpu.memref_squeeze %dma_start3A_91 : memref<1x1x632x64xf32, #tpu.memory_space<hbm>> -> memref<632x64xf32, #tpu.memory_space<hbm>>
        %dma_start3A_93 = arith.constant 0 : i32
        %dma_start3A_94 = tpu.memref_slice %arg12[%multiple_of3A_77, %dma_start3A_93] : memref<10008x64xf32, #tpu.memory_space<vmem_shared>> -> memref<632x64xf32, #tpu.memory_space<vmem_shared>>
        tpu.enqueue_dma source(%dma_start3A_94 : memref<632x64xf32, #tpu.memory_space<vmem_shared>>) target(%dma_start3A_92 : memref<632x64xf32, #tpu.memory_space<hbm>>) target_semaphore(%run_scoped3A_89 : memref<!tpu.dma_semaphore, #tpu.memory_space<semaphore_mem>>)
        %dma_wait3A = arith.constant 0 : i32
        %dma_wait3A_95 = tpu.memref_slice %arg7[%arg0, %run_scoped3A, %multiple_of3A_77, %dma_wait3A] : memref<2x2x10000x64xf32, #tpu.memory_space<hbm>> -> memref<1x1x632x64xf32, #tpu.memory_space<hbm>>
        %dma_wait3A_96 = tpu.memref_squeeze %dma_wait3A_95 : memref<1x1x632x64xf32, #tpu.memory_space<hbm>> -> memref<632x64xf32, #tpu.memory_space<hbm>>
        %dma_wait3A_97 = arith.constant 0 : i32
        %dma_wait3A_98 = tpu.memref_slice %arg12[%multiple_of3A_77, %dma_wait3A_97] : memref<10008x64xf32, #tpu.memory_space<vmem_shared>> -> memref<632x64xf32, #tpu.memory_space<vmem_shared>>
        tpu.wait_dma2 semaphore(%run_scoped3A_89 : memref<!tpu.dma_semaphore, #tpu.memory_space<semaphore_mem>>) src(%dma_wait3A_98 : memref<632x64xf32, #tpu.memory_space<vmem_shared>>) dst(%dma_wait3A_96 : memref<632x64xf32, #tpu.memory_space<hbm>>)
        tpu.yield
      }) : () -> ()
    } else {
    }
    %eq3A_83 = arith.constant 15 : i32
    %eq3A_84 = arith.cmpi eq, %arg1, %eq3A_83 : i32
    %convert_element_type3A_85 = arith.extui %eq3A_84 : i1 to i32
    %cond3A_86 = arith.constant 0 : i32
    %cond3A_87 = arith.cmpi ne, %convert_element_type3A_85, %cond3A_86 : i32
    scf.if %cond3A_87 {
      %run_scoped3A = arith.constant 1 : i32
      "tpu.region"() ({
        %run_scoped3A_89 = tpu.sem_alloc : memref<!tpu.dma_semaphore, #tpu.memory_space<semaphore_mem>>
        %dma_start3A_90 = arith.constant 0 : i32
        %dma_start3A_91 = tpu.memref_slice %arg7[%arg0, %run_scoped3A, %multiple_of3A_77, %dma_start3A_90] : memref<2x2x10000x64xf32, #tpu.memory_space<hbm>> -> memref<1x1x520x64xf32, #tpu.memory_space<hbm>>
        %dma_start3A_92 = tpu.memref_squeeze %dma_start3A_91 : memref<1x1x520x64xf32, #tpu.memory_space<hbm>> -> memref<520x64xf32, #tpu.memory_space<hbm>>
        %dma_start3A_93 = arith.constant 0 : i32
        %dma_start3A_94 = tpu.memref_slice %arg12[%multiple_of3A_77, %dma_start3A_93] : memref<10008x64xf32, #tpu.memory_space<vmem_shared>> -> memref<520x64xf32, #tpu.memory_space<vmem_shared>>
        tpu.enqueue_dma source(%dma_start3A_94 : memref<520x64xf32, #tpu.memory_space<vmem_shared>>) target(%dma_start3A_92 : memref<520x64xf32, #tpu.memory_space<hbm>>) target_semaphore(%run_scoped3A_89 : memref<!tpu.dma_semaphore, #tpu.memory_space<semaphore_mem>>)
        %dma_wait3A = arith.constant 0 : i32
        %dma_wait3A_95 = tpu.memref_slice %arg7[%arg0, %run_scoped3A, %multiple_of3A_77, %dma_wait3A] : memref<2x2x10000x64xf32, #tpu.memory_space<hbm>> -> memref<1x1x520x64xf32, #tpu.memory_space<hbm>>
        %dma_wait3A_96 = tpu.memref_squeeze %dma_wait3A_95 : memref<1x1x520x64xf32, #tpu.memory_space<hbm>> -> memref<520x64xf32, #tpu.memory_space<hbm>>
        %dma_wait3A_97 = arith.constant 0 : i32
        %dma_wait3A_98 = tpu.memref_slice %arg12[%multiple_of3A_77, %dma_wait3A_97] : memref<10008x64xf32, #tpu.memory_space<vmem_shared>> -> memref<520x64xf32, #tpu.memory_space<vmem_shared>>
        tpu.wait_dma2 semaphore(%run_scoped3A_89 : memref<!tpu.dma_semaphore, #tpu.memory_space<semaphore_mem>>) src(%dma_wait3A_98 : memref<520x64xf32, #tpu.memory_space<vmem_shared>>) dst(%dma_wait3A_96 : memref<520x64xf32, #tpu.memory_space<hbm>>)
        tpu.yield
      }) : () -> ()
    } else {
    }
    %barrier3A_88 = arith.constant 0 : index
    tpu.barrier barrier_id(%barrier3A_88)
    return
  }
}

#map = affine_map<(d0, d1) -> (0, 0, 0)>
#map1 = affine_map<(d0, d1) -> (0, 0)>
module attributes {stable_mosaic.version = 14 : i64} {
  func.func @_deg_sc_body(%arg0: i32, %arg1: i32, %arg2: memref<32x112x128xi32, #tpu.memory_space<hbm>>, %arg3: memref<10000x16xf32, #tpu.memory_space<hbm>>, %arg4: memref<128x16xf32, #tpu.memory_space<hbm>>, %arg5: memref<2x10000x16xf32, #tpu.memory_space<hbm>>, %arg6: memref<112x128xi32, #tpu.memory_space<vmem>>, %arg7: memref<128x16xf32, #tpu.memory_space<vmem>>, %arg8: memref<10008x16xf32, #tpu.memory_space<vmem_shared>>) attributes {dimension_semantics = [#tpu.dimension_semantics<core_parallel>, #tpu.dimension_semantics<subcore_parallel>], iteration_bounds = array<i64: 2, 16>, scalar_prefetch = 0 : i64, scratch_operands = 3 : i64, tpu.core_type = #tpu.core_type<sc_vector_subcore>, window_params = [{transform_indices = #map}, {transform_indices = #map1}, {transform_indices = #map1}, {transform_indices = #map}]} {
    %mul3A = arith.constant 16 : i32
    %mul3A_0 = arith.muli %arg0, %mul3A : i32
    %add3A = arith.addi %mul3A_0, %arg1 : i32
    "tpu.region"() ({
      %run_scoped3A = tpu.sem_alloc : memref<!tpu.dma_semaphore, #tpu.memory_space<semaphore_mem>>
      %dma_start3A = arith.constant 0 : i32
      %dma_start3A_36 = arith.constant 0 : i32
      %dma_start3A_37 = tpu.memref_slice %arg2[%add3A, %dma_start3A, %dma_start3A_36] : memref<32x112x128xi32, #tpu.memory_space<hbm>> -> memref<1x112x128xi32, #tpu.memory_space<hbm>>
      %dma_start3A_38 = tpu.memref_squeeze %dma_start3A_37 : memref<1x112x128xi32, #tpu.memory_space<hbm>> -> memref<112x128xi32, #tpu.memory_space<hbm>>
      %dma_start3A_39 = arith.constant 0 : i32
      %dma_start3A_40 = arith.constant 0 : i32
      %dma_start3A_41 = tpu.memref_slice %arg2[%add3A, %dma_start3A_39, %dma_start3A_40] : memref<32x112x128xi32, #tpu.memory_space<hbm>> -> memref<1x112x128xi32, #tpu.memory_space<hbm>>
      %dma_start3A_42 = tpu.memref_squeeze %dma_start3A_41 : memref<1x112x128xi32, #tpu.memory_space<hbm>> -> memref<112x128xi32, #tpu.memory_space<hbm>>
      tpu.enqueue_dma source(%dma_start3A_42 : memref<112x128xi32, #tpu.memory_space<hbm>>) target(%arg6 : memref<112x128xi32, #tpu.memory_space<vmem>>) target_semaphore(%run_scoped3A : memref<!tpu.dma_semaphore, #tpu.memory_space<semaphore_mem>>)
      %dma_wait3A = arith.constant 0 : i32
      %dma_wait3A_43 = arith.constant 0 : i32
      %dma_wait3A_44 = tpu.memref_slice %arg2[%add3A, %dma_wait3A, %dma_wait3A_43] : memref<32x112x128xi32, #tpu.memory_space<hbm>> -> memref<1x112x128xi32, #tpu.memory_space<hbm>>
      %dma_wait3A_45 = tpu.memref_squeeze %dma_wait3A_44 : memref<1x112x128xi32, #tpu.memory_space<hbm>> -> memref<112x128xi32, #tpu.memory_space<hbm>>
      %dma_wait3A_46 = arith.constant 0 : i32
      %dma_wait3A_47 = arith.constant 0 : i32
      %dma_wait3A_48 = tpu.memref_slice %arg2[%add3A, %dma_wait3A_46, %dma_wait3A_47] : memref<32x112x128xi32, #tpu.memory_space<hbm>> -> memref<1x112x128xi32, #tpu.memory_space<hbm>>
      %dma_wait3A_49 = tpu.memref_squeeze %dma_wait3A_48 : memref<1x112x128xi32, #tpu.memory_space<hbm>> -> memref<112x128xi32, #tpu.memory_space<hbm>>
      tpu.wait_dma2 semaphore(%run_scoped3A : memref<!tpu.dma_semaphore, #tpu.memory_space<semaphore_mem>>) src(%dma_wait3A_49 : memref<112x128xi32, #tpu.memory_space<hbm>>) dst(%arg6 : memref<112x128xi32, #tpu.memory_space<vmem>>)
      tpu.yield
    }) : () -> ()
    "tpu.region"() ({
      %run_scoped3A = tpu.sem_alloc : memref<!tpu.dma_semaphore, #tpu.memory_space<semaphore_mem>>
      tpu.enqueue_dma source(%arg4 : memref<128x16xf32, #tpu.memory_space<hbm>>) target(%arg7 : memref<128x16xf32, #tpu.memory_space<vmem>>) target_semaphore(%run_scoped3A : memref<!tpu.dma_semaphore, #tpu.memory_space<semaphore_mem>>)
      tpu.wait_dma2 semaphore(%run_scoped3A : memref<!tpu.dma_semaphore, #tpu.memory_space<semaphore_mem>>) src(%arg4 : memref<128x16xf32, #tpu.memory_space<hbm>>) dst(%arg7 : memref<128x16xf32, #tpu.memory_space<vmem>>)
      tpu.yield
    }) : () -> ()
    %mul3A_1 = arith.constant 632 : i32
    %mul3A_2 = arith.muli %arg1, %mul3A_1 : i32
    %multiple_of3A = tpu.assume_multiple %mul3A_2, 8 : i32
    %lt3A = arith.constant 15 : i32
    %lt3A_3 = arith.cmpi slt, %arg1, %lt3A : i32
    %convert_element_type3A = arith.extui %lt3A_3 : i1 to i32
    %cond3A = arith.constant 0 : i32
    %cond3A_4 = arith.cmpi ne, %convert_element_type3A, %cond3A : i32
    scf.if %cond3A_4 {
      "tpu.region"() ({
        %run_scoped3A = tpu.sem_alloc : memref<!tpu.dma_semaphore, #tpu.memory_space<semaphore_mem>>
        %dma_start3A = arith.constant 0 : i32
        %dma_start3A_36 = tpu.memref_slice %arg8[%multiple_of3A, %dma_start3A] : memref<10008x16xf32, #tpu.memory_space<vmem_shared>> -> memref<632x16xf32, #tpu.memory_space<vmem_shared>>
        %dma_start3A_37 = arith.constant 0 : i32
        %dma_start3A_38 = tpu.memref_slice %arg3[%multiple_of3A, %dma_start3A_37] : memref<10000x16xf32, #tpu.memory_space<hbm>> -> memref<632x16xf32, #tpu.memory_space<hbm>>
        tpu.enqueue_dma source(%dma_start3A_38 : memref<632x16xf32, #tpu.memory_space<hbm>>) target(%dma_start3A_36 : memref<632x16xf32, #tpu.memory_space<vmem_shared>>) target_semaphore(%run_scoped3A : memref<!tpu.dma_semaphore, #tpu.memory_space<semaphore_mem>>)
        %dma_wait3A = arith.constant 0 : i32
        %dma_wait3A_39 = tpu.memref_slice %arg8[%multiple_of3A, %dma_wait3A] : memref<10008x16xf32, #tpu.memory_space<vmem_shared>> -> memref<632x16xf32, #tpu.memory_space<vmem_shared>>
        %dma_wait3A_40 = arith.constant 0 : i32
        %dma_wait3A_41 = tpu.memref_slice %arg3[%multiple_of3A, %dma_wait3A_40] : memref<10000x16xf32, #tpu.memory_space<hbm>> -> memref<632x16xf32, #tpu.memory_space<hbm>>
        tpu.wait_dma2 semaphore(%run_scoped3A : memref<!tpu.dma_semaphore, #tpu.memory_space<semaphore_mem>>) src(%dma_wait3A_41 : memref<632x16xf32, #tpu.memory_space<hbm>>) dst(%dma_wait3A_39 : memref<632x16xf32, #tpu.memory_space<vmem_shared>>)
        tpu.yield
      }) : () -> ()
    } else {
    }
    %eq3A = arith.constant 15 : i32
    %eq3A_5 = arith.cmpi eq, %arg1, %eq3A : i32
    %convert_element_type3A_6 = arith.extui %eq3A_5 : i1 to i32
    %cond3A_7 = arith.constant 0 : i32
    %cond3A_8 = arith.cmpi ne, %convert_element_type3A_6, %cond3A_7 : i32
    scf.if %cond3A_8 {
      "tpu.region"() ({
        %run_scoped3A = tpu.sem_alloc : memref<!tpu.dma_semaphore, #tpu.memory_space<semaphore_mem>>
        %dma_start3A = arith.constant 0 : i32
        %dma_start3A_36 = tpu.memref_slice %arg8[%multiple_of3A, %dma_start3A] : memref<10008x16xf32, #tpu.memory_space<vmem_shared>> -> memref<520x16xf32, #tpu.memory_space<vmem_shared>>
        %dma_start3A_37 = arith.constant 0 : i32
        %dma_start3A_38 = tpu.memref_slice %arg3[%multiple_of3A, %dma_start3A_37] : memref<10000x16xf32, #tpu.memory_space<hbm>> -> memref<520x16xf32, #tpu.memory_space<hbm>>
        tpu.enqueue_dma source(%dma_start3A_38 : memref<520x16xf32, #tpu.memory_space<hbm>>) target(%dma_start3A_36 : memref<520x16xf32, #tpu.memory_space<vmem_shared>>) target_semaphore(%run_scoped3A : memref<!tpu.dma_semaphore, #tpu.memory_space<semaphore_mem>>)
        %dma_wait3A = arith.constant 0 : i32
        %dma_wait3A_39 = tpu.memref_slice %arg8[%multiple_of3A, %dma_wait3A] : memref<10008x16xf32, #tpu.memory_space<vmem_shared>> -> memref<520x16xf32, #tpu.memory_space<vmem_shared>>
        %dma_wait3A_40 = arith.constant 0 : i32
        %dma_wait3A_41 = tpu.memref_slice %arg3[%multiple_of3A, %dma_wait3A_40] : memref<10000x16xf32, #tpu.memory_space<hbm>> -> memref<520x16xf32, #tpu.memory_space<hbm>>
        tpu.wait_dma2 semaphore(%run_scoped3A : memref<!tpu.dma_semaphore, #tpu.memory_space<semaphore_mem>>) src(%dma_wait3A_41 : memref<520x16xf32, #tpu.memory_space<hbm>>) dst(%dma_wait3A_39 : memref<520x16xf32, #tpu.memory_space<vmem_shared>>)
        tpu.yield
      }) : () -> ()
    } else {
    }
    %barrier3A = arith.constant 0 : index
    tpu.barrier barrier_id(%barrier3A)
    %eq3A_9 = arith.constant 0 : i32
    %eq3A_10 = arith.cmpi eq, %arg0, %eq3A_9 : i32
    %select_n3A = arith.constant 46 : i32
    %select_n3A_11 = arith.constant 112 : i32
    %select_n3A_12 = arith.select %eq3A_10, %select_n3A_11, %select_n3A : i32
    %while3A = arith.constant 0 : i32
    %while3A_13 = arith.constant 0 : i32
    %while3A_14 = arith.subi %select_n3A_12, %while3A_13 : i32
    %while3A_15 = arith.addi %while3A_13, %while3A_14 : i32
    %while3A_16 = arith.constant 1 : i32
    %while3A_17 = arith.divsi %while3A_14, %while3A_16 : i32
    %while3A_18 = arith.muli %while3A_17, %while3A_16 : i32
    %while3A_19 = arith.addi %while3A_13, %while3A_18 : i32
    %while3A_20 = arith.constant 1 : i32
    scf.for %while3A_36 = %while3A_13 to %while3A_19 step %while3A_20  : i32 {
      "tpu.region"() ({
        %run_scoped3A = tpu.sem_alloc : memref<!tpu.dma_semaphore, #tpu.memory_space<semaphore_mem>>
        %dma_start3A = arith.constant 0 : i32
        %dma_start3A_37 = tpu.memref_slice %arg6[%while3A_36, %dma_start3A] : memref<112x128xi32, #tpu.memory_space<vmem>> -> memref<1x128xi32, #tpu.memory_space<vmem>>
        %dma_start3A_38 = tpu.memref_squeeze %dma_start3A_37 : memref<1x128xi32, #tpu.memory_space<vmem>> -> memref<128xi32, #tpu.memory_space<vmem>>
        %dma_start3A_39 = arith.constant 0 : i32
        %dma_start3A_40 = arith.constant 0 : i32
        %dma_start3A_41 = tpu.memref_slice %arg8[%dma_start3A_39, %dma_start3A_40] : memref<10008x16xf32, #tpu.memory_space<vmem_shared>> -> memref<10008x16xf32, #tpu.memory_space<vmem_shared>>
        tpu.enqueue_indirect_dma source(%arg7 : memref<128x16xf32, #tpu.memory_space<vmem>>) target(%dma_start3A_41 : memref<10008x16xf32, #tpu.memory_space<vmem_shared>>) offsets(%dma_start3A_38 : memref<128xi32, #tpu.memory_space<vmem>>) semaphore(%run_scoped3A : memref<!tpu.dma_semaphore, #tpu.memory_space<semaphore_mem>>) {add = true}
        %dma_wait3A = arith.constant 0 : i32
        %dma_wait3A_42 = tpu.memref_slice %arg6[%while3A_36, %dma_wait3A] : memref<112x128xi32, #tpu.memory_space<vmem>> -> memref<1x128xi32, #tpu.memory_space<vmem>>
        %dma_wait3A_43 = tpu.memref_squeeze %dma_wait3A_42 : memref<1x128xi32, #tpu.memory_space<vmem>> -> memref<128xi32, #tpu.memory_space<vmem>>
        %dma_wait3A_44 = arith.constant 0 : i32
        %dma_wait3A_45 = arith.constant 0 : i32
        %dma_wait3A_46 = tpu.memref_slice %arg8[%dma_wait3A_44, %dma_wait3A_45] : memref<10008x16xf32, #tpu.memory_space<vmem_shared>> -> memref<10008x16xf32, #tpu.memory_space<vmem_shared>>
        tpu.wait_indirect_dma semaphore(%run_scoped3A : memref<!tpu.dma_semaphore, #tpu.memory_space<semaphore_mem>>) src(%arg7 : memref<128x16xf32, #tpu.memory_space<vmem>>) dst(%dma_wait3A_46 : memref<10008x16xf32, #tpu.memory_space<vmem_shared>>)
        tpu.yield
      }) : () -> ()
    }
    %while3A_21 = arith.constant 1 : i32
    scf.for %while3A_36 = %while3A_19 to %while3A_15 step %while3A_21  : i32 {
      "tpu.region"() ({
        %run_scoped3A = tpu.sem_alloc : memref<!tpu.dma_semaphore, #tpu.memory_space<semaphore_mem>>
        %dma_start3A = arith.constant 0 : i32
        %dma_start3A_37 = tpu.memref_slice %arg6[%while3A_36, %dma_start3A] : memref<112x128xi32, #tpu.memory_space<vmem>> -> memref<1x128xi32, #tpu.memory_space<vmem>>
        %dma_start3A_38 = tpu.memref_squeeze %dma_start3A_37 : memref<1x128xi32, #tpu.memory_space<vmem>> -> memref<128xi32, #tpu.memory_space<vmem>>
        %dma_start3A_39 = arith.constant 0 : i32
        %dma_start3A_40 = arith.constant 0 : i32
        %dma_start3A_41 = tpu.memref_slice %arg8[%dma_start3A_39, %dma_start3A_40] : memref<10008x16xf32, #tpu.memory_space<vmem_shared>> -> memref<10008x16xf32, #tpu.memory_space<vmem_shared>>
        tpu.enqueue_indirect_dma source(%arg7 : memref<128x16xf32, #tpu.memory_space<vmem>>) target(%dma_start3A_41 : memref<10008x16xf32, #tpu.memory_space<vmem_shared>>) offsets(%dma_start3A_38 : memref<128xi32, #tpu.memory_space<vmem>>) semaphore(%run_scoped3A : memref<!tpu.dma_semaphore, #tpu.memory_space<semaphore_mem>>) {add = true}
        %dma_wait3A = arith.constant 0 : i32
        %dma_wait3A_42 = tpu.memref_slice %arg6[%while3A_36, %dma_wait3A] : memref<112x128xi32, #tpu.memory_space<vmem>> -> memref<1x128xi32, #tpu.memory_space<vmem>>
        %dma_wait3A_43 = tpu.memref_squeeze %dma_wait3A_42 : memref<1x128xi32, #tpu.memory_space<vmem>> -> memref<128xi32, #tpu.memory_space<vmem>>
        %dma_wait3A_44 = arith.constant 0 : i32
        %dma_wait3A_45 = arith.constant 0 : i32
        %dma_wait3A_46 = tpu.memref_slice %arg8[%dma_wait3A_44, %dma_wait3A_45] : memref<10008x16xf32, #tpu.memory_space<vmem_shared>> -> memref<10008x16xf32, #tpu.memory_space<vmem_shared>>
        tpu.wait_indirect_dma semaphore(%run_scoped3A : memref<!tpu.dma_semaphore, #tpu.memory_space<semaphore_mem>>) src(%arg7 : memref<128x16xf32, #tpu.memory_space<vmem>>) dst(%dma_wait3A_46 : memref<10008x16xf32, #tpu.memory_space<vmem_shared>>)
        tpu.yield
      }) : () -> ()
    }
    %barrier3A_22 = arith.constant 0 : index
    tpu.barrier barrier_id(%barrier3A_22)
    %mul3A_23 = arith.constant 632 : i32
    %mul3A_24 = arith.muli %arg1, %mul3A_23 : i32
    %multiple_of3A_25 = tpu.assume_multiple %mul3A_24, 8 : i32
    %lt3A_26 = arith.constant 15 : i32
    %lt3A_27 = arith.cmpi slt, %arg1, %lt3A_26 : i32
    %convert_element_type3A_28 = arith.extui %lt3A_27 : i1 to i32
    %cond3A_29 = arith.constant 0 : i32
    %cond3A_30 = arith.cmpi ne, %convert_element_type3A_28, %cond3A_29 : i32
    scf.if %cond3A_30 {
      "tpu.region"() ({
        %run_scoped3A = tpu.sem_alloc : memref<!tpu.dma_semaphore, #tpu.memory_space<semaphore_mem>>
        %dma_start3A = arith.constant 0 : i32
        %dma_start3A_36 = tpu.memref_slice %arg5[%arg0, %multiple_of3A_25, %dma_start3A] : memref<2x10000x16xf32, #tpu.memory_space<hbm>> -> memref<1x632x16xf32, #tpu.memory_space<hbm>>
        %dma_start3A_37 = tpu.memref_squeeze %dma_start3A_36 : memref<1x632x16xf32, #tpu.memory_space<hbm>> -> memref<632x16xf32, #tpu.memory_space<hbm>>
        %dma_start3A_38 = arith.constant 0 : i32
        %dma_start3A_39 = tpu.memref_slice %arg8[%multiple_of3A_25, %dma_start3A_38] : memref<10008x16xf32, #tpu.memory_space<vmem_shared>> -> memref<632x16xf32, #tpu.memory_space<vmem_shared>>
        tpu.enqueue_dma source(%dma_start3A_39 : memref<632x16xf32, #tpu.memory_space<vmem_shared>>) target(%dma_start3A_37 : memref<632x16xf32, #tpu.memory_space<hbm>>) target_semaphore(%run_scoped3A : memref<!tpu.dma_semaphore, #tpu.memory_space<semaphore_mem>>)
        %dma_wait3A = arith.constant 0 : i32
        %dma_wait3A_40 = tpu.memref_slice %arg5[%arg0, %multiple_of3A_25, %dma_wait3A] : memref<2x10000x16xf32, #tpu.memory_space<hbm>> -> memref<1x632x16xf32, #tpu.memory_space<hbm>>
        %dma_wait3A_41 = tpu.memref_squeeze %dma_wait3A_40 : memref<1x632x16xf32, #tpu.memory_space<hbm>> -> memref<632x16xf32, #tpu.memory_space<hbm>>
        %dma_wait3A_42 = arith.constant 0 : i32
        %dma_wait3A_43 = tpu.memref_slice %arg8[%multiple_of3A_25, %dma_wait3A_42] : memref<10008x16xf32, #tpu.memory_space<vmem_shared>> -> memref<632x16xf32, #tpu.memory_space<vmem_shared>>
        tpu.wait_dma2 semaphore(%run_scoped3A : memref<!tpu.dma_semaphore, #tpu.memory_space<semaphore_mem>>) src(%dma_wait3A_43 : memref<632x16xf32, #tpu.memory_space<vmem_shared>>) dst(%dma_wait3A_41 : memref<632x16xf32, #tpu.memory_space<hbm>>)
        tpu.yield
      }) : () -> ()
    } else {
    }
    %eq3A_31 = arith.constant 15 : i32
    %eq3A_32 = arith.cmpi eq, %arg1, %eq3A_31 : i32
    %convert_element_type3A_33 = arith.extui %eq3A_32 : i1 to i32
    %cond3A_34 = arith.constant 0 : i32
    %cond3A_35 = arith.cmpi ne, %convert_element_type3A_33, %cond3A_34 : i32
    scf.if %cond3A_35 {
      "tpu.region"() ({
        %run_scoped3A = tpu.sem_alloc : memref<!tpu.dma_semaphore, #tpu.memory_space<semaphore_mem>>
        %dma_start3A = arith.constant 0 : i32
        %dma_start3A_36 = tpu.memref_slice %arg5[%arg0, %multiple_of3A_25, %dma_start3A] : memref<2x10000x16xf32, #tpu.memory_space<hbm>> -> memref<1x520x16xf32, #tpu.memory_space<hbm>>
        %dma_start3A_37 = tpu.memref_squeeze %dma_start3A_36 : memref<1x520x16xf32, #tpu.memory_space<hbm>> -> memref<520x16xf32, #tpu.memory_space<hbm>>
        %dma_start3A_38 = arith.constant 0 : i32
        %dma_start3A_39 = tpu.memref_slice %arg8[%multiple_of3A_25, %dma_start3A_38] : memref<10008x16xf32, #tpu.memory_space<vmem_shared>> -> memref<520x16xf32, #tpu.memory_space<vmem_shared>>
        tpu.enqueue_dma source(%dma_start3A_39 : memref<520x16xf32, #tpu.memory_space<vmem_shared>>) target(%dma_start3A_37 : memref<520x16xf32, #tpu.memory_space<hbm>>) target_semaphore(%run_scoped3A : memref<!tpu.dma_semaphore, #tpu.memory_space<semaphore_mem>>)
        %dma_wait3A = arith.constant 0 : i32
        %dma_wait3A_40 = tpu.memref_slice %arg5[%arg0, %multiple_of3A_25, %dma_wait3A] : memref<2x10000x16xf32, #tpu.memory_space<hbm>> -> memref<1x520x16xf32, #tpu.memory_space<hbm>>
        %dma_wait3A_41 = tpu.memref_squeeze %dma_wait3A_40 : memref<1x520x16xf32, #tpu.memory_space<hbm>> -> memref<520x16xf32, #tpu.memory_space<hbm>>
        %dma_wait3A_42 = arith.constant 0 : i32
        %dma_wait3A_43 = tpu.memref_slice %arg8[%multiple_of3A_25, %dma_wait3A_42] : memref<10008x16xf32, #tpu.memory_space<vmem_shared>> -> memref<520x16xf32, #tpu.memory_space<vmem_shared>>
        tpu.wait_dma2 semaphore(%run_scoped3A : memref<!tpu.dma_semaphore, #tpu.memory_space<semaphore_mem>>) src(%dma_wait3A_43 : memref<520x16xf32, #tpu.memory_space<vmem_shared>>) dst(%dma_wait3A_41 : memref<520x16xf32, #tpu.memory_space<hbm>>)
        tpu.yield
      }) : () -> ()
    } else {
    }
    return
  }
}

#map = affine_map<(d0, d1) -> (0, 0)>
#map1 = affine_map<(d0, d1) -> (0, 0, 0)>
#map2 = affine_map<(d0, d1) -> (0, 0, 0, 0)>
module attributes {stable_mosaic.version = 14 : i64} {
  func.func @_spmv_sc_body(%arg0: i32, %arg1: i32, %arg2: memref<10000x64xf32, #tpu.memory_space<hbm>>, %arg3: memref<10000x64xf32, #tpu.memory_space<hbm>>, %arg4: memref<32x112x128xi32, #tpu.memory_space<hbm>>, %arg5: memref<32x112x128xi32, #tpu.memory_space<hbm>>, %arg6: memref<10000x64xf32, #tpu.memory_space<hbm>>, %arg7: memref<2x2x10000x64xf32, #tpu.memory_space<hbm>>, %arg8: memref<112x128xi32, #tpu.memory_space<vmem>>, %arg9: memref<112x128xi32, #tpu.memory_space<vmem>>, %arg10: memref<128x64xf32, #tpu.memory_space<vmem>>, %arg11: memref<128x64xf32, #tpu.memory_space<vmem>>, %arg12: memref<10008x64xf32, #tpu.memory_space<vmem_shared>>, %arg13: memref<!tpu.dma_semaphore, #tpu.memory_space<semaphore_mem>>, %arg14: memref<!tpu.dma_semaphore, #tpu.memory_space<semaphore_mem>>) attributes {dimension_semantics = [#tpu.dimension_semantics<core_parallel>, #tpu.dimension_semantics<subcore_parallel>], iteration_bounds = array<i64: 2, 16>, scalar_prefetch = 0 : i64, scratch_operands = 7 : i64, tpu.core_type = #tpu.core_type<sc_vector_subcore>, window_params = [{transform_indices = #map}, {transform_indices = #map}, {transform_indices = #map1}, {transform_indices = #map1}, {transform_indices = #map}, {transform_indices = #map2}]} {
    %mul3A = arith.constant 16 : i32
    %mul3A_0 = arith.muli %arg0, %mul3A : i32
    %add3A = arith.addi %mul3A_0, %arg1 : i32
    "tpu.region"() ({
      %run_scoped3A = tpu.sem_alloc : memref<!tpu.dma_semaphore, #tpu.memory_space<semaphore_mem>>
      %dma_start3A_89 = arith.constant 0 : i32
      %dma_start3A_90 = arith.constant 0 : i32
      %dma_start3A_91 = tpu.memref_slice %arg4[%add3A, %dma_start3A_89, %dma_start3A_90] : memref<32x112x128xi32, #tpu.memory_space<hbm>> -> memref<1x112x128xi32, #tpu.memory_space<hbm>>
      %dma_start3A_92 = tpu.memref_squeeze %dma_start3A_91 : memref<1x112x128xi32, #tpu.memory_space<hbm>> -> memref<112x128xi32, #tpu.memory_space<hbm>>
      %dma_start3A_93 = arith.constant 0 : i32
      %dma_start3A_94 = arith.constant 0 : i32
      %dma_start3A_95 = tpu.memref_slice %arg4[%add3A, %dma_start3A_93, %dma_start3A_94] : memref<32x112x128xi32, #tpu.memory_space<hbm>> -> memref<1x112x128xi32, #tpu.memory_space<hbm>>
      %dma_start3A_96 = tpu.memref_squeeze %dma_start3A_95 : memref<1x112x128xi32, #tpu.memory_space<hbm>> -> memref<112x128xi32, #tpu.memory_space<hbm>>
      tpu.enqueue_dma source(%dma_start3A_96 : memref<112x128xi32, #tpu.memory_space<hbm>>) target(%arg8 : memref<112x128xi32, #tpu.memory_space<vmem>>) target_semaphore(%run_scoped3A : memref<!tpu.dma_semaphore, #tpu.memory_space<semaphore_mem>>)
      %dma_wait3A = arith.constant 0 : i32
      %dma_wait3A_97 = arith.constant 0 : i32
      %dma_wait3A_98 = tpu.memref_slice %arg4[%add3A, %dma_wait3A, %dma_wait3A_97] : memref<32x112x128xi32, #tpu.memory_space<hbm>> -> memref<1x112x128xi32, #tpu.memory_space<hbm>>
      %dma_wait3A_99 = tpu.memref_squeeze %dma_wait3A_98 : memref<1x112x128xi32, #tpu.memory_space<hbm>> -> memref<112x128xi32, #tpu.memory_space<hbm>>
      %dma_wait3A_100 = arith.constant 0 : i32
      %dma_wait3A_101 = arith.constant 0 : i32
      %dma_wait3A_102 = tpu.memref_slice %arg4[%add3A, %dma_wait3A_100, %dma_wait3A_101] : memref<32x112x128xi32, #tpu.memory_space<hbm>> -> memref<1x112x128xi32, #tpu.memory_space<hbm>>
      %dma_wait3A_103 = tpu.memref_squeeze %dma_wait3A_102 : memref<1x112x128xi32, #tpu.memory_space<hbm>> -> memref<112x128xi32, #tpu.memory_space<hbm>>
      tpu.wait_dma2 semaphore(%run_scoped3A : memref<!tpu.dma_semaphore, #tpu.memory_space<semaphore_mem>>) src(%dma_wait3A_103 : memref<112x128xi32, #tpu.memory_space<hbm>>) dst(%arg8 : memref<112x128xi32, #tpu.memory_space<vmem>>)
      tpu.yield
    }) : () -> ()
    "tpu.region"() ({
      %run_scoped3A = tpu.sem_alloc : memref<!tpu.dma_semaphore, #tpu.memory_space<semaphore_mem>>
      %dma_start3A_89 = arith.constant 0 : i32
      %dma_start3A_90 = arith.constant 0 : i32
      %dma_start3A_91 = tpu.memref_slice %arg5[%add3A, %dma_start3A_89, %dma_start3A_90] : memref<32x112x128xi32, #tpu.memory_space<hbm>> -> memref<1x112x128xi32, #tpu.memory_space<hbm>>
      %dma_start3A_92 = tpu.memref_squeeze %dma_start3A_91 : memref<1x112x128xi32, #tpu.memory_space<hbm>> -> memref<112x128xi32, #tpu.memory_space<hbm>>
      %dma_start3A_93 = arith.constant 0 : i32
      %dma_start3A_94 = arith.constant 0 : i32
      %dma_start3A_95 = tpu.memref_slice %arg5[%add3A, %dma_start3A_93, %dma_start3A_94] : memref<32x112x128xi32, #tpu.memory_space<hbm>> -> memref<1x112x128xi32, #tpu.memory_space<hbm>>
      %dma_start3A_96 = tpu.memref_squeeze %dma_start3A_95 : memref<1x112x128xi32, #tpu.memory_space<hbm>> -> memref<112x128xi32, #tpu.memory_space<hbm>>
      tpu.enqueue_dma source(%dma_start3A_96 : memref<112x128xi32, #tpu.memory_space<hbm>>) target(%arg9 : memref<112x128xi32, #tpu.memory_space<vmem>>) target_semaphore(%run_scoped3A : memref<!tpu.dma_semaphore, #tpu.memory_space<semaphore_mem>>)
      %dma_wait3A = arith.constant 0 : i32
      %dma_wait3A_97 = arith.constant 0 : i32
      %dma_wait3A_98 = tpu.memref_slice %arg5[%add3A, %dma_wait3A, %dma_wait3A_97] : memref<32x112x128xi32, #tpu.memory_space<hbm>> -> memref<1x112x128xi32, #tpu.memory_space<hbm>>
      %dma_wait3A_99 = tpu.memref_squeeze %dma_wait3A_98 : memref<1x112x128xi32, #tpu.memory_space<hbm>> -> memref<112x128xi32, #tpu.memory_space<hbm>>
      %dma_wait3A_100 = arith.constant 0 : i32
      %dma_wait3A_101 = arith.constant 0 : i32
      %dma_wait3A_102 = tpu.memref_slice %arg5[%add3A, %dma_wait3A_100, %dma_wait3A_101] : memref<32x112x128xi32, #tpu.memory_space<hbm>> -> memref<1x112x128xi32, #tpu.memory_space<hbm>>
      %dma_wait3A_103 = tpu.memref_squeeze %dma_wait3A_102 : memref<1x112x128xi32, #tpu.memory_space<hbm>> -> memref<112x128xi32, #tpu.memory_space<hbm>>
      tpu.wait_dma2 semaphore(%run_scoped3A : memref<!tpu.dma_semaphore, #tpu.memory_space<semaphore_mem>>) src(%dma_wait3A_103 : memref<112x128xi32, #tpu.memory_space<hbm>>) dst(%arg9 : memref<112x128xi32, #tpu.memory_space<vmem>>)
      tpu.yield
    }) : () -> ()
    %eq3A = arith.constant 0 : i32
    %eq3A_1 = arith.cmpi eq, %arg0, %eq3A : i32
    %select_n3A = arith.constant 23 : i32
    %select_n3A_2 = arith.constant 56 : i32
    %select_n3A_3 = arith.select %eq3A_1, %select_n3A_2, %select_n3A : i32
    %mul3A_4 = arith.constant 632 : i32
    %mul3A_5 = arith.muli %arg1, %mul3A_4 : i32
    %multiple_of3A = tpu.assume_multiple %mul3A_5, 8 : i32
    %lt3A = arith.constant 15 : i32
    %lt3A_6 = arith.cmpi slt, %arg1, %lt3A : i32
    %convert_element_type3A = arith.extui %lt3A_6 : i1 to i32
    %cond3A = arith.constant 0 : i32
    %cond3A_7 = arith.cmpi ne, %convert_element_type3A, %cond3A : i32
    scf.if %cond3A_7 {
      "tpu.region"() ({
        %run_scoped3A = tpu.sem_alloc : memref<!tpu.dma_semaphore, #tpu.memory_space<semaphore_mem>>
        %dma_start3A_89 = arith.constant 0 : i32
        %dma_start3A_90 = tpu.memref_slice %arg12[%multiple_of3A, %dma_start3A_89] : memref<10008x64xf32, #tpu.memory_space<vmem_shared>> -> memref<632x64xf32, #tpu.memory_space<vmem_shared>>
        %dma_start3A_91 = arith.constant 0 : i32
        %dma_start3A_92 = tpu.memref_slice %arg6[%multiple_of3A, %dma_start3A_91] : memref<10000x64xf32, #tpu.memory_space<hbm>> -> memref<632x64xf32, #tpu.memory_space<hbm>>
        tpu.enqueue_dma source(%dma_start3A_92 : memref<632x64xf32, #tpu.memory_space<hbm>>) target(%dma_start3A_90 : memref<632x64xf32, #tpu.memory_space<vmem_shared>>) target_semaphore(%run_scoped3A : memref<!tpu.dma_semaphore, #tpu.memory_space<semaphore_mem>>)
        %dma_wait3A = arith.constant 0 : i32
        %dma_wait3A_93 = tpu.memref_slice %arg12[%multiple_of3A, %dma_wait3A] : memref<10008x64xf32, #tpu.memory_space<vmem_shared>> -> memref<632x64xf32, #tpu.memory_space<vmem_shared>>
        %dma_wait3A_94 = arith.constant 0 : i32
        %dma_wait3A_95 = tpu.memref_slice %arg6[%multiple_of3A, %dma_wait3A_94] : memref<10000x64xf32, #tpu.memory_space<hbm>> -> memref<632x64xf32, #tpu.memory_space<hbm>>
        tpu.wait_dma2 semaphore(%run_scoped3A : memref<!tpu.dma_semaphore, #tpu.memory_space<semaphore_mem>>) src(%dma_wait3A_95 : memref<632x64xf32, #tpu.memory_space<hbm>>) dst(%dma_wait3A_93 : memref<632x64xf32, #tpu.memory_space<vmem_shared>>)
        tpu.yield
      }) : () -> ()
    } else {
    }
    %eq3A_8 = arith.constant 15 : i32
    %eq3A_9 = arith.cmpi eq, %arg1, %eq3A_8 : i32
    %convert_element_type3A_10 = arith.extui %eq3A_9 : i1 to i32
    %cond3A_11 = arith.constant 0 : i32
    %cond3A_12 = arith.cmpi ne, %convert_element_type3A_10, %cond3A_11 : i32
    scf.if %cond3A_12 {
      "tpu.region"() ({
        %run_scoped3A = tpu.sem_alloc : memref<!tpu.dma_semaphore, #tpu.memory_space<semaphore_mem>>
        %dma_start3A_89 = arith.constant 0 : i32
        %dma_start3A_90 = tpu.memref_slice %arg12[%multiple_of3A, %dma_start3A_89] : memref<10008x64xf32, #tpu.memory_space<vmem_shared>> -> memref<520x64xf32, #tpu.memory_space<vmem_shared>>
        %dma_start3A_91 = arith.constant 0 : i32
        %dma_start3A_92 = tpu.memref_slice %arg6[%multiple_of3A, %dma_start3A_91] : memref<10000x64xf32, #tpu.memory_space<hbm>> -> memref<520x64xf32, #tpu.memory_space<hbm>>
        tpu.enqueue_dma source(%dma_start3A_92 : memref<520x64xf32, #tpu.memory_space<hbm>>) target(%dma_start3A_90 : memref<520x64xf32, #tpu.memory_space<vmem_shared>>) target_semaphore(%run_scoped3A : memref<!tpu.dma_semaphore, #tpu.memory_space<semaphore_mem>>)
        %dma_wait3A = arith.constant 0 : i32
        %dma_wait3A_93 = tpu.memref_slice %arg12[%multiple_of3A, %dma_wait3A] : memref<10008x64xf32, #tpu.memory_space<vmem_shared>> -> memref<520x64xf32, #tpu.memory_space<vmem_shared>>
        %dma_wait3A_94 = arith.constant 0 : i32
        %dma_wait3A_95 = tpu.memref_slice %arg6[%multiple_of3A, %dma_wait3A_94] : memref<10000x64xf32, #tpu.memory_space<hbm>> -> memref<520x64xf32, #tpu.memory_space<hbm>>
        tpu.wait_dma2 semaphore(%run_scoped3A : memref<!tpu.dma_semaphore, #tpu.memory_space<semaphore_mem>>) src(%dma_wait3A_95 : memref<520x64xf32, #tpu.memory_space<hbm>>) dst(%dma_wait3A_93 : memref<520x64xf32, #tpu.memory_space<vmem_shared>>)
        tpu.yield
      }) : () -> ()
    } else {
    }
    %barrier3A = arith.constant 0 : index
    tpu.barrier barrier_id(%barrier3A)
    %dma_start3A = arith.constant 0 : i32
    %dma_start3A_13 = arith.constant 0 : i32
    %dma_start3A_14 = tpu.memref_slice %arg8[%dma_start3A, %dma_start3A_13] : memref<112x128xi32, #tpu.memory_space<vmem>> -> memref<1x128xi32, #tpu.memory_space<vmem>>
    %dma_start3A_15 = tpu.memref_squeeze %dma_start3A_14 : memref<1x128xi32, #tpu.memory_space<vmem>> -> memref<128xi32, #tpu.memory_space<vmem>>
    %dma_start3A_16 = arith.constant 0 : i32
    %dma_start3A_17 = arith.constant 0 : i32
    %dma_start3A_18 = tpu.memref_slice %arg2[%dma_start3A_16, %dma_start3A_17] : memref<10000x64xf32, #tpu.memory_space<hbm>> -> memref<10000x64xf32, #tpu.memory_space<hbm>>
    tpu.enqueue_indirect_dma source(%dma_start3A_18 : memref<10000x64xf32, #tpu.memory_space<hbm>>) target(%arg10 : memref<128x64xf32, #tpu.memory_space<vmem>>) offsets(%dma_start3A_15 : memref<128xi32, #tpu.memory_space<vmem>>) semaphore(%arg13 : memref<!tpu.dma_semaphore, #tpu.memory_space<semaphore_mem>>)
    %while3A = arith.constant 0 : i32
    %while3A_19 = arith.constant 0 : i32
    %while3A_20 = arith.subi %select_n3A_3, %while3A_19 : i32
    %while3A_21 = arith.addi %while3A_19, %while3A_20 : i32
    %while3A_22 = arith.constant 1 : i32
    %while3A_23 = arith.divsi %while3A_20, %while3A_22 : i32
    %while3A_24 = arith.muli %while3A_23, %while3A_22 : i32
    %while3A_25 = arith.addi %while3A_19, %while3A_24 : i32
    %while3A_26 = arith.constant 1 : i32
    scf.for %while3A_89 = %while3A_19 to %while3A_25 step %while3A_26  : i32 {
      %mul3A_90 = arith.constant 2 : i32
      %mul3A_91 = arith.muli %mul3A_90, %while3A_89 : i32
      %add3A_92 = arith.constant 0 : i32
      %add3A_93 = arith.addi %mul3A_91, %add3A_92 : i32
      %dma_wait3A = arith.constant 0 : i32
      %dma_wait3A_94 = tpu.memref_slice %arg8[%add3A_93, %dma_wait3A] : memref<112x128xi32, #tpu.memory_space<vmem>> -> memref<1x128xi32, #tpu.memory_space<vmem>>
      %dma_wait3A_95 = tpu.memref_squeeze %dma_wait3A_94 : memref<1x128xi32, #tpu.memory_space<vmem>> -> memref<128xi32, #tpu.memory_space<vmem>>
      %dma_wait3A_96 = arith.constant 0 : i32
      %dma_wait3A_97 = arith.constant 0 : i32
      %dma_wait3A_98 = tpu.memref_slice %arg2[%dma_wait3A_96, %dma_wait3A_97] : memref<10000x64xf32, #tpu.memory_space<hbm>> -> memref<10000x64xf32, #tpu.memory_space<hbm>>
      tpu.wait_indirect_dma semaphore(%arg13 : memref<!tpu.dma_semaphore, #tpu.memory_space<semaphore_mem>>) src(%dma_wait3A_98 : memref<10000x64xf32, #tpu.memory_space<hbm>>) dst(%arg10 : memref<128x64xf32, #tpu.memory_space<vmem>>)
      %add3A_99 = arith.constant 2 : i32
      %add3A_100 = arith.addi %add3A_93, %add3A_99 : i32
      %sub3A = arith.constant 1 : i32
      %sub3A_101 = arith.subi %add3A_100, %sub3A : i32
      %dma_start3A_102 = arith.constant 0 : i32
      %dma_start3A_103 = tpu.memref_slice %arg8[%sub3A_101, %dma_start3A_102] : memref<112x128xi32, #tpu.memory_space<vmem>> -> memref<1x128xi32, #tpu.memory_space<vmem>>
      %dma_start3A_104 = tpu.memref_squeeze %dma_start3A_103 : memref<1x128xi32, #tpu.memory_space<vmem>> -> memref<128xi32, #tpu.memory_space<vmem>>
      %dma_start3A_105 = arith.constant 0 : i32
      %dma_start3A_106 = arith.constant 0 : i32
      %dma_start3A_107 = tpu.memref_slice %arg2[%dma_start3A_105, %dma_start3A_106] : memref<10000x64xf32, #tpu.memory_space<hbm>> -> memref<10000x64xf32, #tpu.memory_space<hbm>>
      tpu.enqueue_indirect_dma source(%dma_start3A_107 : memref<10000x64xf32, #tpu.memory_space<hbm>>) target(%arg11 : memref<128x64xf32, #tpu.memory_space<vmem>>) offsets(%dma_start3A_104 : memref<128xi32, #tpu.memory_space<vmem>>) semaphore(%arg14 : memref<!tpu.dma_semaphore, #tpu.memory_space<semaphore_mem>>)
      "tpu.region"() ({
        %run_scoped3A = tpu.sem_alloc : memref<!tpu.dma_semaphore, #tpu.memory_space<semaphore_mem>>
        %dma_start3A_124 = arith.constant 0 : i32
        %dma_start3A_125 = tpu.memref_slice %arg9[%add3A_93, %dma_start3A_124] : memref<112x128xi32, #tpu.memory_space<vmem>> -> memref<1x128xi32, #tpu.memory_space<vmem>>
        %dma_start3A_126 = tpu.memref_squeeze %dma_start3A_125 : memref<1x128xi32, #tpu.memory_space<vmem>> -> memref<128xi32, #tpu.memory_space<vmem>>
        %dma_start3A_127 = arith.constant 0 : i32
        %dma_start3A_128 = arith.constant 0 : i32
        %dma_start3A_129 = tpu.memref_slice %arg12[%dma_start3A_127, %dma_start3A_128] : memref<10008x64xf32, #tpu.memory_space<vmem_shared>> -> memref<10008x64xf32, #tpu.memory_space<vmem_shared>>
        tpu.enqueue_indirect_dma source(%arg10 : memref<128x64xf32, #tpu.memory_space<vmem>>) target(%dma_start3A_129 : memref<10008x64xf32, #tpu.memory_space<vmem_shared>>) offsets(%dma_start3A_126 : memref<128xi32, #tpu.memory_space<vmem>>) semaphore(%run_scoped3A : memref<!tpu.dma_semaphore, #tpu.memory_space<semaphore_mem>>) {add = true}
        %dma_wait3A_130 = arith.constant 0 : i32
        %dma_wait3A_131 = tpu.memref_slice %arg9[%add3A_93, %dma_wait3A_130] : memref<112x128xi32, #tpu.memory_space<vmem>> -> memref<1x128xi32, #tpu.memory_space<vmem>>
        %dma_wait3A_132 = tpu.memref_squeeze %dma_wait3A_131 : memref<1x128xi32, #tpu.memory_space<vmem>> -> memref<128xi32, #tpu.memory_space<vmem>>
        %dma_wait3A_133 = arith.constant 0 : i32
        %dma_wait3A_134 = arith.constant 0 : i32
        %dma_wait3A_135 = tpu.memref_slice %arg12[%dma_wait3A_133, %dma_wait3A_134] : memref<10008x64xf32, #tpu.memory_space<vmem_shared>> -> memref<10008x64xf32, #tpu.memory_space<vmem_shared>>
        tpu.wait_indirect_dma semaphore(%run_scoped3A : memref<!tpu.dma_semaphore, #tpu.memory_space<semaphore_mem>>) src(%arg10 : memref<128x64xf32, #tpu.memory_space<vmem>>) dst(%dma_wait3A_135 : memref<10008x64xf32, #tpu.memory_space<vmem_shared>>)
        tpu.yield
      }) : () -> ()
      %mul3A_108 = arith.constant 2 : i32
      %mul3A_109 = arith.muli %mul3A_108, %while3A_89 : i32
      %add3A_110 = arith.constant 1 : i32
      %add3A_111 = arith.addi %mul3A_109, %add3A_110 : i32
      %dma_wait3A_112 = arith.constant 0 : i32
      %dma_wait3A_113 = tpu.memref_slice %arg8[%add3A_111, %dma_wait3A_112] : memref<112x128xi32, #tpu.memory_space<vmem>> -> memref<1x128xi32, #tpu.memory_space<vmem>>
      %dma_wait3A_114 = tpu.memref_squeeze %dma_wait3A_113 : memref<1x128xi32, #tpu.memory_space<vmem>> -> memref<128xi32, #tpu.memory_space<vmem>>
      %dma_wait3A_115 = arith.constant 0 : i32
      %dma_wait3A_116 = arith.constant 0 : i32
      %dma_wait3A_117 = tpu.memref_slice %arg2[%dma_wait3A_115, %dma_wait3A_116] : memref<10000x64xf32, #tpu.memory_space<hbm>> -> memref<10000x64xf32, #tpu.memory_space<hbm>>
      tpu.wait_indirect_dma semaphore(%arg14 : memref<!tpu.dma_semaphore, #tpu.memory_space<semaphore_mem>>) src(%dma_wait3A_117 : memref<10000x64xf32, #tpu.memory_space<hbm>>) dst(%arg11 : memref<128x64xf32, #tpu.memory_space<vmem>>)
      %sub3A_118 = arith.constant 1 : i32
      %sub3A_119 = arith.subi %select_n3A_3, %sub3A_118 : i32
      %lt3A_120 = arith.cmpi slt, %while3A_89, %sub3A_119 : i32
      %convert_element_type3A_121 = arith.extui %lt3A_120 : i1 to i32
      %cond3A_122 = arith.constant 0 : i32
      %cond3A_123 = arith.cmpi ne, %convert_element_type3A_121, %cond3A_122 : i32
      scf.if %cond3A_123 {
        %add3A_124 = arith.constant 2 : i32
        %add3A_125 = arith.addi %add3A_111, %add3A_124 : i32
        %sub3A_126 = arith.constant 1 : i32
        %sub3A_127 = arith.subi %add3A_125, %sub3A_126 : i32
        %dma_start3A_128 = arith.constant 0 : i32
        %dma_start3A_129 = tpu.memref_slice %arg8[%sub3A_127, %dma_start3A_128] : memref<112x128xi32, #tpu.memory_space<vmem>> -> memref<1x128xi32, #tpu.memory_space<vmem>>
        %dma_start3A_130 = tpu.memref_squeeze %dma_start3A_129 : memref<1x128xi32, #tpu.memory_space<vmem>> -> memref<128xi32, #tpu.memory_space<vmem>>
        %dma_start3A_131 = arith.constant 0 : i32
        %dma_start3A_132 = arith.constant 0 : i32
        %dma_start3A_133 = tpu.memref_slice %arg2[%dma_start3A_131, %dma_start3A_132] : memref<10000x64xf32, #tpu.memory_space<hbm>> -> memref<10000x64xf32, #tpu.memory_space<hbm>>
        tpu.enqueue_indirect_dma source(%dma_start3A_133 : memref<10000x64xf32, #tpu.memory_space<hbm>>) target(%arg10 : memref<128x64xf32, #tpu.memory_space<vmem>>) offsets(%dma_start3A_130 : memref<128xi32, #tpu.memory_space<vmem>>) semaphore(%arg13 : memref<!tpu.dma_semaphore, #tpu.memory_space<semaphore_mem>>)
      } else {
      }
      "tpu.region"() ({
        %run_scoped3A = tpu.sem_alloc : memref<!tpu.dma_semaphore, #tpu.memory_space<semaphore_mem>>
        %dma_start3A_124 = arith.constant 0 : i32
        %dma_start3A_125 = tpu.memref_slice %arg9[%add3A_111, %dma_start3A_124] : memref<112x128xi32, #tpu.memory_space<vmem>> -> memref<1x128xi32, #tpu.memory_space<vmem>>
        %dma_start3A_126 = tpu.memref_squeeze %dma_start3A_125 : memref<1x128xi32, #tpu.memory_space<vmem>> -> memref<128xi32, #tpu.memory_space<vmem>>
        %dma_start3A_127 = arith.constant 0 : i32
        %dma_start3A_128 = arith.constant 0 : i32
        %dma_start3A_129 = tpu.memref_slice %arg12[%dma_start3A_127, %dma_start3A_128] : memref<10008x64xf32, #tpu.memory_space<vmem_shared>> -> memref<10008x64xf32, #tpu.memory_space<vmem_shared>>
        tpu.enqueue_indirect_dma source(%arg11 : memref<128x64xf32, #tpu.memory_space<vmem>>) target(%dma_start3A_129 : memref<10008x64xf32, #tpu.memory_space<vmem_shared>>) offsets(%dma_start3A_126 : memref<128xi32, #tpu.memory_space<vmem>>) semaphore(%run_scoped3A : memref<!tpu.dma_semaphore, #tpu.memory_space<semaphore_mem>>) {add = true}
        %dma_wait3A_130 = arith.constant 0 : i32
        %dma_wait3A_131 = tpu.memref_slice %arg9[%add3A_111, %dma_wait3A_130] : memref<112x128xi32, #tpu.memory_space<vmem>> -> memref<1x128xi32, #tpu.memory_space<vmem>>
        %dma_wait3A_132 = tpu.memref_squeeze %dma_wait3A_131 : memref<1x128xi32, #tpu.memory_space<vmem>> -> memref<128xi32, #tpu.memory_space<vmem>>
        %dma_wait3A_133 = arith.constant 0 : i32
        %dma_wait3A_134 = arith.constant 0 : i32
        %dma_wait3A_135 = tpu.memref_slice %arg12[%dma_wait3A_133, %dma_wait3A_134] : memref<10008x64xf32, #tpu.memory_space<vmem_shared>> -> memref<10008x64xf32, #tpu.memory_space<vmem_shared>>
        tpu.wait_indirect_dma semaphore(%run_scoped3A : memref<!tpu.dma_semaphore, #tpu.memory_space<semaphore_mem>>) src(%arg11 : memref<128x64xf32, #tpu.memory_space<vmem>>) dst(%dma_wait3A_135 : memref<10008x64xf32, #tpu.memory_space<vmem_shared>>)
        tpu.yield
      }) : () -> ()
    }
    %while3A_27 = arith.constant 1 : i32
    scf.for %while3A_89 = %while3A_25 to %while3A_21 step %while3A_27  : i32 {
      %mul3A_90 = arith.constant 2 : i32
      %mul3A_91 = arith.muli %mul3A_90, %while3A_89 : i32
      %add3A_92 = arith.constant 0 : i32
      %add3A_93 = arith.addi %mul3A_91, %add3A_92 : i32
      %dma_wait3A = arith.constant 0 : i32
      %dma_wait3A_94 = tpu.memref_slice %arg8[%add3A_93, %dma_wait3A] : memref<112x128xi32, #tpu.memory_space<vmem>> -> memref<1x128xi32, #tpu.memory_space<vmem>>
      %dma_wait3A_95 = tpu.memref_squeeze %dma_wait3A_94 : memref<1x128xi32, #tpu.memory_space<vmem>> -> memref<128xi32, #tpu.memory_space<vmem>>
      %dma_wait3A_96 = arith.constant 0 : i32
      %dma_wait3A_97 = arith.constant 0 : i32
      %dma_wait3A_98 = tpu.memref_slice %arg2[%dma_wait3A_96, %dma_wait3A_97] : memref<10000x64xf32, #tpu.memory_space<hbm>> -> memref<10000x64xf32, #tpu.memory_space<hbm>>
      tpu.wait_indirect_dma semaphore(%arg13 : memref<!tpu.dma_semaphore, #tpu.memory_space<semaphore_mem>>) src(%dma_wait3A_98 : memref<10000x64xf32, #tpu.memory_space<hbm>>) dst(%arg10 : memref<128x64xf32, #tpu.memory_space<vmem>>)
      %add3A_99 = arith.constant 2 : i32
      %add3A_100 = arith.addi %add3A_93, %add3A_99 : i32
      %sub3A = arith.constant 1 : i32
      %sub3A_101 = arith.subi %add3A_100, %sub3A : i32
      %dma_start3A_102 = arith.constant 0 : i32
      %dma_start3A_103 = tpu.memref_slice %arg8[%sub3A_101, %dma_start3A_102] : memref<112x128xi32, #tpu.memory_space<vmem>> -> memref<1x128xi32, #tpu.memory_space<vmem>>
      %dma_start3A_104 = tpu.memref_squeeze %dma_start3A_103 : memref<1x128xi32, #tpu.memory_space<vmem>> -> memref<128xi32, #tpu.memory_space<vmem>>
      %dma_start3A_105 = arith.constant 0 : i32
      %dma_start3A_106 = arith.constant 0 : i32
      %dma_start3A_107 = tpu.memref_slice %arg2[%dma_start3A_105, %dma_start3A_106] : memref<10000x64xf32, #tpu.memory_space<hbm>> -> memref<10000x64xf32, #tpu.memory_space<hbm>>
      tpu.enqueue_indirect_dma source(%dma_start3A_107 : memref<10000x64xf32, #tpu.memory_space<hbm>>) target(%arg11 : memref<128x64xf32, #tpu.memory_space<vmem>>) offsets(%dma_start3A_104 : memref<128xi32, #tpu.memory_space<vmem>>) semaphore(%arg14 : memref<!tpu.dma_semaphore, #tpu.memory_space<semaphore_mem>>)
      "tpu.region"() ({
        %run_scoped3A = tpu.sem_alloc : memref<!tpu.dma_semaphore, #tpu.memory_space<semaphore_mem>>
        %dma_start3A_124 = arith.constant 0 : i32
        %dma_start3A_125 = tpu.memref_slice %arg9[%add3A_93, %dma_start3A_124] : memref<112x128xi32, #tpu.memory_space<vmem>> -> memref<1x128xi32, #tpu.memory_space<vmem>>
        %dma_start3A_126 = tpu.memref_squeeze %dma_start3A_125 : memref<1x128xi32, #tpu.memory_space<vmem>> -> memref<128xi32, #tpu.memory_space<vmem>>
        %dma_start3A_127 = arith.constant 0 : i32
        %dma_start3A_128 = arith.constant 0 : i32
        %dma_start3A_129 = tpu.memref_slice %arg12[%dma_start3A_127, %dma_start3A_128] : memref<10008x64xf32, #tpu.memory_space<vmem_shared>> -> memref<10008x64xf32, #tpu.memory_space<vmem_shared>>
        tpu.enqueue_indirect_dma source(%arg10 : memref<128x64xf32, #tpu.memory_space<vmem>>) target(%dma_start3A_129 : memref<10008x64xf32, #tpu.memory_space<vmem_shared>>) offsets(%dma_start3A_126 : memref<128xi32, #tpu.memory_space<vmem>>) semaphore(%run_scoped3A : memref<!tpu.dma_semaphore, #tpu.memory_space<semaphore_mem>>) {add = true}
        %dma_wait3A_130 = arith.constant 0 : i32
        %dma_wait3A_131 = tpu.memref_slice %arg9[%add3A_93, %dma_wait3A_130] : memref<112x128xi32, #tpu.memory_space<vmem>> -> memref<1x128xi32, #tpu.memory_space<vmem>>
        %dma_wait3A_132 = tpu.memref_squeeze %dma_wait3A_131 : memref<1x128xi32, #tpu.memory_space<vmem>> -> memref<128xi32, #tpu.memory_space<vmem>>
        %dma_wait3A_133 = arith.constant 0 : i32
        %dma_wait3A_134 = arith.constant 0 : i32
        %dma_wait3A_135 = tpu.memref_slice %arg12[%dma_wait3A_133, %dma_wait3A_134] : memref<10008x64xf32, #tpu.memory_space<vmem_shared>> -> memref<10008x64xf32, #tpu.memory_space<vmem_shared>>
        tpu.wait_indirect_dma semaphore(%run_scoped3A : memref<!tpu.dma_semaphore, #tpu.memory_space<semaphore_mem>>) src(%arg10 : memref<128x64xf32, #tpu.memory_space<vmem>>) dst(%dma_wait3A_135 : memref<10008x64xf32, #tpu.memory_space<vmem_shared>>)
        tpu.yield
      }) : () -> ()
      %mul3A_108 = arith.constant 2 : i32
      %mul3A_109 = arith.muli %mul3A_108, %while3A_89 : i32
      %add3A_110 = arith.constant 1 : i32
      %add3A_111 = arith.addi %mul3A_109, %add3A_110 : i32
      %dma_wait3A_112 = arith.constant 0 : i32
      %dma_wait3A_113 = tpu.memref_slice %arg8[%add3A_111, %dma_wait3A_112] : memref<112x128xi32, #tpu.memory_space<vmem>> -> memref<1x128xi32, #tpu.memory_space<vmem>>
      %dma_wait3A_114 = tpu.memref_squeeze %dma_wait3A_113 : memref<1x128xi32, #tpu.memory_space<vmem>> -> memref<128xi32, #tpu.memory_space<vmem>>
      %dma_wait3A_115 = arith.constant 0 : i32
      %dma_wait3A_116 = arith.constant 0 : i32
      %dma_wait3A_117 = tpu.memref_slice %arg2[%dma_wait3A_115, %dma_wait3A_116] : memref<10000x64xf32, #tpu.memory_space<hbm>> -> memref<10000x64xf32, #tpu.memory_space<hbm>>
      tpu.wait_indirect_dma semaphore(%arg14 : memref<!tpu.dma_semaphore, #tpu.memory_space<semaphore_mem>>) src(%dma_wait3A_117 : memref<10000x64xf32, #tpu.memory_space<hbm>>) dst(%arg11 : memref<128x64xf32, #tpu.memory_space<vmem>>)
      %sub3A_118 = arith.constant 1 : i32
      %sub3A_119 = arith.subi %select_n3A_3, %sub3A_118 : i32
      %lt3A_120 = arith.cmpi slt, %while3A_89, %sub3A_119 : i32
      %convert_element_type3A_121 = arith.extui %lt3A_120 : i1 to i32
      %cond3A_122 = arith.constant 0 : i32
      %cond3A_123 = arith.cmpi ne, %convert_element_type3A_121, %cond3A_122 : i32
      scf.if %cond3A_123 {
        %add3A_124 = arith.constant 2 : i32
        %add3A_125 = arith.addi %add3A_111, %add3A_124 : i32
        %sub3A_126 = arith.constant 1 : i32
        %sub3A_127 = arith.subi %add3A_125, %sub3A_126 : i32
        %dma_start3A_128 = arith.constant 0 : i32
        %dma_start3A_129 = tpu.memref_slice %arg8[%sub3A_127, %dma_start3A_128] : memref<112x128xi32, #tpu.memory_space<vmem>> -> memref<1x128xi32, #tpu.memory_space<vmem>>
        %dma_start3A_130 = tpu.memref_squeeze %dma_start3A_129 : memref<1x128xi32, #tpu.memory_space<vmem>> -> memref<128xi32, #tpu.memory_space<vmem>>
        %dma_start3A_131 = arith.constant 0 : i32
        %dma_start3A_132 = arith.constant 0 : i32
        %dma_start3A_133 = tpu.memref_slice %arg2[%dma_start3A_131, %dma_start3A_132] : memref<10000x64xf32, #tpu.memory_space<hbm>> -> memref<10000x64xf32, #tpu.memory_space<hbm>>
        tpu.enqueue_indirect_dma source(%dma_start3A_133 : memref<10000x64xf32, #tpu.memory_space<hbm>>) target(%arg10 : memref<128x64xf32, #tpu.memory_space<vmem>>) offsets(%dma_start3A_130 : memref<128xi32, #tpu.memory_space<vmem>>) semaphore(%arg13 : memref<!tpu.dma_semaphore, #tpu.memory_space<semaphore_mem>>)
      } else {
      }
      "tpu.region"() ({
        %run_scoped3A = tpu.sem_alloc : memref<!tpu.dma_semaphore, #tpu.memory_space<semaphore_mem>>
        %dma_start3A_124 = arith.constant 0 : i32
        %dma_start3A_125 = tpu.memref_slice %arg9[%add3A_111, %dma_start3A_124] : memref<112x128xi32, #tpu.memory_space<vmem>> -> memref<1x128xi32, #tpu.memory_space<vmem>>
        %dma_start3A_126 = tpu.memref_squeeze %dma_start3A_125 : memref<1x128xi32, #tpu.memory_space<vmem>> -> memref<128xi32, #tpu.memory_space<vmem>>
        %dma_start3A_127 = arith.constant 0 : i32
        %dma_start3A_128 = arith.constant 0 : i32
        %dma_start3A_129 = tpu.memref_slice %arg12[%dma_start3A_127, %dma_start3A_128] : memref<10008x64xf32, #tpu.memory_space<vmem_shared>> -> memref<10008x64xf32, #tpu.memory_space<vmem_shared>>
        tpu.enqueue_indirect_dma source(%arg11 : memref<128x64xf32, #tpu.memory_space<vmem>>) target(%dma_start3A_129 : memref<10008x64xf32, #tpu.memory_space<vmem_shared>>) offsets(%dma_start3A_126 : memref<128xi32, #tpu.memory_space<vmem>>) semaphore(%run_scoped3A : memref<!tpu.dma_semaphore, #tpu.memory_space<semaphore_mem>>) {add = true}
        %dma_wait3A_130 = arith.constant 0 : i32
        %dma_wait3A_131 = tpu.memref_slice %arg9[%add3A_111, %dma_wait3A_130] : memref<112x128xi32, #tpu.memory_space<vmem>> -> memref<1x128xi32, #tpu.memory_space<vmem>>
        %dma_wait3A_132 = tpu.memref_squeeze %dma_wait3A_131 : memref<1x128xi32, #tpu.memory_space<vmem>> -> memref<128xi32, #tpu.memory_space<vmem>>
        %dma_wait3A_133 = arith.constant 0 : i32
        %dma_wait3A_134 = arith.constant 0 : i32
        %dma_wait3A_135 = tpu.memref_slice %arg12[%dma_wait3A_133, %dma_wait3A_134] : memref<10008x64xf32, #tpu.memory_space<vmem_shared>> -> memref<10008x64xf32, #tpu.memory_space<vmem_shared>>
        tpu.wait_indirect_dma semaphore(%run_scoped3A : memref<!tpu.dma_semaphore, #tpu.memory_space<semaphore_mem>>) src(%arg11 : memref<128x64xf32, #tpu.memory_space<vmem>>) dst(%dma_wait3A_135 : memref<10008x64xf32, #tpu.memory_space<vmem_shared>>)
        tpu.yield
      }) : () -> ()
    }
    %barrier3A_28 = arith.constant 0 : index
    tpu.barrier barrier_id(%barrier3A_28)
    %mul3A_29 = arith.constant 632 : i32
    %mul3A_30 = arith.muli %arg1, %mul3A_29 : i32
    %multiple_of3A_31 = tpu.assume_multiple %mul3A_30, 8 : i32
    %lt3A_32 = arith.constant 15 : i32
    %lt3A_33 = arith.cmpi slt, %arg1, %lt3A_32 : i32
    %convert_element_type3A_34 = arith.extui %lt3A_33 : i1 to i32
    %cond3A_35 = arith.constant 0 : i32
    %cond3A_36 = arith.cmpi ne, %convert_element_type3A_34, %cond3A_35 : i32
    scf.if %cond3A_36 {
      %run_scoped3A = arith.constant 0 : i32
      "tpu.region"() ({
        %run_scoped3A_89 = tpu.sem_alloc : memref<!tpu.dma_semaphore, #tpu.memory_space<semaphore_mem>>
        %dma_start3A_90 = arith.constant 0 : i32
        %dma_start3A_91 = tpu.memref_slice %arg7[%arg0, %run_scoped3A, %multiple_of3A_31, %dma_start3A_90] : memref<2x2x10000x64xf32, #tpu.memory_space<hbm>> -> memref<1x1x632x64xf32, #tpu.memory_space<hbm>>
        %dma_start3A_92 = tpu.memref_squeeze %dma_start3A_91 : memref<1x1x632x64xf32, #tpu.memory_space<hbm>> -> memref<632x64xf32, #tpu.memory_space<hbm>>
        %dma_start3A_93 = arith.constant 0 : i32
        %dma_start3A_94 = tpu.memref_slice %arg12[%multiple_of3A_31, %dma_start3A_93] : memref<10008x64xf32, #tpu.memory_space<vmem_shared>> -> memref<632x64xf32, #tpu.memory_space<vmem_shared>>
        tpu.enqueue_dma source(%dma_start3A_94 : memref<632x64xf32, #tpu.memory_space<vmem_shared>>) target(%dma_start3A_92 : memref<632x64xf32, #tpu.memory_space<hbm>>) target_semaphore(%run_scoped3A_89 : memref<!tpu.dma_semaphore, #tpu.memory_space<semaphore_mem>>)
        %dma_wait3A = arith.constant 0 : i32
        %dma_wait3A_95 = tpu.memref_slice %arg7[%arg0, %run_scoped3A, %multiple_of3A_31, %dma_wait3A] : memref<2x2x10000x64xf32, #tpu.memory_space<hbm>> -> memref<1x1x632x64xf32, #tpu.memory_space<hbm>>
        %dma_wait3A_96 = tpu.memref_squeeze %dma_wait3A_95 : memref<1x1x632x64xf32, #tpu.memory_space<hbm>> -> memref<632x64xf32, #tpu.memory_space<hbm>>
        %dma_wait3A_97 = arith.constant 0 : i32
        %dma_wait3A_98 = tpu.memref_slice %arg12[%multiple_of3A_31, %dma_wait3A_97] : memref<10008x64xf32, #tpu.memory_space<vmem_shared>> -> memref<632x64xf32, #tpu.memory_space<vmem_shared>>
        tpu.wait_dma2 semaphore(%run_scoped3A_89 : memref<!tpu.dma_semaphore, #tpu.memory_space<semaphore_mem>>) src(%dma_wait3A_98 : memref<632x64xf32, #tpu.memory_space<vmem_shared>>) dst(%dma_wait3A_96 : memref<632x64xf32, #tpu.memory_space<hbm>>)
        tpu.yield
      }) : () -> ()
    } else {
    }
    %eq3A_37 = arith.constant 15 : i32
    %eq3A_38 = arith.cmpi eq, %arg1, %eq3A_37 : i32
    %convert_element_type3A_39 = arith.extui %eq3A_38 : i1 to i32
    %cond3A_40 = arith.constant 0 : i32
    %cond3A_41 = arith.cmpi ne, %convert_element_type3A_39, %cond3A_40 : i32
    scf.if %cond3A_41 {
      %run_scoped3A = arith.constant 0 : i32
      "tpu.region"() ({
        %run_scoped3A_89 = tpu.sem_alloc : memref<!tpu.dma_semaphore, #tpu.memory_space<semaphore_mem>>
        %dma_start3A_90 = arith.constant 0 : i32
        %dma_start3A_91 = tpu.memref_slice %arg7[%arg0, %run_scoped3A, %multiple_of3A_31, %dma_start3A_90] : memref<2x2x10000x64xf32, #tpu.memory_space<hbm>> -> memref<1x1x520x64xf32, #tpu.memory_space<hbm>>
        %dma_start3A_92 = tpu.memref_squeeze %dma_start3A_91 : memref<1x1x520x64xf32, #tpu.memory_space<hbm>> -> memref<520x64xf32, #tpu.memory_space<hbm>>
        %dma_start3A_93 = arith.constant 0 : i32
        %dma_start3A_94 = tpu.memref_slice %arg12[%multiple_of3A_31, %dma_start3A_93] : memref<10008x64xf32, #tpu.memory_space<vmem_shared>> -> memref<520x64xf32, #tpu.memory_space<vmem_shared>>
        tpu.enqueue_dma source(%dma_start3A_94 : memref<520x64xf32, #tpu.memory_space<vmem_shared>>) target(%dma_start3A_92 : memref<520x64xf32, #tpu.memory_space<hbm>>) target_semaphore(%run_scoped3A_89 : memref<!tpu.dma_semaphore, #tpu.memory_space<semaphore_mem>>)
        %dma_wait3A = arith.constant 0 : i32
        %dma_wait3A_95 = tpu.memref_slice %arg7[%arg0, %run_scoped3A, %multiple_of3A_31, %dma_wait3A] : memref<2x2x10000x64xf32, #tpu.memory_space<hbm>> -> memref<1x1x520x64xf32, #tpu.memory_space<hbm>>
        %dma_wait3A_96 = tpu.memref_squeeze %dma_wait3A_95 : memref<1x1x520x64xf32, #tpu.memory_space<hbm>> -> memref<520x64xf32, #tpu.memory_space<hbm>>
        %dma_wait3A_97 = arith.constant 0 : i32
        %dma_wait3A_98 = tpu.memref_slice %arg12[%multiple_of3A_31, %dma_wait3A_97] : memref<10008x64xf32, #tpu.memory_space<vmem_shared>> -> memref<520x64xf32, #tpu.memory_space<vmem_shared>>
        tpu.wait_dma2 semaphore(%run_scoped3A_89 : memref<!tpu.dma_semaphore, #tpu.memory_space<semaphore_mem>>) src(%dma_wait3A_98 : memref<520x64xf32, #tpu.memory_space<vmem_shared>>) dst(%dma_wait3A_96 : memref<520x64xf32, #tpu.memory_space<hbm>>)
        tpu.yield
      }) : () -> ()
    } else {
    }
    %barrier3A_42 = arith.constant 0 : index
    tpu.barrier barrier_id(%barrier3A_42)
    %mul3A_43 = arith.constant 632 : i32
    %mul3A_44 = arith.muli %arg1, %mul3A_43 : i32
    %multiple_of3A_45 = tpu.assume_multiple %mul3A_44, 8 : i32
    %lt3A_46 = arith.constant 15 : i32
    %lt3A_47 = arith.cmpi slt, %arg1, %lt3A_46 : i32
    %convert_element_type3A_48 = arith.extui %lt3A_47 : i1 to i32
    %cond3A_49 = arith.constant 0 : i32
    %cond3A_50 = arith.cmpi ne, %convert_element_type3A_48, %cond3A_49 : i32
    scf.if %cond3A_50 {
      "tpu.region"() ({
        %run_scoped3A = tpu.sem_alloc : memref<!tpu.dma_semaphore, #tpu.memory_space<semaphore_mem>>
        %dma_start3A_89 = arith.constant 0 : i32
        %dma_start3A_90 = tpu.memref_slice %arg12[%multiple_of3A_45, %dma_start3A_89] : memref<10008x64xf32, #tpu.memory_space<vmem_shared>> -> memref<632x64xf32, #tpu.memory_space<vmem_shared>>
        %dma_start3A_91 = arith.constant 0 : i32
        %dma_start3A_92 = tpu.memref_slice %arg6[%multiple_of3A_45, %dma_start3A_91] : memref<10000x64xf32, #tpu.memory_space<hbm>> -> memref<632x64xf32, #tpu.memory_space<hbm>>
        tpu.enqueue_dma source(%dma_start3A_92 : memref<632x64xf32, #tpu.memory_space<hbm>>) target(%dma_start3A_90 : memref<632x64xf32, #tpu.memory_space<vmem_shared>>) target_semaphore(%run_scoped3A : memref<!tpu.dma_semaphore, #tpu.memory_space<semaphore_mem>>)
        %dma_wait3A = arith.constant 0 : i32
        %dma_wait3A_93 = tpu.memref_slice %arg12[%multiple_of3A_45, %dma_wait3A] : memref<10008x64xf32, #tpu.memory_space<vmem_shared>> -> memref<632x64xf32, #tpu.memory_space<vmem_shared>>
        %dma_wait3A_94 = arith.constant 0 : i32
        %dma_wait3A_95 = tpu.memref_slice %arg6[%multiple_of3A_45, %dma_wait3A_94] : memref<10000x64xf32, #tpu.memory_space<hbm>> -> memref<632x64xf32, #tpu.memory_space<hbm>>
        tpu.wait_dma2 semaphore(%run_scoped3A : memref<!tpu.dma_semaphore, #tpu.memory_space<semaphore_mem>>) src(%dma_wait3A_95 : memref<632x64xf32, #tpu.memory_space<hbm>>) dst(%dma_wait3A_93 : memref<632x64xf32, #tpu.memory_space<vmem_shared>>)
        tpu.yield
      }) : () -> ()
    } else {
    }
    %eq3A_51 = arith.constant 15 : i32
    %eq3A_52 = arith.cmpi eq, %arg1, %eq3A_51 : i32
    %convert_element_type3A_53 = arith.extui %eq3A_52 : i1 to i32
    %cond3A_54 = arith.constant 0 : i32
    %cond3A_55 = arith.cmpi ne, %convert_element_type3A_53, %cond3A_54 : i32
    scf.if %cond3A_55 {
      "tpu.region"() ({
        %run_scoped3A = tpu.sem_alloc : memref<!tpu.dma_semaphore, #tpu.memory_space<semaphore_mem>>
        %dma_start3A_89 = arith.constant 0 : i32
        %dma_start3A_90 = tpu.memref_slice %arg12[%multiple_of3A_45, %dma_start3A_89] : memref<10008x64xf32, #tpu.memory_space<vmem_shared>> -> memref<520x64xf32, #tpu.memory_space<vmem_shared>>
        %dma_start3A_91 = arith.constant 0 : i32
        %dma_start3A_92 = tpu.memref_slice %arg6[%multiple_of3A_45, %dma_start3A_91] : memref<10000x64xf32, #tpu.memory_space<hbm>> -> memref<520x64xf32, #tpu.memory_space<hbm>>
        tpu.enqueue_dma source(%dma_start3A_92 : memref<520x64xf32, #tpu.memory_space<hbm>>) target(%dma_start3A_90 : memref<520x64xf32, #tpu.memory_space<vmem_shared>>) target_semaphore(%run_scoped3A : memref<!tpu.dma_semaphore, #tpu.memory_space<semaphore_mem>>)
        %dma_wait3A = arith.constant 0 : i32
        %dma_wait3A_93 = tpu.memref_slice %arg12[%multiple_of3A_45, %dma_wait3A] : memref<10008x64xf32, #tpu.memory_space<vmem_shared>> -> memref<520x64xf32, #tpu.memory_space<vmem_shared>>
        %dma_wait3A_94 = arith.constant 0 : i32
        %dma_wait3A_95 = tpu.memref_slice %arg6[%multiple_of3A_45, %dma_wait3A_94] : memref<10000x64xf32, #tpu.memory_space<hbm>> -> memref<520x64xf32, #tpu.memory_space<hbm>>
        tpu.wait_dma2 semaphore(%run_scoped3A : memref<!tpu.dma_semaphore, #tpu.memory_space<semaphore_mem>>) src(%dma_wait3A_95 : memref<520x64xf32, #tpu.memory_space<hbm>>) dst(%dma_wait3A_93 : memref<520x64xf32, #tpu.memory_space<vmem_shared>>)
        tpu.yield
      }) : () -> ()
    } else {
    }
    %barrier3A_56 = arith.constant 0 : index
    tpu.barrier barrier_id(%barrier3A_56)
    %dma_start3A_57 = arith.constant 0 : i32
    %dma_start3A_58 = arith.constant 0 : i32
    %dma_start3A_59 = tpu.memref_slice %arg8[%dma_start3A_57, %dma_start3A_58] : memref<112x128xi32, #tpu.memory_space<vmem>> -> memref<1x128xi32, #tpu.memory_space<vmem>>
    %dma_start3A_60 = tpu.memref_squeeze %dma_start3A_59 : memref<1x128xi32, #tpu.memory_space<vmem>> -> memref<128xi32, #tpu.memory_space<vmem>>
    %dma_start3A_61 = arith.constant 0 : i32
    %dma_start3A_62 = arith.constant 0 : i32
    %dma_start3A_63 = tpu.memref_slice %arg3[%dma_start3A_61, %dma_start3A_62] : memref<10000x64xf32, #tpu.memory_space<hbm>> -> memref<10000x64xf32, #tpu.memory_space<hbm>>
    tpu.enqueue_indirect_dma source(%dma_start3A_63 : memref<10000x64xf32, #tpu.memory_space<hbm>>) target(%arg10 : memref<128x64xf32, #tpu.memory_space<vmem>>) offsets(%dma_start3A_60 : memref<128xi32, #tpu.memory_space<vmem>>) semaphore(%arg13 : memref<!tpu.dma_semaphore, #tpu.memory_space<semaphore_mem>>)
    %while3A_64 = arith.constant 0 : i32
    %while3A_65 = arith.constant 0 : i32
    %while3A_66 = arith.subi %select_n3A_3, %while3A_65 : i32
    %while3A_67 = arith.addi %while3A_65, %while3A_66 : i32
    %while3A_68 = arith.constant 1 : i32
    %while3A_69 = arith.divsi %while3A_66, %while3A_68 : i32
    %while3A_70 = arith.muli %while3A_69, %while3A_68 : i32
    %while3A_71 = arith.addi %while3A_65, %while3A_70 : i32
    %while3A_72 = arith.constant 1 : i32
    scf.for %while3A_89 = %while3A_65 to %while3A_71 step %while3A_72  : i32 {
      %mul3A_90 = arith.constant 2 : i32
      %mul3A_91 = arith.muli %mul3A_90, %while3A_89 : i32
      %add3A_92 = arith.constant 0 : i32
      %add3A_93 = arith.addi %mul3A_91, %add3A_92 : i32
      %dma_wait3A = arith.constant 0 : i32
      %dma_wait3A_94 = tpu.memref_slice %arg8[%add3A_93, %dma_wait3A] : memref<112x128xi32, #tpu.memory_space<vmem>> -> memref<1x128xi32, #tpu.memory_space<vmem>>
      %dma_wait3A_95 = tpu.memref_squeeze %dma_wait3A_94 : memref<1x128xi32, #tpu.memory_space<vmem>> -> memref<128xi32, #tpu.memory_space<vmem>>
      %dma_wait3A_96 = arith.constant 0 : i32
      %dma_wait3A_97 = arith.constant 0 : i32
      %dma_wait3A_98 = tpu.memref_slice %arg3[%dma_wait3A_96, %dma_wait3A_97] : memref<10000x64xf32, #tpu.memory_space<hbm>> -> memref<10000x64xf32, #tpu.memory_space<hbm>>
      tpu.wait_indirect_dma semaphore(%arg13 : memref<!tpu.dma_semaphore, #tpu.memory_space<semaphore_mem>>) src(%dma_wait3A_98 : memref<10000x64xf32, #tpu.memory_space<hbm>>) dst(%arg10 : memref<128x64xf32, #tpu.memory_space<vmem>>)
      %add3A_99 = arith.constant 2 : i32
      %add3A_100 = arith.addi %add3A_93, %add3A_99 : i32
      %sub3A = arith.constant 1 : i32
      %sub3A_101 = arith.subi %add3A_100, %sub3A : i32
      %dma_start3A_102 = arith.constant 0 : i32
      %dma_start3A_103 = tpu.memref_slice %arg8[%sub3A_101, %dma_start3A_102] : memref<112x128xi32, #tpu.memory_space<vmem>> -> memref<1x128xi32, #tpu.memory_space<vmem>>
      %dma_start3A_104 = tpu.memref_squeeze %dma_start3A_103 : memref<1x128xi32, #tpu.memory_space<vmem>> -> memref<128xi32, #tpu.memory_space<vmem>>
      %dma_start3A_105 = arith.constant 0 : i32
      %dma_start3A_106 = arith.constant 0 : i32
      %dma_start3A_107 = tpu.memref_slice %arg3[%dma_start3A_105, %dma_start3A_106] : memref<10000x64xf32, #tpu.memory_space<hbm>> -> memref<10000x64xf32, #tpu.memory_space<hbm>>
      tpu.enqueue_indirect_dma source(%dma_start3A_107 : memref<10000x64xf32, #tpu.memory_space<hbm>>) target(%arg11 : memref<128x64xf32, #tpu.memory_space<vmem>>) offsets(%dma_start3A_104 : memref<128xi32, #tpu.memory_space<vmem>>) semaphore(%arg14 : memref<!tpu.dma_semaphore, #tpu.memory_space<semaphore_mem>>)
      "tpu.region"() ({
        %run_scoped3A = tpu.sem_alloc : memref<!tpu.dma_semaphore, #tpu.memory_space<semaphore_mem>>
        %dma_start3A_124 = arith.constant 0 : i32
        %dma_start3A_125 = tpu.memref_slice %arg9[%add3A_93, %dma_start3A_124] : memref<112x128xi32, #tpu.memory_space<vmem>> -> memref<1x128xi32, #tpu.memory_space<vmem>>
        %dma_start3A_126 = tpu.memref_squeeze %dma_start3A_125 : memref<1x128xi32, #tpu.memory_space<vmem>> -> memref<128xi32, #tpu.memory_space<vmem>>
        %dma_start3A_127 = arith.constant 0 : i32
        %dma_start3A_128 = arith.constant 0 : i32
        %dma_start3A_129 = tpu.memref_slice %arg12[%dma_start3A_127, %dma_start3A_128] : memref<10008x64xf32, #tpu.memory_space<vmem_shared>> -> memref<10008x64xf32, #tpu.memory_space<vmem_shared>>
        tpu.enqueue_indirect_dma source(%arg10 : memref<128x64xf32, #tpu.memory_space<vmem>>) target(%dma_start3A_129 : memref<10008x64xf32, #tpu.memory_space<vmem_shared>>) offsets(%dma_start3A_126 : memref<128xi32, #tpu.memory_space<vmem>>) semaphore(%run_scoped3A : memref<!tpu.dma_semaphore, #tpu.memory_space<semaphore_mem>>) {add = true}
        %dma_wait3A_130 = arith.constant 0 : i32
        %dma_wait3A_131 = tpu.memref_slice %arg9[%add3A_93, %dma_wait3A_130] : memref<112x128xi32, #tpu.memory_space<vmem>> -> memref<1x128xi32, #tpu.memory_space<vmem>>
        %dma_wait3A_132 = tpu.memref_squeeze %dma_wait3A_131 : memref<1x128xi32, #tpu.memory_space<vmem>> -> memref<128xi32, #tpu.memory_space<vmem>>
        %dma_wait3A_133 = arith.constant 0 : i32
        %dma_wait3A_134 = arith.constant 0 : i32
        %dma_wait3A_135 = tpu.memref_slice %arg12[%dma_wait3A_133, %dma_wait3A_134] : memref<10008x64xf32, #tpu.memory_space<vmem_shared>> -> memref<10008x64xf32, #tpu.memory_space<vmem_shared>>
        tpu.wait_indirect_dma semaphore(%run_scoped3A : memref<!tpu.dma_semaphore, #tpu.memory_space<semaphore_mem>>) src(%arg10 : memref<128x64xf32, #tpu.memory_space<vmem>>) dst(%dma_wait3A_135 : memref<10008x64xf32, #tpu.memory_space<vmem_shared>>)
        tpu.yield
      }) : () -> ()
      %mul3A_108 = arith.constant 2 : i32
      %mul3A_109 = arith.muli %mul3A_108, %while3A_89 : i32
      %add3A_110 = arith.constant 1 : i32
      %add3A_111 = arith.addi %mul3A_109, %add3A_110 : i32
      %dma_wait3A_112 = arith.constant 0 : i32
      %dma_wait3A_113 = tpu.memref_slice %arg8[%add3A_111, %dma_wait3A_112] : memref<112x128xi32, #tpu.memory_space<vmem>> -> memref<1x128xi32, #tpu.memory_space<vmem>>
      %dma_wait3A_114 = tpu.memref_squeeze %dma_wait3A_113 : memref<1x128xi32, #tpu.memory_space<vmem>> -> memref<128xi32, #tpu.memory_space<vmem>>
      %dma_wait3A_115 = arith.constant 0 : i32
      %dma_wait3A_116 = arith.constant 0 : i32
      %dma_wait3A_117 = tpu.memref_slice %arg3[%dma_wait3A_115, %dma_wait3A_116] : memref<10000x64xf32, #tpu.memory_space<hbm>> -> memref<10000x64xf32, #tpu.memory_space<hbm>>
      tpu.wait_indirect_dma semaphore(%arg14 : memref<!tpu.dma_semaphore, #tpu.memory_space<semaphore_mem>>) src(%dma_wait3A_117 : memref<10000x64xf32, #tpu.memory_space<hbm>>) dst(%arg11 : memref<128x64xf32, #tpu.memory_space<vmem>>)
      %sub3A_118 = arith.constant 1 : i32
      %sub3A_119 = arith.subi %select_n3A_3, %sub3A_118 : i32
      %lt3A_120 = arith.cmpi slt, %while3A_89, %sub3A_119 : i32
      %convert_element_type3A_121 = arith.extui %lt3A_120 : i1 to i32
      %cond3A_122 = arith.constant 0 : i32
      %cond3A_123 = arith.cmpi ne, %convert_element_type3A_121, %cond3A_122 : i32
      scf.if %cond3A_123 {
        %add3A_124 = arith.constant 2 : i32
        %add3A_125 = arith.addi %add3A_111, %add3A_124 : i32
        %sub3A_126 = arith.constant 1 : i32
        %sub3A_127 = arith.subi %add3A_125, %sub3A_126 : i32
        %dma_start3A_128 = arith.constant 0 : i32
        %dma_start3A_129 = tpu.memref_slice %arg8[%sub3A_127, %dma_start3A_128] : memref<112x128xi32, #tpu.memory_space<vmem>> -> memref<1x128xi32, #tpu.memory_space<vmem>>
        %dma_start3A_130 = tpu.memref_squeeze %dma_start3A_129 : memref<1x128xi32, #tpu.memory_space<vmem>> -> memref<128xi32, #tpu.memory_space<vmem>>
        %dma_start3A_131 = arith.constant 0 : i32
        %dma_start3A_132 = arith.constant 0 : i32
        %dma_start3A_133 = tpu.memref_slice %arg3[%dma_start3A_131, %dma_start3A_132] : memref<10000x64xf32, #tpu.memory_space<hbm>> -> memref<10000x64xf32, #tpu.memory_space<hbm>>
        tpu.enqueue_indirect_dma source(%dma_start3A_133 : memref<10000x64xf32, #tpu.memory_space<hbm>>) target(%arg10 : memref<128x64xf32, #tpu.memory_space<vmem>>) offsets(%dma_start3A_130 : memref<128xi32, #tpu.memory_space<vmem>>) semaphore(%arg13 : memref<!tpu.dma_semaphore, #tpu.memory_space<semaphore_mem>>)
      } else {
      }
      "tpu.region"() ({
        %run_scoped3A = tpu.sem_alloc : memref<!tpu.dma_semaphore, #tpu.memory_space<semaphore_mem>>
        %dma_start3A_124 = arith.constant 0 : i32
        %dma_start3A_125 = tpu.memref_slice %arg9[%add3A_111, %dma_start3A_124] : memref<112x128xi32, #tpu.memory_space<vmem>> -> memref<1x128xi32, #tpu.memory_space<vmem>>
        %dma_start3A_126 = tpu.memref_squeeze %dma_start3A_125 : memref<1x128xi32, #tpu.memory_space<vmem>> -> memref<128xi32, #tpu.memory_space<vmem>>
        %dma_start3A_127 = arith.constant 0 : i32
        %dma_start3A_128 = arith.constant 0 : i32
        %dma_start3A_129 = tpu.memref_slice %arg12[%dma_start3A_127, %dma_start3A_128] : memref<10008x64xf32, #tpu.memory_space<vmem_shared>> -> memref<10008x64xf32, #tpu.memory_space<vmem_shared>>
        tpu.enqueue_indirect_dma source(%arg11 : memref<128x64xf32, #tpu.memory_space<vmem>>) target(%dma_start3A_129 : memref<10008x64xf32, #tpu.memory_space<vmem_shared>>) offsets(%dma_start3A_126 : memref<128xi32, #tpu.memory_space<vmem>>) semaphore(%run_scoped3A : memref<!tpu.dma_semaphore, #tpu.memory_space<semaphore_mem>>) {add = true}
        %dma_wait3A_130 = arith.constant 0 : i32
        %dma_wait3A_131 = tpu.memref_slice %arg9[%add3A_111, %dma_wait3A_130] : memref<112x128xi32, #tpu.memory_space<vmem>> -> memref<1x128xi32, #tpu.memory_space<vmem>>
        %dma_wait3A_132 = tpu.memref_squeeze %dma_wait3A_131 : memref<1x128xi32, #tpu.memory_space<vmem>> -> memref<128xi32, #tpu.memory_space<vmem>>
        %dma_wait3A_133 = arith.constant 0 : i32
        %dma_wait3A_134 = arith.constant 0 : i32
        %dma_wait3A_135 = tpu.memref_slice %arg12[%dma_wait3A_133, %dma_wait3A_134] : memref<10008x64xf32, #tpu.memory_space<vmem_shared>> -> memref<10008x64xf32, #tpu.memory_space<vmem_shared>>
        tpu.wait_indirect_dma semaphore(%run_scoped3A : memref<!tpu.dma_semaphore, #tpu.memory_space<semaphore_mem>>) src(%arg11 : memref<128x64xf32, #tpu.memory_space<vmem>>) dst(%dma_wait3A_135 : memref<10008x64xf32, #tpu.memory_space<vmem_shared>>)
        tpu.yield
      }) : () -> ()
    }
    %while3A_73 = arith.constant 1 : i32
    scf.for %while3A_89 = %while3A_71 to %while3A_67 step %while3A_73  : i32 {
      %mul3A_90 = arith.constant 2 : i32
      %mul3A_91 = arith.muli %mul3A_90, %while3A_89 : i32
      %add3A_92 = arith.constant 0 : i32
      %add3A_93 = arith.addi %mul3A_91, %add3A_92 : i32
      %dma_wait3A = arith.constant 0 : i32
      %dma_wait3A_94 = tpu.memref_slice %arg8[%add3A_93, %dma_wait3A] : memref<112x128xi32, #tpu.memory_space<vmem>> -> memref<1x128xi32, #tpu.memory_space<vmem>>
      %dma_wait3A_95 = tpu.memref_squeeze %dma_wait3A_94 : memref<1x128xi32, #tpu.memory_space<vmem>> -> memref<128xi32, #tpu.memory_space<vmem>>
      %dma_wait3A_96 = arith.constant 0 : i32
      %dma_wait3A_97 = arith.constant 0 : i32
      %dma_wait3A_98 = tpu.memref_slice %arg3[%dma_wait3A_96, %dma_wait3A_97] : memref<10000x64xf32, #tpu.memory_space<hbm>> -> memref<10000x64xf32, #tpu.memory_space<hbm>>
      tpu.wait_indirect_dma semaphore(%arg13 : memref<!tpu.dma_semaphore, #tpu.memory_space<semaphore_mem>>) src(%dma_wait3A_98 : memref<10000x64xf32, #tpu.memory_space<hbm>>) dst(%arg10 : memref<128x64xf32, #tpu.memory_space<vmem>>)
      %add3A_99 = arith.constant 2 : i32
      %add3A_100 = arith.addi %add3A_93, %add3A_99 : i32
      %sub3A = arith.constant 1 : i32
      %sub3A_101 = arith.subi %add3A_100, %sub3A : i32
      %dma_start3A_102 = arith.constant 0 : i32
      %dma_start3A_103 = tpu.memref_slice %arg8[%sub3A_101, %dma_start3A_102] : memref<112x128xi32, #tpu.memory_space<vmem>> -> memref<1x128xi32, #tpu.memory_space<vmem>>
      %dma_start3A_104 = tpu.memref_squeeze %dma_start3A_103 : memref<1x128xi32, #tpu.memory_space<vmem>> -> memref<128xi32, #tpu.memory_space<vmem>>
      %dma_start3A_105 = arith.constant 0 : i32
      %dma_start3A_106 = arith.constant 0 : i32
      %dma_start3A_107 = tpu.memref_slice %arg3[%dma_start3A_105, %dma_start3A_106] : memref<10000x64xf32, #tpu.memory_space<hbm>> -> memref<10000x64xf32, #tpu.memory_space<hbm>>
      tpu.enqueue_indirect_dma source(%dma_start3A_107 : memref<10000x64xf32, #tpu.memory_space<hbm>>) target(%arg11 : memref<128x64xf32, #tpu.memory_space<vmem>>) offsets(%dma_start3A_104 : memref<128xi32, #tpu.memory_space<vmem>>) semaphore(%arg14 : memref<!tpu.dma_semaphore, #tpu.memory_space<semaphore_mem>>)
      "tpu.region"() ({
        %run_scoped3A = tpu.sem_alloc : memref<!tpu.dma_semaphore, #tpu.memory_space<semaphore_mem>>
        %dma_start3A_124 = arith.constant 0 : i32
        %dma_start3A_125 = tpu.memref_slice %arg9[%add3A_93, %dma_start3A_124] : memref<112x128xi32, #tpu.memory_space<vmem>> -> memref<1x128xi32, #tpu.memory_space<vmem>>
        %dma_start3A_126 = tpu.memref_squeeze %dma_start3A_125 : memref<1x128xi32, #tpu.memory_space<vmem>> -> memref<128xi32, #tpu.memory_space<vmem>>
        %dma_start3A_127 = arith.constant 0 : i32
        %dma_start3A_128 = arith.constant 0 : i32
        %dma_start3A_129 = tpu.memref_slice %arg12[%dma_start3A_127, %dma_start3A_128] : memref<10008x64xf32, #tpu.memory_space<vmem_shared>> -> memref<10008x64xf32, #tpu.memory_space<vmem_shared>>
        tpu.enqueue_indirect_dma source(%arg10 : memref<128x64xf32, #tpu.memory_space<vmem>>) target(%dma_start3A_129 : memref<10008x64xf32, #tpu.memory_space<vmem_shared>>) offsets(%dma_start3A_126 : memref<128xi32, #tpu.memory_space<vmem>>) semaphore(%run_scoped3A : memref<!tpu.dma_semaphore, #tpu.memory_space<semaphore_mem>>) {add = true}
        %dma_wait3A_130 = arith.constant 0 : i32
        %dma_wait3A_131 = tpu.memref_slice %arg9[%add3A_93, %dma_wait3A_130] : memref<112x128xi32, #tpu.memory_space<vmem>> -> memref<1x128xi32, #tpu.memory_space<vmem>>
        %dma_wait3A_132 = tpu.memref_squeeze %dma_wait3A_131 : memref<1x128xi32, #tpu.memory_space<vmem>> -> memref<128xi32, #tpu.memory_space<vmem>>
        %dma_wait3A_133 = arith.constant 0 : i32
        %dma_wait3A_134 = arith.constant 0 : i32
        %dma_wait3A_135 = tpu.memref_slice %arg12[%dma_wait3A_133, %dma_wait3A_134] : memref<10008x64xf32, #tpu.memory_space<vmem_shared>> -> memref<10008x64xf32, #tpu.memory_space<vmem_shared>>
        tpu.wait_indirect_dma semaphore(%run_scoped3A : memref<!tpu.dma_semaphore, #tpu.memory_space<semaphore_mem>>) src(%arg10 : memref<128x64xf32, #tpu.memory_space<vmem>>) dst(%dma_wait3A_135 : memref<10008x64xf32, #tpu.memory_space<vmem_shared>>)
        tpu.yield
      }) : () -> ()
      %mul3A_108 = arith.constant 2 : i32
      %mul3A_109 = arith.muli %mul3A_108, %while3A_89 : i32
      %add3A_110 = arith.constant 1 : i32
      %add3A_111 = arith.addi %mul3A_109, %add3A_110 : i32
      %dma_wait3A_112 = arith.constant 0 : i32
      %dma_wait3A_113 = tpu.memref_slice %arg8[%add3A_111, %dma_wait3A_112] : memref<112x128xi32, #tpu.memory_space<vmem>> -> memref<1x128xi32, #tpu.memory_space<vmem>>
      %dma_wait3A_114 = tpu.memref_squeeze %dma_wait3A_113 : memref<1x128xi32, #tpu.memory_space<vmem>> -> memref<128xi32, #tpu.memory_space<vmem>>
      %dma_wait3A_115 = arith.constant 0 : i32
      %dma_wait3A_116 = arith.constant 0 : i32
      %dma_wait3A_117 = tpu.memref_slice %arg3[%dma_wait3A_115, %dma_wait3A_116] : memref<10000x64xf32, #tpu.memory_space<hbm>> -> memref<10000x64xf32, #tpu.memory_space<hbm>>
      tpu.wait_indirect_dma semaphore(%arg14 : memref<!tpu.dma_semaphore, #tpu.memory_space<semaphore_mem>>) src(%dma_wait3A_117 : memref<10000x64xf32, #tpu.memory_space<hbm>>) dst(%arg11 : memref<128x64xf32, #tpu.memory_space<vmem>>)
      %sub3A_118 = arith.constant 1 : i32
      %sub3A_119 = arith.subi %select_n3A_3, %sub3A_118 : i32
      %lt3A_120 = arith.cmpi slt, %while3A_89, %sub3A_119 : i32
      %convert_element_type3A_121 = arith.extui %lt3A_120 : i1 to i32
      %cond3A_122 = arith.constant 0 : i32
      %cond3A_123 = arith.cmpi ne, %convert_element_type3A_121, %cond3A_122 : i32
      scf.if %cond3A_123 {
        %add3A_124 = arith.constant 2 : i32
        %add3A_125 = arith.addi %add3A_111, %add3A_124 : i32
        %sub3A_126 = arith.constant 1 : i32
        %sub3A_127 = arith.subi %add3A_125, %sub3A_126 : i32
        %dma_start3A_128 = arith.constant 0 : i32
        %dma_start3A_129 = tpu.memref_slice %arg8[%sub3A_127, %dma_start3A_128] : memref<112x128xi32, #tpu.memory_space<vmem>> -> memref<1x128xi32, #tpu.memory_space<vmem>>
        %dma_start3A_130 = tpu.memref_squeeze %dma_start3A_129 : memref<1x128xi32, #tpu.memory_space<vmem>> -> memref<128xi32, #tpu.memory_space<vmem>>
        %dma_start3A_131 = arith.constant 0 : i32
        %dma_start3A_132 = arith.constant 0 : i32
        %dma_start3A_133 = tpu.memref_slice %arg3[%dma_start3A_131, %dma_start3A_132] : memref<10000x64xf32, #tpu.memory_space<hbm>> -> memref<10000x64xf32, #tpu.memory_space<hbm>>
        tpu.enqueue_indirect_dma source(%dma_start3A_133 : memref<10000x64xf32, #tpu.memory_space<hbm>>) target(%arg10 : memref<128x64xf32, #tpu.memory_space<vmem>>) offsets(%dma_start3A_130 : memref<128xi32, #tpu.memory_space<vmem>>) semaphore(%arg13 : memref<!tpu.dma_semaphore, #tpu.memory_space<semaphore_mem>>)
      } else {
      }
      "tpu.region"() ({
        %run_scoped3A = tpu.sem_alloc : memref<!tpu.dma_semaphore, #tpu.memory_space<semaphore_mem>>
        %dma_start3A_124 = arith.constant 0 : i32
        %dma_start3A_125 = tpu.memref_slice %arg9[%add3A_111, %dma_start3A_124] : memref<112x128xi32, #tpu.memory_space<vmem>> -> memref<1x128xi32, #tpu.memory_space<vmem>>
        %dma_start3A_126 = tpu.memref_squeeze %dma_start3A_125 : memref<1x128xi32, #tpu.memory_space<vmem>> -> memref<128xi32, #tpu.memory_space<vmem>>
        %dma_start3A_127 = arith.constant 0 : i32
        %dma_start3A_128 = arith.constant 0 : i32
        %dma_start3A_129 = tpu.memref_slice %arg12[%dma_start3A_127, %dma_start3A_128] : memref<10008x64xf32, #tpu.memory_space<vmem_shared>> -> memref<10008x64xf32, #tpu.memory_space<vmem_shared>>
        tpu.enqueue_indirect_dma source(%arg11 : memref<128x64xf32, #tpu.memory_space<vmem>>) target(%dma_start3A_129 : memref<10008x64xf32, #tpu.memory_space<vmem_shared>>) offsets(%dma_start3A_126 : memref<128xi32, #tpu.memory_space<vmem>>) semaphore(%run_scoped3A : memref<!tpu.dma_semaphore, #tpu.memory_space<semaphore_mem>>) {add = true}
        %dma_wait3A_130 = arith.constant 0 : i32
        %dma_wait3A_131 = tpu.memref_slice %arg9[%add3A_111, %dma_wait3A_130] : memref<112x128xi32, #tpu.memory_space<vmem>> -> memref<1x128xi32, #tpu.memory_space<vmem>>
        %dma_wait3A_132 = tpu.memref_squeeze %dma_wait3A_131 : memref<1x128xi32, #tpu.memory_space<vmem>> -> memref<128xi32, #tpu.memory_space<vmem>>
        %dma_wait3A_133 = arith.constant 0 : i32
        %dma_wait3A_134 = arith.constant 0 : i32
        %dma_wait3A_135 = tpu.memref_slice %arg12[%dma_wait3A_133, %dma_wait3A_134] : memref<10008x64xf32, #tpu.memory_space<vmem_shared>> -> memref<10008x64xf32, #tpu.memory_space<vmem_shared>>
        tpu.wait_indirect_dma semaphore(%run_scoped3A : memref<!tpu.dma_semaphore, #tpu.memory_space<semaphore_mem>>) src(%arg11 : memref<128x64xf32, #tpu.memory_space<vmem>>) dst(%dma_wait3A_135 : memref<10008x64xf32, #tpu.memory_space<vmem_shared>>)
        tpu.yield
      }) : () -> ()
    }
    %barrier3A_74 = arith.constant 0 : index
    tpu.barrier barrier_id(%barrier3A_74)
    %mul3A_75 = arith.constant 632 : i32
    %mul3A_76 = arith.muli %arg1, %mul3A_75 : i32
    %multiple_of3A_77 = tpu.assume_multiple %mul3A_76, 8 : i32
    %lt3A_78 = arith.constant 15 : i32
    %lt3A_79 = arith.cmpi slt, %arg1, %lt3A_78 : i32
    %convert_element_type3A_80 = arith.extui %lt3A_79 : i1 to i32
    %cond3A_81 = arith.constant 0 : i32
    %cond3A_82 = arith.cmpi ne, %convert_element_type3A_80, %cond3A_81 : i32
    scf.if %cond3A_82 {
      %run_scoped3A = arith.constant 1 : i32
      "tpu.region"() ({
        %run_scoped3A_89 = tpu.sem_alloc : memref<!tpu.dma_semaphore, #tpu.memory_space<semaphore_mem>>
        %dma_start3A_90 = arith.constant 0 : i32
        %dma_start3A_91 = tpu.memref_slice %arg7[%arg0, %run_scoped3A, %multiple_of3A_77, %dma_start3A_90] : memref<2x2x10000x64xf32, #tpu.memory_space<hbm>> -> memref<1x1x632x64xf32, #tpu.memory_space<hbm>>
        %dma_start3A_92 = tpu.memref_squeeze %dma_start3A_91 : memref<1x1x632x64xf32, #tpu.memory_space<hbm>> -> memref<632x64xf32, #tpu.memory_space<hbm>>
        %dma_start3A_93 = arith.constant 0 : i32
        %dma_start3A_94 = tpu.memref_slice %arg12[%multiple_of3A_77, %dma_start3A_93] : memref<10008x64xf32, #tpu.memory_space<vmem_shared>> -> memref<632x64xf32, #tpu.memory_space<vmem_shared>>
        tpu.enqueue_dma source(%dma_start3A_94 : memref<632x64xf32, #tpu.memory_space<vmem_shared>>) target(%dma_start3A_92 : memref<632x64xf32, #tpu.memory_space<hbm>>) target_semaphore(%run_scoped3A_89 : memref<!tpu.dma_semaphore, #tpu.memory_space<semaphore_mem>>)
        %dma_wait3A = arith.constant 0 : i32
        %dma_wait3A_95 = tpu.memref_slice %arg7[%arg0, %run_scoped3A, %multiple_of3A_77, %dma_wait3A] : memref<2x2x10000x64xf32, #tpu.memory_space<hbm>> -> memref<1x1x632x64xf32, #tpu.memory_space<hbm>>
        %dma_wait3A_96 = tpu.memref_squeeze %dma_wait3A_95 : memref<1x1x632x64xf32, #tpu.memory_space<hbm>> -> memref<632x64xf32, #tpu.memory_space<hbm>>
        %dma_wait3A_97 = arith.constant 0 : i32
        %dma_wait3A_98 = tpu.memref_slice %arg12[%multiple_of3A_77, %dma_wait3A_97] : memref<10008x64xf32, #tpu.memory_space<vmem_shared>> -> memref<632x64xf32, #tpu.memory_space<vmem_shared>>
        tpu.wait_dma2 semaphore(%run_scoped3A_89 : memref<!tpu.dma_semaphore, #tpu.memory_space<semaphore_mem>>) src(%dma_wait3A_98 : memref<632x64xf32, #tpu.memory_space<vmem_shared>>) dst(%dma_wait3A_96 : memref<632x64xf32, #tpu.memory_space<hbm>>)
        tpu.yield
      }) : () -> ()
    } else {
    }
    %eq3A_83 = arith.constant 15 : i32
    %eq3A_84 = arith.cmpi eq, %arg1, %eq3A_83 : i32
    %convert_element_type3A_85 = arith.extui %eq3A_84 : i1 to i32
    %cond3A_86 = arith.constant 0 : i32
    %cond3A_87 = arith.cmpi ne, %convert_element_type3A_85, %cond3A_86 : i32
    scf.if %cond3A_87 {
      %run_scoped3A = arith.constant 1 : i32
      "tpu.region"() ({
        %run_scoped3A_89 = tpu.sem_alloc : memref<!tpu.dma_semaphore, #tpu.memory_space<semaphore_mem>>
        %dma_start3A_90 = arith.constant 0 : i32
        %dma_start3A_91 = tpu.memref_slice %arg7[%arg0, %run_scoped3A, %multiple_of3A_77, %dma_start3A_90] : memref<2x2x10000x64xf32, #tpu.memory_space<hbm>> -> memref<1x1x520x64xf32, #tpu.memory_space<hbm>>
        %dma_start3A_92 = tpu.memref_squeeze %dma_start3A_91 : memref<1x1x520x64xf32, #tpu.memory_space<hbm>> -> memref<520x64xf32, #tpu.memory_space<hbm>>
        %dma_start3A_93 = arith.constant 0 : i32
        %dma_start3A_94 = tpu.memref_slice %arg12[%multiple_of3A_77, %dma_start3A_93] : memref<10008x64xf32, #tpu.memory_space<vmem_shared>> -> memref<520x64xf32, #tpu.memory_space<vmem_shared>>
        tpu.enqueue_dma source(%dma_start3A_94 : memref<520x64xf32, #tpu.memory_space<vmem_shared>>) target(%dma_start3A_92 : memref<520x64xf32, #tpu.memory_space<hbm>>) target_semaphore(%run_scoped3A_89 : memref<!tpu.dma_semaphore, #tpu.memory_space<semaphore_mem>>)
        %dma_wait3A = arith.constant 0 : i32
        %dma_wait3A_95 = tpu.memref_slice %arg7[%arg0, %run_scoped3A, %multiple_of3A_77, %dma_wait3A] : memref<2x2x10000x64xf32, #tpu.memory_space<hbm>> -> memref<1x1x520x64xf32, #tpu.memory_space<hbm>>
        %dma_wait3A_96 = tpu.memref_squeeze %dma_wait3A_95 : memref<1x1x520x64xf32, #tpu.memory_space<hbm>> -> memref<520x64xf32, #tpu.memory_space<hbm>>
        %dma_wait3A_97 = arith.constant 0 : i32
        %dma_wait3A_98 = tpu.memref_slice %arg12[%multiple_of3A_77, %dma_wait3A_97] : memref<10008x64xf32, #tpu.memory_space<vmem_shared>> -> memref<520x64xf32, #tpu.memory_space<vmem_shared>>
        tpu.wait_dma2 semaphore(%run_scoped3A_89 : memref<!tpu.dma_semaphore, #tpu.memory_space<semaphore_mem>>) src(%dma_wait3A_98 : memref<520x64xf32, #tpu.memory_space<vmem_shared>>) dst(%dma_wait3A_96 : memref<520x64xf32, #tpu.memory_space<hbm>>)
        tpu.yield
      }) : () -> ()
    } else {
    }
    %barrier3A_88 = arith.constant 0 : index
    tpu.barrier barrier_id(%barrier3A_88)
    return
  }
}

#map = affine_map<(d0, d1) -> (0, 0)>
#map1 = affine_map<(d0, d1) -> (0, 0, 0)>
#map2 = affine_map<(d0, d1) -> (0, 0, 0, 0)>
module attributes {stable_mosaic.version = 14 : i64} {
  func.func @_spmv_sc_body(%arg0: i32, %arg1: i32, %arg2: memref<10000x64xf32, #tpu.memory_space<hbm>>, %arg3: memref<10000x64xf32, #tpu.memory_space<hbm>>, %arg4: memref<32x112x128xi32, #tpu.memory_space<hbm>>, %arg5: memref<32x112x128xi32, #tpu.memory_space<hbm>>, %arg6: memref<10000x64xf32, #tpu.memory_space<hbm>>, %arg7: memref<2x2x10000x64xf32, #tpu.memory_space<hbm>>, %arg8: memref<112x128xi32, #tpu.memory_space<vmem>>, %arg9: memref<112x128xi32, #tpu.memory_space<vmem>>, %arg10: memref<128x64xf32, #tpu.memory_space<vmem>>, %arg11: memref<128x64xf32, #tpu.memory_space<vmem>>, %arg12: memref<10008x64xf32, #tpu.memory_space<vmem_shared>>, %arg13: memref<!tpu.dma_semaphore, #tpu.memory_space<semaphore_mem>>, %arg14: memref<!tpu.dma_semaphore, #tpu.memory_space<semaphore_mem>>) attributes {dimension_semantics = [#tpu.dimension_semantics<core_parallel>, #tpu.dimension_semantics<subcore_parallel>], iteration_bounds = array<i64: 2, 16>, scalar_prefetch = 0 : i64, scratch_operands = 7 : i64, tpu.core_type = #tpu.core_type<sc_vector_subcore>, window_params = [{transform_indices = #map}, {transform_indices = #map}, {transform_indices = #map1}, {transform_indices = #map1}, {transform_indices = #map}, {transform_indices = #map2}]} {
    %mul3A = arith.constant 16 : i32
    %mul3A_0 = arith.muli %arg0, %mul3A : i32
    %add3A = arith.addi %mul3A_0, %arg1 : i32
    "tpu.region"() ({
      %run_scoped3A = tpu.sem_alloc : memref<!tpu.dma_semaphore, #tpu.memory_space<semaphore_mem>>
      %dma_start3A_89 = arith.constant 0 : i32
      %dma_start3A_90 = arith.constant 0 : i32
      %dma_start3A_91 = tpu.memref_slice %arg4[%add3A, %dma_start3A_89, %dma_start3A_90] : memref<32x112x128xi32, #tpu.memory_space<hbm>> -> memref<1x112x128xi32, #tpu.memory_space<hbm>>
      %dma_start3A_92 = tpu.memref_squeeze %dma_start3A_91 : memref<1x112x128xi32, #tpu.memory_space<hbm>> -> memref<112x128xi32, #tpu.memory_space<hbm>>
      %dma_start3A_93 = arith.constant 0 : i32
      %dma_start3A_94 = arith.constant 0 : i32
      %dma_start3A_95 = tpu.memref_slice %arg4[%add3A, %dma_start3A_93, %dma_start3A_94] : memref<32x112x128xi32, #tpu.memory_space<hbm>> -> memref<1x112x128xi32, #tpu.memory_space<hbm>>
      %dma_start3A_96 = tpu.memref_squeeze %dma_start3A_95 : memref<1x112x128xi32, #tpu.memory_space<hbm>> -> memref<112x128xi32, #tpu.memory_space<hbm>>
      tpu.enqueue_dma source(%dma_start3A_96 : memref<112x128xi32, #tpu.memory_space<hbm>>) target(%arg8 : memref<112x128xi32, #tpu.memory_space<vmem>>) target_semaphore(%run_scoped3A : memref<!tpu.dma_semaphore, #tpu.memory_space<semaphore_mem>>)
      %dma_wait3A = arith.constant 0 : i32
      %dma_wait3A_97 = arith.constant 0 : i32
      %dma_wait3A_98 = tpu.memref_slice %arg4[%add3A, %dma_wait3A, %dma_wait3A_97] : memref<32x112x128xi32, #tpu.memory_space<hbm>> -> memref<1x112x128xi32, #tpu.memory_space<hbm>>
      %dma_wait3A_99 = tpu.memref_squeeze %dma_wait3A_98 : memref<1x112x128xi32, #tpu.memory_space<hbm>> -> memref<112x128xi32, #tpu.memory_space<hbm>>
      %dma_wait3A_100 = arith.constant 0 : i32
      %dma_wait3A_101 = arith.constant 0 : i32
      %dma_wait3A_102 = tpu.memref_slice %arg4[%add3A, %dma_wait3A_100, %dma_wait3A_101] : memref<32x112x128xi32, #tpu.memory_space<hbm>> -> memref<1x112x128xi32, #tpu.memory_space<hbm>>
      %dma_wait3A_103 = tpu.memref_squeeze %dma_wait3A_102 : memref<1x112x128xi32, #tpu.memory_space<hbm>> -> memref<112x128xi32, #tpu.memory_space<hbm>>
      tpu.wait_dma2 semaphore(%run_scoped3A : memref<!tpu.dma_semaphore, #tpu.memory_space<semaphore_mem>>) src(%dma_wait3A_103 : memref<112x128xi32, #tpu.memory_space<hbm>>) dst(%arg8 : memref<112x128xi32, #tpu.memory_space<vmem>>)
      tpu.yield
    }) : () -> ()
    "tpu.region"() ({
      %run_scoped3A = tpu.sem_alloc : memref<!tpu.dma_semaphore, #tpu.memory_space<semaphore_mem>>
      %dma_start3A_89 = arith.constant 0 : i32
      %dma_start3A_90 = arith.constant 0 : i32
      %dma_start3A_91 = tpu.memref_slice %arg5[%add3A, %dma_start3A_89, %dma_start3A_90] : memref<32x112x128xi32, #tpu.memory_space<hbm>> -> memref<1x112x128xi32, #tpu.memory_space<hbm>>
      %dma_start3A_92 = tpu.memref_squeeze %dma_start3A_91 : memref<1x112x128xi32, #tpu.memory_space<hbm>> -> memref<112x128xi32, #tpu.memory_space<hbm>>
      %dma_start3A_93 = arith.constant 0 : i32
      %dma_start3A_94 = arith.constant 0 : i32
      %dma_start3A_95 = tpu.memref_slice %arg5[%add3A, %dma_start3A_93, %dma_start3A_94] : memref<32x112x128xi32, #tpu.memory_space<hbm>> -> memref<1x112x128xi32, #tpu.memory_space<hbm>>
      %dma_start3A_96 = tpu.memref_squeeze %dma_start3A_95 : memref<1x112x128xi32, #tpu.memory_space<hbm>> -> memref<112x128xi32, #tpu.memory_space<hbm>>
      tpu.enqueue_dma source(%dma_start3A_96 : memref<112x128xi32, #tpu.memory_space<hbm>>) target(%arg9 : memref<112x128xi32, #tpu.memory_space<vmem>>) target_semaphore(%run_scoped3A : memref<!tpu.dma_semaphore, #tpu.memory_space<semaphore_mem>>)
      %dma_wait3A = arith.constant 0 : i32
      %dma_wait3A_97 = arith.constant 0 : i32
      %dma_wait3A_98 = tpu.memref_slice %arg5[%add3A, %dma_wait3A, %dma_wait3A_97] : memref<32x112x128xi32, #tpu.memory_space<hbm>> -> memref<1x112x128xi32, #tpu.memory_space<hbm>>
      %dma_wait3A_99 = tpu.memref_squeeze %dma_wait3A_98 : memref<1x112x128xi32, #tpu.memory_space<hbm>> -> memref<112x128xi32, #tpu.memory_space<hbm>>
      %dma_wait3A_100 = arith.constant 0 : i32
      %dma_wait3A_101 = arith.constant 0 : i32
      %dma_wait3A_102 = tpu.memref_slice %arg5[%add3A, %dma_wait3A_100, %dma_wait3A_101] : memref<32x112x128xi32, #tpu.memory_space<hbm>> -> memref<1x112x128xi32, #tpu.memory_space<hbm>>
      %dma_wait3A_103 = tpu.memref_squeeze %dma_wait3A_102 : memref<1x112x128xi32, #tpu.memory_space<hbm>> -> memref<112x128xi32, #tpu.memory_space<hbm>>
      tpu.wait_dma2 semaphore(%run_scoped3A : memref<!tpu.dma_semaphore, #tpu.memory_space<semaphore_mem>>) src(%dma_wait3A_103 : memref<112x128xi32, #tpu.memory_space<hbm>>) dst(%arg9 : memref<112x128xi32, #tpu.memory_space<vmem>>)
      tpu.yield
    }) : () -> ()
    %eq3A = arith.constant 0 : i32
    %eq3A_1 = arith.cmpi eq, %arg0, %eq3A : i32
    %select_n3A = arith.constant 23 : i32
    %select_n3A_2 = arith.constant 56 : i32
    %select_n3A_3 = arith.select %eq3A_1, %select_n3A_2, %select_n3A : i32
    %mul3A_4 = arith.constant 632 : i32
    %mul3A_5 = arith.muli %arg1, %mul3A_4 : i32
    %multiple_of3A = tpu.assume_multiple %mul3A_5, 8 : i32
    %lt3A = arith.constant 15 : i32
    %lt3A_6 = arith.cmpi slt, %arg1, %lt3A : i32
    %convert_element_type3A = arith.extui %lt3A_6 : i1 to i32
    %cond3A = arith.constant 0 : i32
    %cond3A_7 = arith.cmpi ne, %convert_element_type3A, %cond3A : i32
    scf.if %cond3A_7 {
      "tpu.region"() ({
        %run_scoped3A = tpu.sem_alloc : memref<!tpu.dma_semaphore, #tpu.memory_space<semaphore_mem>>
        %dma_start3A_89 = arith.constant 0 : i32
        %dma_start3A_90 = tpu.memref_slice %arg12[%multiple_of3A, %dma_start3A_89] : memref<10008x64xf32, #tpu.memory_space<vmem_shared>> -> memref<632x64xf32, #tpu.memory_space<vmem_shared>>
        %dma_start3A_91 = arith.constant 0 : i32
        %dma_start3A_92 = tpu.memref_slice %arg6[%multiple_of3A, %dma_start3A_91] : memref<10000x64xf32, #tpu.memory_space<hbm>> -> memref<632x64xf32, #tpu.memory_space<hbm>>
        tpu.enqueue_dma source(%dma_start3A_92 : memref<632x64xf32, #tpu.memory_space<hbm>>) target(%dma_start3A_90 : memref<632x64xf32, #tpu.memory_space<vmem_shared>>) target_semaphore(%run_scoped3A : memref<!tpu.dma_semaphore, #tpu.memory_space<semaphore_mem>>)
        %dma_wait3A = arith.constant 0 : i32
        %dma_wait3A_93 = tpu.memref_slice %arg12[%multiple_of3A, %dma_wait3A] : memref<10008x64xf32, #tpu.memory_space<vmem_shared>> -> memref<632x64xf32, #tpu.memory_space<vmem_shared>>
        %dma_wait3A_94 = arith.constant 0 : i32
        %dma_wait3A_95 = tpu.memref_slice %arg6[%multiple_of3A, %dma_wait3A_94] : memref<10000x64xf32, #tpu.memory_space<hbm>> -> memref<632x64xf32, #tpu.memory_space<hbm>>
        tpu.wait_dma2 semaphore(%run_scoped3A : memref<!tpu.dma_semaphore, #tpu.memory_space<semaphore_mem>>) src(%dma_wait3A_95 : memref<632x64xf32, #tpu.memory_space<hbm>>) dst(%dma_wait3A_93 : memref<632x64xf32, #tpu.memory_space<vmem_shared>>)
        tpu.yield
      }) : () -> ()
    } else {
    }
    %eq3A_8 = arith.constant 15 : i32
    %eq3A_9 = arith.cmpi eq, %arg1, %eq3A_8 : i32
    %convert_element_type3A_10 = arith.extui %eq3A_9 : i1 to i32
    %cond3A_11 = arith.constant 0 : i32
    %cond3A_12 = arith.cmpi ne, %convert_element_type3A_10, %cond3A_11 : i32
    scf.if %cond3A_12 {
      "tpu.region"() ({
        %run_scoped3A = tpu.sem_alloc : memref<!tpu.dma_semaphore, #tpu.memory_space<semaphore_mem>>
        %dma_start3A_89 = arith.constant 0 : i32
        %dma_start3A_90 = tpu.memref_slice %arg12[%multiple_of3A, %dma_start3A_89] : memref<10008x64xf32, #tpu.memory_space<vmem_shared>> -> memref<520x64xf32, #tpu.memory_space<vmem_shared>>
        %dma_start3A_91 = arith.constant 0 : i32
        %dma_start3A_92 = tpu.memref_slice %arg6[%multiple_of3A, %dma_start3A_91] : memref<10000x64xf32, #tpu.memory_space<hbm>> -> memref<520x64xf32, #tpu.memory_space<hbm>>
        tpu.enqueue_dma source(%dma_start3A_92 : memref<520x64xf32, #tpu.memory_space<hbm>>) target(%dma_start3A_90 : memref<520x64xf32, #tpu.memory_space<vmem_shared>>) target_semaphore(%run_scoped3A : memref<!tpu.dma_semaphore, #tpu.memory_space<semaphore_mem>>)
        %dma_wait3A = arith.constant 0 : i32
        %dma_wait3A_93 = tpu.memref_slice %arg12[%multiple_of3A, %dma_wait3A] : memref<10008x64xf32, #tpu.memory_space<vmem_shared>> -> memref<520x64xf32, #tpu.memory_space<vmem_shared>>
        %dma_wait3A_94 = arith.constant 0 : i32
        %dma_wait3A_95 = tpu.memref_slice %arg6[%multiple_of3A, %dma_wait3A_94] : memref<10000x64xf32, #tpu.memory_space<hbm>> -> memref<520x64xf32, #tpu.memory_space<hbm>>
        tpu.wait_dma2 semaphore(%run_scoped3A : memref<!tpu.dma_semaphore, #tpu.memory_space<semaphore_mem>>) src(%dma_wait3A_95 : memref<520x64xf32, #tpu.memory_space<hbm>>) dst(%dma_wait3A_93 : memref<520x64xf32, #tpu.memory_space<vmem_shared>>)
        tpu.yield
      }) : () -> ()
    } else {
    }
    %barrier3A = arith.constant 0 : index
    tpu.barrier barrier_id(%barrier3A)
    %dma_start3A = arith.constant 0 : i32
    %dma_start3A_13 = arith.constant 0 : i32
    %dma_start3A_14 = tpu.memref_slice %arg8[%dma_start3A, %dma_start3A_13] : memref<112x128xi32, #tpu.memory_space<vmem>> -> memref<1x128xi32, #tpu.memory_space<vmem>>
    %dma_start3A_15 = tpu.memref_squeeze %dma_start3A_14 : memref<1x128xi32, #tpu.memory_space<vmem>> -> memref<128xi32, #tpu.memory_space<vmem>>
    %dma_start3A_16 = arith.constant 0 : i32
    %dma_start3A_17 = arith.constant 0 : i32
    %dma_start3A_18 = tpu.memref_slice %arg2[%dma_start3A_16, %dma_start3A_17] : memref<10000x64xf32, #tpu.memory_space<hbm>> -> memref<10000x64xf32, #tpu.memory_space<hbm>>
    tpu.enqueue_indirect_dma source(%dma_start3A_18 : memref<10000x64xf32, #tpu.memory_space<hbm>>) target(%arg10 : memref<128x64xf32, #tpu.memory_space<vmem>>) offsets(%dma_start3A_15 : memref<128xi32, #tpu.memory_space<vmem>>) semaphore(%arg13 : memref<!tpu.dma_semaphore, #tpu.memory_space<semaphore_mem>>)
    %while3A = arith.constant 0 : i32
    %while3A_19 = arith.constant 0 : i32
    %while3A_20 = arith.subi %select_n3A_3, %while3A_19 : i32
    %while3A_21 = arith.addi %while3A_19, %while3A_20 : i32
    %while3A_22 = arith.constant 1 : i32
    %while3A_23 = arith.divsi %while3A_20, %while3A_22 : i32
    %while3A_24 = arith.muli %while3A_23, %while3A_22 : i32
    %while3A_25 = arith.addi %while3A_19, %while3A_24 : i32
    %while3A_26 = arith.constant 1 : i32
    scf.for %while3A_89 = %while3A_19 to %while3A_25 step %while3A_26  : i32 {
      %mul3A_90 = arith.constant 2 : i32
      %mul3A_91 = arith.muli %mul3A_90, %while3A_89 : i32
      %add3A_92 = arith.constant 0 : i32
      %add3A_93 = arith.addi %mul3A_91, %add3A_92 : i32
      %dma_wait3A = arith.constant 0 : i32
      %dma_wait3A_94 = tpu.memref_slice %arg8[%add3A_93, %dma_wait3A] : memref<112x128xi32, #tpu.memory_space<vmem>> -> memref<1x128xi32, #tpu.memory_space<vmem>>
      %dma_wait3A_95 = tpu.memref_squeeze %dma_wait3A_94 : memref<1x128xi32, #tpu.memory_space<vmem>> -> memref<128xi32, #tpu.memory_space<vmem>>
      %dma_wait3A_96 = arith.constant 0 : i32
      %dma_wait3A_97 = arith.constant 0 : i32
      %dma_wait3A_98 = tpu.memref_slice %arg2[%dma_wait3A_96, %dma_wait3A_97] : memref<10000x64xf32, #tpu.memory_space<hbm>> -> memref<10000x64xf32, #tpu.memory_space<hbm>>
      tpu.wait_indirect_dma semaphore(%arg13 : memref<!tpu.dma_semaphore, #tpu.memory_space<semaphore_mem>>) src(%dma_wait3A_98 : memref<10000x64xf32, #tpu.memory_space<hbm>>) dst(%arg10 : memref<128x64xf32, #tpu.memory_space<vmem>>)
      %add3A_99 = arith.constant 2 : i32
      %add3A_100 = arith.addi %add3A_93, %add3A_99 : i32
      %sub3A = arith.constant 1 : i32
      %sub3A_101 = arith.subi %add3A_100, %sub3A : i32
      %dma_start3A_102 = arith.constant 0 : i32
      %dma_start3A_103 = tpu.memref_slice %arg8[%sub3A_101, %dma_start3A_102] : memref<112x128xi32, #tpu.memory_space<vmem>> -> memref<1x128xi32, #tpu.memory_space<vmem>>
      %dma_start3A_104 = tpu.memref_squeeze %dma_start3A_103 : memref<1x128xi32, #tpu.memory_space<vmem>> -> memref<128xi32, #tpu.memory_space<vmem>>
      %dma_start3A_105 = arith.constant 0 : i32
      %dma_start3A_106 = arith.constant 0 : i32
      %dma_start3A_107 = tpu.memref_slice %arg2[%dma_start3A_105, %dma_start3A_106] : memref<10000x64xf32, #tpu.memory_space<hbm>> -> memref<10000x64xf32, #tpu.memory_space<hbm>>
      tpu.enqueue_indirect_dma source(%dma_start3A_107 : memref<10000x64xf32, #tpu.memory_space<hbm>>) target(%arg11 : memref<128x64xf32, #tpu.memory_space<vmem>>) offsets(%dma_start3A_104 : memref<128xi32, #tpu.memory_space<vmem>>) semaphore(%arg14 : memref<!tpu.dma_semaphore, #tpu.memory_space<semaphore_mem>>)
      "tpu.region"() ({
        %run_scoped3A = tpu.sem_alloc : memref<!tpu.dma_semaphore, #tpu.memory_space<semaphore_mem>>
        %dma_start3A_124 = arith.constant 0 : i32
        %dma_start3A_125 = tpu.memref_slice %arg9[%add3A_93, %dma_start3A_124] : memref<112x128xi32, #tpu.memory_space<vmem>> -> memref<1x128xi32, #tpu.memory_space<vmem>>
        %dma_start3A_126 = tpu.memref_squeeze %dma_start3A_125 : memref<1x128xi32, #tpu.memory_space<vmem>> -> memref<128xi32, #tpu.memory_space<vmem>>
        %dma_start3A_127 = arith.constant 0 : i32
        %dma_start3A_128 = arith.constant 0 : i32
        %dma_start3A_129 = tpu.memref_slice %arg12[%dma_start3A_127, %dma_start3A_128] : memref<10008x64xf32, #tpu.memory_space<vmem_shared>> -> memref<10008x64xf32, #tpu.memory_space<vmem_shared>>
        tpu.enqueue_indirect_dma source(%arg10 : memref<128x64xf32, #tpu.memory_space<vmem>>) target(%dma_start3A_129 : memref<10008x64xf32, #tpu.memory_space<vmem_shared>>) offsets(%dma_start3A_126 : memref<128xi32, #tpu.memory_space<vmem>>) semaphore(%run_scoped3A : memref<!tpu.dma_semaphore, #tpu.memory_space<semaphore_mem>>) {add = true}
        %dma_wait3A_130 = arith.constant 0 : i32
        %dma_wait3A_131 = tpu.memref_slice %arg9[%add3A_93, %dma_wait3A_130] : memref<112x128xi32, #tpu.memory_space<vmem>> -> memref<1x128xi32, #tpu.memory_space<vmem>>
        %dma_wait3A_132 = tpu.memref_squeeze %dma_wait3A_131 : memref<1x128xi32, #tpu.memory_space<vmem>> -> memref<128xi32, #tpu.memory_space<vmem>>
        %dma_wait3A_133 = arith.constant 0 : i32
        %dma_wait3A_134 = arith.constant 0 : i32
        %dma_wait3A_135 = tpu.memref_slice %arg12[%dma_wait3A_133, %dma_wait3A_134] : memref<10008x64xf32, #tpu.memory_space<vmem_shared>> -> memref<10008x64xf32, #tpu.memory_space<vmem_shared>>
        tpu.wait_indirect_dma semaphore(%run_scoped3A : memref<!tpu.dma_semaphore, #tpu.memory_space<semaphore_mem>>) src(%arg10 : memref<128x64xf32, #tpu.memory_space<vmem>>) dst(%dma_wait3A_135 : memref<10008x64xf32, #tpu.memory_space<vmem_shared>>)
        tpu.yield
      }) : () -> ()
      %mul3A_108 = arith.constant 2 : i32
      %mul3A_109 = arith.muli %mul3A_108, %while3A_89 : i32
      %add3A_110 = arith.constant 1 : i32
      %add3A_111 = arith.addi %mul3A_109, %add3A_110 : i32
      %dma_wait3A_112 = arith.constant 0 : i32
      %dma_wait3A_113 = tpu.memref_slice %arg8[%add3A_111, %dma_wait3A_112] : memref<112x128xi32, #tpu.memory_space<vmem>> -> memref<1x128xi32, #tpu.memory_space<vmem>>
      %dma_wait3A_114 = tpu.memref_squeeze %dma_wait3A_113 : memref<1x128xi32, #tpu.memory_space<vmem>> -> memref<128xi32, #tpu.memory_space<vmem>>
      %dma_wait3A_115 = arith.constant 0 : i32
      %dma_wait3A_116 = arith.constant 0 : i32
      %dma_wait3A_117 = tpu.memref_slice %arg2[%dma_wait3A_115, %dma_wait3A_116] : memref<10000x64xf32, #tpu.memory_space<hbm>> -> memref<10000x64xf32, #tpu.memory_space<hbm>>
      tpu.wait_indirect_dma semaphore(%arg14 : memref<!tpu.dma_semaphore, #tpu.memory_space<semaphore_mem>>) src(%dma_wait3A_117 : memref<10000x64xf32, #tpu.memory_space<hbm>>) dst(%arg11 : memref<128x64xf32, #tpu.memory_space<vmem>>)
      %sub3A_118 = arith.constant 1 : i32
      %sub3A_119 = arith.subi %select_n3A_3, %sub3A_118 : i32
      %lt3A_120 = arith.cmpi slt, %while3A_89, %sub3A_119 : i32
      %convert_element_type3A_121 = arith.extui %lt3A_120 : i1 to i32
      %cond3A_122 = arith.constant 0 : i32
      %cond3A_123 = arith.cmpi ne, %convert_element_type3A_121, %cond3A_122 : i32
      scf.if %cond3A_123 {
        %add3A_124 = arith.constant 2 : i32
        %add3A_125 = arith.addi %add3A_111, %add3A_124 : i32
        %sub3A_126 = arith.constant 1 : i32
        %sub3A_127 = arith.subi %add3A_125, %sub3A_126 : i32
        %dma_start3A_128 = arith.constant 0 : i32
        %dma_start3A_129 = tpu.memref_slice %arg8[%sub3A_127, %dma_start3A_128] : memref<112x128xi32, #tpu.memory_space<vmem>> -> memref<1x128xi32, #tpu.memory_space<vmem>>
        %dma_start3A_130 = tpu.memref_squeeze %dma_start3A_129 : memref<1x128xi32, #tpu.memory_space<vmem>> -> memref<128xi32, #tpu.memory_space<vmem>>
        %dma_start3A_131 = arith.constant 0 : i32
        %dma_start3A_132 = arith.constant 0 : i32
        %dma_start3A_133 = tpu.memref_slice %arg2[%dma_start3A_131, %dma_start3A_132] : memref<10000x64xf32, #tpu.memory_space<hbm>> -> memref<10000x64xf32, #tpu.memory_space<hbm>>
        tpu.enqueue_indirect_dma source(%dma_start3A_133 : memref<10000x64xf32, #tpu.memory_space<hbm>>) target(%arg10 : memref<128x64xf32, #tpu.memory_space<vmem>>) offsets(%dma_start3A_130 : memref<128xi32, #tpu.memory_space<vmem>>) semaphore(%arg13 : memref<!tpu.dma_semaphore, #tpu.memory_space<semaphore_mem>>)
      } else {
      }
      "tpu.region"() ({
        %run_scoped3A = tpu.sem_alloc : memref<!tpu.dma_semaphore, #tpu.memory_space<semaphore_mem>>
        %dma_start3A_124 = arith.constant 0 : i32
        %dma_start3A_125 = tpu.memref_slice %arg9[%add3A_111, %dma_start3A_124] : memref<112x128xi32, #tpu.memory_space<vmem>> -> memref<1x128xi32, #tpu.memory_space<vmem>>
        %dma_start3A_126 = tpu.memref_squeeze %dma_start3A_125 : memref<1x128xi32, #tpu.memory_space<vmem>> -> memref<128xi32, #tpu.memory_space<vmem>>
        %dma_start3A_127 = arith.constant 0 : i32
        %dma_start3A_128 = arith.constant 0 : i32
        %dma_start3A_129 = tpu.memref_slice %arg12[%dma_start3A_127, %dma_start3A_128] : memref<10008x64xf32, #tpu.memory_space<vmem_shared>> -> memref<10008x64xf32, #tpu.memory_space<vmem_shared>>
        tpu.enqueue_indirect_dma source(%arg11 : memref<128x64xf32, #tpu.memory_space<vmem>>) target(%dma_start3A_129 : memref<10008x64xf32, #tpu.memory_space<vmem_shared>>) offsets(%dma_start3A_126 : memref<128xi32, #tpu.memory_space<vmem>>) semaphore(%run_scoped3A : memref<!tpu.dma_semaphore, #tpu.memory_space<semaphore_mem>>) {add = true}
        %dma_wait3A_130 = arith.constant 0 : i32
        %dma_wait3A_131 = tpu.memref_slice %arg9[%add3A_111, %dma_wait3A_130] : memref<112x128xi32, #tpu.memory_space<vmem>> -> memref<1x128xi32, #tpu.memory_space<vmem>>
        %dma_wait3A_132 = tpu.memref_squeeze %dma_wait3A_131 : memref<1x128xi32, #tpu.memory_space<vmem>> -> memref<128xi32, #tpu.memory_space<vmem>>
        %dma_wait3A_133 = arith.constant 0 : i32
        %dma_wait3A_134 = arith.constant 0 : i32
        %dma_wait3A_135 = tpu.memref_slice %arg12[%dma_wait3A_133, %dma_wait3A_134] : memref<10008x64xf32, #tpu.memory_space<vmem_shared>> -> memref<10008x64xf32, #tpu.memory_space<vmem_shared>>
        tpu.wait_indirect_dma semaphore(%run_scoped3A : memref<!tpu.dma_semaphore, #tpu.memory_space<semaphore_mem>>) src(%arg11 : memref<128x64xf32, #tpu.memory_space<vmem>>) dst(%dma_wait3A_135 : memref<10008x64xf32, #tpu.memory_space<vmem_shared>>)
        tpu.yield
      }) : () -> ()
    }
    %while3A_27 = arith.constant 1 : i32
    scf.for %while3A_89 = %while3A_25 to %while3A_21 step %while3A_27  : i32 {
      %mul3A_90 = arith.constant 2 : i32
      %mul3A_91 = arith.muli %mul3A_90, %while3A_89 : i32
      %add3A_92 = arith.constant 0 : i32
      %add3A_93 = arith.addi %mul3A_91, %add3A_92 : i32
      %dma_wait3A = arith.constant 0 : i32
      %dma_wait3A_94 = tpu.memref_slice %arg8[%add3A_93, %dma_wait3A] : memref<112x128xi32, #tpu.memory_space<vmem>> -> memref<1x128xi32, #tpu.memory_space<vmem>>
      %dma_wait3A_95 = tpu.memref_squeeze %dma_wait3A_94 : memref<1x128xi32, #tpu.memory_space<vmem>> -> memref<128xi32, #tpu.memory_space<vmem>>
      %dma_wait3A_96 = arith.constant 0 : i32
      %dma_wait3A_97 = arith.constant 0 : i32
      %dma_wait3A_98 = tpu.memref_slice %arg2[%dma_wait3A_96, %dma_wait3A_97] : memref<10000x64xf32, #tpu.memory_space<hbm>> -> memref<10000x64xf32, #tpu.memory_space<hbm>>
      tpu.wait_indirect_dma semaphore(%arg13 : memref<!tpu.dma_semaphore, #tpu.memory_space<semaphore_mem>>) src(%dma_wait3A_98 : memref<10000x64xf32, #tpu.memory_space<hbm>>) dst(%arg10 : memref<128x64xf32, #tpu.memory_space<vmem>>)
      %add3A_99 = arith.constant 2 : i32
      %add3A_100 = arith.addi %add3A_93, %add3A_99 : i32
      %sub3A = arith.constant 1 : i32
      %sub3A_101 = arith.subi %add3A_100, %sub3A : i32
      %dma_start3A_102 = arith.constant 0 : i32
      %dma_start3A_103 = tpu.memref_slice %arg8[%sub3A_101, %dma_start3A_102] : memref<112x128xi32, #tpu.memory_space<vmem>> -> memref<1x128xi32, #tpu.memory_space<vmem>>
      %dma_start3A_104 = tpu.memref_squeeze %dma_start3A_103 : memref<1x128xi32, #tpu.memory_space<vmem>> -> memref<128xi32, #tpu.memory_space<vmem>>
      %dma_start3A_105 = arith.constant 0 : i32
      %dma_start3A_106 = arith.constant 0 : i32
      %dma_start3A_107 = tpu.memref_slice %arg2[%dma_start3A_105, %dma_start3A_106] : memref<10000x64xf32, #tpu.memory_space<hbm>> -> memref<10000x64xf32, #tpu.memory_space<hbm>>
      tpu.enqueue_indirect_dma source(%dma_start3A_107 : memref<10000x64xf32, #tpu.memory_space<hbm>>) target(%arg11 : memref<128x64xf32, #tpu.memory_space<vmem>>) offsets(%dma_start3A_104 : memref<128xi32, #tpu.memory_space<vmem>>) semaphore(%arg14 : memref<!tpu.dma_semaphore, #tpu.memory_space<semaphore_mem>>)
      "tpu.region"() ({
        %run_scoped3A = tpu.sem_alloc : memref<!tpu.dma_semaphore, #tpu.memory_space<semaphore_mem>>
        %dma_start3A_124 = arith.constant 0 : i32
        %dma_start3A_125 = tpu.memref_slice %arg9[%add3A_93, %dma_start3A_124] : memref<112x128xi32, #tpu.memory_space<vmem>> -> memref<1x128xi32, #tpu.memory_space<vmem>>
        %dma_start3A_126 = tpu.memref_squeeze %dma_start3A_125 : memref<1x128xi32, #tpu.memory_space<vmem>> -> memref<128xi32, #tpu.memory_space<vmem>>
        %dma_start3A_127 = arith.constant 0 : i32
        %dma_start3A_128 = arith.constant 0 : i32
        %dma_start3A_129 = tpu.memref_slice %arg12[%dma_start3A_127, %dma_start3A_128] : memref<10008x64xf32, #tpu.memory_space<vmem_shared>> -> memref<10008x64xf32, #tpu.memory_space<vmem_shared>>
        tpu.enqueue_indirect_dma source(%arg10 : memref<128x64xf32, #tpu.memory_space<vmem>>) target(%dma_start3A_129 : memref<10008x64xf32, #tpu.memory_space<vmem_shared>>) offsets(%dma_start3A_126 : memref<128xi32, #tpu.memory_space<vmem>>) semaphore(%run_scoped3A : memref<!tpu.dma_semaphore, #tpu.memory_space<semaphore_mem>>) {add = true}
        %dma_wait3A_130 = arith.constant 0 : i32
        %dma_wait3A_131 = tpu.memref_slice %arg9[%add3A_93, %dma_wait3A_130] : memref<112x128xi32, #tpu.memory_space<vmem>> -> memref<1x128xi32, #tpu.memory_space<vmem>>
        %dma_wait3A_132 = tpu.memref_squeeze %dma_wait3A_131 : memref<1x128xi32, #tpu.memory_space<vmem>> -> memref<128xi32, #tpu.memory_space<vmem>>
        %dma_wait3A_133 = arith.constant 0 : i32
        %dma_wait3A_134 = arith.constant 0 : i32
        %dma_wait3A_135 = tpu.memref_slice %arg12[%dma_wait3A_133, %dma_wait3A_134] : memref<10008x64xf32, #tpu.memory_space<vmem_shared>> -> memref<10008x64xf32, #tpu.memory_space<vmem_shared>>
        tpu.wait_indirect_dma semaphore(%run_scoped3A : memref<!tpu.dma_semaphore, #tpu.memory_space<semaphore_mem>>) src(%arg10 : memref<128x64xf32, #tpu.memory_space<vmem>>) dst(%dma_wait3A_135 : memref<10008x64xf32, #tpu.memory_space<vmem_shared>>)
        tpu.yield
      }) : () -> ()
      %mul3A_108 = arith.constant 2 : i32
      %mul3A_109 = arith.muli %mul3A_108, %while3A_89 : i32
      %add3A_110 = arith.constant 1 : i32
      %add3A_111 = arith.addi %mul3A_109, %add3A_110 : i32
      %dma_wait3A_112 = arith.constant 0 : i32
      %dma_wait3A_113 = tpu.memref_slice %arg8[%add3A_111, %dma_wait3A_112] : memref<112x128xi32, #tpu.memory_space<vmem>> -> memref<1x128xi32, #tpu.memory_space<vmem>>
      %dma_wait3A_114 = tpu.memref_squeeze %dma_wait3A_113 : memref<1x128xi32, #tpu.memory_space<vmem>> -> memref<128xi32, #tpu.memory_space<vmem>>
      %dma_wait3A_115 = arith.constant 0 : i32
      %dma_wait3A_116 = arith.constant 0 : i32
      %dma_wait3A_117 = tpu.memref_slice %arg2[%dma_wait3A_115, %dma_wait3A_116] : memref<10000x64xf32, #tpu.memory_space<hbm>> -> memref<10000x64xf32, #tpu.memory_space<hbm>>
      tpu.wait_indirect_dma semaphore(%arg14 : memref<!tpu.dma_semaphore, #tpu.memory_space<semaphore_mem>>) src(%dma_wait3A_117 : memref<10000x64xf32, #tpu.memory_space<hbm>>) dst(%arg11 : memref<128x64xf32, #tpu.memory_space<vmem>>)
      %sub3A_118 = arith.constant 1 : i32
      %sub3A_119 = arith.subi %select_n3A_3, %sub3A_118 : i32
      %lt3A_120 = arith.cmpi slt, %while3A_89, %sub3A_119 : i32
      %convert_element_type3A_121 = arith.extui %lt3A_120 : i1 to i32
      %cond3A_122 = arith.constant 0 : i32
      %cond3A_123 = arith.cmpi ne, %convert_element_type3A_121, %cond3A_122 : i32
      scf.if %cond3A_123 {
        %add3A_124 = arith.constant 2 : i32
        %add3A_125 = arith.addi %add3A_111, %add3A_124 : i32
        %sub3A_126 = arith.constant 1 : i32
        %sub3A_127 = arith.subi %add3A_125, %sub3A_126 : i32
        %dma_start3A_128 = arith.constant 0 : i32
        %dma_start3A_129 = tpu.memref_slice %arg8[%sub3A_127, %dma_start3A_128] : memref<112x128xi32, #tpu.memory_space<vmem>> -> memref<1x128xi32, #tpu.memory_space<vmem>>
        %dma_start3A_130 = tpu.memref_squeeze %dma_start3A_129 : memref<1x128xi32, #tpu.memory_space<vmem>> -> memref<128xi32, #tpu.memory_space<vmem>>
        %dma_start3A_131 = arith.constant 0 : i32
        %dma_start3A_132 = arith.constant 0 : i32
        %dma_start3A_133 = tpu.memref_slice %arg2[%dma_start3A_131, %dma_start3A_132] : memref<10000x64xf32, #tpu.memory_space<hbm>> -> memref<10000x64xf32, #tpu.memory_space<hbm>>
        tpu.enqueue_indirect_dma source(%dma_start3A_133 : memref<10000x64xf32, #tpu.memory_space<hbm>>) target(%arg10 : memref<128x64xf32, #tpu.memory_space<vmem>>) offsets(%dma_start3A_130 : memref<128xi32, #tpu.memory_space<vmem>>) semaphore(%arg13 : memref<!tpu.dma_semaphore, #tpu.memory_space<semaphore_mem>>)
      } else {
      }
      "tpu.region"() ({
        %run_scoped3A = tpu.sem_alloc : memref<!tpu.dma_semaphore, #tpu.memory_space<semaphore_mem>>
        %dma_start3A_124 = arith.constant 0 : i32
        %dma_start3A_125 = tpu.memref_slice %arg9[%add3A_111, %dma_start3A_124] : memref<112x128xi32, #tpu.memory_space<vmem>> -> memref<1x128xi32, #tpu.memory_space<vmem>>
        %dma_start3A_126 = tpu.memref_squeeze %dma_start3A_125 : memref<1x128xi32, #tpu.memory_space<vmem>> -> memref<128xi32, #tpu.memory_space<vmem>>
        %dma_start3A_127 = arith.constant 0 : i32
        %dma_start3A_128 = arith.constant 0 : i32
        %dma_start3A_129 = tpu.memref_slice %arg12[%dma_start3A_127, %dma_start3A_128] : memref<10008x64xf32, #tpu.memory_space<vmem_shared>> -> memref<10008x64xf32, #tpu.memory_space<vmem_shared>>
        tpu.enqueue_indirect_dma source(%arg11 : memref<128x64xf32, #tpu.memory_space<vmem>>) target(%dma_start3A_129 : memref<10008x64xf32, #tpu.memory_space<vmem_shared>>) offsets(%dma_start3A_126 : memref<128xi32, #tpu.memory_space<vmem>>) semaphore(%run_scoped3A : memref<!tpu.dma_semaphore, #tpu.memory_space<semaphore_mem>>) {add = true}
        %dma_wait3A_130 = arith.constant 0 : i32
        %dma_wait3A_131 = tpu.memref_slice %arg9[%add3A_111, %dma_wait3A_130] : memref<112x128xi32, #tpu.memory_space<vmem>> -> memref<1x128xi32, #tpu.memory_space<vmem>>
        %dma_wait3A_132 = tpu.memref_squeeze %dma_wait3A_131 : memref<1x128xi32, #tpu.memory_space<vmem>> -> memref<128xi32, #tpu.memory_space<vmem>>
        %dma_wait3A_133 = arith.constant 0 : i32
        %dma_wait3A_134 = arith.constant 0 : i32
        %dma_wait3A_135 = tpu.memref_slice %arg12[%dma_wait3A_133, %dma_wait3A_134] : memref<10008x64xf32, #tpu.memory_space<vmem_shared>> -> memref<10008x64xf32, #tpu.memory_space<vmem_shared>>
        tpu.wait_indirect_dma semaphore(%run_scoped3A : memref<!tpu.dma_semaphore, #tpu.memory_space<semaphore_mem>>) src(%arg11 : memref<128x64xf32, #tpu.memory_space<vmem>>) dst(%dma_wait3A_135 : memref<10008x64xf32, #tpu.memory_space<vmem_shared>>)
        tpu.yield
      }) : () -> ()
    }
    %barrier3A_28 = arith.constant 0 : index
    tpu.barrier barrier_id(%barrier3A_28)
    %mul3A_29 = arith.constant 632 : i32
    %mul3A_30 = arith.muli %arg1, %mul3A_29 : i32
    %multiple_of3A_31 = tpu.assume_multiple %mul3A_30, 8 : i32
    %lt3A_32 = arith.constant 15 : i32
    %lt3A_33 = arith.cmpi slt, %arg1, %lt3A_32 : i32
    %convert_element_type3A_34 = arith.extui %lt3A_33 : i1 to i32
    %cond3A_35 = arith.constant 0 : i32
    %cond3A_36 = arith.cmpi ne, %convert_element_type3A_34, %cond3A_35 : i32
    scf.if %cond3A_36 {
      %run_scoped3A = arith.constant 0 : i32
      "tpu.region"() ({
        %run_scoped3A_89 = tpu.sem_alloc : memref<!tpu.dma_semaphore, #tpu.memory_space<semaphore_mem>>
        %dma_start3A_90 = arith.constant 0 : i32
        %dma_start3A_91 = tpu.memref_slice %arg7[%arg0, %run_scoped3A, %multiple_of3A_31, %dma_start3A_90] : memref<2x2x10000x64xf32, #tpu.memory_space<hbm>> -> memref<1x1x632x64xf32, #tpu.memory_space<hbm>>
        %dma_start3A_92 = tpu.memref_squeeze %dma_start3A_91 : memref<1x1x632x64xf32, #tpu.memory_space<hbm>> -> memref<632x64xf32, #tpu.memory_space<hbm>>
        %dma_start3A_93 = arith.constant 0 : i32
        %dma_start3A_94 = tpu.memref_slice %arg12[%multiple_of3A_31, %dma_start3A_93] : memref<10008x64xf32, #tpu.memory_space<vmem_shared>> -> memref<632x64xf32, #tpu.memory_space<vmem_shared>>
        tpu.enqueue_dma source(%dma_start3A_94 : memref<632x64xf32, #tpu.memory_space<vmem_shared>>) target(%dma_start3A_92 : memref<632x64xf32, #tpu.memory_space<hbm>>) target_semaphore(%run_scoped3A_89 : memref<!tpu.dma_semaphore, #tpu.memory_space<semaphore_mem>>)
        %dma_wait3A = arith.constant 0 : i32
        %dma_wait3A_95 = tpu.memref_slice %arg7[%arg0, %run_scoped3A, %multiple_of3A_31, %dma_wait3A] : memref<2x2x10000x64xf32, #tpu.memory_space<hbm>> -> memref<1x1x632x64xf32, #tpu.memory_space<hbm>>
        %dma_wait3A_96 = tpu.memref_squeeze %dma_wait3A_95 : memref<1x1x632x64xf32, #tpu.memory_space<hbm>> -> memref<632x64xf32, #tpu.memory_space<hbm>>
        %dma_wait3A_97 = arith.constant 0 : i32
        %dma_wait3A_98 = tpu.memref_slice %arg12[%multiple_of3A_31, %dma_wait3A_97] : memref<10008x64xf32, #tpu.memory_space<vmem_shared>> -> memref<632x64xf32, #tpu.memory_space<vmem_shared>>
        tpu.wait_dma2 semaphore(%run_scoped3A_89 : memref<!tpu.dma_semaphore, #tpu.memory_space<semaphore_mem>>) src(%dma_wait3A_98 : memref<632x64xf32, #tpu.memory_space<vmem_shared>>) dst(%dma_wait3A_96 : memref<632x64xf32, #tpu.memory_space<hbm>>)
        tpu.yield
      }) : () -> ()
    } else {
    }
    %eq3A_37 = arith.constant 15 : i32
    %eq3A_38 = arith.cmpi eq, %arg1, %eq3A_37 : i32
    %convert_element_type3A_39 = arith.extui %eq3A_38 : i1 to i32
    %cond3A_40 = arith.constant 0 : i32
    %cond3A_41 = arith.cmpi ne, %convert_element_type3A_39, %cond3A_40 : i32
    scf.if %cond3A_41 {
      %run_scoped3A = arith.constant 0 : i32
      "tpu.region"() ({
        %run_scoped3A_89 = tpu.sem_alloc : memref<!tpu.dma_semaphore, #tpu.memory_space<semaphore_mem>>
        %dma_start3A_90 = arith.constant 0 : i32
        %dma_start3A_91 = tpu.memref_slice %arg7[%arg0, %run_scoped3A, %multiple_of3A_31, %dma_start3A_90] : memref<2x2x10000x64xf32, #tpu.memory_space<hbm>> -> memref<1x1x520x64xf32, #tpu.memory_space<hbm>>
        %dma_start3A_92 = tpu.memref_squeeze %dma_start3A_91 : memref<1x1x520x64xf32, #tpu.memory_space<hbm>> -> memref<520x64xf32, #tpu.memory_space<hbm>>
        %dma_start3A_93 = arith.constant 0 : i32
        %dma_start3A_94 = tpu.memref_slice %arg12[%multiple_of3A_31, %dma_start3A_93] : memref<10008x64xf32, #tpu.memory_space<vmem_shared>> -> memref<520x64xf32, #tpu.memory_space<vmem_shared>>
        tpu.enqueue_dma source(%dma_start3A_94 : memref<520x64xf32, #tpu.memory_space<vmem_shared>>) target(%dma_start3A_92 : memref<520x64xf32, #tpu.memory_space<hbm>>) target_semaphore(%run_scoped3A_89 : memref<!tpu.dma_semaphore, #tpu.memory_space<semaphore_mem>>)
        %dma_wait3A = arith.constant 0 : i32
        %dma_wait3A_95 = tpu.memref_slice %arg7[%arg0, %run_scoped3A, %multiple_of3A_31, %dma_wait3A] : memref<2x2x10000x64xf32, #tpu.memory_space<hbm>> -> memref<1x1x520x64xf32, #tpu.memory_space<hbm>>
        %dma_wait3A_96 = tpu.memref_squeeze %dma_wait3A_95 : memref<1x1x520x64xf32, #tpu.memory_space<hbm>> -> memref<520x64xf32, #tpu.memory_space<hbm>>
        %dma_wait3A_97 = arith.constant 0 : i32
        %dma_wait3A_98 = tpu.memref_slice %arg12[%multiple_of3A_31, %dma_wait3A_97] : memref<10008x64xf32, #tpu.memory_space<vmem_shared>> -> memref<520x64xf32, #tpu.memory_space<vmem_shared>>
        tpu.wait_dma2 semaphore(%run_scoped3A_89 : memref<!tpu.dma_semaphore, #tpu.memory_space<semaphore_mem>>) src(%dma_wait3A_98 : memref<520x64xf32, #tpu.memory_space<vmem_shared>>) dst(%dma_wait3A_96 : memref<520x64xf32, #tpu.memory_space<hbm>>)
        tpu.yield
      }) : () -> ()
    } else {
    }
    %barrier3A_42 = arith.constant 0 : index
    tpu.barrier barrier_id(%barrier3A_42)
    %mul3A_43 = arith.constant 632 : i32
    %mul3A_44 = arith.muli %arg1, %mul3A_43 : i32
    %multiple_of3A_45 = tpu.assume_multiple %mul3A_44, 8 : i32
    %lt3A_46 = arith.constant 15 : i32
    %lt3A_47 = arith.cmpi slt, %arg1, %lt3A_46 : i32
    %convert_element_type3A_48 = arith.extui %lt3A_47 : i1 to i32
    %cond3A_49 = arith.constant 0 : i32
    %cond3A_50 = arith.cmpi ne, %convert_element_type3A_48, %cond3A_49 : i32
    scf.if %cond3A_50 {
      "tpu.region"() ({
        %run_scoped3A = tpu.sem_alloc : memref<!tpu.dma_semaphore, #tpu.memory_space<semaphore_mem>>
        %dma_start3A_89 = arith.constant 0 : i32
        %dma_start3A_90 = tpu.memref_slice %arg12[%multiple_of3A_45, %dma_start3A_89] : memref<10008x64xf32, #tpu.memory_space<vmem_shared>> -> memref<632x64xf32, #tpu.memory_space<vmem_shared>>
        %dma_start3A_91 = arith.constant 0 : i32
        %dma_start3A_92 = tpu.memref_slice %arg6[%multiple_of3A_45, %dma_start3A_91] : memref<10000x64xf32, #tpu.memory_space<hbm>> -> memref<632x64xf32, #tpu.memory_space<hbm>>
        tpu.enqueue_dma source(%dma_start3A_92 : memref<632x64xf32, #tpu.memory_space<hbm>>) target(%dma_start3A_90 : memref<632x64xf32, #tpu.memory_space<vmem_shared>>) target_semaphore(%run_scoped3A : memref<!tpu.dma_semaphore, #tpu.memory_space<semaphore_mem>>)
        %dma_wait3A = arith.constant 0 : i32
        %dma_wait3A_93 = tpu.memref_slice %arg12[%multiple_of3A_45, %dma_wait3A] : memref<10008x64xf32, #tpu.memory_space<vmem_shared>> -> memref<632x64xf32, #tpu.memory_space<vmem_shared>>
        %dma_wait3A_94 = arith.constant 0 : i32
        %dma_wait3A_95 = tpu.memref_slice %arg6[%multiple_of3A_45, %dma_wait3A_94] : memref<10000x64xf32, #tpu.memory_space<hbm>> -> memref<632x64xf32, #tpu.memory_space<hbm>>
        tpu.wait_dma2 semaphore(%run_scoped3A : memref<!tpu.dma_semaphore, #tpu.memory_space<semaphore_mem>>) src(%dma_wait3A_95 : memref<632x64xf32, #tpu.memory_space<hbm>>) dst(%dma_wait3A_93 : memref<632x64xf32, #tpu.memory_space<vmem_shared>>)
        tpu.yield
      }) : () -> ()
    } else {
    }
    %eq3A_51 = arith.constant 15 : i32
    %eq3A_52 = arith.cmpi eq, %arg1, %eq3A_51 : i32
    %convert_element_type3A_53 = arith.extui %eq3A_52 : i1 to i32
    %cond3A_54 = arith.constant 0 : i32
    %cond3A_55 = arith.cmpi ne, %convert_element_type3A_53, %cond3A_54 : i32
    scf.if %cond3A_55 {
      "tpu.region"() ({
        %run_scoped3A = tpu.sem_alloc : memref<!tpu.dma_semaphore, #tpu.memory_space<semaphore_mem>>
        %dma_start3A_89 = arith.constant 0 : i32
        %dma_start3A_90 = tpu.memref_slice %arg12[%multiple_of3A_45, %dma_start3A_89] : memref<10008x64xf32, #tpu.memory_space<vmem_shared>> -> memref<520x64xf32, #tpu.memory_space<vmem_shared>>
        %dma_start3A_91 = arith.constant 0 : i32
        %dma_start3A_92 = tpu.memref_slice %arg6[%multiple_of3A_45, %dma_start3A_91] : memref<10000x64xf32, #tpu.memory_space<hbm>> -> memref<520x64xf32, #tpu.memory_space<hbm>>
        tpu.enqueue_dma source(%dma_start3A_92 : memref<520x64xf32, #tpu.memory_space<hbm>>) target(%dma_start3A_90 : memref<520x64xf32, #tpu.memory_space<vmem_shared>>) target_semaphore(%run_scoped3A : memref<!tpu.dma_semaphore, #tpu.memory_space<semaphore_mem>>)
        %dma_wait3A = arith.constant 0 : i32
        %dma_wait3A_93 = tpu.memref_slice %arg12[%multiple_of3A_45, %dma_wait3A] : memref<10008x64xf32, #tpu.memory_space<vmem_shared>> -> memref<520x64xf32, #tpu.memory_space<vmem_shared>>
        %dma_wait3A_94 = arith.constant 0 : i32
        %dma_wait3A_95 = tpu.memref_slice %arg6[%multiple_of3A_45, %dma_wait3A_94] : memref<10000x64xf32, #tpu.memory_space<hbm>> -> memref<520x64xf32, #tpu.memory_space<hbm>>
        tpu.wait_dma2 semaphore(%run_scoped3A : memref<!tpu.dma_semaphore, #tpu.memory_space<semaphore_mem>>) src(%dma_wait3A_95 : memref<520x64xf32, #tpu.memory_space<hbm>>) dst(%dma_wait3A_93 : memref<520x64xf32, #tpu.memory_space<vmem_shared>>)
        tpu.yield
      }) : () -> ()
    } else {
    }
    %barrier3A_56 = arith.constant 0 : index
    tpu.barrier barrier_id(%barrier3A_56)
    %dma_start3A_57 = arith.constant 0 : i32
    %dma_start3A_58 = arith.constant 0 : i32
    %dma_start3A_59 = tpu.memref_slice %arg8[%dma_start3A_57, %dma_start3A_58] : memref<112x128xi32, #tpu.memory_space<vmem>> -> memref<1x128xi32, #tpu.memory_space<vmem>>
    %dma_start3A_60 = tpu.memref_squeeze %dma_start3A_59 : memref<1x128xi32, #tpu.memory_space<vmem>> -> memref<128xi32, #tpu.memory_space<vmem>>
    %dma_start3A_61 = arith.constant 0 : i32
    %dma_start3A_62 = arith.constant 0 : i32
    %dma_start3A_63 = tpu.memref_slice %arg3[%dma_start3A_61, %dma_start3A_62] : memref<10000x64xf32, #tpu.memory_space<hbm>> -> memref<10000x64xf32, #tpu.memory_space<hbm>>
    tpu.enqueue_indirect_dma source(%dma_start3A_63 : memref<10000x64xf32, #tpu.memory_space<hbm>>) target(%arg10 : memref<128x64xf32, #tpu.memory_space<vmem>>) offsets(%dma_start3A_60 : memref<128xi32, #tpu.memory_space<vmem>>) semaphore(%arg13 : memref<!tpu.dma_semaphore, #tpu.memory_space<semaphore_mem>>)
    %while3A_64 = arith.constant 0 : i32
    %while3A_65 = arith.constant 0 : i32
    %while3A_66 = arith.subi %select_n3A_3, %while3A_65 : i32
    %while3A_67 = arith.addi %while3A_65, %while3A_66 : i32
    %while3A_68 = arith.constant 1 : i32
    %while3A_69 = arith.divsi %while3A_66, %while3A_68 : i32
    %while3A_70 = arith.muli %while3A_69, %while3A_68 : i32
    %while3A_71 = arith.addi %while3A_65, %while3A_70 : i32
    %while3A_72 = arith.constant 1 : i32
    scf.for %while3A_89 = %while3A_65 to %while3A_71 step %while3A_72  : i32 {
      %mul3A_90 = arith.constant 2 : i32
      %mul3A_91 = arith.muli %mul3A_90, %while3A_89 : i32
      %add3A_92 = arith.constant 0 : i32
      %add3A_93 = arith.addi %mul3A_91, %add3A_92 : i32
      %dma_wait3A = arith.constant 0 : i32
      %dma_wait3A_94 = tpu.memref_slice %arg8[%add3A_93, %dma_wait3A] : memref<112x128xi32, #tpu.memory_space<vmem>> -> memref<1x128xi32, #tpu.memory_space<vmem>>
      %dma_wait3A_95 = tpu.memref_squeeze %dma_wait3A_94 : memref<1x128xi32, #tpu.memory_space<vmem>> -> memref<128xi32, #tpu.memory_space<vmem>>
      %dma_wait3A_96 = arith.constant 0 : i32
      %dma_wait3A_97 = arith.constant 0 : i32
      %dma_wait3A_98 = tpu.memref_slice %arg3[%dma_wait3A_96, %dma_wait3A_97] : memref<10000x64xf32, #tpu.memory_space<hbm>> -> memref<10000x64xf32, #tpu.memory_space<hbm>>
      tpu.wait_indirect_dma semaphore(%arg13 : memref<!tpu.dma_semaphore, #tpu.memory_space<semaphore_mem>>) src(%dma_wait3A_98 : memref<10000x64xf32, #tpu.memory_space<hbm>>) dst(%arg10 : memref<128x64xf32, #tpu.memory_space<vmem>>)
      %add3A_99 = arith.constant 2 : i32
      %add3A_100 = arith.addi %add3A_93, %add3A_99 : i32
      %sub3A = arith.constant 1 : i32
      %sub3A_101 = arith.subi %add3A_100, %sub3A : i32
      %dma_start3A_102 = arith.constant 0 : i32
      %dma_start3A_103 = tpu.memref_slice %arg8[%sub3A_101, %dma_start3A_102] : memref<112x128xi32, #tpu.memory_space<vmem>> -> memref<1x128xi32, #tpu.memory_space<vmem>>
      %dma_start3A_104 = tpu.memref_squeeze %dma_start3A_103 : memref<1x128xi32, #tpu.memory_space<vmem>> -> memref<128xi32, #tpu.memory_space<vmem>>
      %dma_start3A_105 = arith.constant 0 : i32
      %dma_start3A_106 = arith.constant 0 : i32
      %dma_start3A_107 = tpu.memref_slice %arg3[%dma_start3A_105, %dma_start3A_106] : memref<10000x64xf32, #tpu.memory_space<hbm>> -> memref<10000x64xf32, #tpu.memory_space<hbm>>
      tpu.enqueue_indirect_dma source(%dma_start3A_107 : memref<10000x64xf32, #tpu.memory_space<hbm>>) target(%arg11 : memref<128x64xf32, #tpu.memory_space<vmem>>) offsets(%dma_start3A_104 : memref<128xi32, #tpu.memory_space<vmem>>) semaphore(%arg14 : memref<!tpu.dma_semaphore, #tpu.memory_space<semaphore_mem>>)
      "tpu.region"() ({
        %run_scoped3A = tpu.sem_alloc : memref<!tpu.dma_semaphore, #tpu.memory_space<semaphore_mem>>
        %dma_start3A_124 = arith.constant 0 : i32
        %dma_start3A_125 = tpu.memref_slice %arg9[%add3A_93, %dma_start3A_124] : memref<112x128xi32, #tpu.memory_space<vmem>> -> memref<1x128xi32, #tpu.memory_space<vmem>>
        %dma_start3A_126 = tpu.memref_squeeze %dma_start3A_125 : memref<1x128xi32, #tpu.memory_space<vmem>> -> memref<128xi32, #tpu.memory_space<vmem>>
        %dma_start3A_127 = arith.constant 0 : i32
        %dma_start3A_128 = arith.constant 0 : i32
        %dma_start3A_129 = tpu.memref_slice %arg12[%dma_start3A_127, %dma_start3A_128] : memref<10008x64xf32, #tpu.memory_space<vmem_shared>> -> memref<10008x64xf32, #tpu.memory_space<vmem_shared>>
        tpu.enqueue_indirect_dma source(%arg10 : memref<128x64xf32, #tpu.memory_space<vmem>>) target(%dma_start3A_129 : memref<10008x64xf32, #tpu.memory_space<vmem_shared>>) offsets(%dma_start3A_126 : memref<128xi32, #tpu.memory_space<vmem>>) semaphore(%run_scoped3A : memref<!tpu.dma_semaphore, #tpu.memory_space<semaphore_mem>>) {add = true}
        %dma_wait3A_130 = arith.constant 0 : i32
        %dma_wait3A_131 = tpu.memref_slice %arg9[%add3A_93, %dma_wait3A_130] : memref<112x128xi32, #tpu.memory_space<vmem>> -> memref<1x128xi32, #tpu.memory_space<vmem>>
        %dma_wait3A_132 = tpu.memref_squeeze %dma_wait3A_131 : memref<1x128xi32, #tpu.memory_space<vmem>> -> memref<128xi32, #tpu.memory_space<vmem>>
        %dma_wait3A_133 = arith.constant 0 : i32
        %dma_wait3A_134 = arith.constant 0 : i32
        %dma_wait3A_135 = tpu.memref_slice %arg12[%dma_wait3A_133, %dma_wait3A_134] : memref<10008x64xf32, #tpu.memory_space<vmem_shared>> -> memref<10008x64xf32, #tpu.memory_space<vmem_shared>>
        tpu.wait_indirect_dma semaphore(%run_scoped3A : memref<!tpu.dma_semaphore, #tpu.memory_space<semaphore_mem>>) src(%arg10 : memref<128x64xf32, #tpu.memory_space<vmem>>) dst(%dma_wait3A_135 : memref<10008x64xf32, #tpu.memory_space<vmem_shared>>)
        tpu.yield
      }) : () -> ()
      %mul3A_108 = arith.constant 2 : i32
      %mul3A_109 = arith.muli %mul3A_108, %while3A_89 : i32
      %add3A_110 = arith.constant 1 : i32
      %add3A_111 = arith.addi %mul3A_109, %add3A_110 : i32
      %dma_wait3A_112 = arith.constant 0 : i32
      %dma_wait3A_113 = tpu.memref_slice %arg8[%add3A_111, %dma_wait3A_112] : memref<112x128xi32, #tpu.memory_space<vmem>> -> memref<1x128xi32, #tpu.memory_space<vmem>>
      %dma_wait3A_114 = tpu.memref_squeeze %dma_wait3A_113 : memref<1x128xi32, #tpu.memory_space<vmem>> -> memref<128xi32, #tpu.memory_space<vmem>>
      %dma_wait3A_115 = arith.constant 0 : i32
      %dma_wait3A_116 = arith.constant 0 : i32
      %dma_wait3A_117 = tpu.memref_slice %arg3[%dma_wait3A_115, %dma_wait3A_116] : memref<10000x64xf32, #tpu.memory_space<hbm>> -> memref<10000x64xf32, #tpu.memory_space<hbm>>
      tpu.wait_indirect_dma semaphore(%arg14 : memref<!tpu.dma_semaphore, #tpu.memory_space<semaphore_mem>>) src(%dma_wait3A_117 : memref<10000x64xf32, #tpu.memory_space<hbm>>) dst(%arg11 : memref<128x64xf32, #tpu.memory_space<vmem>>)
      %sub3A_118 = arith.constant 1 : i32
      %sub3A_119 = arith.subi %select_n3A_3, %sub3A_118 : i32
      %lt3A_120 = arith.cmpi slt, %while3A_89, %sub3A_119 : i32
      %convert_element_type3A_121 = arith.extui %lt3A_120 : i1 to i32
      %cond3A_122 = arith.constant 0 : i32
      %cond3A_123 = arith.cmpi ne, %convert_element_type3A_121, %cond3A_122 : i32
      scf.if %cond3A_123 {
        %add3A_124 = arith.constant 2 : i32
        %add3A_125 = arith.addi %add3A_111, %add3A_124 : i32
        %sub3A_126 = arith.constant 1 : i32
        %sub3A_127 = arith.subi %add3A_125, %sub3A_126 : i32
        %dma_start3A_128 = arith.constant 0 : i32
        %dma_start3A_129 = tpu.memref_slice %arg8[%sub3A_127, %dma_start3A_128] : memref<112x128xi32, #tpu.memory_space<vmem>> -> memref<1x128xi32, #tpu.memory_space<vmem>>
        %dma_start3A_130 = tpu.memref_squeeze %dma_start3A_129 : memref<1x128xi32, #tpu.memory_space<vmem>> -> memref<128xi32, #tpu.memory_space<vmem>>
        %dma_start3A_131 = arith.constant 0 : i32
        %dma_start3A_132 = arith.constant 0 : i32
        %dma_start3A_133 = tpu.memref_slice %arg3[%dma_start3A_131, %dma_start3A_132] : memref<10000x64xf32, #tpu.memory_space<hbm>> -> memref<10000x64xf32, #tpu.memory_space<hbm>>
        tpu.enqueue_indirect_dma source(%dma_start3A_133 : memref<10000x64xf32, #tpu.memory_space<hbm>>) target(%arg10 : memref<128x64xf32, #tpu.memory_space<vmem>>) offsets(%dma_start3A_130 : memref<128xi32, #tpu.memory_space<vmem>>) semaphore(%arg13 : memref<!tpu.dma_semaphore, #tpu.memory_space<semaphore_mem>>)
      } else {
      }
      "tpu.region"() ({
        %run_scoped3A = tpu.sem_alloc : memref<!tpu.dma_semaphore, #tpu.memory_space<semaphore_mem>>
        %dma_start3A_124 = arith.constant 0 : i32
        %dma_start3A_125 = tpu.memref_slice %arg9[%add3A_111, %dma_start3A_124] : memref<112x128xi32, #tpu.memory_space<vmem>> -> memref<1x128xi32, #tpu.memory_space<vmem>>
        %dma_start3A_126 = tpu.memref_squeeze %dma_start3A_125 : memref<1x128xi32, #tpu.memory_space<vmem>> -> memref<128xi32, #tpu.memory_space<vmem>>
        %dma_start3A_127 = arith.constant 0 : i32
        %dma_start3A_128 = arith.constant 0 : i32
        %dma_start3A_129 = tpu.memref_slice %arg12[%dma_start3A_127, %dma_start3A_128] : memref<10008x64xf32, #tpu.memory_space<vmem_shared>> -> memref<10008x64xf32, #tpu.memory_space<vmem_shared>>
        tpu.enqueue_indirect_dma source(%arg11 : memref<128x64xf32, #tpu.memory_space<vmem>>) target(%dma_start3A_129 : memref<10008x64xf32, #tpu.memory_space<vmem_shared>>) offsets(%dma_start3A_126 : memref<128xi32, #tpu.memory_space<vmem>>) semaphore(%run_scoped3A : memref<!tpu.dma_semaphore, #tpu.memory_space<semaphore_mem>>) {add = true}
        %dma_wait3A_130 = arith.constant 0 : i32
        %dma_wait3A_131 = tpu.memref_slice %arg9[%add3A_111, %dma_wait3A_130] : memref<112x128xi32, #tpu.memory_space<vmem>> -> memref<1x128xi32, #tpu.memory_space<vmem>>
        %dma_wait3A_132 = tpu.memref_squeeze %dma_wait3A_131 : memref<1x128xi32, #tpu.memory_space<vmem>> -> memref<128xi32, #tpu.memory_space<vmem>>
        %dma_wait3A_133 = arith.constant 0 : i32
        %dma_wait3A_134 = arith.constant 0 : i32
        %dma_wait3A_135 = tpu.memref_slice %arg12[%dma_wait3A_133, %dma_wait3A_134] : memref<10008x64xf32, #tpu.memory_space<vmem_shared>> -> memref<10008x64xf32, #tpu.memory_space<vmem_shared>>
        tpu.wait_indirect_dma semaphore(%run_scoped3A : memref<!tpu.dma_semaphore, #tpu.memory_space<semaphore_mem>>) src(%arg11 : memref<128x64xf32, #tpu.memory_space<vmem>>) dst(%dma_wait3A_135 : memref<10008x64xf32, #tpu.memory_space<vmem_shared>>)
        tpu.yield
      }) : () -> ()
    }
    %while3A_73 = arith.constant 1 : i32
    scf.for %while3A_89 = %while3A_71 to %while3A_67 step %while3A_73  : i32 {
      %mul3A_90 = arith.constant 2 : i32
      %mul3A_91 = arith.muli %mul3A_90, %while3A_89 : i32
      %add3A_92 = arith.constant 0 : i32
      %add3A_93 = arith.addi %mul3A_91, %add3A_92 : i32
      %dma_wait3A = arith.constant 0 : i32
      %dma_wait3A_94 = tpu.memref_slice %arg8[%add3A_93, %dma_wait3A] : memref<112x128xi32, #tpu.memory_space<vmem>> -> memref<1x128xi32, #tpu.memory_space<vmem>>
      %dma_wait3A_95 = tpu.memref_squeeze %dma_wait3A_94 : memref<1x128xi32, #tpu.memory_space<vmem>> -> memref<128xi32, #tpu.memory_space<vmem>>
      %dma_wait3A_96 = arith.constant 0 : i32
      %dma_wait3A_97 = arith.constant 0 : i32
      %dma_wait3A_98 = tpu.memref_slice %arg3[%dma_wait3A_96, %dma_wait3A_97] : memref<10000x64xf32, #tpu.memory_space<hbm>> -> memref<10000x64xf32, #tpu.memory_space<hbm>>
      tpu.wait_indirect_dma semaphore(%arg13 : memref<!tpu.dma_semaphore, #tpu.memory_space<semaphore_mem>>) src(%dma_wait3A_98 : memref<10000x64xf32, #tpu.memory_space<hbm>>) dst(%arg10 : memref<128x64xf32, #tpu.memory_space<vmem>>)
      %add3A_99 = arith.constant 2 : i32
      %add3A_100 = arith.addi %add3A_93, %add3A_99 : i32
      %sub3A = arith.constant 1 : i32
      %sub3A_101 = arith.subi %add3A_100, %sub3A : i32
      %dma_start3A_102 = arith.constant 0 : i32
      %dma_start3A_103 = tpu.memref_slice %arg8[%sub3A_101, %dma_start3A_102] : memref<112x128xi32, #tpu.memory_space<vmem>> -> memref<1x128xi32, #tpu.memory_space<vmem>>
      %dma_start3A_104 = tpu.memref_squeeze %dma_start3A_103 : memref<1x128xi32, #tpu.memory_space<vmem>> -> memref<128xi32, #tpu.memory_space<vmem>>
      %dma_start3A_105 = arith.constant 0 : i32
      %dma_start3A_106 = arith.constant 0 : i32
      %dma_start3A_107 = tpu.memref_slice %arg3[%dma_start3A_105, %dma_start3A_106] : memref<10000x64xf32, #tpu.memory_space<hbm>> -> memref<10000x64xf32, #tpu.memory_space<hbm>>
      tpu.enqueue_indirect_dma source(%dma_start3A_107 : memref<10000x64xf32, #tpu.memory_space<hbm>>) target(%arg11 : memref<128x64xf32, #tpu.memory_space<vmem>>) offsets(%dma_start3A_104 : memref<128xi32, #tpu.memory_space<vmem>>) semaphore(%arg14 : memref<!tpu.dma_semaphore, #tpu.memory_space<semaphore_mem>>)
      "tpu.region"() ({
        %run_scoped3A = tpu.sem_alloc : memref<!tpu.dma_semaphore, #tpu.memory_space<semaphore_mem>>
        %dma_start3A_124 = arith.constant 0 : i32
        %dma_start3A_125 = tpu.memref_slice %arg9[%add3A_93, %dma_start3A_124] : memref<112x128xi32, #tpu.memory_space<vmem>> -> memref<1x128xi32, #tpu.memory_space<vmem>>
        %dma_start3A_126 = tpu.memref_squeeze %dma_start3A_125 : memref<1x128xi32, #tpu.memory_space<vmem>> -> memref<128xi32, #tpu.memory_space<vmem>>
        %dma_start3A_127 = arith.constant 0 : i32
        %dma_start3A_128 = arith.constant 0 : i32
        %dma_start3A_129 = tpu.memref_slice %arg12[%dma_start3A_127, %dma_start3A_128] : memref<10008x64xf32, #tpu.memory_space<vmem_shared>> -> memref<10008x64xf32, #tpu.memory_space<vmem_shared>>
        tpu.enqueue_indirect_dma source(%arg10 : memref<128x64xf32, #tpu.memory_space<vmem>>) target(%dma_start3A_129 : memref<10008x64xf32, #tpu.memory_space<vmem_shared>>) offsets(%dma_start3A_126 : memref<128xi32, #tpu.memory_space<vmem>>) semaphore(%run_scoped3A : memref<!tpu.dma_semaphore, #tpu.memory_space<semaphore_mem>>) {add = true}
        %dma_wait3A_130 = arith.constant 0 : i32
        %dma_wait3A_131 = tpu.memref_slice %arg9[%add3A_93, %dma_wait3A_130] : memref<112x128xi32, #tpu.memory_space<vmem>> -> memref<1x128xi32, #tpu.memory_space<vmem>>
        %dma_wait3A_132 = tpu.memref_squeeze %dma_wait3A_131 : memref<1x128xi32, #tpu.memory_space<vmem>> -> memref<128xi32, #tpu.memory_space<vmem>>
        %dma_wait3A_133 = arith.constant 0 : i32
        %dma_wait3A_134 = arith.constant 0 : i32
        %dma_wait3A_135 = tpu.memref_slice %arg12[%dma_wait3A_133, %dma_wait3A_134] : memref<10008x64xf32, #tpu.memory_space<vmem_shared>> -> memref<10008x64xf32, #tpu.memory_space<vmem_shared>>
        tpu.wait_indirect_dma semaphore(%run_scoped3A : memref<!tpu.dma_semaphore, #tpu.memory_space<semaphore_mem>>) src(%arg10 : memref<128x64xf32, #tpu.memory_space<vmem>>) dst(%dma_wait3A_135 : memref<10008x64xf32, #tpu.memory_space<vmem_shared>>)
        tpu.yield
      }) : () -> ()
      %mul3A_108 = arith.constant 2 : i32
      %mul3A_109 = arith.muli %mul3A_108, %while3A_89 : i32
      %add3A_110 = arith.constant 1 : i32
      %add3A_111 = arith.addi %mul3A_109, %add3A_110 : i32
      %dma_wait3A_112 = arith.constant 0 : i32
      %dma_wait3A_113 = tpu.memref_slice %arg8[%add3A_111, %dma_wait3A_112] : memref<112x128xi32, #tpu.memory_space<vmem>> -> memref<1x128xi32, #tpu.memory_space<vmem>>
      %dma_wait3A_114 = tpu.memref_squeeze %dma_wait3A_113 : memref<1x128xi32, #tpu.memory_space<vmem>> -> memref<128xi32, #tpu.memory_space<vmem>>
      %dma_wait3A_115 = arith.constant 0 : i32
      %dma_wait3A_116 = arith.constant 0 : i32
      %dma_wait3A_117 = tpu.memref_slice %arg3[%dma_wait3A_115, %dma_wait3A_116] : memref<10000x64xf32, #tpu.memory_space<hbm>> -> memref<10000x64xf32, #tpu.memory_space<hbm>>
      tpu.wait_indirect_dma semaphore(%arg14 : memref<!tpu.dma_semaphore, #tpu.memory_space<semaphore_mem>>) src(%dma_wait3A_117 : memref<10000x64xf32, #tpu.memory_space<hbm>>) dst(%arg11 : memref<128x64xf32, #tpu.memory_space<vmem>>)
      %sub3A_118 = arith.constant 1 : i32
      %sub3A_119 = arith.subi %select_n3A_3, %sub3A_118 : i32
      %lt3A_120 = arith.cmpi slt, %while3A_89, %sub3A_119 : i32
      %convert_element_type3A_121 = arith.extui %lt3A_120 : i1 to i32
      %cond3A_122 = arith.constant 0 : i32
      %cond3A_123 = arith.cmpi ne, %convert_element_type3A_121, %cond3A_122 : i32
      scf.if %cond3A_123 {
        %add3A_124 = arith.constant 2 : i32
        %add3A_125 = arith.addi %add3A_111, %add3A_124 : i32
        %sub3A_126 = arith.constant 1 : i32
        %sub3A_127 = arith.subi %add3A_125, %sub3A_126 : i32
        %dma_start3A_128 = arith.constant 0 : i32
        %dma_start3A_129 = tpu.memref_slice %arg8[%sub3A_127, %dma_start3A_128] : memref<112x128xi32, #tpu.memory_space<vmem>> -> memref<1x128xi32, #tpu.memory_space<vmem>>
        %dma_start3A_130 = tpu.memref_squeeze %dma_start3A_129 : memref<1x128xi32, #tpu.memory_space<vmem>> -> memref<128xi32, #tpu.memory_space<vmem>>
        %dma_start3A_131 = arith.constant 0 : i32
        %dma_start3A_132 = arith.constant 0 : i32
        %dma_start3A_133 = tpu.memref_slice %arg3[%dma_start3A_131, %dma_start3A_132] : memref<10000x64xf32, #tpu.memory_space<hbm>> -> memref<10000x64xf32, #tpu.memory_space<hbm>>
        tpu.enqueue_indirect_dma source(%dma_start3A_133 : memref<10000x64xf32, #tpu.memory_space<hbm>>) target(%arg10 : memref<128x64xf32, #tpu.memory_space<vmem>>) offsets(%dma_start3A_130 : memref<128xi32, #tpu.memory_space<vmem>>) semaphore(%arg13 : memref<!tpu.dma_semaphore, #tpu.memory_space<semaphore_mem>>)
      } else {
      }
      "tpu.region"() ({
        %run_scoped3A = tpu.sem_alloc : memref<!tpu.dma_semaphore, #tpu.memory_space<semaphore_mem>>
        %dma_start3A_124 = arith.constant 0 : i32
        %dma_start3A_125 = tpu.memref_slice %arg9[%add3A_111, %dma_start3A_124] : memref<112x128xi32, #tpu.memory_space<vmem>> -> memref<1x128xi32, #tpu.memory_space<vmem>>
        %dma_start3A_126 = tpu.memref_squeeze %dma_start3A_125 : memref<1x128xi32, #tpu.memory_space<vmem>> -> memref<128xi32, #tpu.memory_space<vmem>>
        %dma_start3A_127 = arith.constant 0 : i32
        %dma_start3A_128 = arith.constant 0 : i32
        %dma_start3A_129 = tpu.memref_slice %arg12[%dma_start3A_127, %dma_start3A_128] : memref<10008x64xf32, #tpu.memory_space<vmem_shared>> -> memref<10008x64xf32, #tpu.memory_space<vmem_shared>>
        tpu.enqueue_indirect_dma source(%arg11 : memref<128x64xf32, #tpu.memory_space<vmem>>) target(%dma_start3A_129 : memref<10008x64xf32, #tpu.memory_space<vmem_shared>>) offsets(%dma_start3A_126 : memref<128xi32, #tpu.memory_space<vmem>>) semaphore(%run_scoped3A : memref<!tpu.dma_semaphore, #tpu.memory_space<semaphore_mem>>) {add = true}
        %dma_wait3A_130 = arith.constant 0 : i32
        %dma_wait3A_131 = tpu.memref_slice %arg9[%add3A_111, %dma_wait3A_130] : memref<112x128xi32, #tpu.memory_space<vmem>> -> memref<1x128xi32, #tpu.memory_space<vmem>>
        %dma_wait3A_132 = tpu.memref_squeeze %dma_wait3A_131 : memref<1x128xi32, #tpu.memory_space<vmem>> -> memref<128xi32, #tpu.memory_space<vmem>>
        %dma_wait3A_133 = arith.constant 0 : i32
        %dma_wait3A_134 = arith.constant 0 : i32
        %dma_wait3A_135 = tpu.memref_slice %arg12[%dma_wait3A_133, %dma_wait3A_134] : memref<10008x64xf32, #tpu.memory_space<vmem_shared>> -> memref<10008x64xf32, #tpu.memory_space<vmem_shared>>
        tpu.wait_indirect_dma semaphore(%run_scoped3A : memref<!tpu.dma_semaphore, #tpu.memory_space<semaphore_mem>>) src(%arg11 : memref<128x64xf32, #tpu.memory_space<vmem>>) dst(%dma_wait3A_135 : memref<10008x64xf32, #tpu.memory_space<vmem_shared>>)
        tpu.yield
      }) : () -> ()
    }
    %barrier3A_74 = arith.constant 0 : index
    tpu.barrier barrier_id(%barrier3A_74)
    %mul3A_75 = arith.constant 632 : i32
    %mul3A_76 = arith.muli %arg1, %mul3A_75 : i32
    %multiple_of3A_77 = tpu.assume_multiple %mul3A_76, 8 : i32
    %lt3A_78 = arith.constant 15 : i32
    %lt3A_79 = arith.cmpi slt, %arg1, %lt3A_78 : i32
    %convert_element_type3A_80 = arith.extui %lt3A_79 : i1 to i32
    %cond3A_81 = arith.constant 0 : i32
    %cond3A_82 = arith.cmpi ne, %convert_element_type3A_80, %cond3A_81 : i32
    scf.if %cond3A_82 {
      %run_scoped3A = arith.constant 1 : i32
      "tpu.region"() ({
        %run_scoped3A_89 = tpu.sem_alloc : memref<!tpu.dma_semaphore, #tpu.memory_space<semaphore_mem>>
        %dma_start3A_90 = arith.constant 0 : i32
        %dma_start3A_91 = tpu.memref_slice %arg7[%arg0, %run_scoped3A, %multiple_of3A_77, %dma_start3A_90] : memref<2x2x10000x64xf32, #tpu.memory_space<hbm>> -> memref<1x1x632x64xf32, #tpu.memory_space<hbm>>
        %dma_start3A_92 = tpu.memref_squeeze %dma_start3A_91 : memref<1x1x632x64xf32, #tpu.memory_space<hbm>> -> memref<632x64xf32, #tpu.memory_space<hbm>>
        %dma_start3A_93 = arith.constant 0 : i32
        %dma_start3A_94 = tpu.memref_slice %arg12[%multiple_of3A_77, %dma_start3A_93] : memref<10008x64xf32, #tpu.memory_space<vmem_shared>> -> memref<632x64xf32, #tpu.memory_space<vmem_shared>>
        tpu.enqueue_dma source(%dma_start3A_94 : memref<632x64xf32, #tpu.memory_space<vmem_shared>>) target(%dma_start3A_92 : memref<632x64xf32, #tpu.memory_space<hbm>>) target_semaphore(%run_scoped3A_89 : memref<!tpu.dma_semaphore, #tpu.memory_space<semaphore_mem>>)
        %dma_wait3A = arith.constant 0 : i32
        %dma_wait3A_95 = tpu.memref_slice %arg7[%arg0, %run_scoped3A, %multiple_of3A_77, %dma_wait3A] : memref<2x2x10000x64xf32, #tpu.memory_space<hbm>> -> memref<1x1x632x64xf32, #tpu.memory_space<hbm>>
        %dma_wait3A_96 = tpu.memref_squeeze %dma_wait3A_95 : memref<1x1x632x64xf32, #tpu.memory_space<hbm>> -> memref<632x64xf32, #tpu.memory_space<hbm>>
        %dma_wait3A_97 = arith.constant 0 : i32
        %dma_wait3A_98 = tpu.memref_slice %arg12[%multiple_of3A_77, %dma_wait3A_97] : memref<10008x64xf32, #tpu.memory_space<vmem_shared>> -> memref<632x64xf32, #tpu.memory_space<vmem_shared>>
        tpu.wait_dma2 semaphore(%run_scoped3A_89 : memref<!tpu.dma_semaphore, #tpu.memory_space<semaphore_mem>>) src(%dma_wait3A_98 : memref<632x64xf32, #tpu.memory_space<vmem_shared>>) dst(%dma_wait3A_96 : memref<632x64xf32, #tpu.memory_space<hbm>>)
        tpu.yield
      }) : () -> ()
    } else {
    }
    %eq3A_83 = arith.constant 15 : i32
    %eq3A_84 = arith.cmpi eq, %arg1, %eq3A_83 : i32
    %convert_element_type3A_85 = arith.extui %eq3A_84 : i1 to i32
    %cond3A_86 = arith.constant 0 : i32
    %cond3A_87 = arith.cmpi ne, %convert_element_type3A_85, %cond3A_86 : i32
    scf.if %cond3A_87 {
      %run_scoped3A = arith.constant 1 : i32
      "tpu.region"() ({
        %run_scoped3A_89 = tpu.sem_alloc : memref<!tpu.dma_semaphore, #tpu.memory_space<semaphore_mem>>
        %dma_start3A_90 = arith.constant 0 : i32
        %dma_start3A_91 = tpu.memref_slice %arg7[%arg0, %run_scoped3A, %multiple_of3A_77, %dma_start3A_90] : memref<2x2x10000x64xf32, #tpu.memory_space<hbm>> -> memref<1x1x520x64xf32, #tpu.memory_space<hbm>>
        %dma_start3A_92 = tpu.memref_squeeze %dma_start3A_91 : memref<1x1x520x64xf32, #tpu.memory_space<hbm>> -> memref<520x64xf32, #tpu.memory_space<hbm>>
        %dma_start3A_93 = arith.constant 0 : i32
        %dma_start3A_94 = tpu.memref_slice %arg12[%multiple_of3A_77, %dma_start3A_93] : memref<10008x64xf32, #tpu.memory_space<vmem_shared>> -> memref<520x64xf32, #tpu.memory_space<vmem_shared>>
        tpu.enqueue_dma source(%dma_start3A_94 : memref<520x64xf32, #tpu.memory_space<vmem_shared>>) target(%dma_start3A_92 : memref<520x64xf32, #tpu.memory_space<hbm>>) target_semaphore(%run_scoped3A_89 : memref<!tpu.dma_semaphore, #tpu.memory_space<semaphore_mem>>)
        %dma_wait3A = arith.constant 0 : i32
        %dma_wait3A_95 = tpu.memref_slice %arg7[%arg0, %run_scoped3A, %multiple_of3A_77, %dma_wait3A] : memref<2x2x10000x64xf32, #tpu.memory_space<hbm>> -> memref<1x1x520x64xf32, #tpu.memory_space<hbm>>
        %dma_wait3A_96 = tpu.memref_squeeze %dma_wait3A_95 : memref<1x1x520x64xf32, #tpu.memory_space<hbm>> -> memref<520x64xf32, #tpu.memory_space<hbm>>
        %dma_wait3A_97 = arith.constant 0 : i32
        %dma_wait3A_98 = tpu.memref_slice %arg12[%multiple_of3A_77, %dma_wait3A_97] : memref<10008x64xf32, #tpu.memory_space<vmem_shared>> -> memref<520x64xf32, #tpu.memory_space<vmem_shared>>
        tpu.wait_dma2 semaphore(%run_scoped3A_89 : memref<!tpu.dma_semaphore, #tpu.memory_space<semaphore_mem>>) src(%dma_wait3A_98 : memref<520x64xf32, #tpu.memory_space<vmem_shared>>) dst(%dma_wait3A_96 : memref<520x64xf32, #tpu.memory_space<hbm>>)
        tpu.yield
      }) : () -> ()
    } else {
    }
    %barrier3A_88 = arith.constant 0 : index
    tpu.barrier barrier_id(%barrier3A_88)
    return
  }
}

#map = affine_map<(d0, d1) -> (0, 0)>
#map1 = affine_map<(d0, d1) -> (0, 0, 0)>
#map2 = affine_map<(d0, d1) -> (0, 0, 0, 0)>
module attributes {stable_mosaic.version = 14 : i64} {
  func.func @_spmv_sc_body(%arg0: i32, %arg1: i32, %arg2: memref<10000x64xf32, #tpu.memory_space<hbm>>, %arg3: memref<10000x64xf32, #tpu.memory_space<hbm>>, %arg4: memref<32x112x128xi32, #tpu.memory_space<hbm>>, %arg5: memref<32x112x128xi32, #tpu.memory_space<hbm>>, %arg6: memref<10000x64xf32, #tpu.memory_space<hbm>>, %arg7: memref<2x2x10000x64xf32, #tpu.memory_space<hbm>>, %arg8: memref<112x128xi32, #tpu.memory_space<vmem>>, %arg9: memref<112x128xi32, #tpu.memory_space<vmem>>, %arg10: memref<128x64xf32, #tpu.memory_space<vmem>>, %arg11: memref<128x64xf32, #tpu.memory_space<vmem>>, %arg12: memref<10008x64xf32, #tpu.memory_space<vmem_shared>>, %arg13: memref<!tpu.dma_semaphore, #tpu.memory_space<semaphore_mem>>, %arg14: memref<!tpu.dma_semaphore, #tpu.memory_space<semaphore_mem>>) attributes {dimension_semantics = [#tpu.dimension_semantics<core_parallel>, #tpu.dimension_semantics<subcore_parallel>], iteration_bounds = array<i64: 2, 16>, scalar_prefetch = 0 : i64, scratch_operands = 7 : i64, tpu.core_type = #tpu.core_type<sc_vector_subcore>, window_params = [{transform_indices = #map}, {transform_indices = #map}, {transform_indices = #map1}, {transform_indices = #map1}, {transform_indices = #map}, {transform_indices = #map2}]} {
    %mul3A = arith.constant 16 : i32
    %mul3A_0 = arith.muli %arg0, %mul3A : i32
    %add3A = arith.addi %mul3A_0, %arg1 : i32
    "tpu.region"() ({
      %run_scoped3A = tpu.sem_alloc : memref<!tpu.dma_semaphore, #tpu.memory_space<semaphore_mem>>
      %dma_start3A_89 = arith.constant 0 : i32
      %dma_start3A_90 = arith.constant 0 : i32
      %dma_start3A_91 = tpu.memref_slice %arg4[%add3A, %dma_start3A_89, %dma_start3A_90] : memref<32x112x128xi32, #tpu.memory_space<hbm>> -> memref<1x112x128xi32, #tpu.memory_space<hbm>>
      %dma_start3A_92 = tpu.memref_squeeze %dma_start3A_91 : memref<1x112x128xi32, #tpu.memory_space<hbm>> -> memref<112x128xi32, #tpu.memory_space<hbm>>
      %dma_start3A_93 = arith.constant 0 : i32
      %dma_start3A_94 = arith.constant 0 : i32
      %dma_start3A_95 = tpu.memref_slice %arg4[%add3A, %dma_start3A_93, %dma_start3A_94] : memref<32x112x128xi32, #tpu.memory_space<hbm>> -> memref<1x112x128xi32, #tpu.memory_space<hbm>>
      %dma_start3A_96 = tpu.memref_squeeze %dma_start3A_95 : memref<1x112x128xi32, #tpu.memory_space<hbm>> -> memref<112x128xi32, #tpu.memory_space<hbm>>
      tpu.enqueue_dma source(%dma_start3A_96 : memref<112x128xi32, #tpu.memory_space<hbm>>) target(%arg8 : memref<112x128xi32, #tpu.memory_space<vmem>>) target_semaphore(%run_scoped3A : memref<!tpu.dma_semaphore, #tpu.memory_space<semaphore_mem>>)
      %dma_wait3A = arith.constant 0 : i32
      %dma_wait3A_97 = arith.constant 0 : i32
      %dma_wait3A_98 = tpu.memref_slice %arg4[%add3A, %dma_wait3A, %dma_wait3A_97] : memref<32x112x128xi32, #tpu.memory_space<hbm>> -> memref<1x112x128xi32, #tpu.memory_space<hbm>>
      %dma_wait3A_99 = tpu.memref_squeeze %dma_wait3A_98 : memref<1x112x128xi32, #tpu.memory_space<hbm>> -> memref<112x128xi32, #tpu.memory_space<hbm>>
      %dma_wait3A_100 = arith.constant 0 : i32
      %dma_wait3A_101 = arith.constant 0 : i32
      %dma_wait3A_102 = tpu.memref_slice %arg4[%add3A, %dma_wait3A_100, %dma_wait3A_101] : memref<32x112x128xi32, #tpu.memory_space<hbm>> -> memref<1x112x128xi32, #tpu.memory_space<hbm>>
      %dma_wait3A_103 = tpu.memref_squeeze %dma_wait3A_102 : memref<1x112x128xi32, #tpu.memory_space<hbm>> -> memref<112x128xi32, #tpu.memory_space<hbm>>
      tpu.wait_dma2 semaphore(%run_scoped3A : memref<!tpu.dma_semaphore, #tpu.memory_space<semaphore_mem>>) src(%dma_wait3A_103 : memref<112x128xi32, #tpu.memory_space<hbm>>) dst(%arg8 : memref<112x128xi32, #tpu.memory_space<vmem>>)
      tpu.yield
    }) : () -> ()
    "tpu.region"() ({
      %run_scoped3A = tpu.sem_alloc : memref<!tpu.dma_semaphore, #tpu.memory_space<semaphore_mem>>
      %dma_start3A_89 = arith.constant 0 : i32
      %dma_start3A_90 = arith.constant 0 : i32
      %dma_start3A_91 = tpu.memref_slice %arg5[%add3A, %dma_start3A_89, %dma_start3A_90] : memref<32x112x128xi32, #tpu.memory_space<hbm>> -> memref<1x112x128xi32, #tpu.memory_space<hbm>>
      %dma_start3A_92 = tpu.memref_squeeze %dma_start3A_91 : memref<1x112x128xi32, #tpu.memory_space<hbm>> -> memref<112x128xi32, #tpu.memory_space<hbm>>
      %dma_start3A_93 = arith.constant 0 : i32
      %dma_start3A_94 = arith.constant 0 : i32
      %dma_start3A_95 = tpu.memref_slice %arg5[%add3A, %dma_start3A_93, %dma_start3A_94] : memref<32x112x128xi32, #tpu.memory_space<hbm>> -> memref<1x112x128xi32, #tpu.memory_space<hbm>>
      %dma_start3A_96 = tpu.memref_squeeze %dma_start3A_95 : memref<1x112x128xi32, #tpu.memory_space<hbm>> -> memref<112x128xi32, #tpu.memory_space<hbm>>
      tpu.enqueue_dma source(%dma_start3A_96 : memref<112x128xi32, #tpu.memory_space<hbm>>) target(%arg9 : memref<112x128xi32, #tpu.memory_space<vmem>>) target_semaphore(%run_scoped3A : memref<!tpu.dma_semaphore, #tpu.memory_space<semaphore_mem>>)
      %dma_wait3A = arith.constant 0 : i32
      %dma_wait3A_97 = arith.constant 0 : i32
      %dma_wait3A_98 = tpu.memref_slice %arg5[%add3A, %dma_wait3A, %dma_wait3A_97] : memref<32x112x128xi32, #tpu.memory_space<hbm>> -> memref<1x112x128xi32, #tpu.memory_space<hbm>>
      %dma_wait3A_99 = tpu.memref_squeeze %dma_wait3A_98 : memref<1x112x128xi32, #tpu.memory_space<hbm>> -> memref<112x128xi32, #tpu.memory_space<hbm>>
      %dma_wait3A_100 = arith.constant 0 : i32
      %dma_wait3A_101 = arith.constant 0 : i32
      %dma_wait3A_102 = tpu.memref_slice %arg5[%add3A, %dma_wait3A_100, %dma_wait3A_101] : memref<32x112x128xi32, #tpu.memory_space<hbm>> -> memref<1x112x128xi32, #tpu.memory_space<hbm>>
      %dma_wait3A_103 = tpu.memref_squeeze %dma_wait3A_102 : memref<1x112x128xi32, #tpu.memory_space<hbm>> -> memref<112x128xi32, #tpu.memory_space<hbm>>
      tpu.wait_dma2 semaphore(%run_scoped3A : memref<!tpu.dma_semaphore, #tpu.memory_space<semaphore_mem>>) src(%dma_wait3A_103 : memref<112x128xi32, #tpu.memory_space<hbm>>) dst(%arg9 : memref<112x128xi32, #tpu.memory_space<vmem>>)
      tpu.yield
    }) : () -> ()
    %eq3A = arith.constant 0 : i32
    %eq3A_1 = arith.cmpi eq, %arg0, %eq3A : i32
    %select_n3A = arith.constant 23 : i32
    %select_n3A_2 = arith.constant 56 : i32
    %select_n3A_3 = arith.select %eq3A_1, %select_n3A_2, %select_n3A : i32
    %mul3A_4 = arith.constant 632 : i32
    %mul3A_5 = arith.muli %arg1, %mul3A_4 : i32
    %multiple_of3A = tpu.assume_multiple %mul3A_5, 8 : i32
    %lt3A = arith.constant 15 : i32
    %lt3A_6 = arith.cmpi slt, %arg1, %lt3A : i32
    %convert_element_type3A = arith.extui %lt3A_6 : i1 to i32
    %cond3A = arith.constant 0 : i32
    %cond3A_7 = arith.cmpi ne, %convert_element_type3A, %cond3A : i32
    scf.if %cond3A_7 {
      "tpu.region"() ({
        %run_scoped3A = tpu.sem_alloc : memref<!tpu.dma_semaphore, #tpu.memory_space<semaphore_mem>>
        %dma_start3A_89 = arith.constant 0 : i32
        %dma_start3A_90 = tpu.memref_slice %arg12[%multiple_of3A, %dma_start3A_89] : memref<10008x64xf32, #tpu.memory_space<vmem_shared>> -> memref<632x64xf32, #tpu.memory_space<vmem_shared>>
        %dma_start3A_91 = arith.constant 0 : i32
        %dma_start3A_92 = tpu.memref_slice %arg6[%multiple_of3A, %dma_start3A_91] : memref<10000x64xf32, #tpu.memory_space<hbm>> -> memref<632x64xf32, #tpu.memory_space<hbm>>
        tpu.enqueue_dma source(%dma_start3A_92 : memref<632x64xf32, #tpu.memory_space<hbm>>) target(%dma_start3A_90 : memref<632x64xf32, #tpu.memory_space<vmem_shared>>) target_semaphore(%run_scoped3A : memref<!tpu.dma_semaphore, #tpu.memory_space<semaphore_mem>>)
        %dma_wait3A = arith.constant 0 : i32
        %dma_wait3A_93 = tpu.memref_slice %arg12[%multiple_of3A, %dma_wait3A] : memref<10008x64xf32, #tpu.memory_space<vmem_shared>> -> memref<632x64xf32, #tpu.memory_space<vmem_shared>>
        %dma_wait3A_94 = arith.constant 0 : i32
        %dma_wait3A_95 = tpu.memref_slice %arg6[%multiple_of3A, %dma_wait3A_94] : memref<10000x64xf32, #tpu.memory_space<hbm>> -> memref<632x64xf32, #tpu.memory_space<hbm>>
        tpu.wait_dma2 semaphore(%run_scoped3A : memref<!tpu.dma_semaphore, #tpu.memory_space<semaphore_mem>>) src(%dma_wait3A_95 : memref<632x64xf32, #tpu.memory_space<hbm>>) dst(%dma_wait3A_93 : memref<632x64xf32, #tpu.memory_space<vmem_shared>>)
        tpu.yield
      }) : () -> ()
    } else {
    }
    %eq3A_8 = arith.constant 15 : i32
    %eq3A_9 = arith.cmpi eq, %arg1, %eq3A_8 : i32
    %convert_element_type3A_10 = arith.extui %eq3A_9 : i1 to i32
    %cond3A_11 = arith.constant 0 : i32
    %cond3A_12 = arith.cmpi ne, %convert_element_type3A_10, %cond3A_11 : i32
    scf.if %cond3A_12 {
      "tpu.region"() ({
        %run_scoped3A = tpu.sem_alloc : memref<!tpu.dma_semaphore, #tpu.memory_space<semaphore_mem>>
        %dma_start3A_89 = arith.constant 0 : i32
        %dma_start3A_90 = tpu.memref_slice %arg12[%multiple_of3A, %dma_start3A_89] : memref<10008x64xf32, #tpu.memory_space<vmem_shared>> -> memref<520x64xf32, #tpu.memory_space<vmem_shared>>
        %dma_start3A_91 = arith.constant 0 : i32
        %dma_start3A_92 = tpu.memref_slice %arg6[%multiple_of3A, %dma_start3A_91] : memref<10000x64xf32, #tpu.memory_space<hbm>> -> memref<520x64xf32, #tpu.memory_space<hbm>>
        tpu.enqueue_dma source(%dma_start3A_92 : memref<520x64xf32, #tpu.memory_space<hbm>>) target(%dma_start3A_90 : memref<520x64xf32, #tpu.memory_space<vmem_shared>>) target_semaphore(%run_scoped3A : memref<!tpu.dma_semaphore, #tpu.memory_space<semaphore_mem>>)
        %dma_wait3A = arith.constant 0 : i32
        %dma_wait3A_93 = tpu.memref_slice %arg12[%multiple_of3A, %dma_wait3A] : memref<10008x64xf32, #tpu.memory_space<vmem_shared>> -> memref<520x64xf32, #tpu.memory_space<vmem_shared>>
        %dma_wait3A_94 = arith.constant 0 : i32
        %dma_wait3A_95 = tpu.memref_slice %arg6[%multiple_of3A, %dma_wait3A_94] : memref<10000x64xf32, #tpu.memory_space<hbm>> -> memref<520x64xf32, #tpu.memory_space<hbm>>
        tpu.wait_dma2 semaphore(%run_scoped3A : memref<!tpu.dma_semaphore, #tpu.memory_space<semaphore_mem>>) src(%dma_wait3A_95 : memref<520x64xf32, #tpu.memory_space<hbm>>) dst(%dma_wait3A_93 : memref<520x64xf32, #tpu.memory_space<vmem_shared>>)
        tpu.yield
      }) : () -> ()
    } else {
    }
    %barrier3A = arith.constant 0 : index
    tpu.barrier barrier_id(%barrier3A)
    %dma_start3A = arith.constant 0 : i32
    %dma_start3A_13 = arith.constant 0 : i32
    %dma_start3A_14 = tpu.memref_slice %arg8[%dma_start3A, %dma_start3A_13] : memref<112x128xi32, #tpu.memory_space<vmem>> -> memref<1x128xi32, #tpu.memory_space<vmem>>
    %dma_start3A_15 = tpu.memref_squeeze %dma_start3A_14 : memref<1x128xi32, #tpu.memory_space<vmem>> -> memref<128xi32, #tpu.memory_space<vmem>>
    %dma_start3A_16 = arith.constant 0 : i32
    %dma_start3A_17 = arith.constant 0 : i32
    %dma_start3A_18 = tpu.memref_slice %arg2[%dma_start3A_16, %dma_start3A_17] : memref<10000x64xf32, #tpu.memory_space<hbm>> -> memref<10000x64xf32, #tpu.memory_space<hbm>>
    tpu.enqueue_indirect_dma source(%dma_start3A_18 : memref<10000x64xf32, #tpu.memory_space<hbm>>) target(%arg10 : memref<128x64xf32, #tpu.memory_space<vmem>>) offsets(%dma_start3A_15 : memref<128xi32, #tpu.memory_space<vmem>>) semaphore(%arg13 : memref<!tpu.dma_semaphore, #tpu.memory_space<semaphore_mem>>)
    %while3A = arith.constant 0 : i32
    %while3A_19 = arith.constant 0 : i32
    %while3A_20 = arith.subi %select_n3A_3, %while3A_19 : i32
    %while3A_21 = arith.addi %while3A_19, %while3A_20 : i32
    %while3A_22 = arith.constant 1 : i32
    %while3A_23 = arith.divsi %while3A_20, %while3A_22 : i32
    %while3A_24 = arith.muli %while3A_23, %while3A_22 : i32
    %while3A_25 = arith.addi %while3A_19, %while3A_24 : i32
    %while3A_26 = arith.constant 1 : i32
    scf.for %while3A_89 = %while3A_19 to %while3A_25 step %while3A_26  : i32 {
      %mul3A_90 = arith.constant 2 : i32
      %mul3A_91 = arith.muli %mul3A_90, %while3A_89 : i32
      %add3A_92 = arith.constant 0 : i32
      %add3A_93 = arith.addi %mul3A_91, %add3A_92 : i32
      %dma_wait3A = arith.constant 0 : i32
      %dma_wait3A_94 = tpu.memref_slice %arg8[%add3A_93, %dma_wait3A] : memref<112x128xi32, #tpu.memory_space<vmem>> -> memref<1x128xi32, #tpu.memory_space<vmem>>
      %dma_wait3A_95 = tpu.memref_squeeze %dma_wait3A_94 : memref<1x128xi32, #tpu.memory_space<vmem>> -> memref<128xi32, #tpu.memory_space<vmem>>
      %dma_wait3A_96 = arith.constant 0 : i32
      %dma_wait3A_97 = arith.constant 0 : i32
      %dma_wait3A_98 = tpu.memref_slice %arg2[%dma_wait3A_96, %dma_wait3A_97] : memref<10000x64xf32, #tpu.memory_space<hbm>> -> memref<10000x64xf32, #tpu.memory_space<hbm>>
      tpu.wait_indirect_dma semaphore(%arg13 : memref<!tpu.dma_semaphore, #tpu.memory_space<semaphore_mem>>) src(%dma_wait3A_98 : memref<10000x64xf32, #tpu.memory_space<hbm>>) dst(%arg10 : memref<128x64xf32, #tpu.memory_space<vmem>>)
      %add3A_99 = arith.constant 2 : i32
      %add3A_100 = arith.addi %add3A_93, %add3A_99 : i32
      %sub3A = arith.constant 1 : i32
      %sub3A_101 = arith.subi %add3A_100, %sub3A : i32
      %dma_start3A_102 = arith.constant 0 : i32
      %dma_start3A_103 = tpu.memref_slice %arg8[%sub3A_101, %dma_start3A_102] : memref<112x128xi32, #tpu.memory_space<vmem>> -> memref<1x128xi32, #tpu.memory_space<vmem>>
      %dma_start3A_104 = tpu.memref_squeeze %dma_start3A_103 : memref<1x128xi32, #tpu.memory_space<vmem>> -> memref<128xi32, #tpu.memory_space<vmem>>
      %dma_start3A_105 = arith.constant 0 : i32
      %dma_start3A_106 = arith.constant 0 : i32
      %dma_start3A_107 = tpu.memref_slice %arg2[%dma_start3A_105, %dma_start3A_106] : memref<10000x64xf32, #tpu.memory_space<hbm>> -> memref<10000x64xf32, #tpu.memory_space<hbm>>
      tpu.enqueue_indirect_dma source(%dma_start3A_107 : memref<10000x64xf32, #tpu.memory_space<hbm>>) target(%arg11 : memref<128x64xf32, #tpu.memory_space<vmem>>) offsets(%dma_start3A_104 : memref<128xi32, #tpu.memory_space<vmem>>) semaphore(%arg14 : memref<!tpu.dma_semaphore, #tpu.memory_space<semaphore_mem>>)
      "tpu.region"() ({
        %run_scoped3A = tpu.sem_alloc : memref<!tpu.dma_semaphore, #tpu.memory_space<semaphore_mem>>
        %dma_start3A_124 = arith.constant 0 : i32
        %dma_start3A_125 = tpu.memref_slice %arg9[%add3A_93, %dma_start3A_124] : memref<112x128xi32, #tpu.memory_space<vmem>> -> memref<1x128xi32, #tpu.memory_space<vmem>>
        %dma_start3A_126 = tpu.memref_squeeze %dma_start3A_125 : memref<1x128xi32, #tpu.memory_space<vmem>> -> memref<128xi32, #tpu.memory_space<vmem>>
        %dma_start3A_127 = arith.constant 0 : i32
        %dma_start3A_128 = arith.constant 0 : i32
        %dma_start3A_129 = tpu.memref_slice %arg12[%dma_start3A_127, %dma_start3A_128] : memref<10008x64xf32, #tpu.memory_space<vmem_shared>> -> memref<10008x64xf32, #tpu.memory_space<vmem_shared>>
        tpu.enqueue_indirect_dma source(%arg10 : memref<128x64xf32, #tpu.memory_space<vmem>>) target(%dma_start3A_129 : memref<10008x64xf32, #tpu.memory_space<vmem_shared>>) offsets(%dma_start3A_126 : memref<128xi32, #tpu.memory_space<vmem>>) semaphore(%run_scoped3A : memref<!tpu.dma_semaphore, #tpu.memory_space<semaphore_mem>>) {add = true}
        %dma_wait3A_130 = arith.constant 0 : i32
        %dma_wait3A_131 = tpu.memref_slice %arg9[%add3A_93, %dma_wait3A_130] : memref<112x128xi32, #tpu.memory_space<vmem>> -> memref<1x128xi32, #tpu.memory_space<vmem>>
        %dma_wait3A_132 = tpu.memref_squeeze %dma_wait3A_131 : memref<1x128xi32, #tpu.memory_space<vmem>> -> memref<128xi32, #tpu.memory_space<vmem>>
        %dma_wait3A_133 = arith.constant 0 : i32
        %dma_wait3A_134 = arith.constant 0 : i32
        %dma_wait3A_135 = tpu.memref_slice %arg12[%dma_wait3A_133, %dma_wait3A_134] : memref<10008x64xf32, #tpu.memory_space<vmem_shared>> -> memref<10008x64xf32, #tpu.memory_space<vmem_shared>>
        tpu.wait_indirect_dma semaphore(%run_scoped3A : memref<!tpu.dma_semaphore, #tpu.memory_space<semaphore_mem>>) src(%arg10 : memref<128x64xf32, #tpu.memory_space<vmem>>) dst(%dma_wait3A_135 : memref<10008x64xf32, #tpu.memory_space<vmem_shared>>)
        tpu.yield
      }) : () -> ()
      %mul3A_108 = arith.constant 2 : i32
      %mul3A_109 = arith.muli %mul3A_108, %while3A_89 : i32
      %add3A_110 = arith.constant 1 : i32
      %add3A_111 = arith.addi %mul3A_109, %add3A_110 : i32
      %dma_wait3A_112 = arith.constant 0 : i32
      %dma_wait3A_113 = tpu.memref_slice %arg8[%add3A_111, %dma_wait3A_112] : memref<112x128xi32, #tpu.memory_space<vmem>> -> memref<1x128xi32, #tpu.memory_space<vmem>>
      %dma_wait3A_114 = tpu.memref_squeeze %dma_wait3A_113 : memref<1x128xi32, #tpu.memory_space<vmem>> -> memref<128xi32, #tpu.memory_space<vmem>>
      %dma_wait3A_115 = arith.constant 0 : i32
      %dma_wait3A_116 = arith.constant 0 : i32
      %dma_wait3A_117 = tpu.memref_slice %arg2[%dma_wait3A_115, %dma_wait3A_116] : memref<10000x64xf32, #tpu.memory_space<hbm>> -> memref<10000x64xf32, #tpu.memory_space<hbm>>
      tpu.wait_indirect_dma semaphore(%arg14 : memref<!tpu.dma_semaphore, #tpu.memory_space<semaphore_mem>>) src(%dma_wait3A_117 : memref<10000x64xf32, #tpu.memory_space<hbm>>) dst(%arg11 : memref<128x64xf32, #tpu.memory_space<vmem>>)
      %sub3A_118 = arith.constant 1 : i32
      %sub3A_119 = arith.subi %select_n3A_3, %sub3A_118 : i32
      %lt3A_120 = arith.cmpi slt, %while3A_89, %sub3A_119 : i32
      %convert_element_type3A_121 = arith.extui %lt3A_120 : i1 to i32
      %cond3A_122 = arith.constant 0 : i32
      %cond3A_123 = arith.cmpi ne, %convert_element_type3A_121, %cond3A_122 : i32
      scf.if %cond3A_123 {
        %add3A_124 = arith.constant 2 : i32
        %add3A_125 = arith.addi %add3A_111, %add3A_124 : i32
        %sub3A_126 = arith.constant 1 : i32
        %sub3A_127 = arith.subi %add3A_125, %sub3A_126 : i32
        %dma_start3A_128 = arith.constant 0 : i32
        %dma_start3A_129 = tpu.memref_slice %arg8[%sub3A_127, %dma_start3A_128] : memref<112x128xi32, #tpu.memory_space<vmem>> -> memref<1x128xi32, #tpu.memory_space<vmem>>
        %dma_start3A_130 = tpu.memref_squeeze %dma_start3A_129 : memref<1x128xi32, #tpu.memory_space<vmem>> -> memref<128xi32, #tpu.memory_space<vmem>>
        %dma_start3A_131 = arith.constant 0 : i32
        %dma_start3A_132 = arith.constant 0 : i32
        %dma_start3A_133 = tpu.memref_slice %arg2[%dma_start3A_131, %dma_start3A_132] : memref<10000x64xf32, #tpu.memory_space<hbm>> -> memref<10000x64xf32, #tpu.memory_space<hbm>>
        tpu.enqueue_indirect_dma source(%dma_start3A_133 : memref<10000x64xf32, #tpu.memory_space<hbm>>) target(%arg10 : memref<128x64xf32, #tpu.memory_space<vmem>>) offsets(%dma_start3A_130 : memref<128xi32, #tpu.memory_space<vmem>>) semaphore(%arg13 : memref<!tpu.dma_semaphore, #tpu.memory_space<semaphore_mem>>)
      } else {
      }
      "tpu.region"() ({
        %run_scoped3A = tpu.sem_alloc : memref<!tpu.dma_semaphore, #tpu.memory_space<semaphore_mem>>
        %dma_start3A_124 = arith.constant 0 : i32
        %dma_start3A_125 = tpu.memref_slice %arg9[%add3A_111, %dma_start3A_124] : memref<112x128xi32, #tpu.memory_space<vmem>> -> memref<1x128xi32, #tpu.memory_space<vmem>>
        %dma_start3A_126 = tpu.memref_squeeze %dma_start3A_125 : memref<1x128xi32, #tpu.memory_space<vmem>> -> memref<128xi32, #tpu.memory_space<vmem>>
        %dma_start3A_127 = arith.constant 0 : i32
        %dma_start3A_128 = arith.constant 0 : i32
        %dma_start3A_129 = tpu.memref_slice %arg12[%dma_start3A_127, %dma_start3A_128] : memref<10008x64xf32, #tpu.memory_space<vmem_shared>> -> memref<10008x64xf32, #tpu.memory_space<vmem_shared>>
        tpu.enqueue_indirect_dma source(%arg11 : memref<128x64xf32, #tpu.memory_space<vmem>>) target(%dma_start3A_129 : memref<10008x64xf32, #tpu.memory_space<vmem_shared>>) offsets(%dma_start3A_126 : memref<128xi32, #tpu.memory_space<vmem>>) semaphore(%run_scoped3A : memref<!tpu.dma_semaphore, #tpu.memory_space<semaphore_mem>>) {add = true}
        %dma_wait3A_130 = arith.constant 0 : i32
        %dma_wait3A_131 = tpu.memref_slice %arg9[%add3A_111, %dma_wait3A_130] : memref<112x128xi32, #tpu.memory_space<vmem>> -> memref<1x128xi32, #tpu.memory_space<vmem>>
        %dma_wait3A_132 = tpu.memref_squeeze %dma_wait3A_131 : memref<1x128xi32, #tpu.memory_space<vmem>> -> memref<128xi32, #tpu.memory_space<vmem>>
        %dma_wait3A_133 = arith.constant 0 : i32
        %dma_wait3A_134 = arith.constant 0 : i32
        %dma_wait3A_135 = tpu.memref_slice %arg12[%dma_wait3A_133, %dma_wait3A_134] : memref<10008x64xf32, #tpu.memory_space<vmem_shared>> -> memref<10008x64xf32, #tpu.memory_space<vmem_shared>>
        tpu.wait_indirect_dma semaphore(%run_scoped3A : memref<!tpu.dma_semaphore, #tpu.memory_space<semaphore_mem>>) src(%arg11 : memref<128x64xf32, #tpu.memory_space<vmem>>) dst(%dma_wait3A_135 : memref<10008x64xf32, #tpu.memory_space<vmem_shared>>)
        tpu.yield
      }) : () -> ()
    }
    %while3A_27 = arith.constant 1 : i32
    scf.for %while3A_89 = %while3A_25 to %while3A_21 step %while3A_27  : i32 {
      %mul3A_90 = arith.constant 2 : i32
      %mul3A_91 = arith.muli %mul3A_90, %while3A_89 : i32
      %add3A_92 = arith.constant 0 : i32
      %add3A_93 = arith.addi %mul3A_91, %add3A_92 : i32
      %dma_wait3A = arith.constant 0 : i32
      %dma_wait3A_94 = tpu.memref_slice %arg8[%add3A_93, %dma_wait3A] : memref<112x128xi32, #tpu.memory_space<vmem>> -> memref<1x128xi32, #tpu.memory_space<vmem>>
      %dma_wait3A_95 = tpu.memref_squeeze %dma_wait3A_94 : memref<1x128xi32, #tpu.memory_space<vmem>> -> memref<128xi32, #tpu.memory_space<vmem>>
      %dma_wait3A_96 = arith.constant 0 : i32
      %dma_wait3A_97 = arith.constant 0 : i32
      %dma_wait3A_98 = tpu.memref_slice %arg2[%dma_wait3A_96, %dma_wait3A_97] : memref<10000x64xf32, #tpu.memory_space<hbm>> -> memref<10000x64xf32, #tpu.memory_space<hbm>>
      tpu.wait_indirect_dma semaphore(%arg13 : memref<!tpu.dma_semaphore, #tpu.memory_space<semaphore_mem>>) src(%dma_wait3A_98 : memref<10000x64xf32, #tpu.memory_space<hbm>>) dst(%arg10 : memref<128x64xf32, #tpu.memory_space<vmem>>)
      %add3A_99 = arith.constant 2 : i32
      %add3A_100 = arith.addi %add3A_93, %add3A_99 : i32
      %sub3A = arith.constant 1 : i32
      %sub3A_101 = arith.subi %add3A_100, %sub3A : i32
      %dma_start3A_102 = arith.constant 0 : i32
      %dma_start3A_103 = tpu.memref_slice %arg8[%sub3A_101, %dma_start3A_102] : memref<112x128xi32, #tpu.memory_space<vmem>> -> memref<1x128xi32, #tpu.memory_space<vmem>>
      %dma_start3A_104 = tpu.memref_squeeze %dma_start3A_103 : memref<1x128xi32, #tpu.memory_space<vmem>> -> memref<128xi32, #tpu.memory_space<vmem>>
      %dma_start3A_105 = arith.constant 0 : i32
      %dma_start3A_106 = arith.constant 0 : i32
      %dma_start3A_107 = tpu.memref_slice %arg2[%dma_start3A_105, %dma_start3A_106] : memref<10000x64xf32, #tpu.memory_space<hbm>> -> memref<10000x64xf32, #tpu.memory_space<hbm>>
      tpu.enqueue_indirect_dma source(%dma_start3A_107 : memref<10000x64xf32, #tpu.memory_space<hbm>>) target(%arg11 : memref<128x64xf32, #tpu.memory_space<vmem>>) offsets(%dma_start3A_104 : memref<128xi32, #tpu.memory_space<vmem>>) semaphore(%arg14 : memref<!tpu.dma_semaphore, #tpu.memory_space<semaphore_mem>>)
      "tpu.region"() ({
        %run_scoped3A = tpu.sem_alloc : memref<!tpu.dma_semaphore, #tpu.memory_space<semaphore_mem>>
        %dma_start3A_124 = arith.constant 0 : i32
        %dma_start3A_125 = tpu.memref_slice %arg9[%add3A_93, %dma_start3A_124] : memref<112x128xi32, #tpu.memory_space<vmem>> -> memref<1x128xi32, #tpu.memory_space<vmem>>
        %dma_start3A_126 = tpu.memref_squeeze %dma_start3A_125 : memref<1x128xi32, #tpu.memory_space<vmem>> -> memref<128xi32, #tpu.memory_space<vmem>>
        %dma_start3A_127 = arith.constant 0 : i32
        %dma_start3A_128 = arith.constant 0 : i32
        %dma_start3A_129 = tpu.memref_slice %arg12[%dma_start3A_127, %dma_start3A_128] : memref<10008x64xf32, #tpu.memory_space<vmem_shared>> -> memref<10008x64xf32, #tpu.memory_space<vmem_shared>>
        tpu.enqueue_indirect_dma source(%arg10 : memref<128x64xf32, #tpu.memory_space<vmem>>) target(%dma_start3A_129 : memref<10008x64xf32, #tpu.memory_space<vmem_shared>>) offsets(%dma_start3A_126 : memref<128xi32, #tpu.memory_space<vmem>>) semaphore(%run_scoped3A : memref<!tpu.dma_semaphore, #tpu.memory_space<semaphore_mem>>) {add = true}
        %dma_wait3A_130 = arith.constant 0 : i32
        %dma_wait3A_131 = tpu.memref_slice %arg9[%add3A_93, %dma_wait3A_130] : memref<112x128xi32, #tpu.memory_space<vmem>> -> memref<1x128xi32, #tpu.memory_space<vmem>>
        %dma_wait3A_132 = tpu.memref_squeeze %dma_wait3A_131 : memref<1x128xi32, #tpu.memory_space<vmem>> -> memref<128xi32, #tpu.memory_space<vmem>>
        %dma_wait3A_133 = arith.constant 0 : i32
        %dma_wait3A_134 = arith.constant 0 : i32
        %dma_wait3A_135 = tpu.memref_slice %arg12[%dma_wait3A_133, %dma_wait3A_134] : memref<10008x64xf32, #tpu.memory_space<vmem_shared>> -> memref<10008x64xf32, #tpu.memory_space<vmem_shared>>
        tpu.wait_indirect_dma semaphore(%run_scoped3A : memref<!tpu.dma_semaphore, #tpu.memory_space<semaphore_mem>>) src(%arg10 : memref<128x64xf32, #tpu.memory_space<vmem>>) dst(%dma_wait3A_135 : memref<10008x64xf32, #tpu.memory_space<vmem_shared>>)
        tpu.yield
      }) : () -> ()
      %mul3A_108 = arith.constant 2 : i32
      %mul3A_109 = arith.muli %mul3A_108, %while3A_89 : i32
      %add3A_110 = arith.constant 1 : i32
      %add3A_111 = arith.addi %mul3A_109, %add3A_110 : i32
      %dma_wait3A_112 = arith.constant 0 : i32
      %dma_wait3A_113 = tpu.memref_slice %arg8[%add3A_111, %dma_wait3A_112] : memref<112x128xi32, #tpu.memory_space<vmem>> -> memref<1x128xi32, #tpu.memory_space<vmem>>
      %dma_wait3A_114 = tpu.memref_squeeze %dma_wait3A_113 : memref<1x128xi32, #tpu.memory_space<vmem>> -> memref<128xi32, #tpu.memory_space<vmem>>
      %dma_wait3A_115 = arith.constant 0 : i32
      %dma_wait3A_116 = arith.constant 0 : i32
      %dma_wait3A_117 = tpu.memref_slice %arg2[%dma_wait3A_115, %dma_wait3A_116] : memref<10000x64xf32, #tpu.memory_space<hbm>> -> memref<10000x64xf32, #tpu.memory_space<hbm>>
      tpu.wait_indirect_dma semaphore(%arg14 : memref<!tpu.dma_semaphore, #tpu.memory_space<semaphore_mem>>) src(%dma_wait3A_117 : memref<10000x64xf32, #tpu.memory_space<hbm>>) dst(%arg11 : memref<128x64xf32, #tpu.memory_space<vmem>>)
      %sub3A_118 = arith.constant 1 : i32
      %sub3A_119 = arith.subi %select_n3A_3, %sub3A_118 : i32
      %lt3A_120 = arith.cmpi slt, %while3A_89, %sub3A_119 : i32
      %convert_element_type3A_121 = arith.extui %lt3A_120 : i1 to i32
      %cond3A_122 = arith.constant 0 : i32
      %cond3A_123 = arith.cmpi ne, %convert_element_type3A_121, %cond3A_122 : i32
      scf.if %cond3A_123 {
        %add3A_124 = arith.constant 2 : i32
        %add3A_125 = arith.addi %add3A_111, %add3A_124 : i32
        %sub3A_126 = arith.constant 1 : i32
        %sub3A_127 = arith.subi %add3A_125, %sub3A_126 : i32
        %dma_start3A_128 = arith.constant 0 : i32
        %dma_start3A_129 = tpu.memref_slice %arg8[%sub3A_127, %dma_start3A_128] : memref<112x128xi32, #tpu.memory_space<vmem>> -> memref<1x128xi32, #tpu.memory_space<vmem>>
        %dma_start3A_130 = tpu.memref_squeeze %dma_start3A_129 : memref<1x128xi32, #tpu.memory_space<vmem>> -> memref<128xi32, #tpu.memory_space<vmem>>
        %dma_start3A_131 = arith.constant 0 : i32
        %dma_start3A_132 = arith.constant 0 : i32
        %dma_start3A_133 = tpu.memref_slice %arg2[%dma_start3A_131, %dma_start3A_132] : memref<10000x64xf32, #tpu.memory_space<hbm>> -> memref<10000x64xf32, #tpu.memory_space<hbm>>
        tpu.enqueue_indirect_dma source(%dma_start3A_133 : memref<10000x64xf32, #tpu.memory_space<hbm>>) target(%arg10 : memref<128x64xf32, #tpu.memory_space<vmem>>) offsets(%dma_start3A_130 : memref<128xi32, #tpu.memory_space<vmem>>) semaphore(%arg13 : memref<!tpu.dma_semaphore, #tpu.memory_space<semaphore_mem>>)
      } else {
      }
      "tpu.region"() ({
        %run_scoped3A = tpu.sem_alloc : memref<!tpu.dma_semaphore, #tpu.memory_space<semaphore_mem>>
        %dma_start3A_124 = arith.constant 0 : i32
        %dma_start3A_125 = tpu.memref_slice %arg9[%add3A_111, %dma_start3A_124] : memref<112x128xi32, #tpu.memory_space<vmem>> -> memref<1x128xi32, #tpu.memory_space<vmem>>
        %dma_start3A_126 = tpu.memref_squeeze %dma_start3A_125 : memref<1x128xi32, #tpu.memory_space<vmem>> -> memref<128xi32, #tpu.memory_space<vmem>>
        %dma_start3A_127 = arith.constant 0 : i32
        %dma_start3A_128 = arith.constant 0 : i32
        %dma_start3A_129 = tpu.memref_slice %arg12[%dma_start3A_127, %dma_start3A_128] : memref<10008x64xf32, #tpu.memory_space<vmem_shared>> -> memref<10008x64xf32, #tpu.memory_space<vmem_shared>>
        tpu.enqueue_indirect_dma source(%arg11 : memref<128x64xf32, #tpu.memory_space<vmem>>) target(%dma_start3A_129 : memref<10008x64xf32, #tpu.memory_space<vmem_shared>>) offsets(%dma_start3A_126 : memref<128xi32, #tpu.memory_space<vmem>>) semaphore(%run_scoped3A : memref<!tpu.dma_semaphore, #tpu.memory_space<semaphore_mem>>) {add = true}
        %dma_wait3A_130 = arith.constant 0 : i32
        %dma_wait3A_131 = tpu.memref_slice %arg9[%add3A_111, %dma_wait3A_130] : memref<112x128xi32, #tpu.memory_space<vmem>> -> memref<1x128xi32, #tpu.memory_space<vmem>>
        %dma_wait3A_132 = tpu.memref_squeeze %dma_wait3A_131 : memref<1x128xi32, #tpu.memory_space<vmem>> -> memref<128xi32, #tpu.memory_space<vmem>>
        %dma_wait3A_133 = arith.constant 0 : i32
        %dma_wait3A_134 = arith.constant 0 : i32
        %dma_wait3A_135 = tpu.memref_slice %arg12[%dma_wait3A_133, %dma_wait3A_134] : memref<10008x64xf32, #tpu.memory_space<vmem_shared>> -> memref<10008x64xf32, #tpu.memory_space<vmem_shared>>
        tpu.wait_indirect_dma semaphore(%run_scoped3A : memref<!tpu.dma_semaphore, #tpu.memory_space<semaphore_mem>>) src(%arg11 : memref<128x64xf32, #tpu.memory_space<vmem>>) dst(%dma_wait3A_135 : memref<10008x64xf32, #tpu.memory_space<vmem_shared>>)
        tpu.yield
      }) : () -> ()
    }
    %barrier3A_28 = arith.constant 0 : index
    tpu.barrier barrier_id(%barrier3A_28)
    %mul3A_29 = arith.constant 632 : i32
    %mul3A_30 = arith.muli %arg1, %mul3A_29 : i32
    %multiple_of3A_31 = tpu.assume_multiple %mul3A_30, 8 : i32
    %lt3A_32 = arith.constant 15 : i32
    %lt3A_33 = arith.cmpi slt, %arg1, %lt3A_32 : i32
    %convert_element_type3A_34 = arith.extui %lt3A_33 : i1 to i32
    %cond3A_35 = arith.constant 0 : i32
    %cond3A_36 = arith.cmpi ne, %convert_element_type3A_34, %cond3A_35 : i32
    scf.if %cond3A_36 {
      %run_scoped3A = arith.constant 0 : i32
      "tpu.region"() ({
        %run_scoped3A_89 = tpu.sem_alloc : memref<!tpu.dma_semaphore, #tpu.memory_space<semaphore_mem>>
        %dma_start3A_90 = arith.constant 0 : i32
        %dma_start3A_91 = tpu.memref_slice %arg7[%arg0, %run_scoped3A, %multiple_of3A_31, %dma_start3A_90] : memref<2x2x10000x64xf32, #tpu.memory_space<hbm>> -> memref<1x1x632x64xf32, #tpu.memory_space<hbm>>
        %dma_start3A_92 = tpu.memref_squeeze %dma_start3A_91 : memref<1x1x632x64xf32, #tpu.memory_space<hbm>> -> memref<632x64xf32, #tpu.memory_space<hbm>>
        %dma_start3A_93 = arith.constant 0 : i32
        %dma_start3A_94 = tpu.memref_slice %arg12[%multiple_of3A_31, %dma_start3A_93] : memref<10008x64xf32, #tpu.memory_space<vmem_shared>> -> memref<632x64xf32, #tpu.memory_space<vmem_shared>>
        tpu.enqueue_dma source(%dma_start3A_94 : memref<632x64xf32, #tpu.memory_space<vmem_shared>>) target(%dma_start3A_92 : memref<632x64xf32, #tpu.memory_space<hbm>>) target_semaphore(%run_scoped3A_89 : memref<!tpu.dma_semaphore, #tpu.memory_space<semaphore_mem>>)
        %dma_wait3A = arith.constant 0 : i32
        %dma_wait3A_95 = tpu.memref_slice %arg7[%arg0, %run_scoped3A, %multiple_of3A_31, %dma_wait3A] : memref<2x2x10000x64xf32, #tpu.memory_space<hbm>> -> memref<1x1x632x64xf32, #tpu.memory_space<hbm>>
        %dma_wait3A_96 = tpu.memref_squeeze %dma_wait3A_95 : memref<1x1x632x64xf32, #tpu.memory_space<hbm>> -> memref<632x64xf32, #tpu.memory_space<hbm>>
        %dma_wait3A_97 = arith.constant 0 : i32
        %dma_wait3A_98 = tpu.memref_slice %arg12[%multiple_of3A_31, %dma_wait3A_97] : memref<10008x64xf32, #tpu.memory_space<vmem_shared>> -> memref<632x64xf32, #tpu.memory_space<vmem_shared>>
        tpu.wait_dma2 semaphore(%run_scoped3A_89 : memref<!tpu.dma_semaphore, #tpu.memory_space<semaphore_mem>>) src(%dma_wait3A_98 : memref<632x64xf32, #tpu.memory_space<vmem_shared>>) dst(%dma_wait3A_96 : memref<632x64xf32, #tpu.memory_space<hbm>>)
        tpu.yield
      }) : () -> ()
    } else {
    }
    %eq3A_37 = arith.constant 15 : i32
    %eq3A_38 = arith.cmpi eq, %arg1, %eq3A_37 : i32
    %convert_element_type3A_39 = arith.extui %eq3A_38 : i1 to i32
    %cond3A_40 = arith.constant 0 : i32
    %cond3A_41 = arith.cmpi ne, %convert_element_type3A_39, %cond3A_40 : i32
    scf.if %cond3A_41 {
      %run_scoped3A = arith.constant 0 : i32
      "tpu.region"() ({
        %run_scoped3A_89 = tpu.sem_alloc : memref<!tpu.dma_semaphore, #tpu.memory_space<semaphore_mem>>
        %dma_start3A_90 = arith.constant 0 : i32
        %dma_start3A_91 = tpu.memref_slice %arg7[%arg0, %run_scoped3A, %multiple_of3A_31, %dma_start3A_90] : memref<2x2x10000x64xf32, #tpu.memory_space<hbm>> -> memref<1x1x520x64xf32, #tpu.memory_space<hbm>>
        %dma_start3A_92 = tpu.memref_squeeze %dma_start3A_91 : memref<1x1x520x64xf32, #tpu.memory_space<hbm>> -> memref<520x64xf32, #tpu.memory_space<hbm>>
        %dma_start3A_93 = arith.constant 0 : i32
        %dma_start3A_94 = tpu.memref_slice %arg12[%multiple_of3A_31, %dma_start3A_93] : memref<10008x64xf32, #tpu.memory_space<vmem_shared>> -> memref<520x64xf32, #tpu.memory_space<vmem_shared>>
        tpu.enqueue_dma source(%dma_start3A_94 : memref<520x64xf32, #tpu.memory_space<vmem_shared>>) target(%dma_start3A_92 : memref<520x64xf32, #tpu.memory_space<hbm>>) target_semaphore(%run_scoped3A_89 : memref<!tpu.dma_semaphore, #tpu.memory_space<semaphore_mem>>)
        %dma_wait3A = arith.constant 0 : i32
        %dma_wait3A_95 = tpu.memref_slice %arg7[%arg0, %run_scoped3A, %multiple_of3A_31, %dma_wait3A] : memref<2x2x10000x64xf32, #tpu.memory_space<hbm>> -> memref<1x1x520x64xf32, #tpu.memory_space<hbm>>
        %dma_wait3A_96 = tpu.memref_squeeze %dma_wait3A_95 : memref<1x1x520x64xf32, #tpu.memory_space<hbm>> -> memref<520x64xf32, #tpu.memory_space<hbm>>
        %dma_wait3A_97 = arith.constant 0 : i32
        %dma_wait3A_98 = tpu.memref_slice %arg12[%multiple_of3A_31, %dma_wait3A_97] : memref<10008x64xf32, #tpu.memory_space<vmem_shared>> -> memref<520x64xf32, #tpu.memory_space<vmem_shared>>
        tpu.wait_dma2 semaphore(%run_scoped3A_89 : memref<!tpu.dma_semaphore, #tpu.memory_space<semaphore_mem>>) src(%dma_wait3A_98 : memref<520x64xf32, #tpu.memory_space<vmem_shared>>) dst(%dma_wait3A_96 : memref<520x64xf32, #tpu.memory_space<hbm>>)
        tpu.yield
      }) : () -> ()
    } else {
    }
    %barrier3A_42 = arith.constant 0 : index
    tpu.barrier barrier_id(%barrier3A_42)
    %mul3A_43 = arith.constant 632 : i32
    %mul3A_44 = arith.muli %arg1, %mul3A_43 : i32
    %multiple_of3A_45 = tpu.assume_multiple %mul3A_44, 8 : i32
    %lt3A_46 = arith.constant 15 : i32
    %lt3A_47 = arith.cmpi slt, %arg1, %lt3A_46 : i32
    %convert_element_type3A_48 = arith.extui %lt3A_47 : i1 to i32
    %cond3A_49 = arith.constant 0 : i32
    %cond3A_50 = arith.cmpi ne, %convert_element_type3A_48, %cond3A_49 : i32
    scf.if %cond3A_50 {
      "tpu.region"() ({
        %run_scoped3A = tpu.sem_alloc : memref<!tpu.dma_semaphore, #tpu.memory_space<semaphore_mem>>
        %dma_start3A_89 = arith.constant 0 : i32
        %dma_start3A_90 = tpu.memref_slice %arg12[%multiple_of3A_45, %dma_start3A_89] : memref<10008x64xf32, #tpu.memory_space<vmem_shared>> -> memref<632x64xf32, #tpu.memory_space<vmem_shared>>
        %dma_start3A_91 = arith.constant 0 : i32
        %dma_start3A_92 = tpu.memref_slice %arg6[%multiple_of3A_45, %dma_start3A_91] : memref<10000x64xf32, #tpu.memory_space<hbm>> -> memref<632x64xf32, #tpu.memory_space<hbm>>
        tpu.enqueue_dma source(%dma_start3A_92 : memref<632x64xf32, #tpu.memory_space<hbm>>) target(%dma_start3A_90 : memref<632x64xf32, #tpu.memory_space<vmem_shared>>) target_semaphore(%run_scoped3A : memref<!tpu.dma_semaphore, #tpu.memory_space<semaphore_mem>>)
        %dma_wait3A = arith.constant 0 : i32
        %dma_wait3A_93 = tpu.memref_slice %arg12[%multiple_of3A_45, %dma_wait3A] : memref<10008x64xf32, #tpu.memory_space<vmem_shared>> -> memref<632x64xf32, #tpu.memory_space<vmem_shared>>
        %dma_wait3A_94 = arith.constant 0 : i32
        %dma_wait3A_95 = tpu.memref_slice %arg6[%multiple_of3A_45, %dma_wait3A_94] : memref<10000x64xf32, #tpu.memory_space<hbm>> -> memref<632x64xf32, #tpu.memory_space<hbm>>
        tpu.wait_dma2 semaphore(%run_scoped3A : memref<!tpu.dma_semaphore, #tpu.memory_space<semaphore_mem>>) src(%dma_wait3A_95 : memref<632x64xf32, #tpu.memory_space<hbm>>) dst(%dma_wait3A_93 : memref<632x64xf32, #tpu.memory_space<vmem_shared>>)
        tpu.yield
      }) : () -> ()
    } else {
    }
    %eq3A_51 = arith.constant 15 : i32
    %eq3A_52 = arith.cmpi eq, %arg1, %eq3A_51 : i32
    %convert_element_type3A_53 = arith.extui %eq3A_52 : i1 to i32
    %cond3A_54 = arith.constant 0 : i32
    %cond3A_55 = arith.cmpi ne, %convert_element_type3A_53, %cond3A_54 : i32
    scf.if %cond3A_55 {
      "tpu.region"() ({
        %run_scoped3A = tpu.sem_alloc : memref<!tpu.dma_semaphore, #tpu.memory_space<semaphore_mem>>
        %dma_start3A_89 = arith.constant 0 : i32
        %dma_start3A_90 = tpu.memref_slice %arg12[%multiple_of3A_45, %dma_start3A_89] : memref<10008x64xf32, #tpu.memory_space<vmem_shared>> -> memref<520x64xf32, #tpu.memory_space<vmem_shared>>
        %dma_start3A_91 = arith.constant 0 : i32
        %dma_start3A_92 = tpu.memref_slice %arg6[%multiple_of3A_45, %dma_start3A_91] : memref<10000x64xf32, #tpu.memory_space<hbm>> -> memref<520x64xf32, #tpu.memory_space<hbm>>
        tpu.enqueue_dma source(%dma_start3A_92 : memref<520x64xf32, #tpu.memory_space<hbm>>) target(%dma_start3A_90 : memref<520x64xf32, #tpu.memory_space<vmem_shared>>) target_semaphore(%run_scoped3A : memref<!tpu.dma_semaphore, #tpu.memory_space<semaphore_mem>>)
        %dma_wait3A = arith.constant 0 : i32
        %dma_wait3A_93 = tpu.memref_slice %arg12[%multiple_of3A_45, %dma_wait3A] : memref<10008x64xf32, #tpu.memory_space<vmem_shared>> -> memref<520x64xf32, #tpu.memory_space<vmem_shared>>
        %dma_wait3A_94 = arith.constant 0 : i32
        %dma_wait3A_95 = tpu.memref_slice %arg6[%multiple_of3A_45, %dma_wait3A_94] : memref<10000x64xf32, #tpu.memory_space<hbm>> -> memref<520x64xf32, #tpu.memory_space<hbm>>
        tpu.wait_dma2 semaphore(%run_scoped3A : memref<!tpu.dma_semaphore, #tpu.memory_space<semaphore_mem>>) src(%dma_wait3A_95 : memref<520x64xf32, #tpu.memory_space<hbm>>) dst(%dma_wait3A_93 : memref<520x64xf32, #tpu.memory_space<vmem_shared>>)
        tpu.yield
      }) : () -> ()
    } else {
    }
    %barrier3A_56 = arith.constant 0 : index
    tpu.barrier barrier_id(%barrier3A_56)
    %dma_start3A_57 = arith.constant 0 : i32
    %dma_start3A_58 = arith.constant 0 : i32
    %dma_start3A_59 = tpu.memref_slice %arg8[%dma_start3A_57, %dma_start3A_58] : memref<112x128xi32, #tpu.memory_space<vmem>> -> memref<1x128xi32, #tpu.memory_space<vmem>>
    %dma_start3A_60 = tpu.memref_squeeze %dma_start3A_59 : memref<1x128xi32, #tpu.memory_space<vmem>> -> memref<128xi32, #tpu.memory_space<vmem>>
    %dma_start3A_61 = arith.constant 0 : i32
    %dma_start3A_62 = arith.constant 0 : i32
    %dma_start3A_63 = tpu.memref_slice %arg3[%dma_start3A_61, %dma_start3A_62] : memref<10000x64xf32, #tpu.memory_space<hbm>> -> memref<10000x64xf32, #tpu.memory_space<hbm>>
    tpu.enqueue_indirect_dma source(%dma_start3A_63 : memref<10000x64xf32, #tpu.memory_space<hbm>>) target(%arg10 : memref<128x64xf32, #tpu.memory_space<vmem>>) offsets(%dma_start3A_60 : memref<128xi32, #tpu.memory_space<vmem>>) semaphore(%arg13 : memref<!tpu.dma_semaphore, #tpu.memory_space<semaphore_mem>>)
    %while3A_64 = arith.constant 0 : i32
    %while3A_65 = arith.constant 0 : i32
    %while3A_66 = arith.subi %select_n3A_3, %while3A_65 : i32
    %while3A_67 = arith.addi %while3A_65, %while3A_66 : i32
    %while3A_68 = arith.constant 1 : i32
    %while3A_69 = arith.divsi %while3A_66, %while3A_68 : i32
    %while3A_70 = arith.muli %while3A_69, %while3A_68 : i32
    %while3A_71 = arith.addi %while3A_65, %while3A_70 : i32
    %while3A_72 = arith.constant 1 : i32
    scf.for %while3A_89 = %while3A_65 to %while3A_71 step %while3A_72  : i32 {
      %mul3A_90 = arith.constant 2 : i32
      %mul3A_91 = arith.muli %mul3A_90, %while3A_89 : i32
      %add3A_92 = arith.constant 0 : i32
      %add3A_93 = arith.addi %mul3A_91, %add3A_92 : i32
      %dma_wait3A = arith.constant 0 : i32
      %dma_wait3A_94 = tpu.memref_slice %arg8[%add3A_93, %dma_wait3A] : memref<112x128xi32, #tpu.memory_space<vmem>> -> memref<1x128xi32, #tpu.memory_space<vmem>>
      %dma_wait3A_95 = tpu.memref_squeeze %dma_wait3A_94 : memref<1x128xi32, #tpu.memory_space<vmem>> -> memref<128xi32, #tpu.memory_space<vmem>>
      %dma_wait3A_96 = arith.constant 0 : i32
      %dma_wait3A_97 = arith.constant 0 : i32
      %dma_wait3A_98 = tpu.memref_slice %arg3[%dma_wait3A_96, %dma_wait3A_97] : memref<10000x64xf32, #tpu.memory_space<hbm>> -> memref<10000x64xf32, #tpu.memory_space<hbm>>
      tpu.wait_indirect_dma semaphore(%arg13 : memref<!tpu.dma_semaphore, #tpu.memory_space<semaphore_mem>>) src(%dma_wait3A_98 : memref<10000x64xf32, #tpu.memory_space<hbm>>) dst(%arg10 : memref<128x64xf32, #tpu.memory_space<vmem>>)
      %add3A_99 = arith.constant 2 : i32
      %add3A_100 = arith.addi %add3A_93, %add3A_99 : i32
      %sub3A = arith.constant 1 : i32
      %sub3A_101 = arith.subi %add3A_100, %sub3A : i32
      %dma_start3A_102 = arith.constant 0 : i32
      %dma_start3A_103 = tpu.memref_slice %arg8[%sub3A_101, %dma_start3A_102] : memref<112x128xi32, #tpu.memory_space<vmem>> -> memref<1x128xi32, #tpu.memory_space<vmem>>
      %dma_start3A_104 = tpu.memref_squeeze %dma_start3A_103 : memref<1x128xi32, #tpu.memory_space<vmem>> -> memref<128xi32, #tpu.memory_space<vmem>>
      %dma_start3A_105 = arith.constant 0 : i32
      %dma_start3A_106 = arith.constant 0 : i32
      %dma_start3A_107 = tpu.memref_slice %arg3[%dma_start3A_105, %dma_start3A_106] : memref<10000x64xf32, #tpu.memory_space<hbm>> -> memref<10000x64xf32, #tpu.memory_space<hbm>>
      tpu.enqueue_indirect_dma source(%dma_start3A_107 : memref<10000x64xf32, #tpu.memory_space<hbm>>) target(%arg11 : memref<128x64xf32, #tpu.memory_space<vmem>>) offsets(%dma_start3A_104 : memref<128xi32, #tpu.memory_space<vmem>>) semaphore(%arg14 : memref<!tpu.dma_semaphore, #tpu.memory_space<semaphore_mem>>)
      "tpu.region"() ({
        %run_scoped3A = tpu.sem_alloc : memref<!tpu.dma_semaphore, #tpu.memory_space<semaphore_mem>>
        %dma_start3A_124 = arith.constant 0 : i32
        %dma_start3A_125 = tpu.memref_slice %arg9[%add3A_93, %dma_start3A_124] : memref<112x128xi32, #tpu.memory_space<vmem>> -> memref<1x128xi32, #tpu.memory_space<vmem>>
        %dma_start3A_126 = tpu.memref_squeeze %dma_start3A_125 : memref<1x128xi32, #tpu.memory_space<vmem>> -> memref<128xi32, #tpu.memory_space<vmem>>
        %dma_start3A_127 = arith.constant 0 : i32
        %dma_start3A_128 = arith.constant 0 : i32
        %dma_start3A_129 = tpu.memref_slice %arg12[%dma_start3A_127, %dma_start3A_128] : memref<10008x64xf32, #tpu.memory_space<vmem_shared>> -> memref<10008x64xf32, #tpu.memory_space<vmem_shared>>
        tpu.enqueue_indirect_dma source(%arg10 : memref<128x64xf32, #tpu.memory_space<vmem>>) target(%dma_start3A_129 : memref<10008x64xf32, #tpu.memory_space<vmem_shared>>) offsets(%dma_start3A_126 : memref<128xi32, #tpu.memory_space<vmem>>) semaphore(%run_scoped3A : memref<!tpu.dma_semaphore, #tpu.memory_space<semaphore_mem>>) {add = true}
        %dma_wait3A_130 = arith.constant 0 : i32
        %dma_wait3A_131 = tpu.memref_slice %arg9[%add3A_93, %dma_wait3A_130] : memref<112x128xi32, #tpu.memory_space<vmem>> -> memref<1x128xi32, #tpu.memory_space<vmem>>
        %dma_wait3A_132 = tpu.memref_squeeze %dma_wait3A_131 : memref<1x128xi32, #tpu.memory_space<vmem>> -> memref<128xi32, #tpu.memory_space<vmem>>
        %dma_wait3A_133 = arith.constant 0 : i32
        %dma_wait3A_134 = arith.constant 0 : i32
        %dma_wait3A_135 = tpu.memref_slice %arg12[%dma_wait3A_133, %dma_wait3A_134] : memref<10008x64xf32, #tpu.memory_space<vmem_shared>> -> memref<10008x64xf32, #tpu.memory_space<vmem_shared>>
        tpu.wait_indirect_dma semaphore(%run_scoped3A : memref<!tpu.dma_semaphore, #tpu.memory_space<semaphore_mem>>) src(%arg10 : memref<128x64xf32, #tpu.memory_space<vmem>>) dst(%dma_wait3A_135 : memref<10008x64xf32, #tpu.memory_space<vmem_shared>>)
        tpu.yield
      }) : () -> ()
      %mul3A_108 = arith.constant 2 : i32
      %mul3A_109 = arith.muli %mul3A_108, %while3A_89 : i32
      %add3A_110 = arith.constant 1 : i32
      %add3A_111 = arith.addi %mul3A_109, %add3A_110 : i32
      %dma_wait3A_112 = arith.constant 0 : i32
      %dma_wait3A_113 = tpu.memref_slice %arg8[%add3A_111, %dma_wait3A_112] : memref<112x128xi32, #tpu.memory_space<vmem>> -> memref<1x128xi32, #tpu.memory_space<vmem>>
      %dma_wait3A_114 = tpu.memref_squeeze %dma_wait3A_113 : memref<1x128xi32, #tpu.memory_space<vmem>> -> memref<128xi32, #tpu.memory_space<vmem>>
      %dma_wait3A_115 = arith.constant 0 : i32
      %dma_wait3A_116 = arith.constant 0 : i32
      %dma_wait3A_117 = tpu.memref_slice %arg3[%dma_wait3A_115, %dma_wait3A_116] : memref<10000x64xf32, #tpu.memory_space<hbm>> -> memref<10000x64xf32, #tpu.memory_space<hbm>>
      tpu.wait_indirect_dma semaphore(%arg14 : memref<!tpu.dma_semaphore, #tpu.memory_space<semaphore_mem>>) src(%dma_wait3A_117 : memref<10000x64xf32, #tpu.memory_space<hbm>>) dst(%arg11 : memref<128x64xf32, #tpu.memory_space<vmem>>)
      %sub3A_118 = arith.constant 1 : i32
      %sub3A_119 = arith.subi %select_n3A_3, %sub3A_118 : i32
      %lt3A_120 = arith.cmpi slt, %while3A_89, %sub3A_119 : i32
      %convert_element_type3A_121 = arith.extui %lt3A_120 : i1 to i32
      %cond3A_122 = arith.constant 0 : i32
      %cond3A_123 = arith.cmpi ne, %convert_element_type3A_121, %cond3A_122 : i32
      scf.if %cond3A_123 {
        %add3A_124 = arith.constant 2 : i32
        %add3A_125 = arith.addi %add3A_111, %add3A_124 : i32
        %sub3A_126 = arith.constant 1 : i32
        %sub3A_127 = arith.subi %add3A_125, %sub3A_126 : i32
        %dma_start3A_128 = arith.constant 0 : i32
        %dma_start3A_129 = tpu.memref_slice %arg8[%sub3A_127, %dma_start3A_128] : memref<112x128xi32, #tpu.memory_space<vmem>> -> memref<1x128xi32, #tpu.memory_space<vmem>>
        %dma_start3A_130 = tpu.memref_squeeze %dma_start3A_129 : memref<1x128xi32, #tpu.memory_space<vmem>> -> memref<128xi32, #tpu.memory_space<vmem>>
        %dma_start3A_131 = arith.constant 0 : i32
        %dma_start3A_132 = arith.constant 0 : i32
        %dma_start3A_133 = tpu.memref_slice %arg3[%dma_start3A_131, %dma_start3A_132] : memref<10000x64xf32, #tpu.memory_space<hbm>> -> memref<10000x64xf32, #tpu.memory_space<hbm>>
        tpu.enqueue_indirect_dma source(%dma_start3A_133 : memref<10000x64xf32, #tpu.memory_space<hbm>>) target(%arg10 : memref<128x64xf32, #tpu.memory_space<vmem>>) offsets(%dma_start3A_130 : memref<128xi32, #tpu.memory_space<vmem>>) semaphore(%arg13 : memref<!tpu.dma_semaphore, #tpu.memory_space<semaphore_mem>>)
      } else {
      }
      "tpu.region"() ({
        %run_scoped3A = tpu.sem_alloc : memref<!tpu.dma_semaphore, #tpu.memory_space<semaphore_mem>>
        %dma_start3A_124 = arith.constant 0 : i32
        %dma_start3A_125 = tpu.memref_slice %arg9[%add3A_111, %dma_start3A_124] : memref<112x128xi32, #tpu.memory_space<vmem>> -> memref<1x128xi32, #tpu.memory_space<vmem>>
        %dma_start3A_126 = tpu.memref_squeeze %dma_start3A_125 : memref<1x128xi32, #tpu.memory_space<vmem>> -> memref<128xi32, #tpu.memory_space<vmem>>
        %dma_start3A_127 = arith.constant 0 : i32
        %dma_start3A_128 = arith.constant 0 : i32
        %dma_start3A_129 = tpu.memref_slice %arg12[%dma_start3A_127, %dma_start3A_128] : memref<10008x64xf32, #tpu.memory_space<vmem_shared>> -> memref<10008x64xf32, #tpu.memory_space<vmem_shared>>
        tpu.enqueue_indirect_dma source(%arg11 : memref<128x64xf32, #tpu.memory_space<vmem>>) target(%dma_start3A_129 : memref<10008x64xf32, #tpu.memory_space<vmem_shared>>) offsets(%dma_start3A_126 : memref<128xi32, #tpu.memory_space<vmem>>) semaphore(%run_scoped3A : memref<!tpu.dma_semaphore, #tpu.memory_space<semaphore_mem>>) {add = true}
        %dma_wait3A_130 = arith.constant 0 : i32
        %dma_wait3A_131 = tpu.memref_slice %arg9[%add3A_111, %dma_wait3A_130] : memref<112x128xi32, #tpu.memory_space<vmem>> -> memref<1x128xi32, #tpu.memory_space<vmem>>
        %dma_wait3A_132 = tpu.memref_squeeze %dma_wait3A_131 : memref<1x128xi32, #tpu.memory_space<vmem>> -> memref<128xi32, #tpu.memory_space<vmem>>
        %dma_wait3A_133 = arith.constant 0 : i32
        %dma_wait3A_134 = arith.constant 0 : i32
        %dma_wait3A_135 = tpu.memref_slice %arg12[%dma_wait3A_133, %dma_wait3A_134] : memref<10008x64xf32, #tpu.memory_space<vmem_shared>> -> memref<10008x64xf32, #tpu.memory_space<vmem_shared>>
        tpu.wait_indirect_dma semaphore(%run_scoped3A : memref<!tpu.dma_semaphore, #tpu.memory_space<semaphore_mem>>) src(%arg11 : memref<128x64xf32, #tpu.memory_space<vmem>>) dst(%dma_wait3A_135 : memref<10008x64xf32, #tpu.memory_space<vmem_shared>>)
        tpu.yield
      }) : () -> ()
    }
    %while3A_73 = arith.constant 1 : i32
    scf.for %while3A_89 = %while3A_71 to %while3A_67 step %while3A_73  : i32 {
      %mul3A_90 = arith.constant 2 : i32
      %mul3A_91 = arith.muli %mul3A_90, %while3A_89 : i32
      %add3A_92 = arith.constant 0 : i32
      %add3A_93 = arith.addi %mul3A_91, %add3A_92 : i32
      %dma_wait3A = arith.constant 0 : i32
      %dma_wait3A_94 = tpu.memref_slice %arg8[%add3A_93, %dma_wait3A] : memref<112x128xi32, #tpu.memory_space<vmem>> -> memref<1x128xi32, #tpu.memory_space<vmem>>
      %dma_wait3A_95 = tpu.memref_squeeze %dma_wait3A_94 : memref<1x128xi32, #tpu.memory_space<vmem>> -> memref<128xi32, #tpu.memory_space<vmem>>
      %dma_wait3A_96 = arith.constant 0 : i32
      %dma_wait3A_97 = arith.constant 0 : i32
      %dma_wait3A_98 = tpu.memref_slice %arg3[%dma_wait3A_96, %dma_wait3A_97] : memref<10000x64xf32, #tpu.memory_space<hbm>> -> memref<10000x64xf32, #tpu.memory_space<hbm>>
      tpu.wait_indirect_dma semaphore(%arg13 : memref<!tpu.dma_semaphore, #tpu.memory_space<semaphore_mem>>) src(%dma_wait3A_98 : memref<10000x64xf32, #tpu.memory_space<hbm>>) dst(%arg10 : memref<128x64xf32, #tpu.memory_space<vmem>>)
      %add3A_99 = arith.constant 2 : i32
      %add3A_100 = arith.addi %add3A_93, %add3A_99 : i32
      %sub3A = arith.constant 1 : i32
      %sub3A_101 = arith.subi %add3A_100, %sub3A : i32
      %dma_start3A_102 = arith.constant 0 : i32
      %dma_start3A_103 = tpu.memref_slice %arg8[%sub3A_101, %dma_start3A_102] : memref<112x128xi32, #tpu.memory_space<vmem>> -> memref<1x128xi32, #tpu.memory_space<vmem>>
      %dma_start3A_104 = tpu.memref_squeeze %dma_start3A_103 : memref<1x128xi32, #tpu.memory_space<vmem>> -> memref<128xi32, #tpu.memory_space<vmem>>
      %dma_start3A_105 = arith.constant 0 : i32
      %dma_start3A_106 = arith.constant 0 : i32
      %dma_start3A_107 = tpu.memref_slice %arg3[%dma_start3A_105, %dma_start3A_106] : memref<10000x64xf32, #tpu.memory_space<hbm>> -> memref<10000x64xf32, #tpu.memory_space<hbm>>
      tpu.enqueue_indirect_dma source(%dma_start3A_107 : memref<10000x64xf32, #tpu.memory_space<hbm>>) target(%arg11 : memref<128x64xf32, #tpu.memory_space<vmem>>) offsets(%dma_start3A_104 : memref<128xi32, #tpu.memory_space<vmem>>) semaphore(%arg14 : memref<!tpu.dma_semaphore, #tpu.memory_space<semaphore_mem>>)
      "tpu.region"() ({
        %run_scoped3A = tpu.sem_alloc : memref<!tpu.dma_semaphore, #tpu.memory_space<semaphore_mem>>
        %dma_start3A_124 = arith.constant 0 : i32
        %dma_start3A_125 = tpu.memref_slice %arg9[%add3A_93, %dma_start3A_124] : memref<112x128xi32, #tpu.memory_space<vmem>> -> memref<1x128xi32, #tpu.memory_space<vmem>>
        %dma_start3A_126 = tpu.memref_squeeze %dma_start3A_125 : memref<1x128xi32, #tpu.memory_space<vmem>> -> memref<128xi32, #tpu.memory_space<vmem>>
        %dma_start3A_127 = arith.constant 0 : i32
        %dma_start3A_128 = arith.constant 0 : i32
        %dma_start3A_129 = tpu.memref_slice %arg12[%dma_start3A_127, %dma_start3A_128] : memref<10008x64xf32, #tpu.memory_space<vmem_shared>> -> memref<10008x64xf32, #tpu.memory_space<vmem_shared>>
        tpu.enqueue_indirect_dma source(%arg10 : memref<128x64xf32, #tpu.memory_space<vmem>>) target(%dma_start3A_129 : memref<10008x64xf32, #tpu.memory_space<vmem_shared>>) offsets(%dma_start3A_126 : memref<128xi32, #tpu.memory_space<vmem>>) semaphore(%run_scoped3A : memref<!tpu.dma_semaphore, #tpu.memory_space<semaphore_mem>>) {add = true}
        %dma_wait3A_130 = arith.constant 0 : i32
        %dma_wait3A_131 = tpu.memref_slice %arg9[%add3A_93, %dma_wait3A_130] : memref<112x128xi32, #tpu.memory_space<vmem>> -> memref<1x128xi32, #tpu.memory_space<vmem>>
        %dma_wait3A_132 = tpu.memref_squeeze %dma_wait3A_131 : memref<1x128xi32, #tpu.memory_space<vmem>> -> memref<128xi32, #tpu.memory_space<vmem>>
        %dma_wait3A_133 = arith.constant 0 : i32
        %dma_wait3A_134 = arith.constant 0 : i32
        %dma_wait3A_135 = tpu.memref_slice %arg12[%dma_wait3A_133, %dma_wait3A_134] : memref<10008x64xf32, #tpu.memory_space<vmem_shared>> -> memref<10008x64xf32, #tpu.memory_space<vmem_shared>>
        tpu.wait_indirect_dma semaphore(%run_scoped3A : memref<!tpu.dma_semaphore, #tpu.memory_space<semaphore_mem>>) src(%arg10 : memref<128x64xf32, #tpu.memory_space<vmem>>) dst(%dma_wait3A_135 : memref<10008x64xf32, #tpu.memory_space<vmem_shared>>)
        tpu.yield
      }) : () -> ()
      %mul3A_108 = arith.constant 2 : i32
      %mul3A_109 = arith.muli %mul3A_108, %while3A_89 : i32
      %add3A_110 = arith.constant 1 : i32
      %add3A_111 = arith.addi %mul3A_109, %add3A_110 : i32
      %dma_wait3A_112 = arith.constant 0 : i32
      %dma_wait3A_113 = tpu.memref_slice %arg8[%add3A_111, %dma_wait3A_112] : memref<112x128xi32, #tpu.memory_space<vmem>> -> memref<1x128xi32, #tpu.memory_space<vmem>>
      %dma_wait3A_114 = tpu.memref_squeeze %dma_wait3A_113 : memref<1x128xi32, #tpu.memory_space<vmem>> -> memref<128xi32, #tpu.memory_space<vmem>>
      %dma_wait3A_115 = arith.constant 0 : i32
      %dma_wait3A_116 = arith.constant 0 : i32
      %dma_wait3A_117 = tpu.memref_slice %arg3[%dma_wait3A_115, %dma_wait3A_116] : memref<10000x64xf32, #tpu.memory_space<hbm>> -> memref<10000x64xf32, #tpu.memory_space<hbm>>
      tpu.wait_indirect_dma semaphore(%arg14 : memref<!tpu.dma_semaphore, #tpu.memory_space<semaphore_mem>>) src(%dma_wait3A_117 : memref<10000x64xf32, #tpu.memory_space<hbm>>) dst(%arg11 : memref<128x64xf32, #tpu.memory_space<vmem>>)
      %sub3A_118 = arith.constant 1 : i32
      %sub3A_119 = arith.subi %select_n3A_3, %sub3A_118 : i32
      %lt3A_120 = arith.cmpi slt, %while3A_89, %sub3A_119 : i32
      %convert_element_type3A_121 = arith.extui %lt3A_120 : i1 to i32
      %cond3A_122 = arith.constant 0 : i32
      %cond3A_123 = arith.cmpi ne, %convert_element_type3A_121, %cond3A_122 : i32
      scf.if %cond3A_123 {
        %add3A_124 = arith.constant 2 : i32
        %add3A_125 = arith.addi %add3A_111, %add3A_124 : i32
        %sub3A_126 = arith.constant 1 : i32
        %sub3A_127 = arith.subi %add3A_125, %sub3A_126 : i32
        %dma_start3A_128 = arith.constant 0 : i32
        %dma_start3A_129 = tpu.memref_slice %arg8[%sub3A_127, %dma_start3A_128] : memref<112x128xi32, #tpu.memory_space<vmem>> -> memref<1x128xi32, #tpu.memory_space<vmem>>
        %dma_start3A_130 = tpu.memref_squeeze %dma_start3A_129 : memref<1x128xi32, #tpu.memory_space<vmem>> -> memref<128xi32, #tpu.memory_space<vmem>>
        %dma_start3A_131 = arith.constant 0 : i32
        %dma_start3A_132 = arith.constant 0 : i32
        %dma_start3A_133 = tpu.memref_slice %arg3[%dma_start3A_131, %dma_start3A_132] : memref<10000x64xf32, #tpu.memory_space<hbm>> -> memref<10000x64xf32, #tpu.memory_space<hbm>>
        tpu.enqueue_indirect_dma source(%dma_start3A_133 : memref<10000x64xf32, #tpu.memory_space<hbm>>) target(%arg10 : memref<128x64xf32, #tpu.memory_space<vmem>>) offsets(%dma_start3A_130 : memref<128xi32, #tpu.memory_space<vmem>>) semaphore(%arg13 : memref<!tpu.dma_semaphore, #tpu.memory_space<semaphore_mem>>)
      } else {
      }
      "tpu.region"() ({
        %run_scoped3A = tpu.sem_alloc : memref<!tpu.dma_semaphore, #tpu.memory_space<semaphore_mem>>
        %dma_start3A_124 = arith.constant 0 : i32
        %dma_start3A_125 = tpu.memref_slice %arg9[%add3A_111, %dma_start3A_124] : memref<112x128xi32, #tpu.memory_space<vmem>> -> memref<1x128xi32, #tpu.memory_space<vmem>>
        %dma_start3A_126 = tpu.memref_squeeze %dma_start3A_125 : memref<1x128xi32, #tpu.memory_space<vmem>> -> memref<128xi32, #tpu.memory_space<vmem>>
        %dma_start3A_127 = arith.constant 0 : i32
        %dma_start3A_128 = arith.constant 0 : i32
        %dma_start3A_129 = tpu.memref_slice %arg12[%dma_start3A_127, %dma_start3A_128] : memref<10008x64xf32, #tpu.memory_space<vmem_shared>> -> memref<10008x64xf32, #tpu.memory_space<vmem_shared>>
        tpu.enqueue_indirect_dma source(%arg11 : memref<128x64xf32, #tpu.memory_space<vmem>>) target(%dma_start3A_129 : memref<10008x64xf32, #tpu.memory_space<vmem_shared>>) offsets(%dma_start3A_126 : memref<128xi32, #tpu.memory_space<vmem>>) semaphore(%run_scoped3A : memref<!tpu.dma_semaphore, #tpu.memory_space<semaphore_mem>>) {add = true}
        %dma_wait3A_130 = arith.constant 0 : i32
        %dma_wait3A_131 = tpu.memref_slice %arg9[%add3A_111, %dma_wait3A_130] : memref<112x128xi32, #tpu.memory_space<vmem>> -> memref<1x128xi32, #tpu.memory_space<vmem>>
        %dma_wait3A_132 = tpu.memref_squeeze %dma_wait3A_131 : memref<1x128xi32, #tpu.memory_space<vmem>> -> memref<128xi32, #tpu.memory_space<vmem>>
        %dma_wait3A_133 = arith.constant 0 : i32
        %dma_wait3A_134 = arith.constant 0 : i32
        %dma_wait3A_135 = tpu.memref_slice %arg12[%dma_wait3A_133, %dma_wait3A_134] : memref<10008x64xf32, #tpu.memory_space<vmem_shared>> -> memref<10008x64xf32, #tpu.memory_space<vmem_shared>>
        tpu.wait_indirect_dma semaphore(%run_scoped3A : memref<!tpu.dma_semaphore, #tpu.memory_space<semaphore_mem>>) src(%arg11 : memref<128x64xf32, #tpu.memory_space<vmem>>) dst(%dma_wait3A_135 : memref<10008x64xf32, #tpu.memory_space<vmem_shared>>)
        tpu.yield
      }) : () -> ()
    }
    %barrier3A_74 = arith.constant 0 : index
    tpu.barrier barrier_id(%barrier3A_74)
    %mul3A_75 = arith.constant 632 : i32
    %mul3A_76 = arith.muli %arg1, %mul3A_75 : i32
    %multiple_of3A_77 = tpu.assume_multiple %mul3A_76, 8 : i32
    %lt3A_78 = arith.constant 15 : i32
    %lt3A_79 = arith.cmpi slt, %arg1, %lt3A_78 : i32
    %convert_element_type3A_80 = arith.extui %lt3A_79 : i1 to i32
    %cond3A_81 = arith.constant 0 : i32
    %cond3A_82 = arith.cmpi ne, %convert_element_type3A_80, %cond3A_81 : i32
    scf.if %cond3A_82 {
      %run_scoped3A = arith.constant 1 : i32
      "tpu.region"() ({
        %run_scoped3A_89 = tpu.sem_alloc : memref<!tpu.dma_semaphore, #tpu.memory_space<semaphore_mem>>
        %dma_start3A_90 = arith.constant 0 : i32
        %dma_start3A_91 = tpu.memref_slice %arg7[%arg0, %run_scoped3A, %multiple_of3A_77, %dma_start3A_90] : memref<2x2x10000x64xf32, #tpu.memory_space<hbm>> -> memref<1x1x632x64xf32, #tpu.memory_space<hbm>>
        %dma_start3A_92 = tpu.memref_squeeze %dma_start3A_91 : memref<1x1x632x64xf32, #tpu.memory_space<hbm>> -> memref<632x64xf32, #tpu.memory_space<hbm>>
        %dma_start3A_93 = arith.constant 0 : i32
        %dma_start3A_94 = tpu.memref_slice %arg12[%multiple_of3A_77, %dma_start3A_93] : memref<10008x64xf32, #tpu.memory_space<vmem_shared>> -> memref<632x64xf32, #tpu.memory_space<vmem_shared>>
        tpu.enqueue_dma source(%dma_start3A_94 : memref<632x64xf32, #tpu.memory_space<vmem_shared>>) target(%dma_start3A_92 : memref<632x64xf32, #tpu.memory_space<hbm>>) target_semaphore(%run_scoped3A_89 : memref<!tpu.dma_semaphore, #tpu.memory_space<semaphore_mem>>)
        %dma_wait3A = arith.constant 0 : i32
        %dma_wait3A_95 = tpu.memref_slice %arg7[%arg0, %run_scoped3A, %multiple_of3A_77, %dma_wait3A] : memref<2x2x10000x64xf32, #tpu.memory_space<hbm>> -> memref<1x1x632x64xf32, #tpu.memory_space<hbm>>
        %dma_wait3A_96 = tpu.memref_squeeze %dma_wait3A_95 : memref<1x1x632x64xf32, #tpu.memory_space<hbm>> -> memref<632x64xf32, #tpu.memory_space<hbm>>
        %dma_wait3A_97 = arith.constant 0 : i32
        %dma_wait3A_98 = tpu.memref_slice %arg12[%multiple_of3A_77, %dma_wait3A_97] : memref<10008x64xf32, #tpu.memory_space<vmem_shared>> -> memref<632x64xf32, #tpu.memory_space<vmem_shared>>
        tpu.wait_dma2 semaphore(%run_scoped3A_89 : memref<!tpu.dma_semaphore, #tpu.memory_space<semaphore_mem>>) src(%dma_wait3A_98 : memref<632x64xf32, #tpu.memory_space<vmem_shared>>) dst(%dma_wait3A_96 : memref<632x64xf32, #tpu.memory_space<hbm>>)
        tpu.yield
      }) : () -> ()
    } else {
    }
    %eq3A_83 = arith.constant 15 : i32
    %eq3A_84 = arith.cmpi eq, %arg1, %eq3A_83 : i32
    %convert_element_type3A_85 = arith.extui %eq3A_84 : i1 to i32
    %cond3A_86 = arith.constant 0 : i32
    %cond3A_87 = arith.cmpi ne, %convert_element_type3A_85, %cond3A_86 : i32
    scf.if %cond3A_87 {
      %run_scoped3A = arith.constant 1 : i32
      "tpu.region"() ({
        %run_scoped3A_89 = tpu.sem_alloc : memref<!tpu.dma_semaphore, #tpu.memory_space<semaphore_mem>>
        %dma_start3A_90 = arith.constant 0 : i32
        %dma_start3A_91 = tpu.memref_slice %arg7[%arg0, %run_scoped3A, %multiple_of3A_77, %dma_start3A_90] : memref<2x2x10000x64xf32, #tpu.memory_space<hbm>> -> memref<1x1x520x64xf32, #tpu.memory_space<hbm>>
        %dma_start3A_92 = tpu.memref_squeeze %dma_start3A_91 : memref<1x1x520x64xf32, #tpu.memory_space<hbm>> -> memref<520x64xf32, #tpu.memory_space<hbm>>
        %dma_start3A_93 = arith.constant 0 : i32
        %dma_start3A_94 = tpu.memref_slice %arg12[%multiple_of3A_77, %dma_start3A_93] : memref<10008x64xf32, #tpu.memory_space<vmem_shared>> -> memref<520x64xf32, #tpu.memory_space<vmem_shared>>
        tpu.enqueue_dma source(%dma_start3A_94 : memref<520x64xf32, #tpu.memory_space<vmem_shared>>) target(%dma_start3A_92 : memref<520x64xf32, #tpu.memory_space<hbm>>) target_semaphore(%run_scoped3A_89 : memref<!tpu.dma_semaphore, #tpu.memory_space<semaphore_mem>>)
        %dma_wait3A = arith.constant 0 : i32
        %dma_wait3A_95 = tpu.memref_slice %arg7[%arg0, %run_scoped3A, %multiple_of3A_77, %dma_wait3A] : memref<2x2x10000x64xf32, #tpu.memory_space<hbm>> -> memref<1x1x520x64xf32, #tpu.memory_space<hbm>>
        %dma_wait3A_96 = tpu.memref_squeeze %dma_wait3A_95 : memref<1x1x520x64xf32, #tpu.memory_space<hbm>> -> memref<520x64xf32, #tpu.memory_space<hbm>>
        %dma_wait3A_97 = arith.constant 0 : i32
        %dma_wait3A_98 = tpu.memref_slice %arg12[%multiple_of3A_77, %dma_wait3A_97] : memref<10008x64xf32, #tpu.memory_space<vmem_shared>> -> memref<520x64xf32, #tpu.memory_space<vmem_shared>>
        tpu.wait_dma2 semaphore(%run_scoped3A_89 : memref<!tpu.dma_semaphore, #tpu.memory_space<semaphore_mem>>) src(%dma_wait3A_98 : memref<520x64xf32, #tpu.memory_space<vmem_shared>>) dst(%dma_wait3A_96 : memref<520x64xf32, #tpu.memory_space<hbm>>)
        tpu.yield
      }) : () -> ()
    } else {
    }
    %barrier3A_88 = arith.constant 0 : index
    tpu.barrier barrier_id(%barrier3A_88)
    return
  }
}

module attributes {stable_mosaic.version = 14 : i64} {
  func.func @_rownorm_body(%arg0: i32, %arg1: memref<1000x128xf32, #tpu.memory_space<vmem>>, %arg2: memref<1000x1xf32, #tpu.memory_space<vmem>>, %arg3: memref<1000x128xf32, #tpu.memory_space<vmem>>, %arg4: memref<1000x64xf32, #tpu.memory_space<vmem>>, %arg5: memref<1000x64xf32, #tpu.memory_space<vmem>>) attributes {dimension_semantics = [#tpu.dimension_semantics<arbitrary>], iteration_bounds = array<i64: 10>, scalar_prefetch = 0 : i64, scratch_operands = 0 : i64, tpu.core_type = #tpu.core_type<tc>, window_params = [{transform_indices = @transform_0, window_bounds = array<i64: 1000, 128>}, {transform_indices = @transform_1, window_bounds = array<i64: 1000, 1>}, {transform_indices = @transform_2, window_bounds = array<i64: 1000, 128>}, {transform_indices = @transform_3, window_bounds = array<i64: 1000, 64>}, {transform_indices = @transform_4, window_bounds = array<i64: 1000, 64>}]} {
    %get3A = arith.constant 0 : index
    %get3A_0 = arith.constant 0 : index
    %get3A_1 = vector.load %arg1[%get3A, %get3A_0] : memref<1000x128xf32, #tpu.memory_space<vmem>>, vector<1000x128xf32>
    %mul3A = arith.mulf %get3A_1, %get3A_1 : vector<1000x128xf32>
    %reduce_sum3A = arith.constant dense<0.000000e+00> : vector<1000xf32>
    %reduce_sum3A_2 = vector.multi_reduction <add>, %mul3A, %reduce_sum3A [1] : vector<1000x128xf32> to vector<1000xf32>
    %broadcast_in_dim3A = vector.shape_cast %reduce_sum3A_2 : vector<1000xf32> to vector<1000x1xf32>
    %sqrt3A = math.sqrt %broadcast_in_dim3A : vector<1000x1xf32>
    %max3A = arith.constant 9.99999996E-13 : f32
    %max3A_3 = vector.broadcast %max3A : f32 to vector<1000x1xf32>
    %max3A_4 = arith.maximumf %sqrt3A, %max3A_3 : vector<1000x1xf32>
    %div3A = arith.constant 1.000000e+00 : f32
    %div3A_5 = vector.broadcast %div3A : f32 to vector<1000x1xf32>
    %div3A_6 = arith.divf %div3A_5, %max3A_4 : vector<1000x1xf32>
    %mul3A_7 = vector.broadcast %div3A_6 : vector<1000x1xf32> to vector<1000x128xf32>
    %mul3A_8 = arith.mulf %get3A_1, %mul3A_7 : vector<1000x128xf32>
    %swap3A = arith.constant 0 : index
    %swap3A_9 = arith.constant 0 : index
    %swap3A_10 = vector.load %arg3[%swap3A, %swap3A_9] : memref<1000x128xf32, #tpu.memory_space<vmem>>, vector<1000x128xf32>
    tpu.vector_store %arg3[%swap3A, %swap3A_9], %mul3A_8 {strides = array<i32>} : memref<1000x128xf32, #tpu.memory_space<vmem>>, vector<1000x128xf32>,
    %get3A_11 = arith.constant 0 : index
    %get3A_12 = arith.constant 0 : index
    %get3A_13 = vector.load %arg2[%get3A_11, %get3A_12] : memref<1000x1xf32, #tpu.memory_space<vmem>>, vector<1000x1xf32>
    %mul3A_14 = vector.broadcast %get3A_13 : vector<1000x1xf32> to vector<1000x128xf32>
    %mul3A_15 = arith.mulf %mul3A_8, %mul3A_14 : vector<1000x128xf32>
    %slice3A = vector.extract_strided_slice %mul3A_15 {offsets = [0, 0], sizes = [1000, 64], strides = [1, 1]} : vector<1000x128xf32> to vector<1000x64xf32>
    %swap3A_16 = arith.constant 0 : index
    %swap3A_17 = arith.constant 0 : index
    %swap3A_18 = vector.load %arg4[%swap3A_16, %swap3A_17] : memref<1000x64xf32, #tpu.memory_space<vmem>>, vector<1000x64xf32>
    tpu.vector_store %arg4[%swap3A_16, %swap3A_17], %slice3A {strides = array<i32>} : memref<1000x64xf32, #tpu.memory_space<vmem>>, vector<1000x64xf32>,
    %slice3A_19 = vector.extract_strided_slice %mul3A_15 {offsets = [0, 64], sizes = [1000, 64], strides = [1, 1]} : vector<1000x128xf32> to vector<1000x64xf32>
    %swap3A_20 = arith.constant 0 : index
    %swap3A_21 = arith.constant 0 : index
    %swap3A_22 = vector.load %arg5[%swap3A_20, %swap3A_21] : memref<1000x64xf32, #tpu.memory_space<vmem>>, vector<1000x64xf32>
    tpu.vector_store %arg5[%swap3A_20, %swap3A_21], %slice3A_19 {strides = array<i32>} : memref<1000x64xf32, #tpu.memory_space<vmem>>, vector<1000x64xf32>,
    return
  }
  func.func @transform_0(%arg0: i32) -> (i32, i32) {
    %c0_i32 = arith.constant 0 : i32
    %c0_i32_0 = arith.constant 0 : i32
    return %arg0, %c0_i32 : i32, i32
  }
  func.func @transform_1(%arg0: i32) -> (i32, i32) {
    %c0_i32 = arith.constant 0 : i32
    %c0_i32_0 = arith.constant 0 : i32
    return %arg0, %c0_i32 : i32, i32
  }
  func.func @transform_2(%arg0: i32) -> (i32, i32) {
    %c0_i32 = arith.constant 0 : i32
    %c0_i32_0 = arith.constant 0 : i32
    return %arg0, %c0_i32 : i32, i32
  }
  func.func @transform_3(%arg0: i32) -> (i32, i32) {
    %c0_i32 = arith.constant 0 : i32
    %c0_i32_0 = arith.constant 0 : i32
    return %arg0, %c0_i32 : i32, i32
  }
  func.func @transform_4(%arg0: i32) -> (i32, i32) {
    %c0_i32 = arith.constant 0 : i32
    %c0_i32_0 = arith.constant 0 : i32
    return %arg0, %c0_i32 : i32, i32
  }
}

module attributes {stable_mosaic.version = 14 : i64} {
  func.func @_update_body(%arg0: i32, %arg1: memref<1000x128xf32, #tpu.memory_space<vmem>>, %arg2: memref<1000x1xf32, #tpu.memory_space<vmem>>, %arg3: memref<2x2x1000x64xf32, #tpu.memory_space<vmem>>, %arg4: memref<1000x128xf32, #tpu.memory_space<vmem>>, %arg5: memref<1000x64xf32, #tpu.memory_space<vmem>>, %arg6: memref<1000x64xf32, #tpu.memory_space<vmem>>) attributes {dimension_semantics = [#tpu.dimension_semantics<arbitrary>], iteration_bounds = array<i64: 10>, scalar_prefetch = 0 : i64, scratch_operands = 0 : i64, tpu.core_type = #tpu.core_type<tc>, window_params = [{transform_indices = @transform_0, window_bounds = array<i64: 1000, 128>}, {transform_indices = @transform_1, window_bounds = array<i64: 1000, 1>}, {transform_indices = @transform_2, window_bounds = array<i64: 2, 2, 1000, 64>}, {transform_indices = @transform_3, window_bounds = array<i64: 1000, 128>}, {transform_indices = @transform_4, window_bounds = array<i64: 1000, 64>}, {transform_indices = @transform_5, window_bounds = array<i64: 1000, 64>}]} {
    %get3A = arith.constant 0 : index
    %get3A_0 = arith.constant 0 : index
    %get3A_1 = vector.load %arg1[%get3A, %get3A_0] : memref<1000x128xf32, #tpu.memory_space<vmem>>, vector<1000x128xf32>
    %get3A_2 = arith.constant 0 : index
    %get3A_3 = arith.constant 0 : index
    %get3A_4 = vector.load %arg2[%get3A_2, %get3A_3] : memref<1000x1xf32, #tpu.memory_space<vmem>>, vector<1000x1xf32>
    %get3A_5 = arith.constant 0 : index
    %get3A_6 = arith.constant 0 : index
    %get3A_7 = arith.constant 0 : index
    %get3A_8 = arith.constant 0 : index
    %get3A_9 = vector.load %arg3[%get3A_5, %get3A_6, %get3A_7, %get3A_8] : memref<2x2x1000x64xf32, #tpu.memory_space<vmem>>, vector<1x2x1000x64xf32>
    %get3A_10 = vector.shape_cast %get3A_9 : vector<1x2x1000x64xf32> to vector<2x1000x64xf32>
    %get3A_11 = arith.constant 1 : index
    %get3A_12 = arith.constant 0 : index
    %get3A_13 = arith.constant 0 : index
    %get3A_14 = arith.constant 0 : index
    %get3A_15 = vector.load %arg3[%get3A_11, %get3A_12, %get3A_13, %get3A_14] : memref<2x2x1000x64xf32, #tpu.memory_space<vmem>>, vector<1x2x1000x64xf32>
    %get3A_16 = vector.shape_cast %get3A_15 : vector<1x2x1000x64xf32> to vector<2x1000x64xf32>
    %add3A = arith.addf %get3A_10, %get3A_16 : vector<2x1000x64xf32>
    %slice3A = vector.extract_strided_slice %add3A {offsets = [0, 0, 0], sizes = [1, 1000, 64], strides = [1, 1, 1]} : vector<2x1000x64xf32> to vector<1x1000x64xf32>
    %squeeze3A = vector.shape_cast %slice3A : vector<1x1000x64xf32> to vector<1000x64xf32>
    %slice3A_17 = vector.extract_strided_slice %add3A {offsets = [1, 0, 0], sizes = [1, 1000, 64], strides = [1, 1, 1]} : vector<2x1000x64xf32> to vector<1x1000x64xf32>
    %squeeze3A_18 = vector.shape_cast %slice3A_17 : vector<1x1000x64xf32> to vector<1000x64xf32>
    %concatenate3A = tpu.concatenate %squeeze3A, %squeeze3A_18 in 1 : vector<1000x64xf32>, vector<1000x64xf32> -> vector<1000x128xf32>
    %mul3A = arith.constant 2.000000e+00 : f32
    %mul3A_19 = vector.broadcast %mul3A : f32 to vector<1000x128xf32>
    %mul3A_20 = arith.mulf %mul3A_19, %get3A_1 : vector<1000x128xf32>
    %mul3A_21 = vector.broadcast %get3A_4 : vector<1000x1xf32> to vector<1000x128xf32>
    %mul3A_22 = arith.mulf %mul3A_21, %concatenate3A : vector<1000x128xf32>
    %sub3A = arith.subf %mul3A_20, %mul3A_22 : vector<1000x128xf32>
    %swap3A = arith.constant 0 : index
    %swap3A_23 = arith.constant 0 : index
    %swap3A_24 = vector.load %arg4[%swap3A, %swap3A_23] : memref<1000x128xf32, #tpu.memory_space<vmem>>, vector<1000x128xf32>
    tpu.vector_store %arg4[%swap3A, %swap3A_23], %sub3A {strides = array<i32>} : memref<1000x128xf32, #tpu.memory_space<vmem>>, vector<1000x128xf32>,
    %mul3A_25 = vector.broadcast %get3A_4 : vector<1000x1xf32> to vector<1000x128xf32>
    %mul3A_26 = arith.mulf %sub3A, %mul3A_25 : vector<1000x128xf32>
    %slice3A_27 = vector.extract_strided_slice %mul3A_26 {offsets = [0, 0], sizes = [1000, 64], strides = [1, 1]} : vector<1000x128xf32> to vector<1000x64xf32>
    %swap3A_28 = arith.constant 0 : index
    %swap3A_29 = arith.constant 0 : index
    %swap3A_30 = vector.load %arg5[%swap3A_28, %swap3A_29] : memref<1000x64xf32, #tpu.memory_space<vmem>>, vector<1000x64xf32>
    tpu.vector_store %arg5[%swap3A_28, %swap3A_29], %slice3A_27 {strides = array<i32>} : memref<1000x64xf32, #tpu.memory_space<vmem>>, vector<1000x64xf32>,
    %slice3A_31 = vector.extract_strided_slice %mul3A_26 {offsets = [0, 64], sizes = [1000, 64], strides = [1, 1]} : vector<1000x128xf32> to vector<1000x64xf32>
    %swap3A_32 = arith.constant 0 : index
    %swap3A_33 = arith.constant 0 : index
    %swap3A_34 = vector.load %arg6[%swap3A_32, %swap3A_33] : memref<1000x64xf32, #tpu.memory_space<vmem>>, vector<1000x64xf32>
    tpu.vector_store %arg6[%swap3A_32, %swap3A_33], %slice3A_31 {strides = array<i32>} : memref<1000x64xf32, #tpu.memory_space<vmem>>, vector<1000x64xf32>,
    return
  }
  func.func @transform_0(%arg0: i32) -> (i32, i32) {
    %c0_i32 = arith.constant 0 : i32
    %c0_i32_0 = arith.constant 0 : i32
    return %arg0, %c0_i32 : i32, i32
  }
  func.func @transform_1(%arg0: i32) -> (i32, i32) {
    %c0_i32 = arith.constant 0 : i32
    %c0_i32_0 = arith.constant 0 : i32
    return %arg0, %c0_i32 : i32, i32
  }
  func.func @transform_2(%arg0: i32) -> (i32, i32, i32, i32) {
    %c0_i32 = arith.constant 0 : i32
    %c0_i32_0 = arith.constant 0 : i32
    %c0_i32_1 = arith.constant 0 : i32
    %c0_i32_2 = arith.constant 0 : i32
    return %c0_i32, %c0_i32_0, %arg0, %c0_i32_1 : i32, i32, i32, i32
  }
  func.func @transform_3(%arg0: i32) -> (i32, i32) {
    %c0_i32 = arith.constant 0 : i32
    %c0_i32_0 = arith.constant 0 : i32
    return %arg0, %c0_i32 : i32, i32
  }
  func.func @transform_4(%arg0: i32) -> (i32, i32) {
    %c0_i32 = arith.constant 0 : i32
    %c0_i32_0 = arith.constant 0 : i32
    return %arg0, %c0_i32 : i32, i32
  }
  func.func @transform_5(%arg0: i32) -> (i32, i32) {
    %c0_i32 = arith.constant 0 : i32
    %c0_i32_0 = arith.constant 0 : i32
    return %arg0, %c0_i32 : i32, i32
  }
}

module attributes {stable_mosaic.version = 14 : i64} {
  func.func @_update_body(%arg0: i32, %arg1: memref<1000x128xf32, #tpu.memory_space<vmem>>, %arg2: memref<1000x1xf32, #tpu.memory_space<vmem>>, %arg3: memref<2x2x1000x64xf32, #tpu.memory_space<vmem>>, %arg4: memref<1000x128xf32, #tpu.memory_space<vmem>>, %arg5: memref<1000x64xf32, #tpu.memory_space<vmem>>, %arg6: memref<1000x64xf32, #tpu.memory_space<vmem>>) attributes {dimension_semantics = [#tpu.dimension_semantics<arbitrary>], iteration_bounds = array<i64: 10>, scalar_prefetch = 0 : i64, scratch_operands = 0 : i64, tpu.core_type = #tpu.core_type<tc>, window_params = [{transform_indices = @transform_0, window_bounds = array<i64: 1000, 128>}, {transform_indices = @transform_1, window_bounds = array<i64: 1000, 1>}, {transform_indices = @transform_2, window_bounds = array<i64: 2, 2, 1000, 64>}, {transform_indices = @transform_3, window_bounds = array<i64: 1000, 128>}, {transform_indices = @transform_4, window_bounds = array<i64: 1000, 64>}, {transform_indices = @transform_5, window_bounds = array<i64: 1000, 64>}]} {
    %get3A = arith.constant 0 : index
    %get3A_0 = arith.constant 0 : index
    %get3A_1 = vector.load %arg1[%get3A, %get3A_0] : memref<1000x128xf32, #tpu.memory_space<vmem>>, vector<1000x128xf32>
    %get3A_2 = arith.constant 0 : index
    %get3A_3 = arith.constant 0 : index
    %get3A_4 = vector.load %arg2[%get3A_2, %get3A_3] : memref<1000x1xf32, #tpu.memory_space<vmem>>, vector<1000x1xf32>
    %get3A_5 = arith.constant 0 : index
    %get3A_6 = arith.constant 0 : index
    %get3A_7 = arith.constant 0 : index
    %get3A_8 = arith.constant 0 : index
    %get3A_9 = vector.load %arg3[%get3A_5, %get3A_6, %get3A_7, %get3A_8] : memref<2x2x1000x64xf32, #tpu.memory_space<vmem>>, vector<1x2x1000x64xf32>
    %get3A_10 = vector.shape_cast %get3A_9 : vector<1x2x1000x64xf32> to vector<2x1000x64xf32>
    %get3A_11 = arith.constant 1 : index
    %get3A_12 = arith.constant 0 : index
    %get3A_13 = arith.constant 0 : index
    %get3A_14 = arith.constant 0 : index
    %get3A_15 = vector.load %arg3[%get3A_11, %get3A_12, %get3A_13, %get3A_14] : memref<2x2x1000x64xf32, #tpu.memory_space<vmem>>, vector<1x2x1000x64xf32>
    %get3A_16 = vector.shape_cast %get3A_15 : vector<1x2x1000x64xf32> to vector<2x1000x64xf32>
    %add3A = arith.addf %get3A_10, %get3A_16 : vector<2x1000x64xf32>
    %slice3A = vector.extract_strided_slice %add3A {offsets = [0, 0, 0], sizes = [1, 1000, 64], strides = [1, 1, 1]} : vector<2x1000x64xf32> to vector<1x1000x64xf32>
    %squeeze3A = vector.shape_cast %slice3A : vector<1x1000x64xf32> to vector<1000x64xf32>
    %slice3A_17 = vector.extract_strided_slice %add3A {offsets = [1, 0, 0], sizes = [1, 1000, 64], strides = [1, 1, 1]} : vector<2x1000x64xf32> to vector<1x1000x64xf32>
    %squeeze3A_18 = vector.shape_cast %slice3A_17 : vector<1x1000x64xf32> to vector<1000x64xf32>
    %concatenate3A = tpu.concatenate %squeeze3A, %squeeze3A_18 in 1 : vector<1000x64xf32>, vector<1000x64xf32> -> vector<1000x128xf32>
    %mul3A = arith.constant 2.000000e+00 : f32
    %mul3A_19 = vector.broadcast %mul3A : f32 to vector<1000x128xf32>
    %mul3A_20 = arith.mulf %mul3A_19, %get3A_1 : vector<1000x128xf32>
    %mul3A_21 = vector.broadcast %get3A_4 : vector<1000x1xf32> to vector<1000x128xf32>
    %mul3A_22 = arith.mulf %mul3A_21, %concatenate3A : vector<1000x128xf32>
    %sub3A = arith.subf %mul3A_20, %mul3A_22 : vector<1000x128xf32>
    %swap3A = arith.constant 0 : index
    %swap3A_23 = arith.constant 0 : index
    %swap3A_24 = vector.load %arg4[%swap3A, %swap3A_23] : memref<1000x128xf32, #tpu.memory_space<vmem>>, vector<1000x128xf32>
    tpu.vector_store %arg4[%swap3A, %swap3A_23], %sub3A {strides = array<i32>} : memref<1000x128xf32, #tpu.memory_space<vmem>>, vector<1000x128xf32>,
    %mul3A_25 = vector.broadcast %get3A_4 : vector<1000x1xf32> to vector<1000x128xf32>
    %mul3A_26 = arith.mulf %sub3A, %mul3A_25 : vector<1000x128xf32>
    %slice3A_27 = vector.extract_strided_slice %mul3A_26 {offsets = [0, 0], sizes = [1000, 64], strides = [1, 1]} : vector<1000x128xf32> to vector<1000x64xf32>
    %swap3A_28 = arith.constant 0 : index
    %swap3A_29 = arith.constant 0 : index
    %swap3A_30 = vector.load %arg5[%swap3A_28, %swap3A_29] : memref<1000x64xf32, #tpu.memory_space<vmem>>, vector<1000x64xf32>
    tpu.vector_store %arg5[%swap3A_28, %swap3A_29], %slice3A_27 {strides = array<i32>} : memref<1000x64xf32, #tpu.memory_space<vmem>>, vector<1000x64xf32>,
    %slice3A_31 = vector.extract_strided_slice %mul3A_26 {offsets = [0, 64], sizes = [1000, 64], strides = [1, 1]} : vector<1000x128xf32> to vector<1000x64xf32>
    %swap3A_32 = arith.constant 0 : index
    %swap3A_33 = arith.constant 0 : index
    %swap3A_34 = vector.load %arg6[%swap3A_32, %swap3A_33] : memref<1000x64xf32, #tpu.memory_space<vmem>>, vector<1000x64xf32>
    tpu.vector_store %arg6[%swap3A_32, %swap3A_33], %slice3A_31 {strides = array<i32>} : memref<1000x64xf32, #tpu.memory_space<vmem>>, vector<1000x64xf32>,
    return
  }
  func.func @transform_0(%arg0: i32) -> (i32, i32) {
    %c0_i32 = arith.constant 0 : i32
    %c0_i32_0 = arith.constant 0 : i32
    return %arg0, %c0_i32 : i32, i32
  }
  func.func @transform_1(%arg0: i32) -> (i32, i32) {
    %c0_i32 = arith.constant 0 : i32
    %c0_i32_0 = arith.constant 0 : i32
    return %arg0, %c0_i32 : i32, i32
  }
  func.func @transform_2(%arg0: i32) -> (i32, i32, i32, i32) {
    %c0_i32 = arith.constant 0 : i32
    %c0_i32_0 = arith.constant 0 : i32
    %c0_i32_1 = arith.constant 0 : i32
    %c0_i32_2 = arith.constant 0 : i32
    return %c0_i32, %c0_i32_0, %arg0, %c0_i32_1 : i32, i32, i32, i32
  }
  func.func @transform_3(%arg0: i32) -> (i32, i32) {
    %c0_i32 = arith.constant 0 : i32
    %c0_i32_0 = arith.constant 0 : i32
    return %arg0, %c0_i32 : i32, i32
  }
  func.func @transform_4(%arg0: i32) -> (i32, i32) {
    %c0_i32 = arith.constant 0 : i32
    %c0_i32_0 = arith.constant 0 : i32
    return %arg0, %c0_i32 : i32, i32
  }
  func.func @transform_5(%arg0: i32) -> (i32, i32) {
    %c0_i32 = arith.constant 0 : i32
    %c0_i32_0 = arith.constant 0 : i32
    return %arg0, %c0_i32 : i32, i32
  }
}

module attributes {stable_mosaic.version = 14 : i64} {
  func.func @_colss_body(%arg0: i32, %arg1: memref<1000x128xf32, #tpu.memory_space<vmem>>, %arg2: memref<1000x128xf32, #tpu.memory_space<vmem>>, %arg3: memref<1000x128xf32, #tpu.memory_space<vmem>>, %arg4: memref<1000x128xf32, #tpu.memory_space<vmem>>, %arg5: memref<1000x128xf32, #tpu.memory_space<vmem>>, %arg6: memref<5x1x128xf32, #tpu.memory_space<vmem>>) attributes {dimension_semantics = [#tpu.dimension_semantics<arbitrary>], iteration_bounds = array<i64: 10>, scalar_prefetch = 0 : i64, scratch_operands = 0 : i64, tpu.core_type = #tpu.core_type<tc>, window_params = [{transform_indices = @transform_0, window_bounds = array<i64: 1000, 128>}, {transform_indices = @transform_1, window_bounds = array<i64: 1000, 128>}, {transform_indices = @transform_2, window_bounds = array<i64: 1000, 128>}, {transform_indices = @transform_3, window_bounds = array<i64: 1000, 128>}, {transform_indices = @transform_4, window_bounds = array<i64: 1000, 128>}, {pipeline_mode = #tpu.pipeline_mode<synchronous>, transform_indices = @transform_5, window_bounds = array<i64: 5, 1, 128>}]} {
    %eq3A = arith.constant 0 : i32
    %eq3A_0 = arith.cmpi eq, %arg0, %eq3A : i32
    %convert_element_type3A = arith.extui %eq3A_0 : i1 to i32
    %cond3A = arith.constant 0 : i32
    %cond3A_1 = arith.cmpi ne, %convert_element_type3A, %cond3A : i32
    scf.if %cond3A_1 {
      %broadcast_in_dim3A_91 = arith.constant 0.000000e+00 : f32
      %broadcast_in_dim3A_92 = vector.broadcast %broadcast_in_dim3A_91 : f32 to vector<5x1x128xf32>
      %swap3A_93 = arith.constant 0 : index
      %swap3A_94 = arith.constant 0 : index
      %swap3A_95 = arith.constant 0 : index
      %swap3A_96 = vector.load %arg6[%swap3A_93, %swap3A_94, %swap3A_95] : memref<5x1x128xf32, #tpu.memory_space<vmem>>, vector<5x1x128xf32>
      tpu.vector_store %arg6[%swap3A_93, %swap3A_94, %swap3A_95], %broadcast_in_dim3A_92 {strides = array<i32>} : memref<5x1x128xf32, #tpu.memory_space<vmem>>, vector<5x1x128xf32>,
    } else {
    }
    %get3A = arith.constant 0 : index
    %get3A_2 = arith.constant 0 : index
    %get3A_3 = vector.load %arg1[%get3A, %get3A_2] : memref<1000x128xf32, #tpu.memory_space<vmem>>, vector<1000x128xf32>
    %get3A_4 = arith.constant 0 : index
    %get3A_5 = arith.constant 0 : index
    %get3A_6 = arith.constant 0 : index
    %get3A_7 = vector.load %arg6[%get3A_4, %get3A_5, %get3A_6] : memref<5x1x128xf32, #tpu.memory_space<vmem>>, vector<1x1x128xf32>
    %get3A_8 = vector.shape_cast %get3A_7 : vector<1x1x128xf32> to vector<1x128xf32>
    %mul3A = arith.mulf %get3A_3, %get3A_3 : vector<1000x128xf32>
    %reduce_sum3A = arith.constant dense<0.000000e+00> : vector<128xf32>
    %reduce_sum3A_9 = vector.multi_reduction <add>, %mul3A, %reduce_sum3A [0] : vector<1000x128xf32> to vector<128xf32>
    %broadcast_in_dim3A = vector.shape_cast %reduce_sum3A_9 : vector<128xf32> to vector<1x128xf32>
    %add3A = arith.addf %get3A_8, %broadcast_in_dim3A : vector<1x128xf32>
    %swap3A = arith.constant 0 : index
    %swap3A_10 = arith.constant 0 : index
    %swap3A_11 = arith.constant 0 : index
    %swap3A_12 = vector.load %arg6[%swap3A, %swap3A_10, %swap3A_11] : memref<5x1x128xf32, #tpu.memory_space<vmem>>, vector<1x1x128xf32>
    %swap3A_13 = vector.shape_cast %swap3A_12 : vector<1x1x128xf32> to vector<1x128xf32>
    %swap3A_14 = vector.shape_cast %add3A : vector<1x128xf32> to vector<1x1x128xf32>
    tpu.vector_store %arg6[%swap3A, %swap3A_10, %swap3A_11], %swap3A_14 {strides = array<i32>} : memref<5x1x128xf32, #tpu.memory_space<vmem>>, vector<1x1x128xf32>,
    %get3A_15 = arith.constant 0 : index
    %get3A_16 = arith.constant 0 : index
    %get3A_17 = vector.load %arg2[%get3A_15, %get3A_16] : memref<1000x128xf32, #tpu.memory_space<vmem>>, vector<1000x128xf32>
    %get3A_18 = arith.constant 1 : index
    %get3A_19 = arith.constant 0 : index
    %get3A_20 = arith.constant 0 : index
    %get3A_21 = vector.load %arg6[%get3A_18, %get3A_19, %get3A_20] : memref<5x1x128xf32, #tpu.memory_space<vmem>>, vector<1x1x128xf32>
    %get3A_22 = vector.shape_cast %get3A_21 : vector<1x1x128xf32> to vector<1x128xf32>
    %mul3A_23 = arith.mulf %get3A_17, %get3A_17 : vector<1000x128xf32>
    %reduce_sum3A_24 = arith.constant dense<0.000000e+00> : vector<128xf32>
    %reduce_sum3A_25 = vector.multi_reduction <add>, %mul3A_23, %reduce_sum3A_24 [0] : vector<1000x128xf32> to vector<128xf32>
    %broadcast_in_dim3A_26 = vector.shape_cast %reduce_sum3A_25 : vector<128xf32> to vector<1x128xf32>
    %add3A_27 = arith.addf %get3A_22, %broadcast_in_dim3A_26 : vector<1x128xf32>
    %swap3A_28 = arith.constant 1 : index
    %swap3A_29 = arith.constant 0 : index
    %swap3A_30 = arith.constant 0 : index
    %swap3A_31 = vector.load %arg6[%swap3A_28, %swap3A_29, %swap3A_30] : memref<5x1x128xf32, #tpu.memory_space<vmem>>, vector<1x1x128xf32>
    %swap3A_32 = vector.shape_cast %swap3A_31 : vector<1x1x128xf32> to vector<1x128xf32>
    %swap3A_33 = vector.shape_cast %add3A_27 : vector<1x128xf32> to vector<1x1x128xf32>
    tpu.vector_store %arg6[%swap3A_28, %swap3A_29, %swap3A_30], %swap3A_33 {strides = array<i32>} : memref<5x1x128xf32, #tpu.memory_space<vmem>>, vector<1x1x128xf32>,
    %get3A_34 = arith.constant 0 : index
    %get3A_35 = arith.constant 0 : index
    %get3A_36 = vector.load %arg3[%get3A_34, %get3A_35] : memref<1000x128xf32, #tpu.memory_space<vmem>>, vector<1000x128xf32>
    %get3A_37 = arith.constant 2 : index
    %get3A_38 = arith.constant 0 : index
    %get3A_39 = arith.constant 0 : index
    %get3A_40 = vector.load %arg6[%get3A_37, %get3A_38, %get3A_39] : memref<5x1x128xf32, #tpu.memory_space<vmem>>, vector<1x1x128xf32>
    %get3A_41 = vector.shape_cast %get3A_40 : vector<1x1x128xf32> to vector<1x128xf32>
    %mul3A_42 = arith.mulf %get3A_36, %get3A_36 : vector<1000x128xf32>
    %reduce_sum3A_43 = arith.constant dense<0.000000e+00> : vector<128xf32>
    %reduce_sum3A_44 = vector.multi_reduction <add>, %mul3A_42, %reduce_sum3A_43 [0] : vector<1000x128xf32> to vector<128xf32>
    %broadcast_in_dim3A_45 = vector.shape_cast %reduce_sum3A_44 : vector<128xf32> to vector<1x128xf32>
    %add3A_46 = arith.addf %get3A_41, %broadcast_in_dim3A_45 : vector<1x128xf32>
    %swap3A_47 = arith.constant 2 : index
    %swap3A_48 = arith.constant 0 : index
    %swap3A_49 = arith.constant 0 : index
    %swap3A_50 = vector.load %arg6[%swap3A_47, %swap3A_48, %swap3A_49] : memref<5x1x128xf32, #tpu.memory_space<vmem>>, vector<1x1x128xf32>
    %swap3A_51 = vector.shape_cast %swap3A_50 : vector<1x1x128xf32> to vector<1x128xf32>
    %swap3A_52 = vector.shape_cast %add3A_46 : vector<1x128xf32> to vector<1x1x128xf32>
    tpu.vector_store %arg6[%swap3A_47, %swap3A_48, %swap3A_49], %swap3A_52 {strides = array<i32>} : memref<5x1x128xf32, #tpu.memory_space<vmem>>, vector<1x1x128xf32>,
    %get3A_53 = arith.constant 0 : index
    %get3A_54 = arith.constant 0 : index
    %get3A_55 = vector.load %arg4[%get3A_53, %get3A_54] : memref<1000x128xf32, #tpu.memory_space<vmem>>, vector<1000x128xf32>
    %get3A_56 = arith.constant 3 : index
    %get3A_57 = arith.constant 0 : index
    %get3A_58 = arith.constant 0 : index
    %get3A_59 = vector.load %arg6[%get3A_56, %get3A_57, %get3A_58] : memref<5x1x128xf32, #tpu.memory_space<vmem>>, vector<1x1x128xf32>
    %get3A_60 = vector.shape_cast %get3A_59 : vector<1x1x128xf32> to vector<1x128xf32>
    %mul3A_61 = arith.mulf %get3A_55, %get3A_55 : vector<1000x128xf32>
    %reduce_sum3A_62 = arith.constant dense<0.000000e+00> : vector<128xf32>
    %reduce_sum3A_63 = vector.multi_reduction <add>, %mul3A_61, %reduce_sum3A_62 [0] : vector<1000x128xf32> to vector<128xf32>
    %broadcast_in_dim3A_64 = vector.shape_cast %reduce_sum3A_63 : vector<128xf32> to vector<1x128xf32>
    %add3A_65 = arith.addf %get3A_60, %broadcast_in_dim3A_64 : vector<1x128xf32>
    %swap3A_66 = arith.constant 3 : index
    %swap3A_67 = arith.constant 0 : index
    %swap3A_68 = arith.constant 0 : index
    %swap3A_69 = vector.load %arg6[%swap3A_66, %swap3A_67, %swap3A_68] : memref<5x1x128xf32, #tpu.memory_space<vmem>>, vector<1x1x128xf32>
    %swap3A_70 = vector.shape_cast %swap3A_69 : vector<1x1x128xf32> to vector<1x128xf32>
    %swap3A_71 = vector.shape_cast %add3A_65 : vector<1x128xf32> to vector<1x1x128xf32>
    tpu.vector_store %arg6[%swap3A_66, %swap3A_67, %swap3A_68], %swap3A_71 {strides = array<i32>} : memref<5x1x128xf32, #tpu.memory_space<vmem>>, vector<1x1x128xf32>,
    %get3A_72 = arith.constant 0 : index
    %get3A_73 = arith.constant 0 : index
    %get3A_74 = vector.load %arg5[%get3A_72, %get3A_73] : memref<1000x128xf32, #tpu.memory_space<vmem>>, vector<1000x128xf32>
    %get3A_75 = arith.constant 4 : index
    %get3A_76 = arith.constant 0 : index
    %get3A_77 = arith.constant 0 : index
    %get3A_78 = vector.load %arg6[%get3A_75, %get3A_76, %get3A_77] : memref<5x1x128xf32, #tpu.memory_space<vmem>>, vector<1x1x128xf32>
    %get3A_79 = vector.shape_cast %get3A_78 : vector<1x1x128xf32> to vector<1x128xf32>
    %mul3A_80 = arith.mulf %get3A_74, %get3A_74 : vector<1000x128xf32>
    %reduce_sum3A_81 = arith.constant dense<0.000000e+00> : vector<128xf32>
    %reduce_sum3A_82 = vector.multi_reduction <add>, %mul3A_80, %reduce_sum3A_81 [0] : vector<1000x128xf32> to vector<128xf32>
    %broadcast_in_dim3A_83 = vector.shape_cast %reduce_sum3A_82 : vector<128xf32> to vector<1x128xf32>
    %add3A_84 = arith.addf %get3A_79, %broadcast_in_dim3A_83 : vector<1x128xf32>
    %swap3A_85 = arith.constant 4 : index
    %swap3A_86 = arith.constant 0 : index
    %swap3A_87 = arith.constant 0 : index
    %swap3A_88 = vector.load %arg6[%swap3A_85, %swap3A_86, %swap3A_87] : memref<5x1x128xf32, #tpu.memory_space<vmem>>, vector<1x1x128xf32>
    %swap3A_89 = vector.shape_cast %swap3A_88 : vector<1x1x128xf32> to vector<1x128xf32>
    %swap3A_90 = vector.shape_cast %add3A_84 : vector<1x128xf32> to vector<1x1x128xf32>
    tpu.vector_store %arg6[%swap3A_85, %swap3A_86, %swap3A_87], %swap3A_90 {strides = array<i32>} : memref<5x1x128xf32, #tpu.memory_space<vmem>>, vector<1x1x128xf32>,
    return
  }
  func.func @transform_0(%arg0: i32) -> (i32, i32) {
    %c0_i32 = arith.constant 0 : i32
    %c0_i32_0 = arith.constant 0 : i32
    return %arg0, %c0_i32 : i32, i32
  }
  func.func @transform_1(%arg0: i32) -> (i32, i32) {
    %c0_i32 = arith.constant 0 : i32
    %c0_i32_0 = arith.constant 0 : i32
    return %arg0, %c0_i32 : i32, i32
  }
  func.func @transform_2(%arg0: i32) -> (i32, i32) {
    %c0_i32 = arith.constant 0 : i32
    %c0_i32_0 = arith.constant 0 : i32
    return %arg0, %c0_i32 : i32, i32
  }
  func.func @transform_3(%arg0: i32) -> (i32, i32) {
    %c0_i32 = arith.constant 0 : i32
    %c0_i32_0 = arith.constant 0 : i32
    return %arg0, %c0_i32 : i32, i32
  }
  func.func @transform_4(%arg0: i32) -> (i32, i32) {
    %c0_i32 = arith.constant 0 : i32
    %c0_i32_0 = arith.constant 0 : i32
    return %arg0, %c0_i32 : i32, i32
  }
  func.func @transform_5(%arg0: i32) -> (i32, i32, i32) {
    %c0_i32 = arith.constant 0 : i32
    %c0_i32_0 = arith.constant 0 : i32
    %c0_i32_1 = arith.constant 0 : i32
    %c0_i32_2 = arith.constant 0 : i32
    return %c0_i32, %c0_i32_0, %c0_i32_1 : i32, i32, i32
  }
}

module attributes {stable_mosaic.version = 14 : i64} {
  func.func @_scale_body(%arg0: i32, %arg1: memref<1000x128xf32, #tpu.memory_space<vmem>>, %arg2: memref<1000x128xf32, #tpu.memory_space<vmem>>, %arg3: memref<1000x128xf32, #tpu.memory_space<vmem>>, %arg4: memref<1000x128xf32, #tpu.memory_space<vmem>>, %arg5: memref<1000x128xf32, #tpu.memory_space<vmem>>, %arg6: memref<5x1x128xf32, #tpu.memory_space<vmem>>, %arg7: memref<5x1000x128xf32, #tpu.memory_space<vmem>>) attributes {dimension_semantics = [#tpu.dimension_semantics<arbitrary>], iteration_bounds = array<i64: 10>, scalar_prefetch = 0 : i64, scratch_operands = 0 : i64, tpu.core_type = #tpu.core_type<tc>, window_params = [{transform_indices = @transform_0, window_bounds = array<i64: 1000, 128>}, {transform_indices = @transform_1, window_bounds = array<i64: 1000, 128>}, {transform_indices = @transform_2, window_bounds = array<i64: 1000, 128>}, {transform_indices = @transform_3, window_bounds = array<i64: 1000, 128>}, {transform_indices = @transform_4, window_bounds = array<i64: 1000, 128>}, {pipeline_mode = #tpu.pipeline_mode<synchronous>, transform_indices = @transform_5, window_bounds = array<i64: 5, 1, 128>}, {transform_indices = @transform_6, window_bounds = array<i64: 5, 1000, 128>}]} {
    %get3A = arith.constant 0 : index
    %get3A_0 = arith.constant 0 : index
    %get3A_1 = vector.load %arg1[%get3A, %get3A_0] : memref<1000x128xf32, #tpu.memory_space<vmem>>, vector<1000x128xf32>
    %get3A_2 = arith.constant 0 : index
    %get3A_3 = arith.constant 0 : index
    %get3A_4 = arith.constant 0 : index
    %get3A_5 = vector.load %arg6[%get3A_2, %get3A_3, %get3A_4] : memref<5x1x128xf32, #tpu.memory_space<vmem>>, vector<1x1x128xf32>
    %get3A_6 = vector.shape_cast %get3A_5 : vector<1x1x128xf32> to vector<1x128xf32>
    %mul3A = vector.broadcast %get3A_6 : vector<1x128xf32> to vector<1000x128xf32>
    %mul3A_7 = arith.mulf %get3A_1, %mul3A : vector<1000x128xf32>
    %swap3A = arith.constant 0 : index
    %swap3A_8 = arith.constant 0 : index
    %swap3A_9 = arith.constant 0 : index
    %swap3A_10 = vector.load %arg7[%swap3A, %swap3A_8, %swap3A_9] : memref<5x1000x128xf32, #tpu.memory_space<vmem>>, vector<1x1000x128xf32>
    %swap3A_11 = vector.shape_cast %swap3A_10 : vector<1x1000x128xf32> to vector<1000x128xf32>
    %swap3A_12 = vector.shape_cast %mul3A_7 : vector<1000x128xf32> to vector<1x1000x128xf32>
    tpu.vector_store %arg7[%swap3A, %swap3A_8, %swap3A_9], %swap3A_12 {strides = array<i32>} : memref<5x1000x128xf32, #tpu.memory_space<vmem>>, vector<1x1000x128xf32>,
    %get3A_13 = arith.constant 0 : index
    %get3A_14 = arith.constant 0 : index
    %get3A_15 = vector.load %arg2[%get3A_13, %get3A_14] : memref<1000x128xf32, #tpu.memory_space<vmem>>, vector<1000x128xf32>
    %get3A_16 = arith.constant 1 : index
    %get3A_17 = arith.constant 0 : index
    %get3A_18 = arith.constant 0 : index
    %get3A_19 = vector.load %arg6[%get3A_16, %get3A_17, %get3A_18] : memref<5x1x128xf32, #tpu.memory_space<vmem>>, vector<1x1x128xf32>
    %get3A_20 = vector.shape_cast %get3A_19 : vector<1x1x128xf32> to vector<1x128xf32>
    %mul3A_21 = vector.broadcast %get3A_20 : vector<1x128xf32> to vector<1000x128xf32>
    %mul3A_22 = arith.mulf %get3A_15, %mul3A_21 : vector<1000x128xf32>
    %swap3A_23 = arith.constant 1 : index
    %swap3A_24 = arith.constant 0 : index
    %swap3A_25 = arith.constant 0 : index
    %swap3A_26 = vector.load %arg7[%swap3A_23, %swap3A_24, %swap3A_25] : memref<5x1000x128xf32, #tpu.memory_space<vmem>>, vector<1x1000x128xf32>
    %swap3A_27 = vector.shape_cast %swap3A_26 : vector<1x1000x128xf32> to vector<1000x128xf32>
    %swap3A_28 = vector.shape_cast %mul3A_22 : vector<1000x128xf32> to vector<1x1000x128xf32>
    tpu.vector_store %arg7[%swap3A_23, %swap3A_24, %swap3A_25], %swap3A_28 {strides = array<i32>} : memref<5x1000x128xf32, #tpu.memory_space<vmem>>, vector<1x1000x128xf32>,
    %get3A_29 = arith.constant 0 : index
    %get3A_30 = arith.constant 0 : index
    %get3A_31 = vector.load %arg3[%get3A_29, %get3A_30] : memref<1000x128xf32, #tpu.memory_space<vmem>>, vector<1000x128xf32>
    %get3A_32 = arith.constant 2 : index
    %get3A_33 = arith.constant 0 : index
    %get3A_34 = arith.constant 0 : index
    %get3A_35 = vector.load %arg6[%get3A_32, %get3A_33, %get3A_34] : memref<5x1x128xf32, #tpu.memory_space<vmem>>, vector<1x1x128xf32>
    %get3A_36 = vector.shape_cast %get3A_35 : vector<1x1x128xf32> to vector<1x128xf32>
    %mul3A_37 = vector.broadcast %get3A_36 : vector<1x128xf32> to vector<1000x128xf32>
    %mul3A_38 = arith.mulf %get3A_31, %mul3A_37 : vector<1000x128xf32>
    %swap3A_39 = arith.constant 2 : index
    %swap3A_40 = arith.constant 0 : index
    %swap3A_41 = arith.constant 0 : index
    %swap3A_42 = vector.load %arg7[%swap3A_39, %swap3A_40, %swap3A_41] : memref<5x1000x128xf32, #tpu.memory_space<vmem>>, vector<1x1000x128xf32>
    %swap3A_43 = vector.shape_cast %swap3A_42 : vector<1x1000x128xf32> to vector<1000x128xf32>
    %swap3A_44 = vector.shape_cast %mul3A_38 : vector<1000x128xf32> to vector<1x1000x128xf32>
    tpu.vector_store %arg7[%swap3A_39, %swap3A_40, %swap3A_41], %swap3A_44 {strides = array<i32>} : memref<5x1000x128xf32, #tpu.memory_space<vmem>>, vector<1x1000x128xf32>,
    %get3A_45 = arith.constant 0 : index
    %get3A_46 = arith.constant 0 : index
    %get3A_47 = vector.load %arg4[%get3A_45, %get3A_46] : memref<1000x128xf32, #tpu.memory_space<vmem>>, vector<1000x128xf32>
    %get3A_48 = arith.constant 3 : index
    %get3A_49 = arith.constant 0 : index
    %get3A_50 = arith.constant 0 : index
    %get3A_51 = vector.load %arg6[%get3A_48, %get3A_49, %get3A_50] : memref<5x1x128xf32, #tpu.memory_space<vmem>>, vector<1x1x128xf32>
    %get3A_52 = vector.shape_cast %get3A_51 : vector<1x1x128xf32> to vector<1x128xf32>
    %mul3A_53 = vector.broadcast %get3A_52 : vector<1x128xf32> to vector<1000x128xf32>
    %mul3A_54 = arith.mulf %get3A_47, %mul3A_53 : vector<1000x128xf32>
    %swap3A_55 = arith.constant 3 : index
    %swap3A_56 = arith.constant 0 : index
    %swap3A_57 = arith.constant 0 : index
    %swap3A_58 = vector.load %arg7[%swap3A_55, %swap3A_56, %swap3A_57] : memref<5x1000x128xf32, #tpu.memory_space<vmem>>, vector<1x1000x128xf32>
    %swap3A_59 = vector.shape_cast %swap3A_58 : vector<1x1000x128xf32> to vector<1000x128xf32>
    %swap3A_60 = vector.shape_cast %mul3A_54 : vector<1000x128xf32> to vector<1x1000x128xf32>
    tpu.vector_store %arg7[%swap3A_55, %swap3A_56, %swap3A_57], %swap3A_60 {strides = array<i32>} : memref<5x1000x128xf32, #tpu.memory_space<vmem>>, vector<1x1000x128xf32>,
    %get3A_61 = arith.constant 0 : index
    %get3A_62 = arith.constant 0 : index
    %get3A_63 = vector.load %arg5[%get3A_61, %get3A_62] : memref<1000x128xf32, #tpu.memory_space<vmem>>, vector<1000x128xf32>
    %get3A_64 = arith.constant 4 : index
    %get3A_65 = arith.constant 0 : index
    %get3A_66 = arith.constant 0 : index
    %get3A_67 = vector.load %arg6[%get3A_64, %get3A_65, %get3A_66] : memref<5x1x128xf32, #tpu.memory_space<vmem>>, vector<1x1x128xf32>
    %get3A_68 = vector.shape_cast %get3A_67 : vector<1x1x128xf32> to vector<1x128xf32>
    %mul3A_69 = vector.broadcast %get3A_68 : vector<1x128xf32> to vector<1000x128xf32>
    %mul3A_70 = arith.mulf %get3A_63, %mul3A_69 : vector<1000x128xf32>
    %swap3A_71 = arith.constant 4 : index
    %swap3A_72 = arith.constant 0 : index
    %swap3A_73 = arith.constant 0 : index
    %swap3A_74 = vector.load %arg7[%swap3A_71, %swap3A_72, %swap3A_73] : memref<5x1000x128xf32, #tpu.memory_space<vmem>>, vector<1x1000x128xf32>
    %swap3A_75 = vector.shape_cast %swap3A_74 : vector<1x1000x128xf32> to vector<1000x128xf32>
    %swap3A_76 = vector.shape_cast %mul3A_70 : vector<1000x128xf32> to vector<1x1000x128xf32>
    tpu.vector_store %arg7[%swap3A_71, %swap3A_72, %swap3A_73], %swap3A_76 {strides = array<i32>} : memref<5x1000x128xf32, #tpu.memory_space<vmem>>, vector<1x1000x128xf32>,
    return
  }
  func.func @transform_0(%arg0: i32) -> (i32, i32) {
    %c0_i32 = arith.constant 0 : i32
    %c0_i32_0 = arith.constant 0 : i32
    return %arg0, %c0_i32 : i32, i32
  }
  func.func @transform_1(%arg0: i32) -> (i32, i32) {
    %c0_i32 = arith.constant 0 : i32
    %c0_i32_0 = arith.constant 0 : i32
    return %arg0, %c0_i32 : i32, i32
  }
  func.func @transform_2(%arg0: i32) -> (i32, i32) {
    %c0_i32 = arith.constant 0 : i32
    %c0_i32_0 = arith.constant 0 : i32
    return %arg0, %c0_i32 : i32, i32
  }
  func.func @transform_3(%arg0: i32) -> (i32, i32) {
    %c0_i32 = arith.constant 0 : i32
    %c0_i32_0 = arith.constant 0 : i32
    return %arg0, %c0_i32 : i32, i32
  }
  func.func @transform_4(%arg0: i32) -> (i32, i32) {
    %c0_i32 = arith.constant 0 : i32
    %c0_i32_0 = arith.constant 0 : i32
    return %arg0, %c0_i32 : i32, i32
  }
  func.func @transform_5(%arg0: i32) -> (i32, i32, i32) {
    %c0_i32 = arith.constant 0 : i32
    %c0_i32_0 = arith.constant 0 : i32
    %c0_i32_1 = arith.constant 0 : i32
    %c0_i32_2 = arith.constant 0 : i32
    return %c0_i32, %c0_i32_0, %c0_i32_1 : i32, i32, i32
  }
  func.func @transform_6(%arg0: i32) -> (i32, i32, i32) {
    %c0_i32 = arith.constant 0 : i32
    %c0_i32_0 = arith.constant 0 : i32
    %c0_i32_1 = arith.constant 0 : i32
    return %c0_i32, %arg0, %c0_i32_0 : i32, i32, i32
  }
}

</mosaic_0001>

<sc_bundles>
// kernel: kernel.14.cloned.1.call-start
scs
__scs_entry_jumppad:
0x0: {  	(pc) =	sbr.rel $0x88, $3  }
0x1: {  	(tag) =	ssettag $0x0;
	lr =	simm.s32 $0x1  }
0x2: {  	[smem:$0x3F9F] =	sst lr;
	_ =	strace $0xD0000000  }
0x3: {  	_ = 	snop  }
0x4: {  	_ = 	snop  }
0x5: {  	_ = 	snop  }
0x6: {  	_ = 	snop  }
0x7: {  	_ = 	snop  }
__scs_overlays_trampoline_lowered:
0x8: {  	[smem:$0x3FAE] =	sst s0  }
0x9: {  	[smem:$0x3FAF] =	sst s1  }
0xa: {  	[smem:$0x3FB0] =	sst s2  }
0xb: {  	[smem:$0x3FB1] =	sst s3  }
0xc: {  	[smem:$0x3FB2] =	sst s4  }
0xd: {  	[smem:$0x3FB3] =	sst s5  }
0xe: {  	[smem:$0x3FB4] =	sst s6  }
0xf: {  	[smem:$0x3FB5] =	sst s7  }
0x10: {  	[smem:$0x3FB6] =	sst s8  }
0x11: {  	[smem:$0x3FB7] =	sst s9;
	s0 =	simm.s32 @!p0 $0x0  }
0x12: {  	s1 =	sld [smem:$0x3F9D];
	s0 =	simm.s32 @p0 $0x1  }
0x13: {  	[smem:$0x3FB8] =	sst s0;
	s0 =	simm.s32 @!p1 $0x0  }
0x14: {  	s2 =	sld [smem:$0x3F9C];
	s0 =	simm.s32 @p1 $0x1  }
0x15: {  	[smem:$0x3FB9] =	sst s0;
	s0 =	simm.s32 @!p2 $0x0  }
0x16: {  	s3 =	sld [smem:$0x3FDB];
	s0 =	simm.s32 @p2 $0x1  }
0x17: {  	s4 =	simm.s32 $0x1BF5;
	[smem:$0x3FBB] =	sst s0  }
0x18: {  	s0 =	sld [smem:$0x3F9E];
	_ =	swait.ge [sflag:s4], $0x0  }
0x19: {  	s7 =	sld [smem:$0x3F9F]  }
0x1a: {  	s8 =	sadd.s32 $0xFFFFE003, lr  }
0x1b: {  	s9 =	sadd.s32 $0xFFFFFEF7, lr;
	s5 =	simm.s32 $0xFFFFFFFF;
	p2 =	slt.u32 s8, $0xFFFFF086  }
0x1c: {  	p1 =	slt.u32 s9, $0xF7A;
	s5 =	simm.s32 @!p2 $0x0  }
0x1d: {  	s5 =	simm.s32 @p1 $0x1;
	p0 =	seq.s32 s7, s2  }
0x1e: {  	s7 =	smul.u32 @!p0 $0xF7A, s2;
	p2 =	seq.s32 @!p0 s5, $0x0  }
0x1f: {  	s9 =	smul.u32 $0xF7A, s1;
	s8 =	simm.s32 @!p0 $0x1BF5;
	p2 =	por !p2, p0  }
0x20: {  	[sflag:s8] =	ssyncset.s32 @!p0 $0xFFFFF086;
	s6 =	sadd.s32 @!p0 s3, s7;
	s7 =	simm.s32 @!p0 $0x108  }
0x21: {  	s3 =	sadd.s32 s3, s9;
	s6 =	sadd.s32 @!p0 $0x88, s6;
	s7 =	simm.s32 @p2 $0x1082  }
0x22: {  	[simem:s7], [sflag:s8] =	dma.local @!p0 [hbm:s6], $0xF7A  }
0x23: {  	s9 =	sor.u32 $0xD0000000, s2;
	s6 =	simm.s32 $0x108;
	_ =	swait.ge @!p0 [sflag:s8], $0x0  }
0x24: {  	s3 =	sadd.s32 $0x88, s3;
	s6 =	simm.s32 @!p1 $0x1082;
	[sflag:s4] =	ssyncset.s32 $0xFFFFF086  }
0x25: {  	[simem:s6], [sflag:s4] =	dma.local [hbm:s3], $0xF7A  }
0x26: {  	[smem:$0x3F9F] =	sst s1;
	(tag) =	ssettag s2;
	_ =	strace s9  }
0x27: {  	s1 =	sld [smem:$0x3FAF]  }
0x28: {  	s2 =	sld [smem:$0x3FB0]  }
0x29: {  	s4 =	sld [smem:$0x3FB2]  }
0x2a: {  	p0 =	seq.s32 s5, $0x0;
	s5 =	sld [smem:$0x3FB3]  }
0x2b: {  	s6 =	sld [smem:$0x3FB4]  }
0x2c: {  	s7 =	sld [smem:$0x3FB5]  }
0x2d: {  	s3 =	simm.s32 $0x108;
	s8 =	sld [smem:$0x3FB6]  }
0x2e: {  	s3 =	simm.s32 @!p0 $0x1082;
	s9 =	sld [smem:$0x3FB7]  }
0x2f: {  	lr =	sadd.s32 s0, s3;
	s0 =	sld [smem:$0x3FAE]  }
0x30: {  	s3 =	sld [smem:$0x3FB1]  }
0x31: {  	[smem:$0x3FBA] =	sst s10  }
0x32: {  	s10 =	sld [smem:$0x3FB8];
	_ =	sdelay $0x3  }
0x33: {  	p0 =	seq.s32 s10, $0x1;
	s10 =	sld [smem:$0x3FBA];
	_ =	sdelay $0x3  }
0x34: {  	[smem:$0x3FBA] =	sst s10  }
0x35: {  	s10 =	sld [smem:$0x3FB9];
	_ =	sdelay $0x3  }
0x36: {  	p1 =	seq.s32 s10, $0x1;
	s10 =	sld [smem:$0x3FBA];
	_ =	sdelay $0x3  }
0x37: {  	[smem:$0x3FBA] =	sst s10  }
0x38: {  	s10 =	sld [smem:$0x3FBB]  }
0x39: {  	_ = 	snop;
	(pc) =	sbr.ind lr, $3  }
0x3a: {  	_ = 	snop  }
0x3b: {  	_ = 	snop  }
0x3c: {  	p2 =	seq.s32 s10, $0x1;
	s10 =	sld [smem:$0x3FBA]  }
0x3d: {  	_ =	shalt  }
0x3e: {  	_ =	shalt  }
0x3f: {  	_ =	shalt  }
0x40: {  	_ =	shalt  }
0x41: {  	_ =	shalt  }
0x42: {  	_ =	shalt  }
0x43: {  	_ =	shalt  }
0x44: {  	_ =	shalt  }
0x45: {  	_ =	shalt  }
0x46: {  	_ =	shalt  }
0x47: {  	_ =	shalt  }
0x48: {  	_ =	shalt  }
0x49: {  	_ =	shalt  }
0x4a: {  	_ =	shalt  }
0x4b: {  	_ =	shalt  }
0x4c: {  	_ =	shalt  }
0x4d: {  	_ =	shalt  }
0x4e: {  	_ =	shalt  }
0x4f: {  	_ =	shalt  }
0x50: {  	_ =	shalt  }
0x51: {  	_ =	shalt  }
0x52: {  	_ =	shalt  }
0x53: {  	_ =	shalt  }
0x54: {  	_ =	shalt  }
0x55: {  	_ =	shalt  }
0x56: {  	_ =	shalt  }
0x57: {  	_ =	shalt  }
0x58: {  	_ =	shalt  }
0x59: {  	_ =	shalt  }
0x5a: {  	_ =	shalt  }
0x5b: {  	_ =	shalt  }
0x5c: {  	_ =	shalt  }
0x5d: {  	_ =	shalt  }
0x5e: {  	_ =	shalt  }
0x5f: {  	_ =	shalt  }
0x60: {  	_ =	shalt  }
0x61: {  	_ =	shalt  }
0x62: {  	_ =	shalt  }
0x63: {  	_ =	shalt  }
0x64: {  	_ =	shalt  }
0x65: {  	_ =	shalt  }
0x66: {  	_ =	shalt  }
0x67: {  	_ =	shalt  }
0x68: {  	_ =	shalt  }
0x69: {  	_ =	shalt  }
0x6a: {  	_ =	shalt  }
0x6b: {  	_ =	shalt  }
0x6c: {  	_ =	shalt  }
0x6d: {  	_ =	shalt  }
0x6e: {  	_ =	shalt  }
0x6f: {  	_ =	shalt  }
0x70: {  	_ =	shalt  }
0x71: {  	_ =	shalt  }
0x72: {  	_ =	shalt  }
0x73: {  	_ =	shalt  }
0x74: {  	_ =	shalt  }
0x75: {  	_ =	shalt  }
0x76: {  	_ =	shalt  }
0x77: {  	_ =	shalt  }
0x78: {  	_ =	shalt  }
0x79: {  	_ =	shalt  }
0x7a: {  	_ =	shalt  }
0x7b: {  	_ =	shalt  }
0x7c: {  	_ =	shalt  }
0x7d: {  	_ =	shalt  }
0x7e: {  	_ =	shalt  }
0x7f: {  	_ =	shalt  }
0x80: {  	_ =	shalt  }
0x81: {  	_ =	shalt  }
0x82: {  	_ =	shalt  }
0x83: {  	_ =	shalt  }
0x84: {  	_ =	shalt  }
0x85: {  	_ =	shalt  }
0x86: {  	_ =	shalt  }
0x87: {  	_ =	shalt  }
.Lfunc_end0:
.L_simem_size_0:
called_computation_lowered:
.L_overlay_start_0:
0x88: {  	s2 =	sld [smem:$0x3FD9]  }
0x89: {  	s3 =	sld [smem:$0x3FFE];
	_ =	sdelay $0x1  }
0x8a: {  	s1 =	srdreg.scid  }
0x8b: {  	s0 =	sand.u32 $0x1, s1  }
0x8c: {  	s17 =	sshll.u32 s0, $0xA;
	s2 =	sadd.s32 s3, s2  }
0x8d: {  	s2 =	sadd.s32 s2, s17  }
0x8e: {  	[smem:$0x3FC6] =	sst s2  }
0x8f: {  	_ = 	snop  }
0x90: {  	s2 =	sld [smem:$0x3FD0];
	(tm) =	ssettm $0x1  }
0x91: {  	s18 =	sld [smem:$0x3FFB];
	_ =	sdelay $0x3  }
0x92: {  	_ =	strace s18  }
0x93: {  	s3 =	sld [smem:$0x3FFC];
	_ =	sdelay $0x3  }
0x94: {  	_ =	strace s3  }
0x95: {  	s3 =	sld [smem:$0x3FFD];
	_ =	sdelay $0x3  }
0x96: {  	_ =	strace s3  }
0x97: {  	_ =	strace $0x8FFFFFFF  }
0x98: {  	s19 =	sld [smem:$0x3FDB];
	_ =	sdelay $0x1  }
0x99: {  	s4 =	simm.s32 $_scs_section_size  }
0x9a: {  	s5 =	simm.s32 $_size__tile_overlayer_lowered;
	s6 =	simm.s32 $_tile_overlayer_lowered  }
0x9b: {  	s22 =	simm.s32 $0x1BFF;
	s21 =	sshll.u32 s6, $0x1;
	s3 =	sadd.s32 s4, s19  }
0x9c: {  	s7 =	simm.s32 $0x0;
	s20 =	sshll.u32 s5, $0x1;
	s5 =	sadd.s32 s21, s3  }
0x9d: {  	[timem:s7], [sflag:s22] =	dma.local [hbm:s5], s20  }
0x9e: {  	_ =	swait.ge [sflag:s22], s20  }
0x9f: {  	s4 =	ssub.s32 $0x0, s20;
	[sflag:s22] =	ssyncset.done $0x0  }
0xa0: {  	[sflag:s22] =	ssyncadd.s32 s4;
	_ =	sdelay $0x1  }
0xa1: {  	s23 =	simm.s32 $0x1B8B  }
0xa2: {  	_ =	swait.ge [sflag:s23], $0x1  }
0xa3: {  	[sflag:s23] =	ssyncset.done $0x0  }
0xa4: {  	s25 =	simm.s32 $0x1B8E;
	s24 =	sld [smem:$0x3FFE];
	[sflag:s23] =	ssyncadd.s32 $0xFFFFFFFF  }
0xa5: {  	s26 =	simm.s32 $execute0_lowered;
	[smem:$0x3FD2] =	sst s25  }
0xa6: {  	s5 =	sshll.u32 s26, $0x1;
	_ =	strace $0x80000046;
	[dreg:$0x1] =	wrdreg $0xFFFFFFFF  }
0xa7: {  	s28 =	simm.s32 $_size_execute0_lowered;
	s3 =	sadd.s32 s3, s5;
	[dreg:$0x0] =	wrdreg $0x0  }
0xa8: {  	s5 =	sshll.u32 s28, $0x1;
	[dreg:$0x2] =	wrdreg s3  }
0xa9: {  	[dreg:$0x3] =	wrdreg s5  }
0xaa: {  	[dreg:$0x4] =	wrdreg $0xC0  }
0xab: {  	_ =	task [dreg:s7], $0x5FFFF  }
0xac: {  	[dreg:$0x1] =	wrdreg $0xFFFFFFFF  }
0xad: {  	[dreg:$0x0] =	wrdreg $0x60  }
0xae: {  	[dreg:$0x2] =	wrdreg s2  }
0xaf: {  	[dreg:$0x3] =	wrdreg s24  }
0xb0: {  	[dreg:$0x4] =	wrdreg $0x40000  }
0xb1: {  	[dreg:$0x5] =	wrdreg $0x9  }
0xb2: {  	_ =	task.clear_ibuf [dreg:s7], $0x6FFFF;
	_ =	strace $0x90000046  }
0xb3: {  	s29 =	simm.s32 $0x9;
	_ =	strace $0x80000048  }
0xb4: {  	_ =	swait.ge [sflag:s29], $0x1  }
0xb5: {  	[sflag:s29] =	ssyncadd.s32 $0xFFFFFFFF  }
0xb6: {  	_ =	strace $0x90000048  }
0xb7: {  	_ =	sfence  }
0xb8: {  	s30 =	sld [smem:$0x0];
	_ =	sdelay $0x2  }
0xb9: {  	s31 =	sshll.u32 s1, $0xD;
	s1 =	sshrl.u32 s1, $0x2  }
0xba: {  	s3 =	sand.u32 $0x4000, s31;
	s1 =	sadd.s32 s1, s30  }
0xbb: {  	s0 =	sor.u32 s3, s0;
	s1 =	sshll.u32 s1, $0x11  }
0xbc: {  	s0 =	sor.u32 s1, s0  }
0xbd: {  	s0 =	sadd.s32 $0x8F2B, s0  }
0xbe: {  	[sflag:s0] =	ssyncadd.remote.s32 $0x1  }
0xbf: {  	_ =	sfence.sel $0xFFFF  }
0xc0: {  	[dreg:$0x0] =	wrdreg $0xFFFFFFFF;
	(pc) =	sbr.abs _section_cstart, $3  }
0xc1: {  	[dreg:$0x1] =	wrdreg $0xFFFFFFFF  }
0xc2: {  	_ =	task.clear_ibuf [dreg:s7], $0x2FFFF;
	_ =	strace $0x9FFFFFFF  }
0xc3: {  	(tm) =	ssettm $0x7FFFFFFF  }
tec
execute0_lowered:
.L_overlay_start_1:
0x0: {  	(tag) =	ssettag $0x1  }
0x1: {  	s5 =	rddreg [dreg:$0x0]  }
0x2: {  	s7 =	rddreg [dreg:$0x1]  }
0x3: {  	s2 =	rddreg [dreg:$0x2]  }
0x4: {  	s0 =	rddreg [dreg:$0x3]  }
0x5: {  	s4 =	srdreg.scid;
	s3 =	simm.s32 $0x0;
	s1 =	stileid.u32  }
0x6: {  	s17 =	simm.s32 $0x80;
	s18 =	simm.s32 $0x0;
	s8 =	sand.u32 $0x1, s4  }
0x7: {  	[smem:$0x7FF] =	sst s3;
	s9 =	smul.u32 $0x2780, s1;
	s13 =	sadd.s32 $0x16A00, s7  }
0x8: {  	s14 =	sadd.s32 $0x25080, s2;
	s4 =	sshll.u32 s8, $0x4;
	_ =	strace $0x80000047  }
0x9: {  	s10 =	ssub.s32 $0x2, s8;
	s31 =	smul.u32 $0x27100, s8;
	p0 =	seq.s32 s8, $0x0  }
0xa: {  	s8 =	simm.s32 $0x70;
	s4 =	sor.u32 s1, s4;
	s6 =	sshrl.u32 s9, $0x3  }
0xb: {  	s12 =	sshrl.u32 s10, $0x1;
	s16 =	sadd.s32 s9, s2;
	s8 =	simm.s32 @!p0 $0x2E  }
0xc: {  	p0 =	seq.s32 s1, $0xF;
	s11 =	smul.u32 $0x700, s4;
	s6 =	sadd.s32 s6, s7  }
0xd: {  	s4 =	sadd.s32 $0x11800, s7;
	s12 =	ssub.s32 s10, s12;
	s7 =	sadd.s32 $0x16410, s7  }
0xe: {  	s9 =	sadd.s32 s9, s31;
	s10 =	sshrl.u32 s31, $0x3;
	s15 =	sshll.u32 @!p0 s1, $0x6  }
0xf: {  	s14 =	sshrl.u32 @p0 s14, $0x3;
	s16 =	sshrl.u32 @!p0 s16, $0x3;
	s6 =	sadd.s32 $0x11A00, s6  }
0x10: {  	s9 =	sshrl.u32 s9, $0x3;
	s10 =	sadd.s32 s13, s10;
	s15 =	sor.u32 @!p0 $0x1C01, s15  }
0x11: {  	s5 =	sadd.s32 s5, s11;
	s9 =	sadd.s32 s13, s9;
	s10 =	sadd.s32 $0x4A10, s10  }
0x12: {  	s11 =	smax.u32 s12, $0x1;
	s12 =	simm.s32 $0x1;
	s13 =	simm.s32 $0x3800  }
.LBB2_1:
0x13: {  	[tilespmem:s3], [sflag:$0x1] =	stream.linear.gather [hbm4b:s5+s3], $0x3800, $0x38;
	[tilespmem:$0x6718] =	vst v63  }
0x14: {  	_ =	swait.ge [sflag:s12], $0x3800  }
0x15: {  	[sflag:s12] =	ssyncset.done $0x0  }
0x16: {  	[sflag:s12] =	ssyncadd.s32 $0xFFFFC800  }
0x17: {  	[tilespmem:s13], [sflag:$0x1] =	stream.linear.gather [hbm4b:s4+s3], $0x800, $0x38;
	[tilespmem:$0x6718] =	vst v63  }
0x18: {  	_ =	swait.ge [sflag:s12], $0x800  }
0x19: {  	[sflag:s12] =	ssyncset.done $0x0  }
0x1a: {  	s21 =	simm.s32 @p0 $0x1FC1;
	s20 =	simm.s32 @p0 $0x1;
	[sflag:s12] =	ssyncadd.s32 $0xFFFFF800  }
0x1b: {  	[spmem:s14], [sflag:s21] =	dma.local @p0 [hbm:s7], $0x410  }
0x1c: {  	_ =	swait.ge @p0 [sflag:s20], $0x410  }
0x1d: {  	[sflag:s20] =	ssyncset.done @p0 $0x0  }
0x1e: {  	s19 =	simm.s32 @!p0 $0x1;
	[sflag:s20] =	ssyncadd.s32 @p0 $0xFFFFFBF0  }
0x1f: {  	[spmem:s16], [sflag:s15] =	dma.local @!p0 [hbm:s6], $0x4F0  }
0x20: {  	_ =	swait.ge @!p0 [sflag:s19], $0x4F0  }
0x21: {  	p1 =	sne.s32 s8, $0x1;
	[sflag:s19] =	ssyncset.done @!p0 $0x0  }
.Ltmp0:
0x22: {  	[sflag:s19] =	ssyncadd.s32 @!p0 $0xFFFFFB10;
	(pc) =	sbr.rel @!p1 .LBB2_3-.Ltmp0, $4  }
0x23: {  	[bflag:$0x0] =	sbarrier.arrive $0xFFFF  }
0x24: {  	[spmem:s2] =	stream.indirect.scatter.add.f32 [tilespmem:s13], [sflag:$0x1], $0x10, s3, s17, $0xb8;
	[tilespmem:$0x6718] =	vst v63  }
0x25: {  	_ =	swait.ge [sflag:s12], $0x800  }
0x26: {  	s22 =	sadd.s32 $0xFFFFFFFF, s8;
	s23 =	simm.s32 $0x0;
	[sflag:s12] =	ssyncset.done $0x0  }
.LBB2_2:
0x27: {  	p1 =	sne.s32 s22, $0x1;
	[sflag:s12] =	ssyncadd.s32 $0xFFFFF800;
	s23 =	sadd.s32 $0x80, s23  }
.Ltmp1:
0x28: {  	s22 =	sadd.s32 $0xFFFFFFFF, s22;
	(pc) =	sbr.rel @p1 .LBB2_2-.Ltmp1, $4  }
0x29: {  	_ = 	snop  }
0x2a: {  	[spmem:s2] =	stream.indirect.scatter.add.f32 [tilespmem:s13], [sflag:$0x1], $0x10, s23, s17, $0xb8;
	[tilespmem:$0x6718] =	vst v63  }
0x2b: {  	_ =	swait.ge [sflag:s12], $0x800  }
0x2c: {  	[sflag:s12] =	ssyncset.done $0x0  }
.LBB2_3:
0x2d: {  	[sflag:s12] =	ssyncadd.s32 $0xFFFFF800  }
0x2e: {  	[bflag:$0x0] =	sbarrier.arrive $0xFFFF  }
0x2f: {  	[hbm:s10], [sflag:s21] =	dma.local @p0 [spmem:s14], $0x410  }
0x30: {  	s18 =	sadd.s32 $0x1, s18;
	_ =	swait.ge @p0 [sflag:s20], $0x410  }
0x31: {  	p1 =	sne.s32 s18, s11;
	[sflag:s20] =	ssyncset.done @p0 $0x0  }
.Ltmp2:
0x32: {  	[sflag:s20] =	ssyncadd.s32 @p0 $0xFFFFFBF0;
	(pc) =	sbr.rel @p1 .LBB2_1-.Ltmp2, $4  }
0x33: {  	[hbm:s9], [sflag:s15] =	dma.local @!p0 [spmem:s16], $0x4F0  }
0x34: {  	_ =	swait.ge @!p0 [sflag:s19], $0x4F0  }
0x35: {  	[sflag:s19] =	ssyncset.done @!p0 $0x0  }
0x36: {  	[sflag:s19] =	ssyncadd.s32 @!p0 $0xFFFFFB10  }
0x37: {  	_ =	sfence.sel $0x180000  }
0x38: {  	[bflag:$0x0] =	sbarrier.arrive $0xFFFF  }
0x39: {  	p0 =	sne.s32 s1, $0x0;
	_ =	strace $0x90000047  }
0x3a: {  	s0 =	sadd.s32 @!p0 $0x100000, s0;
	[bflag:$0x2] =	sbarrier.arrive $0xFFFF  }
0x3b: {  	[sflag:s0] =	ssyncadd.tile.s32 @!p0 $0x1;
	_ =	shalt  }
.Lfunc_end2:
_tile_overlayer_lowered:
.L_overlay_start_2:
0x3c: {  	(tag) =	ssettag $0x2  }
0x3d: {  	s0 =	rddreg [dreg:$0x0];
	s2 =	stileid.u32  }
0x3e: {  	s1 =	rddreg [dreg:$0x1];
	p0 =	sne.s32 s2, $0x0  }
0x3f: {  	s3 =	rddreg [dreg:$0x2];
	[bflag:$0x3] =	sbarrier.arrive $0xFFFF;
	s2 =	simm.s32 @!p0 $0x1C01  }
0x40: {  	[timem:s3], [sflag:s2] =	dma.local @!p0 [hbm:s0], s1  }
0x41: {  	s0 =	simm.s32 @!p0 $0x1  }
0x42: {  	_ =	swait.ge @!p0 [sflag:s0], s1  }
0x43: {  	s1 =	ssub.s32 @!p0 $0x0, s1;
	[sflag:s0] =	ssyncset.done @!p0 $0x0  }
0x44: {  	[sflag:s0] =	ssyncadd.s32 @!p0 s1  }
0x45: {  	[bflag:$0x3] =	sbarrier.arrive $0xFFFF  }
0x46: {  	_ =	shalt  }

// kernel: kernel.17.cloned.1.call-start
scs
__scs_entry_jumppad:
0x0: {  	(pc) =	sbr.rel $0x88, $3  }
0x1: {  	(tag) =	ssettag $0x0;
	lr =	simm.s32 $0x1  }
0x2: {  	[smem:$0x3F9F] =	sst lr;
	_ =	strace $0xD0000000  }
0x3: {  	_ = 	snop  }
0x4: {  	_ = 	snop  }
0x5: {  	_ = 	snop  }
0x6: {  	_ = 	snop  }
0x7: {  	_ = 	snop  }
__scs_overlays_trampoline_lowered:
0x8: {  	[smem:$0x3FAE] =	sst s0  }
0x9: {  	[smem:$0x3FAF] =	sst s1  }
0xa: {  	[smem:$0x3FB0] =	sst s2  }
0xb: {  	[smem:$0x3FB1] =	sst s3  }
0xc: {  	[smem:$0x3FB2] =	sst s4  }
0xd: {  	[smem:$0x3FB3] =	sst s5  }
0xe: {  	[smem:$0x3FB4] =	sst s6  }
0xf: {  	[smem:$0x3FB5] =	sst s7  }
0x10: {  	[smem:$0x3FB6] =	sst s8  }
0x11: {  	[smem:$0x3FB7] =	sst s9;
	s0 =	simm.s32 @!p0 $0x0  }
0x12: {  	s1 =	sld [smem:$0x3F9D];
	s0 =	simm.s32 @p0 $0x1  }
0x13: {  	[smem:$0x3FB8] =	sst s0;
	s0 =	simm.s32 @!p1 $0x0  }
0x14: {  	s2 =	sld [smem:$0x3F9C];
	s0 =	simm.s32 @p1 $0x1  }
0x15: {  	[smem:$0x3FB9] =	sst s0;
	s0 =	simm.s32 @!p2 $0x0  }
0x16: {  	s3 =	sld [smem:$0x3FDB];
	s0 =	simm.s32 @p2 $0x1  }
0x17: {  	s4 =	simm.s32 $0x1BF5;
	[smem:$0x3FBB] =	sst s0  }
0x18: {  	s0 =	sld [smem:$0x3F9E];
	_ =	swait.ge [sflag:s4], $0x0  }
0x19: {  	s7 =	sld [smem:$0x3F9F]  }
0x1a: {  	s8 =	sadd.s32 $0xFFFFE003, lr  }
0x1b: {  	s9 =	sadd.s32 $0xFFFFFEF7, lr;
	s5 =	simm.s32 $0xFFFFFFFF;
	p2 =	slt.u32 s8, $0xFFFFF086  }
0x1c: {  	p1 =	slt.u32 s9, $0xF7A;
	s5 =	simm.s32 @!p2 $0x0  }
0x1d: {  	s5 =	simm.s32 @p1 $0x1;
	p0 =	seq.s32 s7, s2  }
0x1e: {  	s7 =	smul.u32 @!p0 $0xF7A, s2;
	p2 =	seq.s32 @!p0 s5, $0x0  }
0x1f: {  	s9 =	smul.u32 $0xF7A, s1;
	s8 =	simm.s32 @!p0 $0x1BF5;
	p2 =	por !p2, p0  }
0x20: {  	[sflag:s8] =	ssyncset.s32 @!p0 $0xFFFFF086;
	s6 =	sadd.s32 @!p0 s3, s7;
	s7 =	simm.s32 @!p0 $0x108  }
0x21: {  	s3 =	sadd.s32 s3, s9;
	s6 =	sadd.s32 @!p0 $0x88, s6;
	s7 =	simm.s32 @p2 $0x1082  }
0x22: {  	[simem:s7], [sflag:s8] =	dma.local @!p0 [hbm:s6], $0xF7A  }
0x23: {  	s9 =	sor.u32 $0xD0000000, s2;
	s6 =	simm.s32 $0x108;
	_ =	swait.ge @!p0 [sflag:s8], $0x0  }
0x24: {  	s3 =	sadd.s32 $0x88, s3;
	s6 =	simm.s32 @!p1 $0x1082;
	[sflag:s4] =	ssyncset.s32 $0xFFFFF086  }
0x25: {  	[simem:s6], [sflag:s4] =	dma.local [hbm:s3], $0xF7A  }
0x26: {  	[smem:$0x3F9F] =	sst s1;
	(tag) =	ssettag s2;
	_ =	strace s9  }
0x27: {  	s1 =	sld [smem:$0x3FAF]  }
0x28: {  	s2 =	sld [smem:$0x3FB0]  }
0x29: {  	s4 =	sld [smem:$0x3FB2]  }
0x2a: {  	p0 =	seq.s32 s5, $0x0;
	s5 =	sld [smem:$0x3FB3]  }
0x2b: {  	s6 =	sld [smem:$0x3FB4]  }
0x2c: {  	s7 =	sld [smem:$0x3FB5]  }
0x2d: {  	s3 =	simm.s32 $0x108;
	s8 =	sld [smem:$0x3FB6]  }
0x2e: {  	s3 =	simm.s32 @!p0 $0x1082;
	s9 =	sld [smem:$0x3FB7]  }
0x2f: {  	lr =	sadd.s32 s0, s3;
	s0 =	sld [smem:$0x3FAE]  }
0x30: {  	s3 =	sld [smem:$0x3FB1]  }
0x31: {  	[smem:$0x3FBA] =	sst s10  }
0x32: {  	s10 =	sld [smem:$0x3FB8];
	_ =	sdelay $0x3  }
0x33: {  	p0 =	seq.s32 s10, $0x1;
	s10 =	sld [smem:$0x3FBA];
	_ =	sdelay $0x3  }
0x34: {  	[smem:$0x3FBA] =	sst s10  }
0x35: {  	s10 =	sld [smem:$0x3FB9];
	_ =	sdelay $0x3  }
0x36: {  	p1 =	seq.s32 s10, $0x1;
	s10 =	sld [smem:$0x3FBA];
	_ =	sdelay $0x3  }
0x37: {  	[smem:$0x3FBA] =	sst s10  }
0x38: {  	s10 =	sld [smem:$0x3FBB]  }
0x39: {  	_ = 	snop;
	(pc) =	sbr.ind lr, $3  }
0x3a: {  	_ = 	snop  }
0x3b: {  	_ = 	snop  }
0x3c: {  	p2 =	seq.s32 s10, $0x1;
	s10 =	sld [smem:$0x3FBA]  }
0x3d: {  	_ =	shalt  }
0x3e: {  	_ =	shalt  }
0x3f: {  	_ =	shalt  }
0x40: {  	_ =	shalt  }
0x41: {  	_ =	shalt  }
0x42: {  	_ =	shalt  }
0x43: {  	_ =	shalt  }
0x44: {  	_ =	shalt  }
0x45: {  	_ =	shalt  }
0x46: {  	_ =	shalt  }
0x47: {  	_ =	shalt  }
0x48: {  	_ =	shalt  }
0x49: {  	_ =	shalt  }
0x4a: {  	_ =	shalt  }
0x4b: {  	_ =	shalt  }
0x4c: {  	_ =	shalt  }
0x4d: {  	_ =	shalt  }
0x4e: {  	_ =	shalt  }
0x4f: {  	_ =	shalt  }
0x50: {  	_ =	shalt  }
0x51: {  	_ =	shalt  }
0x52: {  	_ =	shalt  }
0x53: {  	_ =	shalt  }
0x54: {  	_ =	shalt  }
0x55: {  	_ =	shalt  }
0x56: {  	_ =	shalt  }
0x57: {  	_ =	shalt  }
0x58: {  	_ =	shalt  }
0x59: {  	_ =	shalt  }
0x5a: {  	_ =	shalt  }
0x5b: {  	_ =	shalt  }
0x5c: {  	_ =	shalt  }
0x5d: {  	_ =	shalt  }
0x5e: {  	_ =	shalt  }
0x5f: {  	_ =	shalt  }
0x60: {  	_ =	shalt  }
0x61: {  	_ =	shalt  }
0x62: {  	_ =	shalt  }
0x63: {  	_ =	shalt  }
0x64: {  	_ =	shalt  }
0x65: {  	_ =	shalt  }
0x66: {  	_ =	shalt  }
0x67: {  	_ =	shalt  }
0x68: {  	_ =	shalt  }
0x69: {  	_ =	shalt  }
0x6a: {  	_ =	shalt  }
0x6b: {  	_ =	shalt  }
0x6c: {  	_ =	shalt  }
0x6d: {  	_ =	shalt  }
0x6e: {  	_ =	shalt  }
0x6f: {  	_ =	shalt  }
0x70: {  	_ =	shalt  }
0x71: {  	_ =	shalt  }
0x72: {  	_ =	shalt  }
0x73: {  	_ =	shalt  }
0x74: {  	_ =	shalt  }
0x75: {  	_ =	shalt  }
0x76: {  	_ =	shalt  }
0x77: {  	_ =	shalt  }
0x78: {  	_ =	shalt  }
0x79: {  	_ =	shalt  }
0x7a: {  	_ =	shalt  }
0x7b: {  	_ =	shalt  }
0x7c: {  	_ =	shalt  }
0x7d: {  	_ =	shalt  }
0x7e: {  	_ =	shalt  }
0x7f: {  	_ =	shalt  }
0x80: {  	_ =	shalt  }
0x81: {  	_ =	shalt  }
0x82: {  	_ =	shalt  }
0x83: {  	_ =	shalt  }
0x84: {  	_ =	shalt  }
0x85: {  	_ =	shalt  }
0x86: {  	_ =	shalt  }
0x87: {  	_ =	shalt  }
.Lfunc_end0:
.L_simem_size_0:
called_computation.1_lowered:
.L_overlay_start_0:
0x88: {  	s2 =	sld [smem:$0x3FD9]  }
0x89: {  	s3 =	sld [smem:$0x3FFE];
	_ =	sdelay $0x1  }
0x8a: {  	s1 =	srdreg.scid  }
0x8b: {  	s0 =	sand.u32 $0x1, s1  }
0x8c: {  	s17 =	sshll.u32 s0, $0xA;
	s2 =	sadd.s32 s3, s2  }
0x8d: {  	s2 =	sadd.s32 s2, s17  }
0x8e: {  	[smem:$0x3FC6] =	sst s2  }
0x8f: {  	_ = 	snop  }
0x90: {  	s2 =	sld [smem:$0x3FD0];
	(tm) =	ssettm $0x1  }
0x91: {  	s18 =	sld [smem:$0x3FFB];
	_ =	sdelay $0x3  }
0x92: {  	_ =	strace s18  }
0x93: {  	s3 =	sld [smem:$0x3FFC];
	_ =	sdelay $0x3  }
0x94: {  	_ =	strace s3  }
0x95: {  	s3 =	sld [smem:$0x3FFD];
	_ =	sdelay $0x3  }
0x96: {  	_ =	strace s3  }
0x97: {  	_ =	strace $0x8FFFFFFF  }
0x98: {  	s19 =	sld [smem:$0x3FDB];
	_ =	sdelay $0x1  }
0x99: {  	s4 =	simm.s32 $_scs_section_size  }
0x9a: {  	s5 =	simm.s32 $_size__tile_overlayer_lowered;
	s6 =	simm.s32 $_tile_overlayer_lowered  }
0x9b: {  	s22 =	simm.s32 $0x1BFF;
	s21 =	sshll.u32 s6, $0x1;
	s3 =	sadd.s32 s4, s19  }
0x9c: {  	s7 =	simm.s32 $0x0;
	s20 =	sshll.u32 s5, $0x1;
	s5 =	sadd.s32 s21, s3  }
0x9d: {  	[timem:s7], [sflag:s22] =	dma.local [hbm:s5], s20  }
0x9e: {  	_ =	swait.ge [sflag:s22], s20  }
0x9f: {  	s4 =	ssub.s32 $0x0, s20;
	[sflag:s22] =	ssyncset.done $0x0  }
0xa0: {  	[sflag:s22] =	ssyncadd.s32 s4;
	_ =	sdelay $0x1  }
0xa1: {  	s23 =	simm.s32 $0x1B8B  }
0xa2: {  	_ =	swait.ge [sflag:s23], $0x1  }
0xa3: {  	[sflag:s23] =	ssyncset.done $0x0  }
0xa4: {  	s25 =	simm.s32 $0x1B8E;
	s24 =	sld [smem:$0x3FFE];
	[sflag:s23] =	ssyncadd.s32 $0xFFFFFFFF  }
0xa5: {  	s26 =	simm.s32 $execute0_lowered;
	[smem:$0x3FD2] =	sst s25  }
0xa6: {  	s5 =	sshll.u32 s26, $0x1;
	_ =	strace $0x80000049;
	[dreg:$0x1] =	wrdreg $0xFFFFFFFF  }
0xa7: {  	s28 =	simm.s32 $_size_execute0_lowered;
	s3 =	sadd.s32 s3, s5;
	[dreg:$0x0] =	wrdreg $0x0  }
0xa8: {  	s5 =	sshll.u32 s28, $0x1;
	[dreg:$0x2] =	wrdreg s3  }
0xa9: {  	[dreg:$0x3] =	wrdreg s5  }
0xaa: {  	[dreg:$0x4] =	wrdreg $0xC0  }
0xab: {  	_ =	task [dreg:s7], $0x5FFFF  }
0xac: {  	[dreg:$0x1] =	wrdreg $0xFFFFFFFF  }
0xad: {  	[dreg:$0x0] =	wrdreg $0x60  }
0xae: {  	[dreg:$0x2] =	wrdreg s2  }
0xaf: {  	[dreg:$0x3] =	wrdreg s24  }
0xb0: {  	[dreg:$0x4] =	wrdreg $0xB0000  }
0xb1: {  	[dreg:$0x5] =	wrdreg $0x9  }
0xb2: {  	_ =	task.clear_ibuf [dreg:s7], $0x6FFFF;
	_ =	strace $0x90000049  }
0xb3: {  	s29 =	simm.s32 $0x9;
	_ =	strace $0x8000004B  }
0xb4: {  	_ =	swait.ge [sflag:s29], $0x1  }
0xb5: {  	[sflag:s29] =	ssyncadd.s32 $0xFFFFFFFF  }
0xb6: {  	_ =	strace $0x9000004B  }
0xb7: {  	_ =	sfence  }
0xb8: {  	s30 =	sld [smem:$0x0];
	_ =	sdelay $0x2  }
0xb9: {  	s31 =	sshll.u32 s1, $0xD;
	s1 =	sshrl.u32 s1, $0x2  }
0xba: {  	s3 =	sand.u32 $0x4000, s31;
	s1 =	sadd.s32 s1, s30  }
0xbb: {  	s0 =	sor.u32 s3, s0;
	s1 =	sshll.u32 s1, $0x11  }
0xbc: {  	s0 =	sor.u32 s1, s0  }
0xbd: {  	s0 =	sadd.s32 $0x8F2B, s0  }
0xbe: {  	[sflag:s0] =	ssyncadd.remote.s32 $0x1  }
0xbf: {  	_ =	sfence.sel $0xFFFF  }
0xc0: {  	[dreg:$0x0] =	wrdreg $0xFFFFFFFF;
	(pc) =	sbr.abs _section_cstart, $3  }
0xc1: {  	[dreg:$0x1] =	wrdreg $0xFFFFFFFF  }
0xc2: {  	_ =	task.clear_ibuf [dreg:s7], $0x2FFFF;
	_ =	strace $0x9FFFFFFF  }
0xc3: {  	(tm) =	ssettm $0x7FFFFFFF  }
tec
execute0_lowered:
.L_overlay_start_1:
0x0: {  	(tag) =	ssettag $0x1  }
0x1: {  	s0 =	srdreg.scid;
	s1 =	rddreg [dreg:$0x0]  }
0x2: {  	s2 =	rddreg [dreg:$0x1];
	s18 =	stileid.u32  }
0x3: {  	s3 =	rddreg [dreg:$0x2];
	s21 =	simm.s32 $0x80;
	s22 =	simm.s32 $0x7000  }
0x4: {  	s23 =	simm.s32 $0x1;
	s0 =	sand.u32 $0x1, s0;
	s7 =	smul.u32 $0x9E00, s18  }
0x5: {  	s11 =	sadd.s32 $0x7CE00, s2;
	s4 =	sshll.u32 s0, $0x4;
	s9 =	ssub.s32 $0x2, s0  }
0x6: {  	p0 =	seq.s32 s0, $0x0;
	s0 =	smul.u32 $0x138800, s0;
	s5 =	sor.u32 s18, s4  }
0x7: {  	s4 =	simm.s32 $0x0;
	s8 =	sshrl.u32 s7, $0x3;
	s10 =	sshrl.u32 s9, $0x1  }
0x8: {  	s25 =	sadd.s32 s7, s3;
	s6 =	smul.u32 $0x700, s5;
	[smem:$0x7FF] =	sst s4  }
0x9: {  	s5 =	sadd.s32 $0x55A00, s2;
	s8 =	sadd.s32 s8, s2;
	s13 =	ssub.s32 s9, s10  }
0xa: {  	s7 =	sadd.s32 s7, s0;
	s0 =	sshrl.u32 s0, $0x3;
	s10 =	sadd.s32 $0x7BC40, s2  }
0xb: {  	_ =	strace $0x8000004A;
	[dreg:$0x6] =	wrdreg s25;
	s9 =	sadd.s32 $0x69400, s8  }
0xc: {  	s8 =	sadd.s32 $0x94200, s3;
	s26 =	sshrl.u32 s7, $0x3;
	s0 =	sadd.s32 s11, s0  }
0xd: {  	s16 =	smax.u32 s13, $0x1;
	s6 =	sadd.s32 s6, s2;
	s29 =	sadd.s32 $0x12840, s0  }
0xe: {  	s25 =	simm.s32 $0x2;
	s24 =	sadd.s32 $0x3800, s6;
	[dreg:$0x8] =	wrdreg s29  }
0xf: {  	s12 =	sadd.s32 s11, s26;
	s6 =	sadd.s32 $0x20800, s6;
	[dreg:$0x4] =	wrdreg s24  }
0x10: {  	s15 =	sadd.s32 $0x260C0, s0;
	s30 =	sadd.s32 $0x13880, s12;
	[dreg:$0x5] =	wrdreg s6  }
0x11: {  	s26 =	simm.s32 $0x0;
	s6 =	simm.s32 $0x38;
	[dreg:$0x9] =	wrdreg s30  }
0x12: {  	s24 =	simm.s32 $0x9000;
	s6 =	simm.s32 @!p0 $0x17;
	p0 =	seq.s32 s18, $0xF  }
0x13: {  	s18 =	simm.s32 $0x3;
	s28 =	sadd.s32 $0xFFFFFFFF, s6;
	s31 =	sshll.u32 s6, $0xA  }
0x14: {  	s20 =	sshrl.u32 @p0 s8, $0x3;
	[dreg:$0x7] =	wrdreg s28;
	s17 =	sadd.s32 $0xFFFFFC00, s31  }
.LBB2_1:
0x15: {  	s0 =	rddreg [dreg:$0x4]  }
0x16: {  	[tilespmem:s4], [sflag:$0x3] =	stream.linear.gather [hbm4b:s0+s4], $0x3800, $0x38;
	[tilespmem:$0x14C60] =	vst v63  }
0x17: {  	_ =	swait.ge [sflag:s18], $0x3800  }
0x18: {  	[sflag:s18] =	ssyncset.done $0x0  }
0x19: {  	s2 =	simm.s32 $0x3800;
	s8 =	rddreg [dreg:$0x5];
	[sflag:s18] =	ssyncadd.s32 $0xFFFFC800  }
0x1a: {  	[tilespmem:s2], [sflag:$0x3] =	stream.linear.gather [hbm4b:s8+s4], $0x3800, $0x38;
	[tilespmem:$0x14C60] =	vst v63  }
0x1b: {  	_ =	swait.ge [sflag:s18], $0x3800  }
0x1c: {  	s31 =	simm.s32 @p0 $0x3;
	[sflag:s18] =	ssyncset.done $0x0  }
0x1d: {  	s0 =	stileid.u32;
	s2 =	simm.s32 @p0 $0x1FC3;
	[sflag:s18] =	ssyncadd.s32 $0xFFFFC800  }
0x1e: {  	[spmem:s20], [sflag:s2] =	dma.local @p0 [hbm:s10], $0x1040  }
0x1f: {  	s0 =	sshll.u32 @!p0 s0, $0x6;
	_ =	swait.ge @p0 [sflag:s31], $0x1040  }
0x20: {  	s28 =	sor.u32 @!p0 $0x1C03, s0;
	[sflag:s31] =	ssyncset.done @p0 $0x0;
	s0 =	rddreg [dreg:$0x6]  }
0x21: {  	s30 =	simm.s32 @!p0 $0x3;
	[sflag:s31] =	ssyncadd.s32 @p0 $0xFFFFEFC0;
	s29 =	sshrl.u32 @!p0 s0, $0x3  }
0x22: {  	[spmem:s29], [sflag:s28] =	dma.local @!p0 [hbm:s9], $0x13C0  }
0x23: {  	_ =	swait.ge @!p0 [sflag:s30], $0x13C0  }
0x24: {  	[sflag:s30] =	ssyncset.done @!p0 $0x0  }
0x25: {  	[sflag:s30] =	ssyncadd.s32 @!p0 $0xFFFFEC40  }
0x26: {  	[bflag:$0x0] =	sbarrier.arrive $0xFFFF  }
0x27: {  	[tilespmem:s22], [sflag:$0x1] =	stream.indirect.gather [hbm4b:s1+s21], $0x40, s4, s21, $0xb8;
	[tilespmem:$0x14C60] =	vst v63  }
0x28: {  	_ =	swait.ge [sflag:s23], $0x2000  }
0x29: {  	[sflag:s23] =	ssyncset.done $0x0  }
0x2a: {  	s11 =	simm.s32 $0x80;
	[sflag:s23] =	ssyncadd.s32 $0xFFFFE000  }
0x2b: {  	[tilespmem:s24], [sflag:$0x2] =	stream.indirect.gather [hbm4b:s1+s21], $0x40, s11, s21, $0xb8;
	[tilespmem:$0x14C60] =	vst v63  }
0x2c: {  	s13 =	simm.s32 $0x3800  }
0x2d: {  	[spmem:s3] =	stream.indirect.scatter.add.f32 [tilespmem:s22], [sflag:$0x3], $0x40, s13, s21, $0xb8;
	[tilespmem:$0x14C60] =	vst v63  }
0x2e: {  	_ =	swait.ge [sflag:s18], $0x2000  }
0x2f: {  	[sflag:s18] =	ssyncset.done $0x0  }
0x30: {  	[sflag:s18] =	ssyncadd.s32 $0xFFFFE000  }
0x31: {  	_ =	swait.ge [sflag:s25], $0x2000  }
0x32: {  	[sflag:s25] =	ssyncset.done $0x0  }
0x33: {  	s14 =	simm.s32 $0x100;
	p1 =	sne.s32 s17, $0x400;
	[sflag:s25] =	ssyncadd.s32 $0xFFFFE000  }
0x34: {  	[tilespmem:s22], [sflag:$0x1] =	stream.indirect.gather [hbm4b:s1+s21], $0x40, s14, s21, $0xb8;
	[tilespmem:$0x14C60] =	vst v63  }
.Ltmp0:
0x35: {  	_ = 	snop;
	(pc) =	sbr.rel @!p1 .LBB2_3-.Ltmp0, $4  }
0x36: {  	s19 =	simm.s32 $0x3880  }
0x37: {  	[spmem:s3] =	stream.indirect.scatter.add.f32 [tilespmem:s24], [sflag:$0x3], $0x40, s19, s21, $0xb8;
	[tilespmem:$0x14C60] =	vst v63  }
0x38: {  	s7 =	simm.s32 $0x400;
	s6 =	simm.s32 $0x2;
	_ =	swait.ge [sflag:s18], $0x2000  }
0x39: {  	s8 =	simm.s32 $0xFFFFFFFF;
	s0 =	simm.s32 $0x1;
	[sflag:s18] =	ssyncset.done $0x0  }
.LBB2_2:
0x3a: {  	s0 =	smov.u32 s6;
	s8 =	sadd.s32 $0x1, s8  }
0x3b: {  	s11 =	smov.u32 s7;
	s7 =	sadd.s32 $0x400, s7;
	[sflag:s18] =	ssyncadd.s32 $0xFFFFE000  }
0x3c: {  	p1 =	sne.s32 s17, s7  }
0x3d: {  	_ =	swait.ge [sflag:s23], $0x2000  }
0x3e: {  	s11 =	sshra.s32 s11, $0x2;
	[sflag:s23] =	ssyncset.done $0x0  }
0x3f: {  	s13 =	sadd.s32 $0x80, s11;
	[sflag:s23] =	ssyncadd.s32 $0xFFFFE000  }
0x40: {  	[tilespmem:s24], [sflag:$0x2] =	stream.indirect.gather [hbm4b:s1+s21], $0x40, s13, s21, $0xb8;
	[tilespmem:$0x14C60] =	vst v63  }
0x41: {  	s13 =	sadd.s32 $0x3800, s11  }
0x42: {  	[spmem:s3] =	stream.indirect.scatter.add.f32 [tilespmem:s22], [sflag:$0x3], $0x40, s13, s21, $0xb8;
	[tilespmem:$0x14C60] =	vst v63  }
0x43: {  	_ =	swait.ge [sflag:s18], $0x2000  }
0x44: {  	[sflag:s18] =	ssyncset.done $0x0  }
0x45: {  	[sflag:s18] =	ssyncadd.s32 $0xFFFFE000  }
0x46: {  	_ =	swait.ge [sflag:s25], $0x2000  }
0x47: {  	[sflag:s25] =	ssyncset.done $0x0  }
0x48: {  	s13 =	sadd.s32 $0x100, s11;
	[sflag:s25] =	ssyncadd.s32 $0xFFFFE000  }
0x49: {  	[tilespmem:s22], [sflag:$0x1] =	stream.indirect.gather [hbm4b:s1+s21], $0x40, s13, s21, $0xb8;
	[tilespmem:$0x14C60] =	vst v63  }
.Ltmp1:
0x4a: {  	_ = 	snop;
	(pc) =	sbr.rel @p1 .LBB2_2-.Ltmp1, $4  }
0x4b: {  	s11 =	sadd.s32 $0x3880, s11  }
0x4c: {  	[spmem:s3] =	stream.indirect.scatter.add.f32 [tilespmem:s24], [sflag:$0x3], $0x40, s11, s21, $0xb8;
	[tilespmem:$0x14C60] =	vst v63  }
0x4d: {  	_ =	swait.ge [sflag:s18], $0x2000  }
0x4e: {  	s6 =	sadd.s32 $0x1, s6;
	[sflag:s18] =	ssyncset.done $0x0  }
.LBB2_3:
0x4f: {  	[sflag:s18] =	ssyncadd.s32 $0xFFFFE000  }
0x50: {  	_ =	swait.ge [sflag:s23], $0x2000  }
0x51: {  	s13 =	sshra.s32 s7, $0x2;
	[sflag:s23] =	ssyncset.done $0x0  }
0x52: {  	s19 =	sadd.s32 $0x80, s13;
	[sflag:s23] =	ssyncadd.s32 $0xFFFFE000  }
0x53: {  	[tilespmem:s24], [sflag:$0x2] =	stream.indirect.gather [hbm4b:s1+s21], $0x40, s19, s21, $0xb8;
	[tilespmem:$0x14C60] =	vst v63  }
0x54: {  	s6 =	sadd.s32 $0x3800, s13  }
0x55: {  	[spmem:s3] =	stream.indirect.scatter.add.f32 [tilespmem:s22], [sflag:$0x3], $0x40, s6, s21, $0xb8;
	[tilespmem:$0x14C60] =	vst v63  }
0x56: {  	_ =	swait.ge [sflag:s18], $0x2000  }
0x57: {  	[sflag:s18] =	ssyncset.done $0x0  }
0x58: {  	[sflag:s18] =	ssyncadd.s32 $0xFFFFE000  }
0x59: {  	s8 =	sadd.s32 $0x1, s8;
	_ =	swait.ge [sflag:s25], $0x2000  }
0x5a: {  	s8 =	sadd.s32 $0x1, s8;
	s11 =	rddreg [dreg:$0x7]  }
0x5b: {  	[sflag:s25] =	ssyncset.done $0x0;
	p1 =	sge.u32 s8, s11  }
0x5c: {  	[sflag:s25] =	ssyncadd.s32 $0xFFFFE000;
	s7 =	sshra.s32 @!p1 s7, $0x2  }
0x5d: {  	s8 =	simm.s32 @!p1 $0x80;
	s11 =	simm.s32 @!p1 $0x7000;
	s7 =	sadd.s32 @!p1 $0x100, s7  }
0x5e: {  	[tilespmem:s11], [sflag:$0x1] =	stream.indirect.gather @!p1 [hbm4b:s1+s8], $0x40, s7, s8, $0xb8;
	[tilespmem:$0x14C60] =	vst v63  }
0x5f: {  	s13 =	sadd.s32 $0x3880, s13  }
0x60: {  	[spmem:s3] =	stream.indirect.scatter.add.f32 [tilespmem:s24], [sflag:$0x3], $0x40, s13, s21, $0xb8;
	[tilespmem:$0x14C60] =	vst v63  }
0x61: {  	_ =	swait.ge [sflag:s18], $0x2000  }
0x62: {  	[sflag:s18] =	ssyncset.done $0x0  }
0x63: {  	[sflag:s18] =	ssyncadd.s32 $0xFFFFE000  }
0x64: {  	[bflag:$0x0] =	sbarrier.arrive $0xFFFF  }
0x65: {  	s14 =	rddreg [dreg:$0x8]  }
0x66: {  	[hbm:s14], [sflag:s2] =	dma.local @p0 [spmem:s20], $0x1040  }
0x67: {  	_ =	swait.ge @p0 [sflag:s31], $0x1040  }
0x68: {  	[sflag:s31] =	ssyncset.done @p0 $0x0  }
0x69: {  	[sflag:s31] =	ssyncadd.s32 @p0 $0xFFFFEFC0  }
0x6a: {  	[bflag:$0x0] =	sbarrier.arrive @p0 $0xFFFF  }
0x6b: {  	[spmem:s20], [sflag:s2] =	dma.local @p0 [hbm:s10], $0x1040  }
0x6c: {  	_ =	swait.ge @p0 [sflag:s31], $0x1040  }
0x6d: {  	[sflag:s31] =	ssyncset.done @p0 $0x0  }
0x6e: {  	[sflag:s31] =	ssyncadd.s32 @p0 $0xFFFFEFC0  }
0x6f: {  	[hbm:s12], [sflag:s28] =	dma.local @!p0 [spmem:s29], $0x13C0  }
0x70: {  	_ =	swait.ge @!p0 [sflag:s30], $0x13C0  }
0x71: {  	[sflag:s30] =	ssyncset.done @!p0 $0x0  }
0x72: {  	[sflag:s30] =	ssyncadd.s32 @!p0 $0xFFFFEC40  }
0x73: {  	[bflag:$0x0] =	sbarrier.arrive @!p0 $0xFFFF  }
0x74: {  	[spmem:s29], [sflag:s28] =	dma.local @!p0 [hbm:s9], $0x13C0  }
0x75: {  	_ =	swait.ge @!p0 [sflag:s30], $0x13C0  }
0x76: {  	[sflag:s30] =	ssyncset.done @!p0 $0x0  }
0x77: {  	[sflag:s30] =	ssyncadd.s32 @!p0 $0xFFFFEC40  }
0x78: {  	[bflag:$0x0] =	sbarrier.arrive $0xFFFF  }
0x79: {  	[tilespmem:s22], [sflag:$0x1] =	stream.indirect.gather [hbm4b:s5+s21], $0x40, s4, s21, $0xb8;
	[tilespmem:$0x14C60] =	vst v63  }
0x7a: {  	_ =	swait.ge [sflag:s23], $0x2000  }
0x7b: {  	[sflag:s23] =	ssyncset.done $0x0  }
0x7c: {  	s31 =	simm.s32 $0x80;
	[sflag:s23] =	ssyncadd.s32 $0xFFFFE000  }
0x7d: {  	[tilespmem:s24], [sflag:$0x2] =	stream.indirect.gather [hbm4b:s5+s21], $0x40, s31, s21, $0xb8;
	[tilespmem:$0x14C60] =	vst v63  }
0x7e: {  	s2 =	simm.s32 $0x3800  }
0x7f: {  	[spmem:s3] =	stream.indirect.scatter.add.f32 [tilespmem:s22], [sflag:$0x3], $0x40, s2, s21, $0xb8;
	[tilespmem:$0x14C60] =	vst v63  }
0x80: {  	_ =	swait.ge [sflag:s18], $0x2000  }
0x81: {  	[sflag:s18] =	ssyncset.done $0x0  }
0x82: {  	[sflag:s18] =	ssyncadd.s32 $0xFFFFE000  }
0x83: {  	_ =	swait.ge [sflag:s25], $0x2000  }
0x84: {  	[sflag:s25] =	ssyncset.done $0x0  }
0x85: {  	p2 =	sne.s32 s0, $0x1;
	s30 =	simm.s32 $0x100;
	[sflag:s25] =	ssyncadd.s32 $0xFFFFE000  }
0x86: {  	[tilespmem:s22], [sflag:$0x1] =	stream.indirect.gather [hbm4b:s5+s21], $0x40, s30, s21, $0xb8;
	[tilespmem:$0x14C60] =	vst v63  }
.Ltmp2:
0x87: {  	_ = 	snop;
	(pc) =	sbr.rel @!p2 .LBB2_5-.Ltmp2, $4  }
0x88: {  	s14 =	simm.s32 $0x3880  }
0x89: {  	[spmem:s3] =	stream.indirect.scatter.add.f32 [tilespmem:s24], [sflag:$0x3], $0x40, s14, s21, $0xb8;
	[tilespmem:$0x14C60] =	vst v63  }
0x8a: {  	_ =	swait.ge [sflag:s18], $0x2000  }
0x8b: {  	s0 =	sadd.s32 $0xFFFFFFFF, s0;
	[sflag:s18] =	ssyncset.done $0x0  }
.LBB2_4:
0x8c: {  	[sflag:s18] =	ssyncadd.s32 $0xFFFFE000;
	s30 =	sadd.s32 $0x100, s30;
	s2 =	sadd.s32 $0x100, s2  }
0x8d: {  	p2 =	sne.s32 s0, $0x1;
	s0 =	sadd.s32 $0xFFFFFFFF, s0  }
0x8e: {  	_ =	swait.ge [sflag:s23], $0x2000  }
0x8f: {  	[sflag:s23] =	ssyncset.done $0x0  }
0x90: {  	s31 =	sadd.s32 $0xFFFFFF80, s30;
	[sflag:s23] =	ssyncadd.s32 $0xFFFFE000  }
0x91: {  	[tilespmem:s24], [sflag:$0x2] =	stream.indirect.gather [hbm4b:s5+s21], $0x40, s31, s21, $0xb8;
	[tilespmem:$0x14C60] =	vst v63  }
0x92: {  	_ = 	snop  }
0x93: {  	[spmem:s3] =	stream.indirect.scatter.add.f32 [tilespmem:s22], [sflag:$0x3], $0x40, s2, s21, $0xb8;
	[tilespmem:$0x14C60] =	vst v63  }
0x94: {  	_ =	swait.ge [sflag:s18], $0x2000  }
0x95: {  	[sflag:s18] =	ssyncset.done $0x0  }
0x96: {  	[sflag:s18] =	ssyncadd.s32 $0xFFFFE000  }
0x97: {  	_ =	swait.ge [sflag:s25], $0x2000  }
0x98: {  	[sflag:s25] =	ssyncset.done $0x0  }
0x99: {  	[sflag:s25] =	ssyncadd.s32 $0xFFFFE000  }
0x9a: {  	[tilespmem:s22], [sflag:$0x1] =	stream.indirect.gather [hbm4b:s5+s21], $0x40, s30, s21, $0xb8;
	[tilespmem:$0x14C60] =	vst v63  }
.Ltmp3:
0x9b: {  	_ = 	snop;
	(pc) =	sbr.rel @p2 .LBB2_4-.Ltmp3, $4  }
0x9c: {  	s31 =	sadd.s32 $0x80, s2  }
0x9d: {  	[spmem:s3] =	stream.indirect.scatter.add.f32 [tilespmem:s24], [sflag:$0x3], $0x40, s31, s21, $0xb8;
	[tilespmem:$0x14C60] =	vst v63  }
0x9e: {  	_ =	swait.ge [sflag:s18], $0x2000  }
0x9f: {  	[sflag:s18] =	ssyncset.done $0x0  }
.LBB2_5:
0xa0: {  	[sflag:s18] =	ssyncadd.s32 $0xFFFFE000  }
0xa1: {  	_ =	swait.ge [sflag:s23], $0x2000  }
0xa2: {  	[sflag:s23] =	ssyncset.done $0x0  }
0xa3: {  	[sflag:s23] =	ssyncadd.s32 $0xFFFFE000  }
0xa4: {  	[tilespmem:s24], [sflag:$0x2] =	stream.indirect.gather [hbm4b:s5+s21], $0x40, s19, s21, $0xb8;
	[tilespmem:$0x14C60] =	vst v63  }
0xa5: {  	_ = 	snop  }
0xa6: {  	[spmem:s3] =	stream.indirect.scatter.add.f32 [tilespmem:s22], [sflag:$0x3], $0x40, s6, s21, $0xb8;
	[tilespmem:$0x14C60] =	vst v63  }
0xa7: {  	_ =	swait.ge [sflag:s18], $0x2000  }
0xa8: {  	[sflag:s18] =	ssyncset.done $0x0  }
0xa9: {  	[sflag:s18] =	ssyncadd.s32 $0xFFFFE000  }
0xaa: {  	_ =	swait.ge [sflag:s25], $0x2000  }
0xab: {  	[sflag:s25] =	ssyncset.done $0x0  }
0xac: {  	[sflag:s25] =	ssyncadd.s32 $0xFFFFE000  }
0xad: {  	[tilespmem:s11], [sflag:$0x1] =	stream.indirect.gather @!p1 [hbm4b:s5+s8], $0x40, s7, s8, $0xb8;
	[tilespmem:$0x14C60] =	vst v63  }
0xae: {  	_ = 	snop  }
0xaf: {  	[spmem:s3] =	stream.indirect.scatter.add.f32 [tilespmem:s24], [sflag:$0x3], $0x40, s13, s21, $0xb8;
	[tilespmem:$0x14C60] =	vst v63  }
0xb0: {  	_ =	swait.ge [sflag:s18], $0x2000  }
0xb1: {  	[sflag:s18] =	ssyncset.done $0x0  }
0xb2: {  	[sflag:s18] =	ssyncadd.s32 $0xFFFFE000  }
0xb3: {  	s0 =	simm.s32 @p0 $0x1FC3;
	[bflag:$0x0] =	sbarrier.arrive $0xFFFF  }
0xb4: {  	[hbm:s15], [sflag:s0] =	dma.local @p0 [spmem:s20], $0x1040  }
0xb5: {  	s0 =	simm.s32 @p0 $0x3  }
0xb6: {  	_ =	swait.ge @p0 [sflag:s0], $0x1040  }
0xb7: {  	[sflag:s0] =	ssyncset.done @p0 $0x0  }
0xb8: {  	s26 =	sadd.s32 $0x1, s26;
	[sflag:s0] =	ssyncadd.s32 @p0 $0xFFFFEFC0;
	s0 =	rddreg [dreg:$0x9]  }
0xb9: {  	[hbm:s0], [sflag:s28] =	dma.local @!p0 [spmem:s29], $0x13C0  }
0xba: {  	p1 =	sne.s32 s26, s16;
	s0 =	simm.s32 @!p0 $0x3  }
.Ltmp4:
0xbb: {  	_ =	swait.ge @!p0 [sflag:s0], $0x13C0;
	(pc) =	sbr.rel @p1 .LBB2_1-.Ltmp4, $3  }
0xbc: {  	[sflag:s0] =	ssyncset.done @!p0 $0x0  }
0xbd: {  	[sflag:s0] =	ssyncadd.s32 @!p0 $0xFFFFEC40  }
0xbe: {  	[bflag:$0x0] =	sbarrier.arrive $0xFFFF;
	_ =	sdelay $0x1  }
0xbf: {  	_ =	sfence.sel $0x180000  }
0xc0: {  	[bflag:$0x0] =	sbarrier.arrive $0xFFFF  }
0xc1: {  	_ =	strace $0x9000004A  }
0xc2: {  	s0 =	stileid.u32;
	[bflag:$0x2] =	sbarrier.arrive $0xFFFF  }
0xc3: {  	p0 =	sne.s32 s0, $0x0;
	s0 =	rddreg [dreg:$0x3]  }
0xc4: {  	s0 =	sadd.s32 @!p0 $0x100000, s0  }
0xc5: {  	[sflag:s0] =	ssyncadd.tile.s32 @!p0 $0x1;
	_ =	shalt  }
.Lfunc_end2:
_tile_overlayer_lowered:
.L_overlay_start_2:
0xc6: {  	(tag) =	ssettag $0x2  }
0xc7: {  	s0 =	rddreg [dreg:$0x0];
	s2 =	stileid.u32  }
0xc8: {  	s1 =	rddreg [dreg:$0x1];
	p0 =	sne.s32 s2, $0x0  }
0xc9: {  	s3 =	rddreg [dreg:$0x2];
	[bflag:$0x3] =	sbarrier.arrive $0xFFFF;
	s2 =	simm.s32 @!p0 $0x1C03  }
0xca: {  	[timem:s3], [sflag:s2] =	dma.local @!p0 [hbm:s0], s1  }
0xcb: {  	s0 =	simm.s32 @!p0 $0x3  }
0xcc: {  	_ =	swait.ge @!p0 [sflag:s0], s1  }
0xcd: {  	s1 =	ssub.s32 @!p0 $0x0, s1;
	[sflag:s0] =	ssyncset.done @!p0 $0x0  }
0xce: {  	[sflag:s0] =	ssyncadd.s32 @!p0 s1  }
0xcf: {  	[bflag:$0x3] =	sbarrier.arrive $0xFFFF  }
0xd0: {  	_ =	shalt  }

// kernel: kernel.20.cloned.1.call-start
scs
__scs_entry_jumppad:
0x0: {  	(pc) =	sbr.rel $0x88, $3  }
0x1: {  	(tag) =	ssettag $0x0;
	lr =	simm.s32 $0x1  }
0x2: {  	[smem:$0x3F9F] =	sst lr;
	_ =	strace $0xD0000000  }
0x3: {  	_ = 	snop  }
0x4: {  	_ = 	snop  }
0x5: {  	_ = 	snop  }
0x6: {  	_ = 	snop  }
0x7: {  	_ = 	snop  }
__scs_overlays_trampoline_lowered:
0x8: {  	[smem:$0x3FAE] =	sst s0  }
0x9: {  	[smem:$0x3FAF] =	sst s1  }
0xa: {  	[smem:$0x3FB0] =	sst s2  }
0xb: {  	[smem:$0x3FB1] =	sst s3  }
0xc: {  	[smem:$0x3FB2] =	sst s4  }
0xd: {  	[smem:$0x3FB3] =	sst s5  }
0xe: {  	[smem:$0x3FB4] =	sst s6  }
0xf: {  	[smem:$0x3FB5] =	sst s7  }
0x10: {  	[smem:$0x3FB6] =	sst s8  }
0x11: {  	[smem:$0x3FB7] =	sst s9;
	s0 =	simm.s32 @!p0 $0x0  }
0x12: {  	s1 =	sld [smem:$0x3F9D];
	s0 =	simm.s32 @p0 $0x1  }
0x13: {  	[smem:$0x3FB8] =	sst s0;
	s0 =	simm.s32 @!p1 $0x0  }
0x14: {  	s2 =	sld [smem:$0x3F9C];
	s0 =	simm.s32 @p1 $0x1  }
0x15: {  	[smem:$0x3FB9] =	sst s0;
	s0 =	simm.s32 @!p2 $0x0  }
0x16: {  	s3 =	sld [smem:$0x3FDB];
	s0 =	simm.s32 @p2 $0x1  }
0x17: {  	s4 =	simm.s32 $0x1BF5;
	[smem:$0x3FBB] =	sst s0  }
0x18: {  	s0 =	sld [smem:$0x3F9E];
	_ =	swait.ge [sflag:s4], $0x0  }
0x19: {  	s7 =	sld [smem:$0x3F9F]  }
0x1a: {  	s8 =	sadd.s32 $0xFFFFE003, lr  }
0x1b: {  	s9 =	sadd.s32 $0xFFFFFEF7, lr;
	s5 =	simm.s32 $0xFFFFFFFF;
	p2 =	slt.u32 s8, $0xFFFFF086  }
0x1c: {  	p1 =	slt.u32 s9, $0xF7A;
	s5 =	simm.s32 @!p2 $0x0  }
0x1d: {  	s5 =	simm.s32 @p1 $0x1;
	p0 =	seq.s32 s7, s2  }
0x1e: {  	s7 =	smul.u32 @!p0 $0xF7A, s2;
	p2 =	seq.s32 @!p0 s5, $0x0  }
0x1f: {  	s9 =	smul.u32 $0xF7A, s1;
	s8 =	simm.s32 @!p0 $0x1BF5;
	p2 =	por !p2, p0  }
0x20: {  	[sflag:s8] =	ssyncset.s32 @!p0 $0xFFFFF086;
	s6 =	sadd.s32 @!p0 s3, s7;
	s7 =	simm.s32 @!p0 $0x108  }
0x21: {  	s3 =	sadd.s32 s3, s9;
	s6 =	sadd.s32 @!p0 $0x88, s6;
	s7 =	simm.s32 @p2 $0x1082  }
0x22: {  	[simem:s7], [sflag:s8] =	dma.local @!p0 [hbm:s6], $0xF7A  }
0x23: {  	s9 =	sor.u32 $0xD0000000, s2;
	s6 =	simm.s32 $0x108;
	_ =	swait.ge @!p0 [sflag:s8], $0x0  }
0x24: {  	s3 =	sadd.s32 $0x88, s3;
	s6 =	simm.s32 @!p1 $0x1082;
	[sflag:s4] =	ssyncset.s32 $0xFFFFF086  }
0x25: {  	[simem:s6], [sflag:s4] =	dma.local [hbm:s3], $0xF7A  }
0x26: {  	[smem:$0x3F9F] =	sst s1;
	(tag) =	ssettag s2;
	_ =	strace s9  }
0x27: {  	s1 =	sld [smem:$0x3FAF]  }
0x28: {  	s2 =	sld [smem:$0x3FB0]  }
0x29: {  	s4 =	sld [smem:$0x3FB2]  }
0x2a: {  	p0 =	seq.s32 s5, $0x0;
	s5 =	sld [smem:$0x3FB3]  }
0x2b: {  	s6 =	sld [smem:$0x3FB4]  }
0x2c: {  	s7 =	sld [smem:$0x3FB5]  }
0x2d: {  	s3 =	simm.s32 $0x108;
	s8 =	sld [smem:$0x3FB6]  }
0x2e: {  	s3 =	simm.s32 @!p0 $0x1082;
	s9 =	sld [smem:$0x3FB7]  }
0x2f: {  	lr =	sadd.s32 s0, s3;
	s0 =	sld [smem:$0x3FAE]  }
0x30: {  	s3 =	sld [smem:$0x3FB1]  }
0x31: {  	[smem:$0x3FBA] =	sst s10  }
0x32: {  	s10 =	sld [smem:$0x3FB8];
	_ =	sdelay $0x3  }
0x33: {  	p0 =	seq.s32 s10, $0x1;
	s10 =	sld [smem:$0x3FBA];
	_ =	sdelay $0x3  }
0x34: {  	[smem:$0x3FBA] =	sst s10  }
0x35: {  	s10 =	sld [smem:$0x3FB9];
	_ =	sdelay $0x3  }
0x36: {  	p1 =	seq.s32 s10, $0x1;
	s10 =	sld [smem:$0x3FBA];
	_ =	sdelay $0x3  }
0x37: {  	[smem:$0x3FBA] =	sst s10  }
0x38: {  	s10 =	sld [smem:$0x3FBB]  }
0x39: {  	_ = 	snop;
	(pc) =	sbr.ind lr, $3  }
0x3a: {  	_ = 	snop  }
0x3b: {  	_ = 	snop  }
0x3c: {  	p2 =	seq.s32 s10, $0x1;
	s10 =	sld [smem:$0x3FBA]  }
0x3d: {  	_ =	shalt  }
0x3e: {  	_ =	shalt  }
0x3f: {  	_ =	shalt  }
0x40: {  	_ =	shalt  }
0x41: {  	_ =	shalt  }
0x42: {  	_ =	shalt  }
0x43: {  	_ =	shalt  }
0x44: {  	_ =	shalt  }
0x45: {  	_ =	shalt  }
0x46: {  	_ =	shalt  }
0x47: {  	_ =	shalt  }
0x48: {  	_ =	shalt  }
0x49: {  	_ =	shalt  }
0x4a: {  	_ =	shalt  }
0x4b: {  	_ =	shalt  }
0x4c: {  	_ =	shalt  }
0x4d: {  	_ =	shalt  }
0x4e: {  	_ =	shalt  }
0x4f: {  	_ =	shalt  }
0x50: {  	_ =	shalt  }
0x51: {  	_ =	shalt  }
0x52: {  	_ =	shalt  }
0x53: {  	_ =	shalt  }
0x54: {  	_ =	shalt  }
0x55: {  	_ =	shalt  }
0x56: {  	_ =	shalt  }
0x57: {  	_ =	shalt  }
0x58: {  	_ =	shalt  }
0x59: {  	_ =	shalt  }
0x5a: {  	_ =	shalt  }
0x5b: {  	_ =	shalt  }
0x5c: {  	_ =	shalt  }
0x5d: {  	_ =	shalt  }
0x5e: {  	_ =	shalt  }
0x5f: {  	_ =	shalt  }
0x60: {  	_ =	shalt  }
0x61: {  	_ =	shalt  }
0x62: {  	_ =	shalt  }
0x63: {  	_ =	shalt  }
0x64: {  	_ =	shalt  }
0x65: {  	_ =	shalt  }
0x66: {  	_ =	shalt  }
0x67: {  	_ =	shalt  }
0x68: {  	_ =	shalt  }
0x69: {  	_ =	shalt  }
0x6a: {  	_ =	shalt  }
0x6b: {  	_ =	shalt  }
0x6c: {  	_ =	shalt  }
0x6d: {  	_ =	shalt  }
0x6e: {  	_ =	shalt  }
0x6f: {  	_ =	shalt  }
0x70: {  	_ =	shalt  }
0x71: {  	_ =	shalt  }
0x72: {  	_ =	shalt  }
0x73: {  	_ =	shalt  }
0x74: {  	_ =	shalt  }
0x75: {  	_ =	shalt  }
0x76: {  	_ =	shalt  }
0x77: {  	_ =	shalt  }
0x78: {  	_ =	shalt  }
0x79: {  	_ =	shalt  }
0x7a: {  	_ =	shalt  }
0x7b: {  	_ =	shalt  }
0x7c: {  	_ =	shalt  }
0x7d: {  	_ =	shalt  }
0x7e: {  	_ =	shalt  }
0x7f: {  	_ =	shalt  }
0x80: {  	_ =	shalt  }
0x81: {  	_ =	shalt  }
0x82: {  	_ =	shalt  }
0x83: {  	_ =	shalt  }
0x84: {  	_ =	shalt  }
0x85: {  	_ =	shalt  }
0x86: {  	_ =	shalt  }
0x87: {  	_ =	shalt  }
.Lfunc_end0:
.L_simem_size_0:
called_computation.2_lowered:
.L_overlay_start_0:
0x88: {  	s2 =	sld [smem:$0x3FD9]  }
0x89: {  	s3 =	sld [smem:$0x3FFE];
	_ =	sdelay $0x1  }
0x8a: {  	s1 =	srdreg.scid  }
0x8b: {  	s0 =	sand.u32 $0x1, s1  }
0x8c: {  	s17 =	sshll.u32 s0, $0xA;
	s2 =	sadd.s32 s3, s2  }
0x8d: {  	s2 =	sadd.s32 s2, s17  }
0x8e: {  	[smem:$0x3FC6] =	sst s2  }
0x8f: {  	_ = 	snop  }
0x90: {  	s2 =	sld [smem:$0x3FD0];
	(tm) =	ssettm $0x1  }
0x91: {  	s18 =	sld [smem:$0x3FFB];
	_ =	sdelay $0x3  }
0x92: {  	_ =	strace s18  }
0x93: {  	s3 =	sld [smem:$0x3FFC];
	_ =	sdelay $0x3  }
0x94: {  	_ =	strace s3  }
0x95: {  	s3 =	sld [smem:$0x3FFD];
	_ =	sdelay $0x3  }
0x96: {  	_ =	strace s3  }
0x97: {  	_ =	strace $0x8FFFFFFF  }
0x98: {  	s19 =	sld [smem:$0x3FDB];
	_ =	sdelay $0x1  }
0x99: {  	s4 =	simm.s32 $_scs_section_size  }
0x9a: {  	s5 =	simm.s32 $_size__tile_overlayer_lowered;
	s6 =	simm.s32 $_tile_overlayer_lowered  }
0x9b: {  	s22 =	simm.s32 $0x1BFF;
	s21 =	sshll.u32 s6, $0x1;
	s3 =	sadd.s32 s4, s19  }
0x9c: {  	s7 =	simm.s32 $0x0;
	s20 =	sshll.u32 s5, $0x1;
	s5 =	sadd.s32 s21, s3  }
0x9d: {  	[timem:s7], [sflag:s22] =	dma.local [hbm:s5], s20  }
0x9e: {  	_ =	swait.ge [sflag:s22], s20  }
0x9f: {  	s4 =	ssub.s32 $0x0, s20;
	[sflag:s22] =	ssyncset.done $0x0  }
0xa0: {  	[sflag:s22] =	ssyncadd.s32 s4;
	_ =	sdelay $0x1  }
0xa1: {  	s23 =	simm.s32 $0x1B8B  }
0xa2: {  	_ =	swait.ge [sflag:s23], $0x1  }
0xa3: {  	[sflag:s23] =	ssyncset.done $0x0  }
0xa4: {  	s25 =	simm.s32 $0x1B8E;
	s24 =	sld [smem:$0x3FFE];
	[sflag:s23] =	ssyncadd.s32 $0xFFFFFFFF  }
0xa5: {  	s26 =	simm.s32 $execute0_lowered;
	[smem:$0x3FD2] =	sst s25  }
0xa6: {  	s5 =	sshll.u32 s26, $0x1;
	_ =	strace $0x8000004C;
	[dreg:$0x1] =	wrdreg $0xFFFFFFFF  }
0xa7: {  	s28 =	simm.s32 $_size_execute0_lowered;
	s3 =	sadd.s32 s3, s5;
	[dreg:$0x0] =	wrdreg $0x0  }
0xa8: {  	s5 =	sshll.u32 s28, $0x1;
	[dreg:$0x2] =	wrdreg s3  }
0xa9: {  	[dreg:$0x3] =	wrdreg s5  }
0xaa: {  	[dreg:$0x4] =	wrdreg $0xC0  }
0xab: {  	_ =	task [dreg:s7], $0x5FFFF  }
0xac: {  	[dreg:$0x1] =	wrdreg $0xFFFFFFFF  }
0xad: {  	[dreg:$0x0] =	wrdreg $0x60  }
0xae: {  	[dreg:$0x2] =	wrdreg s2  }
0xaf: {  	[dreg:$0x3] =	wrdreg s24  }
0xb0: {  	[dreg:$0x4] =	wrdreg $0xB0000  }
0xb1: {  	[dreg:$0x5] =	wrdreg $0x9  }
0xb2: {  	_ =	task.clear_ibuf [dreg:s7], $0x6FFFF;
	_ =	strace $0x9000004C  }
0xb3: {  	s29 =	simm.s32 $0x9;
	_ =	strace $0x8000004E  }
0xb4: {  	_ =	swait.ge [sflag:s29], $0x1  }
0xb5: {  	[sflag:s29] =	ssyncadd.s32 $0xFFFFFFFF  }
0xb6: {  	_ =	strace $0x9000004E  }
0xb7: {  	_ =	sfence  }
0xb8: {  	s30 =	sld [smem:$0x0];
	_ =	sdelay $0x2  }
0xb9: {  	s31 =	sshll.u32 s1, $0xD;
	s1 =	sshrl.u32 s1, $0x2  }
0xba: {  	s3 =	sand.u32 $0x4000, s31;
	s1 =	sadd.s32 s1, s30  }
0xbb: {  	s0 =	sor.u32 s3, s0;
	s1 =	sshll.u32 s1, $0x11  }
0xbc: {  	s0 =	sor.u32 s1, s0  }
0xbd: {  	s0 =	sadd.s32 $0x8F2B, s0  }
0xbe: {  	[sflag:s0] =	ssyncadd.remote.s32 $0x1  }
0xbf: {  	_ =	sfence.sel $0xFFFF  }
0xc0: {  	[dreg:$0x0] =	wrdreg $0xFFFFFFFF;
	(pc) =	sbr.abs _section_cstart, $3  }
0xc1: {  	[dreg:$0x1] =	wrdreg $0xFFFFFFFF  }
0xc2: {  	_ =	task.clear_ibuf [dreg:s7], $0x2FFFF;
	_ =	strace $0x9FFFFFFF  }
0xc3: {  	(tm) =	ssettm $0x7FFFFFFF  }
tec
execute0_lowered:
.L_overlay_start_1:
0x0: {  	(tag) =	ssettag $0x1  }
0x1: {  	s0 =	srdreg.scid;
	s1 =	rddreg [dreg:$0x0]  }
0x2: {  	s2 =	rddreg [dreg:$0x1];
	s18 =	stileid.u32  }
0x3: {  	s3 =	rddreg [dreg:$0x2];
	s21 =	simm.s32 $0x80;
	s22 =	simm.s32 $0x7000  }
0x4: {  	s23 =	simm.s32 $0x1;
	s0 =	sand.u32 $0x1, s0;
	s7 =	smul.u32 $0x9E00, s18  }
0x5: {  	s11 =	sadd.s32 $0x7CE00, s2;
	s4 =	sshll.u32 s0, $0x4;
	s9 =	ssub.s32 $0x2, s0  }
0x6: {  	p0 =	seq.s32 s0, $0x0;
	s0 =	smul.u32 $0x138800, s0;
	s5 =	sor.u32 s18, s4  }
0x7: {  	s4 =	simm.s32 $0x0;
	s8 =	sshrl.u32 s7, $0x3;
	s10 =	sshrl.u32 s9, $0x1  }
0x8: {  	s25 =	sadd.s32 s7, s3;
	s6 =	smul.u32 $0x700, s5;
	[smem:$0x7FF] =	sst s4  }
0x9: {  	s5 =	sadd.s32 $0x55A00, s2;
	s8 =	sadd.s32 s8, s2;
	s13 =	ssub.s32 s9, s10  }
0xa: {  	s7 =	sadd.s32 s7, s0;
	s0 =	sshrl.u32 s0, $0x3;
	s10 =	sadd.s32 $0x7BC40, s2  }
0xb: {  	_ =	strace $0x8000004D;
	[dreg:$0x6] =	wrdreg s25;
	s9 =	sadd.s32 $0x69400, s8  }
0xc: {  	s8 =	sadd.s32 $0x94200, s3;
	s26 =	sshrl.u32 s7, $0x3;
	s0 =	sadd.s32 s11, s0  }
0xd: {  	s16 =	smax.u32 s13, $0x1;
	s6 =	sadd.s32 s6, s2;
	s29 =	sadd.s32 $0x12840, s0  }
0xe: {  	s25 =	simm.s32 $0x2;
	s24 =	sadd.s32 $0x3800, s6;
	[dreg:$0x8] =	wrdreg s29  }
0xf: {  	s12 =	sadd.s32 s11, s26;
	s6 =	sadd.s32 $0x20800, s6;
	[dreg:$0x4] =	wrdreg s24  }
0x10: {  	s15 =	sadd.s32 $0x260C0, s0;
	s30 =	sadd.s32 $0x13880, s12;
	[dreg:$0x5] =	wrdreg s6  }
0x11: {  	s26 =	simm.s32 $0x0;
	s6 =	simm.s32 $0x38;
	[dreg:$0x9] =	wrdreg s30  }
0x12: {  	s24 =	simm.s32 $0x9000;
	s6 =	simm.s32 @!p0 $0x17;
	p0 =	seq.s32 s18, $0xF  }
0x13: {  	s18 =	simm.s32 $0x3;
	s28 =	sadd.s32 $0xFFFFFFFF, s6;
	s31 =	sshll.u32 s6, $0xA  }
0x14: {  	s20 =	sshrl.u32 @p0 s8, $0x3;
	[dreg:$0x7] =	wrdreg s28;
	s17 =	sadd.s32 $0xFFFFFC00, s31  }
.LBB2_1:
0x15: {  	s0 =	rddreg [dreg:$0x4]  }
0x16: {  	[tilespmem:s4], [sflag:$0x3] =	stream.linear.gather [hbm4b:s0+s4], $0x3800, $0x38;
	[tilespmem:$0x14C60] =	vst v63  }
0x17: {  	_ =	swait.ge [sflag:s18], $0x3800  }
0x18: {  	[sflag:s18] =	ssyncset.done $0x0  }
0x19: {  	s2 =	simm.s32 $0x3800;
	s8 =	rddreg [dreg:$0x5];
	[sflag:s18] =	ssyncadd.s32 $0xFFFFC800  }
0x1a: {  	[tilespmem:s2], [sflag:$0x3] =	stream.linear.gather [hbm4b:s8+s4], $0x3800, $0x38;
	[tilespmem:$0x14C60] =	vst v63  }
0x1b: {  	_ =	swait.ge [sflag:s18], $0x3800  }
0x1c: {  	s31 =	simm.s32 @p0 $0x3;
	[sflag:s18] =	ssyncset.done $0x0  }
0x1d: {  	s0 =	stileid.u32;
	s2 =	simm.s32 @p0 $0x1FC3;
	[sflag:s18] =	ssyncadd.s32 $0xFFFFC800  }
0x1e: {  	[spmem:s20], [sflag:s2] =	dma.local @p0 [hbm:s10], $0x1040  }
0x1f: {  	s0 =	sshll.u32 @!p0 s0, $0x6;
	_ =	swait.ge @p0 [sflag:s31], $0x1040  }
0x20: {  	s28 =	sor.u32 @!p0 $0x1C03, s0;
	[sflag:s31] =	ssyncset.done @p0 $0x0;
	s0 =	rddreg [dreg:$0x6]  }
0x21: {  	s30 =	simm.s32 @!p0 $0x3;
	[sflag:s31] =	ssyncadd.s32 @p0 $0xFFFFEFC0;
	s29 =	sshrl.u32 @!p0 s0, $0x3  }
0x22: {  	[spmem:s29], [sflag:s28] =	dma.local @!p0 [hbm:s9], $0x13C0  }
0x23: {  	_ =	swait.ge @!p0 [sflag:s30], $0x13C0  }
0x24: {  	[sflag:s30] =	ssyncset.done @!p0 $0x0  }
0x25: {  	[sflag:s30] =	ssyncadd.s32 @!p0 $0xFFFFEC40  }
0x26: {  	[bflag:$0x0] =	sbarrier.arrive $0xFFFF  }
0x27: {  	[tilespmem:s22], [sflag:$0x1] =	stream.indirect.gather [hbm4b:s1+s21], $0x40, s4, s21, $0xb8;
	[tilespmem:$0x14C60] =	vst v63  }
0x28: {  	_ =	swait.ge [sflag:s23], $0x2000  }
0x29: {  	[sflag:s23] =	ssyncset.done $0x0  }
0x2a: {  	s11 =	simm.s32 $0x80;
	[sflag:s23] =	ssyncadd.s32 $0xFFFFE000  }
0x2b: {  	[tilespmem:s24], [sflag:$0x2] =	stream.indirect.gather [hbm4b:s1+s21], $0x40, s11, s21, $0xb8;
	[tilespmem:$0x14C60] =	vst v63  }
0x2c: {  	s13 =	simm.s32 $0x3800  }
0x2d: {  	[spmem:s3] =	stream.indirect.scatter.add.f32 [tilespmem:s22], [sflag:$0x3], $0x40, s13, s21, $0xb8;
	[tilespmem:$0x14C60] =	vst v63  }
0x2e: {  	_ =	swait.ge [sflag:s18], $0x2000  }
0x2f: {  	[sflag:s18] =	ssyncset.done $0x0  }
0x30: {  	[sflag:s18] =	ssyncadd.s32 $0xFFFFE000  }
0x31: {  	_ =	swait.ge [sflag:s25], $0x2000  }
0x32: {  	[sflag:s25] =	ssyncset.done $0x0  }
0x33: {  	s14 =	simm.s32 $0x100;
	p1 =	sne.s32 s17, $0x400;
	[sflag:s25] =	ssyncadd.s32 $0xFFFFE000  }
0x34: {  	[tilespmem:s22], [sflag:$0x1] =	stream.indirect.gather [hbm4b:s1+s21], $0x40, s14, s21, $0xb8;
	[tilespmem:$0x14C60] =	vst v63  }
.Ltmp0:
0x35: {  	_ = 	snop;
	(pc) =	sbr.rel @!p1 .LBB2_3-.Ltmp0, $4  }
0x36: {  	s19 =	simm.s32 $0x3880  }
0x37: {  	[spmem:s3] =	stream.indirect.scatter.add.f32 [tilespmem:s24], [sflag:$0x3], $0x40, s19, s21, $0xb8;
	[tilespmem:$0x14C60] =	vst v63  }
0x38: {  	s7 =	simm.s32 $0x400;
	s6 =	simm.s32 $0x2;
	_ =	swait.ge [sflag:s18], $0x2000  }
0x39: {  	s8 =	simm.s32 $0xFFFFFFFF;
	s0 =	simm.s32 $0x1;
	[sflag:s18] =	ssyncset.done $0x0  }
.LBB2_2:
0x3a: {  	s0 =	smov.u32 s6;
	s8 =	sadd.s32 $0x1, s8  }
0x3b: {  	s11 =	smov.u32 s7;
	s7 =	sadd.s32 $0x400, s7;
	[sflag:s18] =	ssyncadd.s32 $0xFFFFE000  }
0x3c: {  	p1 =	sne.s32 s17, s7  }
0x3d: {  	_ =	swait.ge [sflag:s23], $0x2000  }
0x3e: {  	s11 =	sshra.s32 s11, $0x2;
	[sflag:s23] =	ssyncset.done $0x0  }
0x3f: {  	s13 =	sadd.s32 $0x80, s11;
	[sflag:s23] =	ssyncadd.s32 $0xFFFFE000  }
0x40: {  	[tilespmem:s24], [sflag:$0x2] =	stream.indirect.gather [hbm4b:s1+s21], $0x40, s13, s21, $0xb8;
	[tilespmem:$0x14C60] =	vst v63  }
0x41: {  	s13 =	sadd.s32 $0x3800, s11  }
0x42: {  	[spmem:s3] =	stream.indirect.scatter.add.f32 [tilespmem:s22], [sflag:$0x3], $0x40, s13, s21, $0xb8;
	[tilespmem:$0x14C60] =	vst v63  }
0x43: {  	_ =	swait.ge [sflag:s18], $0x2000  }
0x44: {  	[sflag:s18] =	ssyncset.done $0x0  }
0x45: {  	[sflag:s18] =	ssyncadd.s32 $0xFFFFE000  }
0x46: {  	_ =	swait.ge [sflag:s25], $0x2000  }
0x47: {  	[sflag:s25] =	ssyncset.done $0x0  }
0x48: {  	s13 =	sadd.s32 $0x100, s11;
	[sflag:s25] =	ssyncadd.s32 $0xFFFFE000  }
0x49: {  	[tilespmem:s22], [sflag:$0x1] =	stream.indirect.gather [hbm4b:s1+s21], $0x40, s13, s21, $0xb8;
	[tilespmem:$0x14C60] =	vst v63  }
.Ltmp1:
0x4a: {  	_ = 	snop;
	(pc) =	sbr.rel @p1 .LBB2_2-.Ltmp1, $4  }
0x4b: {  	s11 =	sadd.s32 $0x3880, s11  }
0x4c: {  	[spmem:s3] =	stream.indirect.scatter.add.f32 [tilespmem:s24], [sflag:$0x3], $0x40, s11, s21, $0xb8;
	[tilespmem:$0x14C60] =	vst v63  }
0x4d: {  	_ =	swait.ge [sflag:s18], $0x2000  }
0x4e: {  	s6 =	sadd.s32 $0x1, s6;
	[sflag:s18] =	ssyncset.done $0x0  }
.LBB2_3:
0x4f: {  	[sflag:s18] =	ssyncadd.s32 $0xFFFFE000  }
0x50: {  	_ =	swait.ge [sflag:s23], $0x2000  }
0x51: {  	s13 =	sshra.s32 s7, $0x2;
	[sflag:s23] =	ssyncset.done $0x0  }
0x52: {  	s19 =	sadd.s32 $0x80, s13;
	[sflag:s23] =	ssyncadd.s32 $0xFFFFE000  }
0x53: {  	[tilespmem:s24], [sflag:$0x2] =	stream.indirect.gather [hbm4b:s1+s21], $0x40, s19, s21, $0xb8;
	[tilespmem:$0x14C60] =	vst v63  }
0x54: {  	s6 =	sadd.s32 $0x3800, s13  }
0x55: {  	[spmem:s3] =	stream.indirect.scatter.add.f32 [tilespmem:s22], [sflag:$0x3], $0x40, s6, s21, $0xb8;
	[tilespmem:$0x14C60] =	vst v63  }
0x56: {  	_ =	swait.ge [sflag:s18], $0x2000  }
0x57: {  	[sflag:s18] =	ssyncset.done $0x0  }
0x58: {  	[sflag:s18] =	ssyncadd.s32 $0xFFFFE000  }
0x59: {  	s8 =	sadd.s32 $0x1, s8;
	_ =	swait.ge [sflag:s25], $0x2000  }
0x5a: {  	s8 =	sadd.s32 $0x1, s8;
	s11 =	rddreg [dreg:$0x7]  }
0x5b: {  	[sflag:s25] =	ssyncset.done $0x0;
	p1 =	sge.u32 s8, s11  }
0x5c: {  	[sflag:s25] =	ssyncadd.s32 $0xFFFFE000;
	s7 =	sshra.s32 @!p1 s7, $0x2  }
0x5d: {  	s8 =	simm.s32 @!p1 $0x80;
	s11 =	simm.s32 @!p1 $0x7000;
	s7 =	sadd.s32 @!p1 $0x100, s7  }
0x5e: {  	[tilespmem:s11], [sflag:$0x1] =	stream.indirect.gather @!p1 [hbm4b:s1+s8], $0x40, s7, s8, $0xb8;
	[tilespmem:$0x14C60] =	vst v63  }
0x5f: {  	s13 =	sadd.s32 $0x3880, s13  }
0x60: {  	[spmem:s3] =	stream.indirect.scatter.add.f32 [tilespmem:s24], [sflag:$0x3], $0x40, s13, s21, $0xb8;
	[tilespmem:$0x14C60] =	vst v63  }
0x61: {  	_ =	swait.ge [sflag:s18], $0x2000  }
0x62: {  	[sflag:s18] =	ssyncset.done $0x0  }
0x63: {  	[sflag:s18] =	ssyncadd.s32 $0xFFFFE000  }
0x64: {  	[bflag:$0x0] =	sbarrier.arrive $0xFFFF  }
0x65: {  	s14 =	rddreg [dreg:$0x8]  }
0x66: {  	[hbm:s14], [sflag:s2] =	dma.local @p0 [spmem:s20], $0x1040  }
0x67: {  	_ =	swait.ge @p0 [sflag:s31], $0x1040  }
0x68: {  	[sflag:s31] =	ssyncset.done @p0 $0x0  }
0x69: {  	[sflag:s31] =	ssyncadd.s32 @p0 $0xFFFFEFC0  }
0x6a: {  	[bflag:$0x0] =	sbarrier.arrive @p0 $0xFFFF  }
0x6b: {  	[spmem:s20], [sflag:s2] =	dma.local @p0 [hbm:s10], $0x1040  }
0x6c: {  	_ =	swait.ge @p0 [sflag:s31], $0x1040  }
0x6d: {  	[sflag:s31] =	ssyncset.done @p0 $0x0  }
0x6e: {  	[sflag:s31] =	ssyncadd.s32 @p0 $0xFFFFEFC0  }
0x6f: {  	[hbm:s12], [sflag:s28] =	dma.local @!p0 [spmem:s29], $0x13C0  }
0x70: {  	_ =	swait.ge @!p0 [sflag:s30], $0x13C0  }
0x71: {  	[sflag:s30] =	ssyncset.done @!p0 $0x0  }
0x72: {  	[sflag:s30] =	ssyncadd.s32 @!p0 $0xFFFFEC40  }
0x73: {  	[bflag:$0x0] =	sbarrier.arrive @!p0 $0xFFFF  }
0x74: {  	[spmem:s29], [sflag:s28] =	dma.local @!p0 [hbm:s9], $0x13C0  }
0x75: {  	_ =	swait.ge @!p0 [sflag:s30], $0x13C0  }
0x76: {  	[sflag:s30] =	ssyncset.done @!p0 $0x0  }
0x77: {  	[sflag:s30] =	ssyncadd.s32 @!p0 $0xFFFFEC40  }
0x78: {  	[bflag:$0x0] =	sbarrier.arrive $0xFFFF  }
0x79: {  	[tilespmem:s22], [sflag:$0x1] =	stream.indirect.gather [hbm4b:s5+s21], $0x40, s4, s21, $0xb8;
	[tilespmem:$0x14C60] =	vst v63  }
0x7a: {  	_ =	swait.ge [sflag:s23], $0x2000  }
0x7b: {  	[sflag:s23] =	ssyncset.done $0x0  }
0x7c: {  	s31 =	simm.s32 $0x80;
	[sflag:s23] =	ssyncadd.s32 $0xFFFFE000  }
0x7d: {  	[tilespmem:s24], [sflag:$0x2] =	stream.indirect.gather [hbm4b:s5+s21], $0x40, s31, s21, $0xb8;
	[tilespmem:$0x14C60] =	vst v63  }
0x7e: {  	s2 =	simm.s32 $0x3800  }
0x7f: {  	[spmem:s3] =	stream.indirect.scatter.add.f32 [tilespmem:s22], [sflag:$0x3], $0x40, s2, s21, $0xb8;
	[tilespmem:$0x14C60] =	vst v63  }
0x80: {  	_ =	swait.ge [sflag:s18], $0x2000  }
0x81: {  	[sflag:s18] =	ssyncset.done $0x0  }
0x82: {  	[sflag:s18] =	ssyncadd.s32 $0xFFFFE000  }
0x83: {  	_ =	swait.ge [sflag:s25], $0x2000  }
0x84: {  	[sflag:s25] =	ssyncset.done $0x0  }
0x85: {  	p2 =	sne.s32 s0, $0x1;
	s30 =	simm.s32 $0x100;
	[sflag:s25] =	ssyncadd.s32 $0xFFFFE000  }
0x86: {  	[tilespmem:s22], [sflag:$0x1] =	stream.indirect.gather [hbm4b:s5+s21], $0x40, s30, s21, $0xb8;
	[tilespmem:$0x14C60] =	vst v63  }
.Ltmp2:
0x87: {  	_ = 	snop;
	(pc) =	sbr.rel @!p2 .LBB2_5-.Ltmp2, $4  }
0x88: {  	s14 =	simm.s32 $0x3880  }
0x89: {  	[spmem:s3] =	stream.indirect.scatter.add.f32 [tilespmem:s24], [sflag:$0x3], $0x40, s14, s21, $0xb8;
	[tilespmem:$0x14C60] =	vst v63  }
0x8a: {  	_ =	swait.ge [sflag:s18], $0x2000  }
0x8b: {  	s0 =	sadd.s32 $0xFFFFFFFF, s0;
	[sflag:s18] =	ssyncset.done $0x0  }
.LBB2_4:
0x8c: {  	[sflag:s18] =	ssyncadd.s32 $0xFFFFE000;
	s30 =	sadd.s32 $0x100, s30;
	s2 =	sadd.s32 $0x100, s2  }
0x8d: {  	p2 =	sne.s32 s0, $0x1;
	s0 =	sadd.s32 $0xFFFFFFFF, s0  }
0x8e: {  	_ =	swait.ge [sflag:s23], $0x2000  }
0x8f: {  	[sflag:s23] =	ssyncset.done $0x0  }
0x90: {  	s31 =	sadd.s32 $0xFFFFFF80, s30;
	[sflag:s23] =	ssyncadd.s32 $0xFFFFE000  }
0x91: {  	[tilespmem:s24], [sflag:$0x2] =	stream.indirect.gather [hbm4b:s5+s21], $0x40, s31, s21, $0xb8;
	[tilespmem:$0x14C60] =	vst v63  }
0x92: {  	_ = 	snop  }
0x93: {  	[spmem:s3] =	stream.indirect.scatter.add.f32 [tilespmem:s22], [sflag:$0x3], $0x40, s2, s21, $0xb8;
	[tilespmem:$0x14C60] =	vst v63  }
0x94: {  	_ =	swait.ge [sflag:s18], $0x2000  }
0x95: {  	[sflag:s18] =	ssyncset.done $0x0  }
0x96: {  	[sflag:s18] =	ssyncadd.s32 $0xFFFFE000  }
0x97: {  	_ =	swait.ge [sflag:s25], $0x2000  }
0x98: {  	[sflag:s25] =	ssyncset.done $0x0  }
0x99: {  	[sflag:s25] =	ssyncadd.s32 $0xFFFFE000  }
0x9a: {  	[tilespmem:s22], [sflag:$0x1] =	stream.indirect.gather [hbm4b:s5+s21], $0x40, s30, s21, $0xb8;
	[tilespmem:$0x14C60] =	vst v63  }
.Ltmp3:
0x9b: {  	_ = 	snop;
	(pc) =	sbr.rel @p2 .LBB2_4-.Ltmp3, $4  }
0x9c: {  	s31 =	sadd.s32 $0x80, s2  }
0x9d: {  	[spmem:s3] =	stream.indirect.scatter.add.f32 [tilespmem:s24], [sflag:$0x3], $0x40, s31, s21, $0xb8;
	[tilespmem:$0x14C60] =	vst v63  }
0x9e: {  	_ =	swait.ge [sflag:s18], $0x2000  }
0x9f: {  	[sflag:s18] =	ssyncset.done $0x0  }
.LBB2_5:
0xa0: {  	[sflag:s18] =	ssyncadd.s32 $0xFFFFE000  }
0xa1: {  	_ =	swait.ge [sflag:s23], $0x2000  }
0xa2: {  	[sflag:s23] =	ssyncset.done $0x0  }
0xa3: {  	[sflag:s23] =	ssyncadd.s32 $0xFFFFE000  }
0xa4: {  	[tilespmem:s24], [sflag:$0x2] =	stream.indirect.gather [hbm4b:s5+s21], $0x40, s19, s21, $0xb8;
	[tilespmem:$0x14C60] =	vst v63  }
0xa5: {  	_ = 	snop  }
0xa6: {  	[spmem:s3] =	stream.indirect.scatter.add.f32 [tilespmem:s22], [sflag:$0x3], $0x40, s6, s21, $0xb8;
	[tilespmem:$0x14C60] =	vst v63  }
0xa7: {  	_ =	swait.ge [sflag:s18], $0x2000  }
0xa8: {  	[sflag:s18] =	ssyncset.done $0x0  }
0xa9: {  	[sflag:s18] =	ssyncadd.s32 $0xFFFFE000  }
0xaa: {  	_ =	swait.ge [sflag:s25], $0x2000  }
0xab: {  	[sflag:s25] =	ssyncset.done $0x0  }
0xac: {  	[sflag:s25] =	ssyncadd.s32 $0xFFFFE000  }
0xad: {  	[tilespmem:s11], [sflag:$0x1] =	stream.indirect.gather @!p1 [hbm4b:s5+s8], $0x40, s7, s8, $0xb8;
	[tilespmem:$0x14C60] =	vst v63  }
0xae: {  	_ = 	snop  }
0xaf: {  	[spmem:s3] =	stream.indirect.scatter.add.f32 [tilespmem:s24], [sflag:$0x3], $0x40, s13, s21, $0xb8;
	[tilespmem:$0x14C60] =	vst v63  }
0xb0: {  	_ =	swait.ge [sflag:s18], $0x2000  }
0xb1: {  	[sflag:s18] =	ssyncset.done $0x0  }
0xb2: {  	[sflag:s18] =	ssyncadd.s32 $0xFFFFE000  }
0xb3: {  	s0 =	simm.s32 @p0 $0x1FC3;
	[bflag:$0x0] =	sbarrier.arrive $0xFFFF  }
0xb4: {  	[hbm:s15], [sflag:s0] =	dma.local @p0 [spmem:s20], $0x1040  }
0xb5: {  	s0 =	simm.s32 @p0 $0x3  }
0xb6: {  	_ =	swait.ge @p0 [sflag:s0], $0x1040  }
0xb7: {  	[sflag:s0] =	ssyncset.done @p0 $0x0  }
0xb8: {  	s26 =	sadd.s32 $0x1, s26;
	[sflag:s0] =	ssyncadd.s32 @p0 $0xFFFFEFC0;
	s0 =	rddreg [dreg:$0x9]  }
0xb9: {  	[hbm:s0], [sflag:s28] =	dma.local @!p0 [spmem:s29], $0x13C0  }
0xba: {  	p1 =	sne.s32 s26, s16;
	s0 =	simm.s32 @!p0 $0x3  }
.Ltmp4:
0xbb: {  	_ =	swait.ge @!p0 [sflag:s0], $0x13C0;
	(pc) =	sbr.rel @p1 .LBB2_1-.Ltmp4, $3  }
0xbc: {  	[sflag:s0] =	ssyncset.done @!p0 $0x0  }
0xbd: {  	[sflag:s0] =	ssyncadd.s32 @!p0 $0xFFFFEC40  }
0xbe: {  	[bflag:$0x0] =	sbarrier.arrive $0xFFFF;
	_ =	sdelay $0x1  }
0xbf: {  	_ =	sfence.sel $0x180000  }
0xc0: {  	[bflag:$0x0] =	sbarrier.arrive $0xFFFF  }
0xc1: {  	_ =	strace $0x9000004D  }
0xc2: {  	s0 =	stileid.u32;
	[bflag:$0x2] =	sbarrier.arrive $0xFFFF  }
0xc3: {  	p0 =	sne.s32 s0, $0x0;
	s0 =	rddreg [dreg:$0x3]  }
0xc4: {  	s0 =	sadd.s32 @!p0 $0x100000, s0  }
0xc5: {  	[sflag:s0] =	ssyncadd.tile.s32 @!p0 $0x1;
	_ =	shalt  }
.Lfunc_end2:
_tile_overlayer_lowered:
.L_overlay_start_2:
0xc6: {  	(tag) =	ssettag $0x2  }
0xc7: {  	s0 =	rddreg [dreg:$0x0];
	s2 =	stileid.u32  }
0xc8: {  	s1 =	rddreg [dreg:$0x1];
	p0 =	sne.s32 s2, $0x0  }
0xc9: {  	s3 =	rddreg [dreg:$0x2];
	[bflag:$0x3] =	sbarrier.arrive $0xFFFF;
	s2 =	simm.s32 @!p0 $0x1C03  }
0xca: {  	[timem:s3], [sflag:s2] =	dma.local @!p0 [hbm:s0], s1  }
0xcb: {  	s0 =	simm.s32 @!p0 $0x3  }
0xcc: {  	_ =	swait.ge @!p0 [sflag:s0], s1  }
0xcd: {  	s1 =	ssub.s32 @!p0 $0x0, s1;
	[sflag:s0] =	ssyncset.done @!p0 $0x0  }
0xce: {  	[sflag:s0] =	ssyncadd.s32 @!p0 s1  }
0xcf: {  	[bflag:$0x3] =	sbarrier.arrive $0xFFFF  }
0xd0: {  	_ =	shalt  }

// kernel: kernel.23.cloned.1.call-start
scs
__scs_entry_jumppad:
0x0: {  	(pc) =	sbr.rel $0x88, $3  }
0x1: {  	(tag) =	ssettag $0x0;
	lr =	simm.s32 $0x1  }
0x2: {  	[smem:$0x3F9F] =	sst lr;
	_ =	strace $0xD0000000  }
0x3: {  	_ = 	snop  }
0x4: {  	_ = 	snop  }
0x5: {  	_ = 	snop  }
0x6: {  	_ = 	snop  }
0x7: {  	_ = 	snop  }
__scs_overlays_trampoline_lowered:
0x8: {  	[smem:$0x3FAE] =	sst s0  }
0x9: {  	[smem:$0x3FAF] =	sst s1  }
0xa: {  	[smem:$0x3FB0] =	sst s2  }
0xb: {  	[smem:$0x3FB1] =	sst s3  }
0xc: {  	[smem:$0x3FB2] =	sst s4  }
0xd: {  	[smem:$0x3FB3] =	sst s5  }
0xe: {  	[smem:$0x3FB4] =	sst s6  }
0xf: {  	[smem:$0x3FB5] =	sst s7  }
0x10: {  	[smem:$0x3FB6] =	sst s8  }
0x11: {  	[smem:$0x3FB7] =	sst s9;
	s0 =	simm.s32 @!p0 $0x0  }
0x12: {  	s1 =	sld [smem:$0x3F9D];
	s0 =	simm.s32 @p0 $0x1  }
0x13: {  	[smem:$0x3FB8] =	sst s0;
	s0 =	simm.s32 @!p1 $0x0  }
0x14: {  	s2 =	sld [smem:$0x3F9C];
	s0 =	simm.s32 @p1 $0x1  }
0x15: {  	[smem:$0x3FB9] =	sst s0;
	s0 =	simm.s32 @!p2 $0x0  }
0x16: {  	s3 =	sld [smem:$0x3FDB];
	s0 =	simm.s32 @p2 $0x1  }
0x17: {  	s4 =	simm.s32 $0x1BF5;
	[smem:$0x3FBB] =	sst s0  }
0x18: {  	s0 =	sld [smem:$0x3F9E];
	_ =	swait.ge [sflag:s4], $0x0  }
0x19: {  	s7 =	sld [smem:$0x3F9F]  }
0x1a: {  	s8 =	sadd.s32 $0xFFFFE003, lr  }
0x1b: {  	s9 =	sadd.s32 $0xFFFFFEF7, lr;
	s5 =	simm.s32 $0xFFFFFFFF;
	p2 =	slt.u32 s8, $0xFFFFF086  }
0x1c: {  	p1 =	slt.u32 s9, $0xF7A;
	s5 =	simm.s32 @!p2 $0x0  }
0x1d: {  	s5 =	simm.s32 @p1 $0x1;
	p0 =	seq.s32 s7, s2  }
0x1e: {  	s7 =	smul.u32 @!p0 $0xF7A, s2;
	p2 =	seq.s32 @!p0 s5, $0x0  }
0x1f: {  	s9 =	smul.u32 $0xF7A, s1;
	s8 =	simm.s32 @!p0 $0x1BF5;
	p2 =	por !p2, p0  }
0x20: {  	[sflag:s8] =	ssyncset.s32 @!p0 $0xFFFFF086;
	s6 =	sadd.s32 @!p0 s3, s7;
	s7 =	simm.s32 @!p0 $0x108  }
0x21: {  	s3 =	sadd.s32 s3, s9;
	s6 =	sadd.s32 @!p0 $0x88, s6;
	s7 =	simm.s32 @p2 $0x1082  }
0x22: {  	[simem:s7], [sflag:s8] =	dma.local @!p0 [hbm:s6], $0xF7A  }
0x23: {  	s9 =	sor.u32 $0xD0000000, s2;
	s6 =	simm.s32 $0x108;
	_ =	swait.ge @!p0 [sflag:s8], $0x0  }
0x24: {  	s3 =	sadd.s32 $0x88, s3;
	s6 =	simm.s32 @!p1 $0x1082;
	[sflag:s4] =	ssyncset.s32 $0xFFFFF086  }
0x25: {  	[simem:s6], [sflag:s4] =	dma.local [hbm:s3], $0xF7A  }
0x26: {  	[smem:$0x3F9F] =	sst s1;
	(tag) =	ssettag s2;
	_ =	strace s9  }
0x27: {  	s1 =	sld [smem:$0x3FAF]  }
0x28: {  	s2 =	sld [smem:$0x3FB0]  }
0x29: {  	s4 =	sld [smem:$0x3FB2]  }
0x2a: {  	p0 =	seq.s32 s5, $0x0;
	s5 =	sld [smem:$0x3FB3]  }
0x2b: {  	s6 =	sld [smem:$0x3FB4]  }
0x2c: {  	s7 =	sld [smem:$0x3FB5]  }
0x2d: {  	s3 =	simm.s32 $0x108;
	s8 =	sld [smem:$0x3FB6]  }
0x2e: {  	s3 =	simm.s32 @!p0 $0x1082;
	s9 =	sld [smem:$0x3FB7]  }
0x2f: {  	lr =	sadd.s32 s0, s3;
	s0 =	sld [smem:$0x3FAE]  }
0x30: {  	s3 =	sld [smem:$0x3FB1]  }
0x31: {  	[smem:$0x3FBA] =	sst s10  }
0x32: {  	s10 =	sld [smem:$0x3FB8];
	_ =	sdelay $0x3  }
0x33: {  	p0 =	seq.s32 s10, $0x1;
	s10 =	sld [smem:$0x3FBA];
	_ =	sdelay $0x3  }
0x34: {  	[smem:$0x3FBA] =	sst s10  }
0x35: {  	s10 =	sld [smem:$0x3FB9];
	_ =	sdelay $0x3  }
0x36: {  	p1 =	seq.s32 s10, $0x1;
	s10 =	sld [smem:$0x3FBA];
	_ =	sdelay $0x3  }
0x37: {  	[smem:$0x3FBA] =	sst s10  }
0x38: {  	s10 =	sld [smem:$0x3FBB]  }
0x39: {  	_ = 	snop;
	(pc) =	sbr.ind lr, $3  }
0x3a: {  	_ = 	snop  }
0x3b: {  	_ = 	snop  }
0x3c: {  	p2 =	seq.s32 s10, $0x1;
	s10 =	sld [smem:$0x3FBA]  }
0x3d: {  	_ =	shalt  }
0x3e: {  	_ =	shalt  }
0x3f: {  	_ =	shalt  }
0x40: {  	_ =	shalt  }
0x41: {  	_ =	shalt  }
0x42: {  	_ =	shalt  }
0x43: {  	_ =	shalt  }
0x44: {  	_ =	shalt  }
0x45: {  	_ =	shalt  }
0x46: {  	_ =	shalt  }
0x47: {  	_ =	shalt  }
0x48: {  	_ =	shalt  }
0x49: {  	_ =	shalt  }
0x4a: {  	_ =	shalt  }
0x4b: {  	_ =	shalt  }
0x4c: {  	_ =	shalt  }
0x4d: {  	_ =	shalt  }
0x4e: {  	_ =	shalt  }
0x4f: {  	_ =	shalt  }
0x50: {  	_ =	shalt  }
0x51: {  	_ =	shalt  }
0x52: {  	_ =	shalt  }
0x53: {  	_ =	shalt  }
0x54: {  	_ =	shalt  }
0x55: {  	_ =	shalt  }
0x56: {  	_ =	shalt  }
0x57: {  	_ =	shalt  }
0x58: {  	_ =	shalt  }
0x59: {  	_ =	shalt  }
0x5a: {  	_ =	shalt  }
0x5b: {  	_ =	shalt  }
0x5c: {  	_ =	shalt  }
0x5d: {  	_ =	shalt  }
0x5e: {  	_ =	shalt  }
0x5f: {  	_ =	shalt  }
0x60: {  	_ =	shalt  }
0x61: {  	_ =	shalt  }
0x62: {  	_ =	shalt  }
0x63: {  	_ =	shalt  }
0x64: {  	_ =	shalt  }
0x65: {  	_ =	shalt  }
0x66: {  	_ =	shalt  }
0x67: {  	_ =	shalt  }
0x68: {  	_ =	shalt  }
0x69: {  	_ =	shalt  }
0x6a: {  	_ =	shalt  }
0x6b: {  	_ =	shalt  }
0x6c: {  	_ =	shalt  }
0x6d: {  	_ =	shalt  }
0x6e: {  	_ =	shalt  }
0x6f: {  	_ =	shalt  }
0x70: {  	_ =	shalt  }
0x71: {  	_ =	shalt  }
0x72: {  	_ =	shalt  }
0x73: {  	_ =	shalt  }
0x74: {  	_ =	shalt  }
0x75: {  	_ =	shalt  }
0x76: {  	_ =	shalt  }
0x77: {  	_ =	shalt  }
0x78: {  	_ =	shalt  }
0x79: {  	_ =	shalt  }
0x7a: {  	_ =	shalt  }
0x7b: {  	_ =	shalt  }
0x7c: {  	_ =	shalt  }
0x7d: {  	_ =	shalt  }
0x7e: {  	_ =	shalt  }
0x7f: {  	_ =	shalt  }
0x80: {  	_ =	shalt  }
0x81: {  	_ =	shalt  }
0x82: {  	_ =	shalt  }
0x83: {  	_ =	shalt  }
0x84: {  	_ =	shalt  }
0x85: {  	_ =	shalt  }
0x86: {  	_ =	shalt  }
0x87: {  	_ =	shalt  }
.Lfunc_end0:
.L_simem_size_0:
called_computation.3_lowered:
.L_overlay_start_0:
0x88: {  	s2 =	sld [smem:$0x3FD9]  }
0x89: {  	s3 =	sld [smem:$0x3FFE];
	_ =	sdelay $0x1  }
0x8a: {  	s1 =	srdreg.scid  }
0x8b: {  	s0 =	sand.u32 $0x1, s1  }
0x8c: {  	s17 =	sshll.u32 s0, $0xA;
	s2 =	sadd.s32 s3, s2  }
0x8d: {  	s2 =	sadd.s32 s2, s17  }
0x8e: {  	[smem:$0x3FC6] =	sst s2  }
0x8f: {  	_ = 	snop  }
0x90: {  	s2 =	sld [smem:$0x3FD0];
	(tm) =	ssettm $0x1  }
0x91: {  	s18 =	sld [smem:$0x3FFB];
	_ =	sdelay $0x3  }
0x92: {  	_ =	strace s18  }
0x93: {  	s3 =	sld [smem:$0x3FFC];
	_ =	sdelay $0x3  }
0x94: {  	_ =	strace s3  }
0x95: {  	s3 =	sld [smem:$0x3FFD];
	_ =	sdelay $0x3  }
0x96: {  	_ =	strace s3  }
0x97: {  	_ =	strace $0x8FFFFFFF  }
0x98: {  	s19 =	sld [smem:$0x3FDB];
	_ =	sdelay $0x1  }
0x99: {  	s4 =	simm.s32 $_scs_section_size  }
0x9a: {  	s5 =	simm.s32 $_size__tile_overlayer_lowered;
	s6 =	simm.s32 $_tile_overlayer_lowered  }
0x9b: {  	s22 =	simm.s32 $0x1BFF;
	s21 =	sshll.u32 s6, $0x1;
	s3 =	sadd.s32 s4, s19  }
0x9c: {  	s7 =	simm.s32 $0x0;
	s20 =	sshll.u32 s5, $0x1;
	s5 =	sadd.s32 s21, s3  }
0x9d: {  	[timem:s7], [sflag:s22] =	dma.local [hbm:s5], s20  }
0x9e: {  	_ =	swait.ge [sflag:s22], s20  }
0x9f: {  	s4 =	ssub.s32 $0x0, s20;
	[sflag:s22] =	ssyncset.done $0x0  }
0xa0: {  	[sflag:s22] =	ssyncadd.s32 s4;
	_ =	sdelay $0x1  }
0xa1: {  	s23 =	simm.s32 $0x1B8B  }
0xa2: {  	_ =	swait.ge [sflag:s23], $0x1  }
0xa3: {  	[sflag:s23] =	ssyncset.done $0x0  }
0xa4: {  	s25 =	simm.s32 $0x1B8E;
	s24 =	sld [smem:$0x3FFE];
	[sflag:s23] =	ssyncadd.s32 $0xFFFFFFFF  }
0xa5: {  	s26 =	simm.s32 $execute0_lowered;
	[smem:$0x3FD2] =	sst s25  }
0xa6: {  	s5 =	sshll.u32 s26, $0x1;
	_ =	strace $0x8000004F;
	[dreg:$0x1] =	wrdreg $0xFFFFFFFF  }
0xa7: {  	s28 =	simm.s32 $_size_execute0_lowered;
	s3 =	sadd.s32 s3, s5;
	[dreg:$0x0] =	wrdreg $0x0  }
0xa8: {  	s5 =	sshll.u32 s28, $0x1;
	[dreg:$0x2] =	wrdreg s3  }
0xa9: {  	[dreg:$0x3] =	wrdreg s5  }
0xaa: {  	[dreg:$0x4] =	wrdreg $0xC0  }
0xab: {  	_ =	task [dreg:s7], $0x5FFFF  }
0xac: {  	[dreg:$0x1] =	wrdreg $0xFFFFFFFF  }
0xad: {  	[dreg:$0x0] =	wrdreg $0x60  }
0xae: {  	[dreg:$0x2] =	wrdreg s2  }
0xaf: {  	[dreg:$0x3] =	wrdreg s24  }
0xb0: {  	[dreg:$0x4] =	wrdreg $0xB0000  }
0xb1: {  	[dreg:$0x5] =	wrdreg $0x9  }
0xb2: {  	_ =	task.clear_ibuf [dreg:s7], $0x6FFFF;
	_ =	strace $0x9000004F  }
0xb3: {  	s29 =	simm.s32 $0x9;
	_ =	strace $0x80000051  }
0xb4: {  	_ =	swait.ge [sflag:s29], $0x1  }
0xb5: {  	[sflag:s29] =	ssyncadd.s32 $0xFFFFFFFF  }
0xb6: {  	_ =	strace $0x90000051  }
0xb7: {  	_ =	sfence  }
0xb8: {  	s30 =	sld [smem:$0x0];
	_ =	sdelay $0x2  }
0xb9: {  	s31 =	sshll.u32 s1, $0xD;
	s1 =	sshrl.u32 s1, $0x2  }
0xba: {  	s3 =	sand.u32 $0x4000, s31;
	s1 =	sadd.s32 s1, s30  }
0xbb: {  	s0 =	sor.u32 s3, s0;
	s1 =	sshll.u32 s1, $0x11  }
0xbc: {  	s0 =	sor.u32 s1, s0  }
0xbd: {  	s0 =	sadd.s32 $0x8F2B, s0  }
0xbe: {  	[sflag:s0] =	ssyncadd.remote.s32 $0x1  }
0xbf: {  	_ =	sfence.sel $0xFFFF  }
0xc0: {  	[dreg:$0x0] =	wrdreg $0xFFFFFFFF;
	(pc) =	sbr.abs _section_cstart, $3  }
0xc1: {  	[dreg:$0x1] =	wrdreg $0xFFFFFFFF  }
0xc2: {  	_ =	task.clear_ibuf [dreg:s7], $0x2FFFF;
	_ =	strace $0x9FFFFFFF  }
0xc3: {  	(tm) =	ssettm $0x7FFFFFFF  }
tec
execute0_lowered:
.L_overlay_start_1:
0x0: {  	(tag) =	ssettag $0x1  }
0x1: {  	s0 =	srdreg.scid;
	s1 =	rddreg [dreg:$0x0]  }
0x2: {  	s2 =	rddreg [dreg:$0x1];
	s18 =	stileid.u32  }
0x3: {  	s3 =	rddreg [dreg:$0x2];
	s21 =	simm.s32 $0x80;
	s22 =	simm.s32 $0x7000  }
0x4: {  	s23 =	simm.s32 $0x1;
	s0 =	sand.u32 $0x1, s0;
	s7 =	smul.u32 $0x9E00, s18  }
0x5: {  	s11 =	sadd.s32 $0xA4000, s2;
	s4 =	sshll.u32 s0, $0x4;
	s9 =	ssub.s32 $0x2, s0  }
0x6: {  	p0 =	seq.s32 s0, $0x0;
	s0 =	smul.u32 $0x138800, s0;
	s5 =	sor.u32 s18, s4  }
0x7: {  	s4 =	simm.s32 $0x0;
	s8 =	sshrl.u32 s7, $0x3;
	s10 =	sshrl.u32 s9, $0x1  }
0x8: {  	s25 =	sadd.s32 s7, s3;
	s6 =	smul.u32 $0x700, s5;
	[smem:$0x7FF] =	sst s4  }
0x9: {  	s5 =	sadd.s32 $0x55A00, s2;
	s8 =	sadd.s32 s8, s2;
	s13 =	ssub.s32 s9, s10  }
0xa: {  	s7 =	sadd.s32 s7, s0;
	s0 =	sshrl.u32 s0, $0x3;
	s10 =	sadd.s32 $0x7BC40, s2  }
0xb: {  	_ =	strace $0x80000050;
	[dreg:$0x6] =	wrdreg s25;
	s9 =	sadd.s32 $0x69400, s8  }
0xc: {  	s8 =	sadd.s32 $0x94200, s3;
	s26 =	sshrl.u32 s7, $0x3;
	s0 =	sadd.s32 s11, s0  }
0xd: {  	s16 =	smax.u32 s13, $0x1;
	s6 =	sadd.s32 s6, s2;
	s29 =	sadd.s32 $0x12840, s0  }
0xe: {  	s25 =	simm.s32 $0x2;
	s24 =	sadd.s32 $0x3800, s6;
	[dreg:$0x8] =	wrdreg s29  }
0xf: {  	s12 =	sadd.s32 s11, s26;
	s6 =	sadd.s32 $0x20800, s6;
	[dreg:$0x4] =	wrdreg s24  }
0x10: {  	s15 =	sadd.s32 $0x260C0, s0;
	s30 =	sadd.s32 $0x13880, s12;
	[dreg:$0x5] =	wrdreg s6  }
0x11: {  	s26 =	simm.s32 $0x0;
	s6 =	simm.s32 $0x38;
	[dreg:$0x9] =	wrdreg s30  }
0x12: {  	s24 =	simm.s32 $0x9000;
	s6 =	simm.s32 @!p0 $0x17;
	p0 =	seq.s32 s18, $0xF  }
0x13: {  	s18 =	simm.s32 $0x3;
	s28 =	sadd.s32 $0xFFFFFFFF, s6;
	s31 =	sshll.u32 s6, $0xA  }
0x14: {  	s20 =	sshrl.u32 @p0 s8, $0x3;
	[dreg:$0x7] =	wrdreg s28;
	s17 =	sadd.s32 $0xFFFFFC00, s31  }
.LBB2_1:
0x15: {  	s0 =	rddreg [dreg:$0x4]  }
0x16: {  	[tilespmem:s4], [sflag:$0x3] =	stream.linear.gather [hbm4b:s0+s4], $0x3800, $0x38;
	[tilespmem:$0x14C60] =	vst v63  }
0x17: {  	_ =	swait.ge [sflag:s18], $0x3800  }
0x18: {  	[sflag:s18] =	ssyncset.done $0x0  }
0x19: {  	s2 =	simm.s32 $0x3800;
	s8 =	rddreg [dreg:$0x5];
	[sflag:s18] =	ssyncadd.s32 $0xFFFFC800  }
0x1a: {  	[tilespmem:s2], [sflag:$0x3] =	stream.linear.gather [hbm4b:s8+s4], $0x3800, $0x38;
	[tilespmem:$0x14C60] =	vst v63  }
0x1b: {  	_ =	swait.ge [sflag:s18], $0x3800  }
0x1c: {  	s31 =	simm.s32 @p0 $0x3;
	[sflag:s18] =	ssyncset.done $0x0  }
0x1d: {  	s0 =	stileid.u32;
	s2 =	simm.s32 @p0 $0x1FC3;
	[sflag:s18] =	ssyncadd.s32 $0xFFFFC800  }
0x1e: {  	[spmem:s20], [sflag:s2] =	dma.local @p0 [hbm:s10], $0x1040  }
0x1f: {  	s0 =	sshll.u32 @!p0 s0, $0x6;
	_ =	swait.ge @p0 [sflag:s31], $0x1040  }
0x20: {  	s28 =	sor.u32 @!p0 $0x1C03, s0;
	[sflag:s31] =	ssyncset.done @p0 $0x0;
	s0 =	rddreg [dreg:$0x6]  }
0x21: {  	s30 =	simm.s32 @!p0 $0x3;
	[sflag:s31] =	ssyncadd.s32 @p0 $0xFFFFEFC0;
	s29 =	sshrl.u32 @!p0 s0, $0x3  }
0x22: {  	[spmem:s29], [sflag:s28] =	dma.local @!p0 [hbm:s9], $0x13C0  }
0x23: {  	_ =	swait.ge @!p0 [sflag:s30], $0x13C0  }
0x24: {  	[sflag:s30] =	ssyncset.done @!p0 $0x0  }
0x25: {  	[sflag:s30] =	ssyncadd.s32 @!p0 $0xFFFFEC40  }
0x26: {  	[bflag:$0x0] =	sbarrier.arrive $0xFFFF  }
0x27: {  	[tilespmem:s22], [sflag:$0x1] =	stream.indirect.gather [hbm4b:s1+s21], $0x40, s4, s21, $0xb8;
	[tilespmem:$0x14C60] =	vst v63  }
0x28: {  	_ =	swait.ge [sflag:s23], $0x2000  }
0x29: {  	[sflag:s23] =	ssyncset.done $0x0  }
0x2a: {  	s11 =	simm.s32 $0x80;
	[sflag:s23] =	ssyncadd.s32 $0xFFFFE000  }
0x2b: {  	[tilespmem:s24], [sflag:$0x2] =	stream.indirect.gather [hbm4b:s1+s21], $0x40, s11, s21, $0xb8;
	[tilespmem:$0x14C60] =	vst v63  }
0x2c: {  	s13 =	simm.s32 $0x3800  }
0x2d: {  	[spmem:s3] =	stream.indirect.scatter.add.f32 [tilespmem:s22], [sflag:$0x3], $0x40, s13, s21, $0xb8;
	[tilespmem:$0x14C60] =	vst v63  }
0x2e: {  	_ =	swait.ge [sflag:s18], $0x2000  }
0x2f: {  	[sflag:s18] =	ssyncset.done $0x0  }
0x30: {  	[sflag:s18] =	ssyncadd.s32 $0xFFFFE000  }
0x31: {  	_ =	swait.ge [sflag:s25], $0x2000  }
0x32: {  	[sflag:s25] =	ssyncset.done $0x0  }
0x33: {  	s14 =	simm.s32 $0x100;
	p1 =	sne.s32 s17, $0x400;
	[sflag:s25] =	ssyncadd.s32 $0xFFFFE000  }
0x34: {  	[tilespmem:s22], [sflag:$0x1] =	stream.indirect.gather [hbm4b:s1+s21], $0x40, s14, s21, $0xb8;
	[tilespmem:$0x14C60] =	vst v63  }
.Ltmp0:
0x35: {  	_ = 	snop;
	(pc) =	sbr.rel @!p1 .LBB2_3-.Ltmp0, $4  }
0x36: {  	s19 =	simm.s32 $0x3880  }
0x37: {  	[spmem:s3] =	stream.indirect.scatter.add.f32 [tilespmem:s24], [sflag:$0x3], $0x40, s19, s21, $0xb8;
	[tilespmem:$0x14C60] =	vst v63  }
0x38: {  	s7 =	simm.s32 $0x400;
	s6 =	simm.s32 $0x2;
	_ =	swait.ge [sflag:s18], $0x2000  }
0x39: {  	s8 =	simm.s32 $0xFFFFFFFF;
	s0 =	simm.s32 $0x1;
	[sflag:s18] =	ssyncset.done $0x0  }
.LBB2_2:
0x3a: {  	s0 =	smov.u32 s6;
	s8 =	sadd.s32 $0x1, s8  }
0x3b: {  	s11 =	smov.u32 s7;
	s7 =	sadd.s32 $0x400, s7;
	[sflag:s18] =	ssyncadd.s32 $0xFFFFE000  }
0x3c: {  	p1 =	sne.s32 s17, s7  }
0x3d: {  	_ =	swait.ge [sflag:s23], $0x2000  }
0x3e: {  	s11 =	sshra.s32 s11, $0x2;
	[sflag:s23] =	ssyncset.done $0x0  }
0x3f: {  	s13 =	sadd.s32 $0x80, s11;
	[sflag:s23] =	ssyncadd.s32 $0xFFFFE000  }
0x40: {  	[tilespmem:s24], [sflag:$0x2] =	stream.indirect.gather [hbm4b:s1+s21], $0x40, s13, s21, $0xb8;
	[tilespmem:$0x14C60] =	vst v63  }
0x41: {  	s13 =	sadd.s32 $0x3800, s11  }
0x42: {  	[spmem:s3] =	stream.indirect.scatter.add.f32 [tilespmem:s22], [sflag:$0x3], $0x40, s13, s21, $0xb8;
	[tilespmem:$0x14C60] =	vst v63  }
0x43: {  	_ =	swait.ge [sflag:s18], $0x2000  }
0x44: {  	[sflag:s18] =	ssyncset.done $0x0  }
0x45: {  	[sflag:s18] =	ssyncadd.s32 $0xFFFFE000  }
0x46: {  	_ =	swait.ge [sflag:s25], $0x2000  }
0x47: {  	[sflag:s25] =	ssyncset.done $0x0  }
0x48: {  	s13 =	sadd.s32 $0x100, s11;
	[sflag:s25] =	ssyncadd.s32 $0xFFFFE000  }
0x49: {  	[tilespmem:s22], [sflag:$0x1] =	stream.indirect.gather [hbm4b:s1+s21], $0x40, s13, s21, $0xb8;
	[tilespmem:$0x14C60] =	vst v63  }
.Ltmp1:
0x4a: {  	_ = 	snop;
	(pc) =	sbr.rel @p1 .LBB2_2-.Ltmp1, $4  }
0x4b: {  	s11 =	sadd.s32 $0x3880, s11  }
0x4c: {  	[spmem:s3] =	stream.indirect.scatter.add.f32 [tilespmem:s24], [sflag:$0x3], $0x40, s11, s21, $0xb8;
	[tilespmem:$0x14C60] =	vst v63  }
0x4d: {  	_ =	swait.ge [sflag:s18], $0x2000  }
0x4e: {  	s6 =	sadd.s32 $0x1, s6;
	[sflag:s18] =	ssyncset.done $0x0  }
.LBB2_3:
0x4f: {  	[sflag:s18] =	ssyncadd.s32 $0xFFFFE000  }
0x50: {  	_ =	swait.ge [sflag:s23], $0x2000  }
0x51: {  	s13 =	sshra.s32 s7, $0x2;
	[sflag:s23] =	ssyncset.done $0x0  }
0x52: {  	s19 =	sadd.s32 $0x80, s13;
	[sflag:s23] =	ssyncadd.s32 $0xFFFFE000  }
0x53: {  	[tilespmem:s24], [sflag:$0x2] =	stream.indirect.gather [hbm4b:s1+s21], $0x40, s19, s21, $0xb8;
	[tilespmem:$0x14C60] =	vst v63  }
0x54: {  	s6 =	sadd.s32 $0x3800, s13  }
0x55: {  	[spmem:s3] =	stream.indirect.scatter.add.f32 [tilespmem:s22], [sflag:$0x3], $0x40, s6, s21, $0xb8;
	[tilespmem:$0x14C60] =	vst v63  }
0x56: {  	_ =	swait.ge [sflag:s18], $0x2000  }
0x57: {  	[sflag:s18] =	ssyncset.done $0x0  }
0x58: {  	[sflag:s18] =	ssyncadd.s32 $0xFFFFE000  }
0x59: {  	s8 =	sadd.s32 $0x1, s8;
	_ =	swait.ge [sflag:s25], $0x2000  }
0x5a: {  	s8 =	sadd.s32 $0x1, s8;
	s11 =	rddreg [dreg:$0x7]  }
0x5b: {  	[sflag:s25] =	ssyncset.done $0x0;
	p1 =	sge.u32 s8, s11  }
0x5c: {  	[sflag:s25] =	ssyncadd.s32 $0xFFFFE000;
	s7 =	sshra.s32 @!p1 s7, $0x2  }
0x5d: {  	s8 =	simm.s32 @!p1 $0x80;
	s11 =	simm.s32 @!p1 $0x7000;
	s7 =	sadd.s32 @!p1 $0x100, s7  }
0x5e: {  	[tilespmem:s11], [sflag:$0x1] =	stream.indirect.gather @!p1 [hbm4b:s1+s8], $0x40, s7, s8, $0xb8;
	[tilespmem:$0x14C60] =	vst v63  }
0x5f: {  	s13 =	sadd.s32 $0x3880, s13  }
0x60: {  	[spmem:s3] =	stream.indirect.scatter.add.f32 [tilespmem:s24], [sflag:$0x3], $0x40, s13, s21, $0xb8;
	[tilespmem:$0x14C60] =	vst v63  }
0x61: {  	_ =	swait.ge [sflag:s18], $0x2000  }
0x62: {  	[sflag:s18] =	ssyncset.done $0x0  }
0x63: {  	[sflag:s18] =	ssyncadd.s32 $0xFFFFE000  }
0x64: {  	[bflag:$0x0] =	sbarrier.arrive $0xFFFF  }
0x65: {  	s14 =	rddreg [dreg:$0x8]  }
0x66: {  	[hbm:s14], [sflag:s2] =	dma.local @p0 [spmem:s20], $0x1040  }
0x67: {  	_ =	swait.ge @p0 [sflag:s31], $0x1040  }
0x68: {  	[sflag:s31] =	ssyncset.done @p0 $0x0  }
0x69: {  	[sflag:s31] =	ssyncadd.s32 @p0 $0xFFFFEFC0  }
0x6a: {  	[bflag:$0x0] =	sbarrier.arrive @p0 $0xFFFF  }
0x6b: {  	[spmem:s20], [sflag:s2] =	dma.local @p0 [hbm:s10], $0x1040  }
0x6c: {  	_ =	swait.ge @p0 [sflag:s31], $0x1040  }
0x6d: {  	[sflag:s31] =	ssyncset.done @p0 $0x0  }
0x6e: {  	[sflag:s31] =	ssyncadd.s32 @p0 $0xFFFFEFC0  }
0x6f: {  	[hbm:s12], [sflag:s28] =	dma.local @!p0 [spmem:s29], $0x13C0  }
0x70: {  	_ =	swait.ge @!p0 [sflag:s30], $0x13C0  }
0x71: {  	[sflag:s30] =	ssyncset.done @!p0 $0x0  }
0x72: {  	[sflag:s30] =	ssyncadd.s32 @!p0 $0xFFFFEC40  }
0x73: {  	[bflag:$0x0] =	sbarrier.arrive @!p0 $0xFFFF  }
0x74: {  	[spmem:s29], [sflag:s28] =	dma.local @!p0 [hbm:s9], $0x13C0  }
0x75: {  	_ =	swait.ge @!p0 [sflag:s30], $0x13C0  }
0x76: {  	[sflag:s30] =	ssyncset.done @!p0 $0x0  }
0x77: {  	[sflag:s30] =	ssyncadd.s32 @!p0 $0xFFFFEC40  }
0x78: {  	[bflag:$0x0] =	sbarrier.arrive $0xFFFF  }
0x79: {  	[tilespmem:s22], [sflag:$0x1] =	stream.indirect.gather [hbm4b:s5+s21], $0x40, s4, s21, $0xb8;
	[tilespmem:$0x14C60] =	vst v63  }
0x7a: {  	_ =	swait.ge [sflag:s23], $0x2000  }
0x7b: {  	[sflag:s23] =	ssyncset.done $0x0  }
0x7c: {  	s31 =	simm.s32 $0x80;
	[sflag:s23] =	ssyncadd.s32 $0xFFFFE000  }
0x7d: {  	[tilespmem:s24], [sflag:$0x2] =	stream.indirect.gather [hbm4b:s5+s21], $0x40, s31, s21, $0xb8;
	[tilespmem:$0x14C60] =	vst v63  }
0x7e: {  	s2 =	simm.s32 $0x3800  }
0x7f: {  	[spmem:s3] =	stream.indirect.scatter.add.f32 [tilespmem:s22], [sflag:$0x3], $0x40, s2, s21, $0xb8;
	[tilespmem:$0x14C60] =	vst v63  }
0x80: {  	_ =	swait.ge [sflag:s18], $0x2000  }
0x81: {  	[sflag:s18] =	ssyncset.done $0x0  }
0x82: {  	[sflag:s18] =	ssyncadd.s32 $0xFFFFE000  }
0x83: {  	_ =	swait.ge [sflag:s25], $0x2000  }
0x84: {  	[sflag:s25] =	ssyncset.done $0x0  }
0x85: {  	p2 =	sne.s32 s0, $0x1;
	s30 =	simm.s32 $0x100;
	[sflag:s25] =	ssyncadd.s32 $0xFFFFE000  }
0x86: {  	[tilespmem:s22], [sflag:$0x1] =	stream.indirect.gather [hbm4b:s5+s21], $0x40, s30, s21, $0xb8;
	[tilespmem:$0x14C60] =	vst v63  }
.Ltmp2:
0x87: {  	_ = 	snop;
	(pc) =	sbr.rel @!p2 .LBB2_5-.Ltmp2, $4  }
0x88: {  	s14 =	simm.s32 $0x3880  }
0x89: {  	[spmem:s3] =	stream.indirect.scatter.add.f32 [tilespmem:s24], [sflag:$0x3], $0x40, s14, s21, $0xb8;
	[tilespmem:$0x14C60] =	vst v63  }
0x8a: {  	_ =	swait.ge [sflag:s18], $0x2000  }
0x8b: {  	s0 =	sadd.s32 $0xFFFFFFFF, s0;
	[sflag:s18] =	ssyncset.done $0x0  }
.LBB2_4:
0x8c: {  	[sflag:s18] =	ssyncadd.s32 $0xFFFFE000;
	s30 =	sadd.s32 $0x100, s30;
	s2 =	sadd.s32 $0x100, s2  }
0x8d: {  	p2 =	sne.s32 s0, $0x1;
	s0 =	sadd.s32 $0xFFFFFFFF, s0  }
0x8e: {  	_ =	swait.ge [sflag:s23], $0x2000  }
0x8f: {  	[sflag:s23] =	ssyncset.done $0x0  }
0x90: {  	s31 =	sadd.s32 $0xFFFFFF80, s30;
	[sflag:s23] =	ssyncadd.s32 $0xFFFFE000  }
0x91: {  	[tilespmem:s24], [sflag:$0x2] =	stream.indirect.gather [hbm4b:s5+s21], $0x40, s31, s21, $0xb8;
	[tilespmem:$0x14C60] =	vst v63  }
0x92: {  	_ = 	snop  }
0x93: {  	[spmem:s3] =	stream.indirect.scatter.add.f32 [tilespmem:s22], [sflag:$0x3], $0x40, s2, s21, $0xb8;
	[tilespmem:$0x14C60] =	vst v63  }
0x94: {  	_ =	swait.ge [sflag:s18], $0x2000  }
0x95: {  	[sflag:s18] =	ssyncset.done $0x0  }
0x96: {  	[sflag:s18] =	ssyncadd.s32 $0xFFFFE000  }
0x97: {  	_ =	swait.ge [sflag:s25], $0x2000  }
0x98: {  	[sflag:s25] =	ssyncset.done $0x0  }
0x99: {  	[sflag:s25] =	ssyncadd.s32 $0xFFFFE000  }
0x9a: {  	[tilespmem:s22], [sflag:$0x1] =	stream.indirect.gather [hbm4b:s5+s21], $0x40, s30, s21, $0xb8;
	[tilespmem:$0x14C60] =	vst v63  }
.Ltmp3:
0x9b: {  	_ = 	snop;
	(pc) =	sbr.rel @p2 .LBB2_4-.Ltmp3, $4  }
0x9c: {  	s31 =	sadd.s32 $0x80, s2  }
0x9d: {  	[spmem:s3] =	stream.indirect.scatter.add.f32 [tilespmem:s24], [sflag:$0x3], $0x40, s31, s21, $0xb8;
	[tilespmem:$0x14C60] =	vst v63  }
0x9e: {  	_ =	swait.ge [sflag:s18], $0x2000  }
0x9f: {  	[sflag:s18] =	ssyncset.done $0x0  }
.LBB2_5:
0xa0: {  	[sflag:s18] =	ssyncadd.s32 $0xFFFFE000  }
0xa1: {  	_ =	swait.ge [sflag:s23], $0x2000  }
0xa2: {  	[sflag:s23] =	ssyncset.done $0x0  }
0xa3: {  	[sflag:s23] =	ssyncadd.s32 $0xFFFFE000  }
0xa4: {  	[tilespmem:s24], [sflag:$0x2] =	stream.indirect.gather [hbm4b:s5+s21], $0x40, s19, s21, $0xb8;
	[tilespmem:$0x14C60] =	vst v63  }
0xa5: {  	_ = 	snop  }
0xa6: {  	[spmem:s3] =	stream.indirect.scatter.add.f32 [tilespmem:s22], [sflag:$0x3], $0x40, s6, s21, $0xb8;
	[tilespmem:$0x14C60] =	vst v63  }
0xa7: {  	_ =	swait.ge [sflag:s18], $0x2000  }
0xa8: {  	[sflag:s18] =	ssyncset.done $0x0  }
0xa9: {  	[sflag:s18] =	ssyncadd.s32 $0xFFFFE000  }
0xaa: {  	_ =	swait.ge [sflag:s25], $0x2000  }
0xab: {  	[sflag:s25] =	ssyncset.done $0x0  }
0xac: {  	[sflag:s25] =	ssyncadd.s32 $0xFFFFE000  }
0xad: {  	[tilespmem:s11], [sflag:$0x1] =	stream.indirect.gather @!p1 [hbm4b:s5+s8], $0x40, s7, s8, $0xb8;
	[tilespmem:$0x14C60] =	vst v63  }
0xae: {  	_ = 	snop  }
0xaf: {  	[spmem:s3] =	stream.indirect.scatter.add.f32 [tilespmem:s24], [sflag:$0x3], $0x40, s13, s21, $0xb8;
	[tilespmem:$0x14C60] =	vst v63  }
0xb0: {  	_ =	swait.ge [sflag:s18], $0x2000  }
0xb1: {  	[sflag:s18] =	ssyncset.done $0x0  }
0xb2: {  	[sflag:s18] =	ssyncadd.s32 $0xFFFFE000  }
0xb3: {  	s0 =	simm.s32 @p0 $0x1FC3;
	[bflag:$0x0] =	sbarrier.arrive $0xFFFF  }
0xb4: {  	[hbm:s15], [sflag:s0] =	dma.local @p0 [spmem:s20], $0x1040  }
0xb5: {  	s0 =	simm.s32 @p0 $0x3  }
0xb6: {  	_ =	swait.ge @p0 [sflag:s0], $0x1040  }
0xb7: {  	[sflag:s0] =	ssyncset.done @p0 $0x0  }
0xb8: {  	s26 =	sadd.s32 $0x1, s26;
	[sflag:s0] =	ssyncadd.s32 @p0 $0xFFFFEFC0;
	s0 =	rddreg [dreg:$0x9]  }
0xb9: {  	[hbm:s0], [sflag:s28] =	dma.local @!p0 [spmem:s29], $0x13C0  }
0xba: {  	p1 =	sne.s32 s26, s16;
	s0 =	simm.s32 @!p0 $0x3  }
.Ltmp4:
0xbb: {  	_ =	swait.ge @!p0 [sflag:s0], $0x13C0;
	(pc) =	sbr.rel @p1 .LBB2_1-.Ltmp4, $3  }
0xbc: {  	[sflag:s0] =	ssyncset.done @!p0 $0x0  }
0xbd: {  	[sflag:s0] =	ssyncadd.s32 @!p0 $0xFFFFEC40  }
0xbe: {  	[bflag:$0x0] =	sbarrier.arrive $0xFFFF;
	_ =	sdelay $0x1  }
0xbf: {  	_ =	sfence.sel $0x180000  }
0xc0: {  	[bflag:$0x0] =	sbarrier.arrive $0xFFFF  }
0xc1: {  	_ =	strace $0x90000050  }
0xc2: {  	s0 =	stileid.u32;
	[bflag:$0x2] =	sbarrier.arrive $0xFFFF  }
0xc3: {  	p0 =	sne.s32 s0, $0x0;
	s0 =	rddreg [dreg:$0x3]  }
0xc4: {  	s0 =	sadd.s32 @!p0 $0x100000, s0  }
0xc5: {  	[sflag:s0] =	ssyncadd.tile.s32 @!p0 $0x1;
	_ =	shalt  }
.Lfunc_end2:
_tile_overlayer_lowered:
.L_overlay_start_2:
0xc6: {  	(tag) =	ssettag $0x2  }
0xc7: {  	s0 =	rddreg [dreg:$0x0];
	s2 =	stileid.u32  }
0xc8: {  	s1 =	rddreg [dreg:$0x1];
	p0 =	sne.s32 s2, $0x0  }
0xc9: {  	s3 =	rddreg [dreg:$0x2];
	[bflag:$0x3] =	sbarrier.arrive $0xFFFF;
	s2 =	simm.s32 @!p0 $0x1C03  }
0xca: {  	[timem:s3], [sflag:s2] =	dma.local @!p0 [hbm:s0], s1  }
0xcb: {  	s0 =	simm.s32 @!p0 $0x3  }
0xcc: {  	_ =	swait.ge @!p0 [sflag:s0], s1  }
0xcd: {  	s1 =	ssub.s32 @!p0 $0x0, s1;
	[sflag:s0] =	ssyncset.done @!p0 $0x0  }
0xce: {  	[sflag:s0] =	ssyncadd.s32 @!p0 s1  }
0xcf: {  	[bflag:$0x3] =	sbarrier.arrive $0xFFFF  }
0xd0: {  	_ =	shalt  }

// kernel: kernel.26.cloned.1.call-start
scs
__scs_entry_jumppad:
0x0: {  	(pc) =	sbr.rel $0x88, $3  }
0x1: {  	(tag) =	ssettag $0x0;
	lr =	simm.s32 $0x1  }
0x2: {  	[smem:$0x3F9F] =	sst lr;
	_ =	strace $0xD0000000  }
0x3: {  	_ = 	snop  }
0x4: {  	_ = 	snop  }
0x5: {  	_ = 	snop  }
0x6: {  	_ = 	snop  }
0x7: {  	_ = 	snop  }
__scs_overlays_trampoline_lowered:
0x8: {  	[smem:$0x3FAE] =	sst s0  }
0x9: {  	[smem:$0x3FAF] =	sst s1  }
0xa: {  	[smem:$0x3FB0] =	sst s2  }
0xb: {  	[smem:$0x3FB1] =	sst s3  }
0xc: {  	[smem:$0x3FB2] =	sst s4  }
0xd: {  	[smem:$0x3FB3] =	sst s5  }
0xe: {  	[smem:$0x3FB4] =	sst s6  }
0xf: {  	[smem:$0x3FB5] =	sst s7  }
0x10: {  	[smem:$0x3FB6] =	sst s8  }
0x11: {  	[smem:$0x3FB7] =	sst s9;
	s0 =	simm.s32 @!p0 $0x0  }
0x12: {  	s1 =	sld [smem:$0x3F9D];
	s0 =	simm.s32 @p0 $0x1  }
0x13: {  	[smem:$0x3FB8] =	sst s0;
	s0 =	simm.s32 @!p1 $0x0  }
0x14: {  	s2 =	sld [smem:$0x3F9C];
	s0 =	simm.s32 @p1 $0x1  }
0x15: {  	[smem:$0x3FB9] =	sst s0;
	s0 =	simm.s32 @!p2 $0x0  }
0x16: {  	s3 =	sld [smem:$0x3FDB];
	s0 =	simm.s32 @p2 $0x1  }
0x17: {  	s4 =	simm.s32 $0x1BF5;
	[smem:$0x3FBB] =	sst s0  }
0x18: {  	s0 =	sld [smem:$0x3F9E];
	_ =	swait.ge [sflag:s4], $0x0  }
0x19: {  	s7 =	sld [smem:$0x3F9F]  }
0x1a: {  	s8 =	sadd.s32 $0xFFFFE003, lr  }
0x1b: {  	s9 =	sadd.s32 $0xFFFFFEF7, lr;
	s5 =	simm.s32 $0xFFFFFFFF;
	p2 =	slt.u32 s8, $0xFFFFF086  }
0x1c: {  	p1 =	slt.u32 s9, $0xF7A;
	s5 =	simm.s32 @!p2 $0x0  }
0x1d: {  	s5 =	simm.s32 @p1 $0x1;
	p0 =	seq.s32 s7, s2  }
0x1e: {  	s7 =	smul.u32 @!p0 $0xF7A, s2;
	p2 =	seq.s32 @!p0 s5, $0x0  }
0x1f: {  	s9 =	smul.u32 $0xF7A, s1;
	s8 =	simm.s32 @!p0 $0x1BF5;
	p2 =	por !p2, p0  }
0x20: {  	[sflag:s8] =	ssyncset.s32 @!p0 $0xFFFFF086;
	s6 =	sadd.s32 @!p0 s3, s7;
	s7 =	simm.s32 @!p0 $0x108  }
0x21: {  	s3 =	sadd.s32 s3, s9;
	s6 =	sadd.s32 @!p0 $0x88, s6;
	s7 =	simm.s32 @p2 $0x1082  }
0x22: {  	[simem:s7], [sflag:s8] =	dma.local @!p0 [hbm:s6], $0xF7A  }
0x23: {  	s9 =	sor.u32 $0xD0000000, s2;
	s6 =	simm.s32 $0x108;
	_ =	swait.ge @!p0 [sflag:s8], $0x0  }
0x24: {  	s3 =	sadd.s32 $0x88, s3;
	s6 =	simm.s32 @!p1 $0x1082;
	[sflag:s4] =	ssyncset.s32 $0xFFFFF086  }
0x25: {  	[simem:s6], [sflag:s4] =	dma.local [hbm:s3], $0xF7A  }
0x26: {  	[smem:$0x3F9F] =	sst s1;
	(tag) =	ssettag s2;
	_ =	strace s9  }
0x27: {  	s1 =	sld [smem:$0x3FAF]  }
0x28: {  	s2 =	sld [smem:$0x3FB0]  }
0x29: {  	s4 =	sld [smem:$0x3FB2]  }
0x2a: {  	p0 =	seq.s32 s5, $0x0;
	s5 =	sld [smem:$0x3FB3]  }
0x2b: {  	s6 =	sld [smem:$0x3FB4]  }
0x2c: {  	s7 =	sld [smem:$0x3FB5]  }
0x2d: {  	s3 =	simm.s32 $0x108;
	s8 =	sld [smem:$0x3FB6]  }
0x2e: {  	s3 =	simm.s32 @!p0 $0x1082;
	s9 =	sld [smem:$0x3FB7]  }
0x2f: {  	lr =	sadd.s32 s0, s3;
	s0 =	sld [smem:$0x3FAE]  }
0x30: {  	s3 =	sld [smem:$0x3FB1]  }
0x31: {  	[smem:$0x3FBA] =	sst s10  }
0x32: {  	s10 =	sld [smem:$0x3FB8];
	_ =	sdelay $0x3  }
0x33: {  	p0 =	seq.s32 s10, $0x1;
	s10 =	sld [smem:$0x3FBA];
	_ =	sdelay $0x3  }
0x34: {  	[smem:$0x3FBA] =	sst s10  }
0x35: {  	s10 =	sld [smem:$0x3FB9];
	_ =	sdelay $0x3  }
0x36: {  	p1 =	seq.s32 s10, $0x1;
	s10 =	sld [smem:$0x3FBA];
	_ =	sdelay $0x3  }
0x37: {  	[smem:$0x3FBA] =	sst s10  }
0x38: {  	s10 =	sld [smem:$0x3FBB]  }
0x39: {  	_ = 	snop;
	(pc) =	sbr.ind lr, $3  }
0x3a: {  	_ = 	snop  }
0x3b: {  	_ = 	snop  }
0x3c: {  	p2 =	seq.s32 s10, $0x1;
	s10 =	sld [smem:$0x3FBA]  }
0x3d: {  	_ =	shalt  }
0x3e: {  	_ =	shalt  }
0x3f: {  	_ =	shalt  }
0x40: {  	_ =	shalt  }
0x41: {  	_ =	shalt  }
0x42: {  	_ =	shalt  }
0x43: {  	_ =	shalt  }
0x44: {  	_ =	shalt  }
0x45: {  	_ =	shalt  }
0x46: {  	_ =	shalt  }
0x47: {  	_ =	shalt  }
0x48: {  	_ =	shalt  }
0x49: {  	_ =	shalt  }
0x4a: {  	_ =	shalt  }
0x4b: {  	_ =	shalt  }
0x4c: {  	_ =	shalt  }
0x4d: {  	_ =	shalt  }
0x4e: {  	_ =	shalt  }
0x4f: {  	_ =	shalt  }
0x50: {  	_ =	shalt  }
0x51: {  	_ =	shalt  }
0x52: {  	_ =	shalt  }
0x53: {  	_ =	shalt  }
0x54: {  	_ =	shalt  }
0x55: {  	_ =	shalt  }
0x56: {  	_ =	shalt  }
0x57: {  	_ =	shalt  }
0x58: {  	_ =	shalt  }
0x59: {  	_ =	shalt  }
0x5a: {  	_ =	shalt  }
0x5b: {  	_ =	shalt  }
0x5c: {  	_ =	shalt  }
0x5d: {  	_ =	shalt  }
0x5e: {  	_ =	shalt  }
0x5f: {  	_ =	shalt  }
0x60: {  	_ =	shalt  }
0x61: {  	_ =	shalt  }
0x62: {  	_ =	shalt  }
0x63: {  	_ =	shalt  }
0x64: {  	_ =	shalt  }
0x65: {  	_ =	shalt  }
0x66: {  	_ =	shalt  }
0x67: {  	_ =	shalt  }
0x68: {  	_ =	shalt  }
0x69: {  	_ =	shalt  }
0x6a: {  	_ =	shalt  }
0x6b: {  	_ =	shalt  }
0x6c: {  	_ =	shalt  }
0x6d: {  	_ =	shalt  }
0x6e: {  	_ =	shalt  }
0x6f: {  	_ =	shalt  }
0x70: {  	_ =	shalt  }
0x71: {  	_ =	shalt  }
0x72: {  	_ =	shalt  }
0x73: {  	_ =	shalt  }
0x74: {  	_ =	shalt  }
0x75: {  	_ =	shalt  }
0x76: {  	_ =	shalt  }
0x77: {  	_ =	shalt  }
0x78: {  	_ =	shalt  }
0x79: {  	_ =	shalt  }
0x7a: {  	_ =	shalt  }
0x7b: {  	_ =	shalt  }
0x7c: {  	_ =	shalt  }
0x7d: {  	_ =	shalt  }
0x7e: {  	_ =	shalt  }
0x7f: {  	_ =	shalt  }
0x80: {  	_ =	shalt  }
0x81: {  	_ =	shalt  }
0x82: {  	_ =	shalt  }
0x83: {  	_ =	shalt  }
0x84: {  	_ =	shalt  }
0x85: {  	_ =	shalt  }
0x86: {  	_ =	shalt  }
0x87: {  	_ =	shalt  }
.Lfunc_end0:
.L_simem_size_0:
called_computation.4_lowered:
.L_overlay_start_0:
0x88: {  	s2 =	sld [smem:$0x3FD9]  }
0x89: {  	s3 =	sld [smem:$0x3FFE];
	_ =	sdelay $0x1  }
0x8a: {  	s1 =	srdreg.scid  }
0x8b: {  	s0 =	sand.u32 $0x1, s1  }
0x8c: {  	s17 =	sshll.u32 s0, $0xA;
	s2 =	sadd.s32 s3, s2  }
0x8d: {  	s2 =	sadd.s32 s2, s17  }
0x8e: {  	[smem:$0x3FC6] =	sst s2  }
0x8f: {  	_ = 	snop  }
0x90: {  	s2 =	sld [smem:$0x3FD0];
	(tm) =	ssettm $0x1  }
0x91: {  	s18 =	sld [smem:$0x3FFB];
	_ =	sdelay $0x3  }
0x92: {  	_ =	strace s18  }
0x93: {  	s3 =	sld [smem:$0x3FFC];
	_ =	sdelay $0x3  }
0x94: {  	_ =	strace s3  }
0x95: {  	s3 =	sld [smem:$0x3FFD];
	_ =	sdelay $0x3  }
0x96: {  	_ =	strace s3  }
0x97: {  	_ =	strace $0x8FFFFFFF  }
0x98: {  	s19 =	sld [smem:$0x3FDB];
	_ =	sdelay $0x1  }
0x99: {  	s4 =	simm.s32 $_scs_section_size  }
0x9a: {  	s5 =	simm.s32 $_size__tile_overlayer_lowered;
	s6 =	simm.s32 $_tile_overlayer_lowered  }
0x9b: {  	s22 =	simm.s32 $0x1BFF;
	s21 =	sshll.u32 s6, $0x1;
	s3 =	sadd.s32 s4, s19  }
0x9c: {  	s7 =	simm.s32 $0x0;
	s20 =	sshll.u32 s5, $0x1;
	s5 =	sadd.s32 s21, s3  }
0x9d: {  	[timem:s7], [sflag:s22] =	dma.local [hbm:s5], s20  }
0x9e: {  	_ =	swait.ge [sflag:s22], s20  }
0x9f: {  	s4 =	ssub.s32 $0x0, s20;
	[sflag:s22] =	ssyncset.done $0x0  }
0xa0: {  	[sflag:s22] =	ssyncadd.s32 s4;
	_ =	sdelay $0x1  }
0xa1: {  	s23 =	simm.s32 $0x1B8B  }
0xa2: {  	_ =	swait.ge [sflag:s23], $0x1  }
0xa3: {  	[sflag:s23] =	ssyncset.done $0x0  }
0xa4: {  	s25 =	simm.s32 $0x1B8E;
	s24 =	sld [smem:$0x3FFE];
	[sflag:s23] =	ssyncadd.s32 $0xFFFFFFFF  }
0xa5: {  	s26 =	simm.s32 $execute0_lowered;
	[smem:$0x3FD2] =	sst s25  }
0xa6: {  	s5 =	sshll.u32 s26, $0x1;
	_ =	strace $0x80000052;
	[dreg:$0x1] =	wrdreg $0xFFFFFFFF  }
0xa7: {  	s28 =	simm.s32 $_size_execute0_lowered;
	s3 =	sadd.s32 s3, s5;
	[dreg:$0x0] =	wrdreg $0x0  }
0xa8: {  	s5 =	sshll.u32 s28, $0x1;
	[dreg:$0x2] =	wrdreg s3  }
0xa9: {  	[dreg:$0x3] =	wrdreg s5  }
0xaa: {  	[dreg:$0x4] =	wrdreg $0xC0  }
0xab: {  	_ =	task [dreg:s7], $0x5FFFF  }
0xac: {  	[dreg:$0x1] =	wrdreg $0xFFFFFFFF  }
0xad: {  	[dreg:$0x0] =	wrdreg $0x60  }
0xae: {  	[dreg:$0x2] =	wrdreg s2  }
0xaf: {  	[dreg:$0x3] =	wrdreg s24  }
0xb0: {  	[dreg:$0x4] =	wrdreg $0xB0000  }
0xb1: {  	[dreg:$0x5] =	wrdreg $0x9  }
0xb2: {  	_ =	task.clear_ibuf [dreg:s7], $0x6FFFF;
	_ =	strace $0x90000052  }
0xb3: {  	s29 =	simm.s32 $0x9;
	_ =	strace $0x80000054  }
0xb4: {  	_ =	swait.ge [sflag:s29], $0x1  }
0xb5: {  	[sflag:s29] =	ssyncadd.s32 $0xFFFFFFFF  }
0xb6: {  	_ =	strace $0x90000054  }
0xb7: {  	_ =	sfence  }
0xb8: {  	s30 =	sld [smem:$0x0];
	_ =	sdelay $0x2  }
0xb9: {  	s31 =	sshll.u32 s1, $0xD;
	s1 =	sshrl.u32 s1, $0x2  }
0xba: {  	s3 =	sand.u32 $0x4000, s31;
	s1 =	sadd.s32 s1, s30  }
0xbb: {  	s0 =	sor.u32 s3, s0;
	s1 =	sshll.u32 s1, $0x11  }
0xbc: {  	s0 =	sor.u32 s1, s0  }
0xbd: {  	s0 =	sadd.s32 $0x8F2B, s0  }
0xbe: {  	[sflag:s0] =	ssyncadd.remote.s32 $0x1  }
0xbf: {  	_ =	sfence.sel $0xFFFF  }
0xc0: {  	[dreg:$0x0] =	wrdreg $0xFFFFFFFF;
	(pc) =	sbr.abs _section_cstart, $3  }
0xc1: {  	[dreg:$0x1] =	wrdreg $0xFFFFFFFF  }
0xc2: {  	_ =	task.clear_ibuf [dreg:s7], $0x2FFFF;
	_ =	strace $0x9FFFFFFF  }
0xc3: {  	(tm) =	ssettm $0x7FFFFFFF  }
tec
execute0_lowered:
.L_overlay_start_1:
0x0: {  	(tag) =	ssettag $0x1  }
0x1: {  	s0 =	srdreg.scid;
	s1 =	rddreg [dreg:$0x0]  }
0x2: {  	s2 =	rddreg [dreg:$0x1];
	s18 =	stileid.u32  }
0x3: {  	s3 =	rddreg [dreg:$0x2];
	s21 =	simm.s32 $0x80;
	s22 =	simm.s32 $0x7000  }
0x4: {  	s23 =	simm.s32 $0x1;
	s0 =	sand.u32 $0x1, s0;
	s7 =	smul.u32 $0x9E00, s18  }
0x5: {  	s11 =	sadd.s32 $0xCB200, s2;
	s4 =	sshll.u32 s0, $0x4;
	s9 =	ssub.s32 $0x2, s0  }
0x6: {  	p0 =	seq.s32 s0, $0x0;
	s0 =	smul.u32 $0x138800, s0;
	s5 =	sor.u32 s18, s4  }
0x7: {  	s4 =	simm.s32 $0x0;
	s8 =	sshrl.u32 s7, $0x3;
	s10 =	sshrl.u32 s9, $0x1  }
0x8: {  	s25 =	sadd.s32 s7, s3;
	s6 =	smul.u32 $0x700, s5;
	[smem:$0x7FF] =	sst s4  }
0x9: {  	s5 =	sadd.s32 $0x55A00, s2;
	s8 =	sadd.s32 s8, s2;
	s13 =	ssub.s32 s9, s10  }
0xa: {  	s7 =	sadd.s32 s7, s0;
	s0 =	sshrl.u32 s0, $0x3;
	s10 =	sadd.s32 $0x7BC40, s2  }
0xb: {  	_ =	strace $0x80000053;
	[dreg:$0x6] =	wrdreg s25;
	s9 =	sadd.s32 $0x69400, s8  }
0xc: {  	s8 =	sadd.s32 $0x94200, s3;
	s26 =	sshrl.u32 s7, $0x3;
	s0 =	sadd.s32 s11, s0  }
0xd: {  	s16 =	smax.u32 s13, $0x1;
	s6 =	sadd.s32 s6, s2;
	s29 =	sadd.s32 $0x12840, s0  }
0xe: {  	s25 =	simm.s32 $0x2;
	s24 =	sadd.s32 $0x3800, s6;
	[dreg:$0x8] =	wrdreg s29  }
0xf: {  	s12 =	sadd.s32 s11, s26;
	s6 =	sadd.s32 $0x20800, s6;
	[dreg:$0x4] =	wrdreg s24  }
0x10: {  	s15 =	sadd.s32 $0x260C0, s0;
	s30 =	sadd.s32 $0x13880, s12;
	[dreg:$0x5] =	wrdreg s6  }
0x11: {  	s26 =	simm.s32 $0x0;
	s6 =	simm.s32 $0x38;
	[dreg:$0x9] =	wrdreg s30  }
0x12: {  	s24 =	simm.s32 $0x9000;
	s6 =	simm.s32 @!p0 $0x17;
	p0 =	seq.s32 s18, $0xF  }
0x13: {  	s18 =	simm.s32 $0x3;
	s28 =	sadd.s32 $0xFFFFFFFF, s6;
	s31 =	sshll.u32 s6, $0xA  }
0x14: {  	s20 =	sshrl.u32 @p0 s8, $0x3;
	[dreg:$0x7] =	wrdreg s28;
	s17 =	sadd.s32 $0xFFFFFC00, s31  }
.LBB2_1:
0x15: {  	s0 =	rddreg [dreg:$0x4]  }
0x16: {  	[tilespmem:s4], [sflag:$0x3] =	stream.linear.gather [hbm4b:s0+s4], $0x3800, $0x38;
	[tilespmem:$0x14C60] =	vst v63  }
0x17: {  	_ =	swait.ge [sflag:s18], $0x3800  }
0x18: {  	[sflag:s18] =	ssyncset.done $0x0  }
0x19: {  	s2 =	simm.s32 $0x3800;
	s8 =	rddreg [dreg:$0x5];
	[sflag:s18] =	ssyncadd.s32 $0xFFFFC800  }
0x1a: {  	[tilespmem:s2], [sflag:$0x3] =	stream.linear.gather [hbm4b:s8+s4], $0x3800, $0x38;
	[tilespmem:$0x14C60] =	vst v63  }
0x1b: {  	_ =	swait.ge [sflag:s18], $0x3800  }
0x1c: {  	s31 =	simm.s32 @p0 $0x3;
	[sflag:s18] =	ssyncset.done $0x0  }
0x1d: {  	s0 =	stileid.u32;
	s2 =	simm.s32 @p0 $0x1FC3;
	[sflag:s18] =	ssyncadd.s32 $0xFFFFC800  }
0x1e: {  	[spmem:s20], [sflag:s2] =	dma.local @p0 [hbm:s10], $0x1040  }
0x1f: {  	s0 =	sshll.u32 @!p0 s0, $0x6;
	_ =	swait.ge @p0 [sflag:s31], $0x1040  }
0x20: {  	s28 =	sor.u32 @!p0 $0x1C03, s0;
	[sflag:s31] =	ssyncset.done @p0 $0x0;
	s0 =	rddreg [dreg:$0x6]  }
0x21: {  	s30 =	simm.s32 @!p0 $0x3;
	[sflag:s31] =	ssyncadd.s32 @p0 $0xFFFFEFC0;
	s29 =	sshrl.u32 @!p0 s0, $0x3  }
0x22: {  	[spmem:s29], [sflag:s28] =	dma.local @!p0 [hbm:s9], $0x13C0  }
0x23: {  	_ =	swait.ge @!p0 [sflag:s30], $0x13C0  }
0x24: {  	[sflag:s30] =	ssyncset.done @!p0 $0x0  }
0x25: {  	[sflag:s30] =	ssyncadd.s32 @!p0 $0xFFFFEC40  }
0x26: {  	[bflag:$0x0] =	sbarrier.arrive $0xFFFF  }
0x27: {  	[tilespmem:s22], [sflag:$0x1] =	stream.indirect.gather [hbm4b:s1+s21], $0x40, s4, s21, $0xb8;
	[tilespmem:$0x14C60] =	vst v63  }
0x28: {  	_ =	swait.ge [sflag:s23], $0x2000  }
0x29: {  	[sflag:s23] =	ssyncset.done $0x0  }
0x2a: {  	s11 =	simm.s32 $0x80;
	[sflag:s23] =	ssyncadd.s32 $0xFFFFE000  }
0x2b: {  	[tilespmem:s24], [sflag:$0x2] =	stream.indirect.gather [hbm4b:s1+s21], $0x40, s11, s21, $0xb8;
	[tilespmem:$0x14C60] =	vst v63  }
0x2c: {  	s13 =	simm.s32 $0x3800  }
0x2d: {  	[spmem:s3] =	stream.indirect.scatter.add.f32 [tilespmem:s22], [sflag:$0x3], $0x40, s13, s21, $0xb8;
	[tilespmem:$0x14C60] =	vst v63  }
0x2e: {  	_ =	swait.ge [sflag:s18], $0x2000  }
0x2f: {  	[sflag:s18] =	ssyncset.done $0x0  }
0x30: {  	[sflag:s18] =	ssyncadd.s32 $0xFFFFE000  }
0x31: {  	_ =	swait.ge [sflag:s25], $0x2000  }
0x32: {  	[sflag:s25] =	ssyncset.done $0x0  }
0x33: {  	s14 =	simm.s32 $0x100;
	p1 =	sne.s32 s17, $0x400;
	[sflag:s25] =	ssyncadd.s32 $0xFFFFE000  }
0x34: {  	[tilespmem:s22], [sflag:$0x1] =	stream.indirect.gather [hbm4b:s1+s21], $0x40, s14, s21, $0xb8;
	[tilespmem:$0x14C60] =	vst v63  }
.Ltmp0:
0x35: {  	_ = 	snop;
	(pc) =	sbr.rel @!p1 .LBB2_3-.Ltmp0, $4  }
0x36: {  	s19 =	simm.s32 $0x3880  }
0x37: {  	[spmem:s3] =	stream.indirect.scatter.add.f32 [tilespmem:s24], [sflag:$0x3], $0x40, s19, s21, $0xb8;
	[tilespmem:$0x14C60] =	vst v63  }
0x38: {  	s7 =	simm.s32 $0x400;
	s6 =	simm.s32 $0x2;
	_ =	swait.ge [sflag:s18], $0x2000  }
0x39: {  	s8 =	simm.s32 $0xFFFFFFFF;
	s0 =	simm.s32 $0x1;
	[sflag:s18] =	ssyncset.done $0x0  }
.LBB2_2:
0x3a: {  	s0 =	smov.u32 s6;
	s8 =	sadd.s32 $0x1, s8  }
0x3b: {  	s11 =	smov.u32 s7;
	s7 =	sadd.s32 $0x400, s7;
	[sflag:s18] =	ssyncadd.s32 $0xFFFFE000  }
0x3c: {  	p1 =	sne.s32 s17, s7  }
0x3d: {  	_ =	swait.ge [sflag:s23], $0x2000  }
0x3e: {  	s11 =	sshra.s32 s11, $0x2;
	[sflag:s23] =	ssyncset.done $0x0  }
0x3f: {  	s13 =	sadd.s32 $0x80, s11;
	[sflag:s23] =	ssyncadd.s32 $0xFFFFE000  }
0x40: {  	[tilespmem:s24], [sflag:$0x2] =	stream.indirect.gather [hbm4b:s1+s21], $0x40, s13, s21, $0xb8;
	[tilespmem:$0x14C60] =	vst v63  }
0x41: {  	s13 =	sadd.s32 $0x3800, s11  }
0x42: {  	[spmem:s3] =	stream.indirect.scatter.add.f32 [tilespmem:s22], [sflag:$0x3], $0x40, s13, s21, $0xb8;
	[tilespmem:$0x14C60] =	vst v63  }
0x43: {  	_ =	swait.ge [sflag:s18], $0x2000  }
0x44: {  	[sflag:s18] =	ssyncset.done $0x0  }
0x45: {  	[sflag:s18] =	ssyncadd.s32 $0xFFFFE000  }
0x46: {  	_ =	swait.ge [sflag:s25], $0x2000  }
0x47: {  	[sflag:s25] =	ssyncset.done $0x0  }
0x48: {  	s13 =	sadd.s32 $0x100, s11;
	[sflag:s25] =	ssyncadd.s32 $0xFFFFE000  }
0x49: {  	[tilespmem:s22], [sflag:$0x1] =	stream.indirect.gather [hbm4b:s1+s21], $0x40, s13, s21, $0xb8;
	[tilespmem:$0x14C60] =	vst v63  }
.Ltmp1:
0x4a: {  	_ = 	snop;
	(pc) =	sbr.rel @p1 .LBB2_2-.Ltmp1, $4  }
0x4b: {  	s11 =	sadd.s32 $0x3880, s11  }
0x4c: {  	[spmem:s3] =	stream.indirect.scatter.add.f32 [tilespmem:s24], [sflag:$0x3], $0x40, s11, s21, $0xb8;
	[tilespmem:$0x14C60] =	vst v63  }
0x4d: {  	_ =	swait.ge [sflag:s18], $0x2000  }
0x4e: {  	s6 =	sadd.s32 $0x1, s6;
	[sflag:s18] =	ssyncset.done $0x0  }
.LBB2_3:
0x4f: {  	[sflag:s18] =	ssyncadd.s32 $0xFFFFE000  }
0x50: {  	_ =	swait.ge [sflag:s23], $0x2000  }
0x51: {  	s13 =	sshra.s32 s7, $0x2;
	[sflag:s23] =	ssyncset.done $0x0  }
0x52: {  	s19 =	sadd.s32 $0x80, s13;
	[sflag:s23] =	ssyncadd.s32 $0xFFFFE000  }
0x53: {  	[tilespmem:s24], [sflag:$0x2] =	stream.indirect.gather [hbm4b:s1+s21], $0x40, s19, s21, $0xb8;
	[tilespmem:$0x14C60] =	vst v63  }
0x54: {  	s6 =	sadd.s32 $0x3800, s13  }
0x55: {  	[spmem:s3] =	stream.indirect.scatter.add.f32 [tilespmem:s22], [sflag:$0x3], $0x40, s6, s21, $0xb8;
	[tilespmem:$0x14C60] =	vst v63  }
0x56: {  	_ =	swait.ge [sflag:s18], $0x2000  }
0x57: {  	[sflag:s18] =	ssyncset.done $0x0  }
0x58: {  	[sflag:s18] =	ssyncadd.s32 $0xFFFFE000  }
0x59: {  	s8 =	sadd.s32 $0x1, s8;
	_ =	swait.ge [sflag:s25], $0x2000  }
0x5a: {  	s8 =	sadd.s32 $0x1, s8;
	s11 =	rddreg [dreg:$0x7]  }
0x5b: {  	[sflag:s25] =	ssyncset.done $0x0;
	p1 =	sge.u32 s8, s11  }
0x5c: {  	[sflag:s25] =	ssyncadd.s32 $0xFFFFE000;
	s7 =	sshra.s32 @!p1 s7, $0x2  }
0x5d: {  	s8 =	simm.s32 @!p1 $0x80;
	s11 =	simm.s32 @!p1 $0x7000;
	s7 =	sadd.s32 @!p1 $0x100, s7  }
0x5e: {  	[tilespmem:s11], [sflag:$0x1] =	stream.indirect.gather @!p1 [hbm4b:s1+s8], $0x40, s7, s8, $0xb8;
	[tilespmem:$0x14C60] =	vst v63  }
0x5f: {  	s13 =	sadd.s32 $0x3880, s13  }
0x60: {  	[spmem:s3] =	stream.indirect.scatter.add.f32 [tilespmem:s24], [sflag:$0x3], $0x40, s13, s21, $0xb8;
	[tilespmem:$0x14C60] =	vst v63  }
0x61: {  	_ =	swait.ge [sflag:s18], $0x2000  }
0x62: {  	[sflag:s18] =	ssyncset.done $0x0  }
0x63: {  	[sflag:s18] =	ssyncadd.s32 $0xFFFFE000  }
0x64: {  	[bflag:$0x0] =	sbarrier.arrive $0xFFFF  }
0x65: {  	s14 =	rddreg [dreg:$0x8]  }
0x66: {  	[hbm:s14], [sflag:s2] =	dma.local @p0 [spmem:s20], $0x1040  }
0x67: {  	_ =	swait.ge @p0 [sflag:s31], $0x1040  }
0x68: {  	[sflag:s31] =	ssyncset.done @p0 $0x0  }
0x69: {  	[sflag:s31] =	ssyncadd.s32 @p0 $0xFFFFEFC0  }
0x6a: {  	[bflag:$0x0] =	sbarrier.arrive @p0 $0xFFFF  }
0x6b: {  	[spmem:s20], [sflag:s2] =	dma.local @p0 [hbm:s10], $0x1040  }
0x6c: {  	_ =	swait.ge @p0 [sflag:s31], $0x1040  }
0x6d: {  	[sflag:s31] =	ssyncset.done @p0 $0x0  }
0x6e: {  	[sflag:s31] =	ssyncadd.s32 @p0 $0xFFFFEFC0  }
0x6f: {  	[hbm:s12], [sflag:s28] =	dma.local @!p0 [spmem:s29], $0x13C0  }
0x70: {  	_ =	swait.ge @!p0 [sflag:s30], $0x13C0  }
0x71: {  	[sflag:s30] =	ssyncset.done @!p0 $0x0  }
0x72: {  	[sflag:s30] =	ssyncadd.s32 @!p0 $0xFFFFEC40  }
0x73: {  	[bflag:$0x0] =	sbarrier.arrive @!p0 $0xFFFF  }
0x74: {  	[spmem:s29], [sflag:s28] =	dma.local @!p0 [hbm:s9], $0x13C0  }
0x75: {  	_ =	swait.ge @!p0 [sflag:s30], $0x13C0  }
0x76: {  	[sflag:s30] =	ssyncset.done @!p0 $0x0  }
0x77: {  	[sflag:s30] =	ssyncadd.s32 @!p0 $0xFFFFEC40  }
0x78: {  	[bflag:$0x0] =	sbarrier.arrive $0xFFFF  }
0x79: {  	[tilespmem:s22], [sflag:$0x1] =	stream.indirect.gather [hbm4b:s5+s21], $0x40, s4, s21, $0xb8;
	[tilespmem:$0x14C60] =	vst v63  }
0x7a: {  	_ =	swait.ge [sflag:s23], $0x2000  }
0x7b: {  	[sflag:s23] =	ssyncset.done $0x0  }
0x7c: {  	s31 =	simm.s32 $0x80;
	[sflag:s23] =	ssyncadd.s32 $0xFFFFE000  }
0x7d: {  	[tilespmem:s24], [sflag:$0x2] =	stream.indirect.gather [hbm4b:s5+s21], $0x40, s31, s21, $0xb8;
	[tilespmem:$0x14C60] =	vst v63  }
0x7e: {  	s2 =	simm.s32 $0x3800  }
0x7f: {  	[spmem:s3] =	stream.indirect.scatter.add.f32 [tilespmem:s22], [sflag:$0x3], $0x40, s2, s21, $0xb8;
	[tilespmem:$0x14C60] =	vst v63  }
0x80: {  	_ =	swait.ge [sflag:s18], $0x2000  }
0x81: {  	[sflag:s18] =	ssyncset.done $0x0  }
0x82: {  	[sflag:s18] =	ssyncadd.s32 $0xFFFFE000  }
0x83: {  	_ =	swait.ge [sflag:s25], $0x2000  }
0x84: {  	[sflag:s25] =	ssyncset.done $0x0  }
0x85: {  	p2 =	sne.s32 s0, $0x1;
	s30 =	simm.s32 $0x100;
	[sflag:s25] =	ssyncadd.s32 $0xFFFFE000  }
0x86: {  	[tilespmem:s22], [sflag:$0x1] =	stream.indirect.gather [hbm4b:s5+s21], $0x40, s30, s21, $0xb8;
	[tilespmem:$0x14C60] =	vst v63  }
.Ltmp2:
0x87: {  	_ = 	snop;
	(pc) =	sbr.rel @!p2 .LBB2_5-.Ltmp2, $4  }
0x88: {  	s14 =	simm.s32 $0x3880  }
0x89: {  	[spmem:s3] =	stream.indirect.scatter.add.f32 [tilespmem:s24], [sflag:$0x3], $0x40, s14, s21, $0xb8;
	[tilespmem:$0x14C60] =	vst v63  }
0x8a: {  	_ =	swait.ge [sflag:s18], $0x2000  }
0x8b: {  	s0 =	sadd.s32 $0xFFFFFFFF, s0;
	[sflag:s18] =	ssyncset.done $0x0  }
.LBB2_4:
0x8c: {  	[sflag:s18] =	ssyncadd.s32 $0xFFFFE000;
	s30 =	sadd.s32 $0x100, s30;
	s2 =	sadd.s32 $0x100, s2  }
0x8d: {  	p2 =	sne.s32 s0, $0x1;
	s0 =	sadd.s32 $0xFFFFFFFF, s0  }
0x8e: {  	_ =	swait.ge [sflag:s23], $0x2000  }
0x8f: {  	[sflag:s23] =	ssyncset.done $0x0  }
0x90: {  	s31 =	sadd.s32 $0xFFFFFF80, s30;
	[sflag:s23] =	ssyncadd.s32 $0xFFFFE000  }
0x91: {  	[tilespmem:s24], [sflag:$0x2] =	stream.indirect.gather [hbm4b:s5+s21], $0x40, s31, s21, $0xb8;
	[tilespmem:$0x14C60] =	vst v63  }
0x92: {  	_ = 	snop  }
0x93: {  	[spmem:s3] =	stream.indirect.scatter.add.f32 [tilespmem:s22], [sflag:$0x3], $0x40, s2, s21, $0xb8;
	[tilespmem:$0x14C60] =	vst v63  }
0x94: {  	_ =	swait.ge [sflag:s18], $0x2000  }
0x95: {  	[sflag:s18] =	ssyncset.done $0x0  }
0x96: {  	[sflag:s18] =	ssyncadd.s32 $0xFFFFE000  }
0x97: {  	_ =	swait.ge [sflag:s25], $0x2000  }
0x98: {  	[sflag:s25] =	ssyncset.done $0x0  }
0x99: {  	[sflag:s25] =	ssyncadd.s32 $0xFFFFE000  }
0x9a: {  	[tilespmem:s22], [sflag:$0x1] =	stream.indirect.gather [hbm4b:s5+s21], $0x40, s30, s21, $0xb8;
	[tilespmem:$0x14C60] =	vst v63  }
.Ltmp3:
0x9b: {  	_ = 	snop;
	(pc) =	sbr.rel @p2 .LBB2_4-.Ltmp3, $4  }
0x9c: {  	s31 =	sadd.s32 $0x80, s2  }
0x9d: {  	[spmem:s3] =	stream.indirect.scatter.add.f32 [tilespmem:s24], [sflag:$0x3], $0x40, s31, s21, $0xb8;
	[tilespmem:$0x14C60] =	vst v63  }
0x9e: {  	_ =	swait.ge [sflag:s18], $0x2000  }
0x9f: {  	[sflag:s18] =	ssyncset.done $0x0  }
.LBB2_5:
0xa0: {  	[sflag:s18] =	ssyncadd.s32 $0xFFFFE000  }
0xa1: {  	_ =	swait.ge [sflag:s23], $0x2000  }
0xa2: {  	[sflag:s23] =	ssyncset.done $0x0  }
0xa3: {  	[sflag:s23] =	ssyncadd.s32 $0xFFFFE000  }
0xa4: {  	[tilespmem:s24], [sflag:$0x2] =	stream.indirect.gather [hbm4b:s5+s21], $0x40, s19, s21, $0xb8;
	[tilespmem:$0x14C60] =	vst v63  }
0xa5: {  	_ = 	snop  }
0xa6: {  	[spmem:s3] =	stream.indirect.scatter.add.f32 [tilespmem:s22], [sflag:$0x3], $0x40, s6, s21, $0xb8;
	[tilespmem:$0x14C60] =	vst v63  }
0xa7: {  	_ =	swait.ge [sflag:s18], $0x2000  }
0xa8: {  	[sflag:s18] =	ssyncset.done $0x0  }
0xa9: {  	[sflag:s18] =	ssyncadd.s32 $0xFFFFE000  }
0xaa: {  	_ =	swait.ge [sflag:s25], $0x2000  }
0xab: {  	[sflag:s25] =	ssyncset.done $0x0  }
0xac: {  	[sflag:s25] =	ssyncadd.s32 $0xFFFFE000  }
0xad: {  	[tilespmem:s11], [sflag:$0x1] =	stream.indirect.gather @!p1 [hbm4b:s5+s8], $0x40, s7, s8, $0xb8;
	[tilespmem:$0x14C60] =	vst v63  }
0xae: {  	_ = 	snop  }
0xaf: {  	[spmem:s3] =	stream.indirect.scatter.add.f32 [tilespmem:s24], [sflag:$0x3], $0x40, s13, s21, $0xb8;
	[tilespmem:$0x14C60] =	vst v63  }
0xb0: {  	_ =	swait.ge [sflag:s18], $0x2000  }
0xb1: {  	[sflag:s18] =	ssyncset.done $0x0  }
0xb2: {  	[sflag:s18] =	ssyncadd.s32 $0xFFFFE000  }
0xb3: {  	s0 =	simm.s32 @p0 $0x1FC3;
	[bflag:$0x0] =	sbarrier.arrive $0xFFFF  }
0xb4: {  	[hbm:s15], [sflag:s0] =	dma.local @p0 [spmem:s20], $0x1040  }
0xb5: {  	s0 =	simm.s32 @p0 $0x3  }
0xb6: {  	_ =	swait.ge @p0 [sflag:s0], $0x1040  }
0xb7: {  	[sflag:s0] =	ssyncset.done @p0 $0x0  }
0xb8: {  	s26 =	sadd.s32 $0x1, s26;
	[sflag:s0] =	ssyncadd.s32 @p0 $0xFFFFEFC0;
	s0 =	rddreg [dreg:$0x9]  }
0xb9: {  	[hbm:s0], [sflag:s28] =	dma.local @!p0 [spmem:s29], $0x13C0  }
0xba: {  	p1 =	sne.s32 s26, s16;
	s0 =	simm.s32 @!p0 $0x3  }
.Ltmp4:
0xbb: {  	_ =	swait.ge @!p0 [sflag:s0], $0x13C0;
	(pc) =	sbr.rel @p1 .LBB2_1-.Ltmp4, $3  }
0xbc: {  	[sflag:s0] =	ssyncset.done @!p0 $0x0  }
0xbd: {  	[sflag:s0] =	ssyncadd.s32 @!p0 $0xFFFFEC40  }
0xbe: {  	[bflag:$0x0] =	sbarrier.arrive $0xFFFF;
	_ =	sdelay $0x1  }
0xbf: {  	_ =	sfence.sel $0x180000  }
0xc0: {  	[bflag:$0x0] =	sbarrier.arrive $0xFFFF  }
0xc1: {  	_ =	strace $0x90000053  }
0xc2: {  	s0 =	stileid.u32;
	[bflag:$0x2] =	sbarrier.arrive $0xFFFF  }
0xc3: {  	p0 =	sne.s32 s0, $0x0;
	s0 =	rddreg [dreg:$0x3]  }
0xc4: {  	s0 =	sadd.s32 @!p0 $0x100000, s0  }
0xc5: {  	[sflag:s0] =	ssyncadd.tile.s32 @!p0 $0x1;
	_ =	shalt  }
.Lfunc_end2:
_tile_overlayer_lowered:
.L_overlay_start_2:
0xc6: {  	(tag) =	ssettag $0x2  }
0xc7: {  	s0 =	rddreg [dreg:$0x0];
	s2 =	stileid.u32  }
0xc8: {  	s1 =	rddreg [dreg:$0x1];
	p0 =	sne.s32 s2, $0x0  }
0xc9: {  	s3 =	rddreg [dreg:$0x2];
	[bflag:$0x3] =	sbarrier.arrive $0xFFFF;
	s2 =	simm.s32 @!p0 $0x1C03  }
0xca: {  	[timem:s3], [sflag:s2] =	dma.local @!p0 [hbm:s0], s1  }
0xcb: {  	s0 =	simm.s32 @!p0 $0x3  }
0xcc: {  	_ =	swait.ge @!p0 [sflag:s0], s1  }
0xcd: {  	s1 =	ssub.s32 @!p0 $0x0, s1;
	[sflag:s0] =	ssyncset.done @!p0 $0x0  }
0xce: {  	[sflag:s0] =	ssyncadd.s32 @!p0 s1  }
0xcf: {  	[bflag:$0x3] =	sbarrier.arrive $0xFFFF  }
0xd0: {  	_ =	shalt  }

</sc_bundles>
